<compile_context>
chip_gen: v7x
topology: tpu7x:2x2x1
jax: 0.10.2.dev20260603
libtpu: 0.0.44.dev20260713+nightly
codegen_flags: <defaults>
</compile_context>

<pallas_src>
import functools

import jax
import jax.numpy as jnp
from jax import lax
from jax.experimental import pallas as pl
from jax.experimental.pallas import tpu as pltpu
from jax.experimental.pallas import tpu_sc as plsc

N = 10000
E = 320000
D = 128
H = 128
C = 10
G = 64

NC, NS = 2, 16
NW = NC * NS
CH = 128
NCHUNK = 80
NPAIR = NCHUNK // 2
KG = 8
EP = NW * CH * NCHUNK
ROWS_W = 624
NP = N + NS


def _sc_body(h_hbm, src_hbm, dst_hbm, o0, o1,
             src_v, dst_v, buf0, buf1, aggr, gs0, gs1, ss0, ss1):
    cid = lax.axis_index("c")
    sid = lax.axis_index("s")
    wid = sid * NC + cid

    def load_group(g):
        base = wid * NCHUNK + g * KG
        pltpu.sync_copy(src_hbm.at[pl.ds(base, KG)], src_v)
        pltpu.sync_copy(dst_hbm.at[pl.ds(base, KG)], dst_v)

    def zrow(r, carry):
        for c in range(H // 16):
            buf0[r, pl.ds(c * 16, 16)] = jnp.zeros((16,), jnp.float32)
        return carry
    lax.fori_loop(0, CH, zrow, 0)

    zbase = sid * ROWS_W
    for q in range(ROWS_W // CH):
        pltpu.sync_copy(buf0, aggr.at[pl.ds(zbase + q * CH, CH)])
    rem = ROWS_W % CH
    if rem:
        pltpu.sync_copy(buf0.at[pl.ds(0, rem)],
                        aggr.at[pl.ds(zbase + (ROWS_W // CH) * CH, rem)])

    @pl.when(sid == NS - 1)
    def _():
        pltpu.sync_copy(buf0.at[pl.ds(0, NP - NS * ROWS_W)],
                        aggr.at[pl.ds(NS * ROWS_W, NP - NS * ROWS_W)])

    plsc.subcore_barrier()

    load_group(0)
    pltpu.async_copy(h_hbm.at[src_v.at[0]], buf0, gs0)
    pltpu.async_copy(h_hbm.at[src_v.at[1]], buf1, gs1)

    def pair(j, carry):
        k0 = 2 * j
        k1 = 2 * j + 1
        r0 = k0 % KG
        r1 = k1 % KG
        pltpu.make_async_copy(h_hbm.at[src_v.at[r0]], buf0, gs0).wait()
        pltpu.async_copy(buf0, aggr.at[dst_v.at[r0]], ss0, add=True)
        pltpu.make_async_copy(h_hbm.at[src_v.at[r1]], buf1, gs1).wait()
        pltpu.async_copy(buf1, aggr.at[dst_v.at[r1]], ss1, add=True)

        pltpu.make_async_copy(buf0, aggr.at[dst_v.at[r0]], ss0).wait()
        pltpu.make_async_copy(buf1, aggr.at[dst_v.at[r1]], ss1).wait()

        @pl.when(jnp.logical_and(j < NPAIR - 1, (k0 + 2) % KG == 0))
        def _():
            load_group((k0 + 2) // KG)

        @pl.when(j < NPAIR - 1)
        def _():
            pltpu.async_copy(h_hbm.at[src_v.at[(k0 + 2) % KG]], buf0, gs0)
            pltpu.async_copy(h_hbm.at[src_v.at[(k1 + 2) % KG]], buf1, gs1)
        return carry

    lax.fori_loop(0, NPAIR, pair, 0)

    plsc.subcore_barrier()

    wbase = sid * ROWS_W
    tail = N - NS * ROWS_W

    @pl.when(cid == 0)
    def _():
        pltpu.sync_copy(aggr.at[pl.ds(wbase, ROWS_W)], o0.at[pl.ds(wbase, ROWS_W)])

        @pl.when(sid == NS - 1)
        def _():
            pltpu.sync_copy(aggr.at[pl.ds(NS * ROWS_W, tail)],
                            o0.at[pl.ds(NS * ROWS_W, tail)])

    @pl.when(cid == 1)
    def _():
        pltpu.sync_copy(aggr.at[pl.ds(wbase, ROWS_W)], o1.at[pl.ds(wbase, ROWS_W)])

        @pl.when(sid == NS - 1)
        def _():
            pltpu.sync_copy(aggr.at[pl.ds(NS * ROWS_W, tail)],
                            o1.at[pl.ds(NS * ROWS_W, tail)])


_sc_aggregate = functools.partial(
    pl.kernel,
    out_type=(jax.ShapeDtypeStruct((N, H), jnp.float32),
              jax.ShapeDtypeStruct((N, H), jnp.float32)),
    mesh=plsc.VectorSubcoreMesh(core_axis_name="c", subcore_axis_name="s"),
    scratch_types=[
        pltpu.VMEM((KG, CH), jnp.int32),
        pltpu.VMEM((KG, CH), jnp.int32),
        pltpu.VMEM((CH, H), jnp.float32),
        pltpu.VMEM((CH, H), jnp.float32),
        pltpu.VMEM_SHARED((NP, H), jnp.float32),
        pltpu.SemaphoreType.DMA,
        pltpu.SemaphoreType.DMA,
        pltpu.SemaphoreType.DMA,
        pltpu.SemaphoreType.DMA,
    ],
)(_sc_body)


BLK = 1000


def _make_dense(first):
    def body(h_ref, p0_ref, p1_ref, wa_ref, ba_ref, wb_ref, bb_ref, eps_ref,
             out_ref):
        h = h_ref[...]
        upd = (1.0 + eps_ref[0]) * h + (p0_ref[...] + p1_ref[...])
        z = jnp.maximum(
            jnp.dot(upd, wa_ref[...], preferred_element_type=jnp.float32)
            + ba_ref[...], 0.0)
        mlp = jnp.dot(z, wb_ref[...], preferred_element_type=jnp.float32) \
            + bb_ref[...]
        if not first:
            mlp = mlp + upd
        out_ref[...] = jnp.maximum(mlp, 0.0) + h

    return pl.pallas_call(
        body,
        grid=(N // BLK,),
        in_specs=[
            pl.BlockSpec((BLK, H), lambda i: (i, 0)),
            pl.BlockSpec((BLK, H), lambda i: (i, 0)),
            pl.BlockSpec((BLK, H), lambda i: (i, 0)),
            pl.BlockSpec((H, H), lambda i: (0, 0)),
            pl.BlockSpec((1, H), lambda i: (0, 0)),
            pl.BlockSpec((H, H), lambda i: (0, 0)),
            pl.BlockSpec((1, H), lambda i: (0, 0)),
            pl.BlockSpec(memory_space=pltpu.SMEM),
        ],
        out_specs=pl.BlockSpec((BLK, H), lambda i: (i, 0)),
        out_shape=jax.ShapeDtypeStruct((N, H), jnp.float32),
    )


_dense_first = _make_dense(True)
_dense_rest = _make_dense(False)

PBLK = 1000


def _pool_body(b_ref, h_ref, wc1_ref, bc1_ref, wc2_ref, bc2_ref, out_ref,
               sums, cnts):
    i = pl.program_id(0)

    @pl.when(i == 0)
    def _():
        sums[...] = jnp.zeros_like(sums)
        cnts[...] = jnp.zeros_like(cnts)

    gi = lax.broadcasted_iota(jnp.int32, (G, PBLK), 0)
    oh = (b_ref[0] == gi).astype(jnp.float32)
    sums[...] += jnp.dot(oh, h_ref[...], preferred_element_type=jnp.float32)
    cnts[...] = cnts[...] + jnp.sum(oh, axis=1, keepdims=True)

    @pl.when(i == N // PBLK - 1)
    def _():
        pooled = sums[...] / jnp.maximum(cnts[...], 1.0)
        zz = jnp.maximum(
            jnp.dot(pooled, wc1_ref[...], preferred_element_type=jnp.float32)
            + bc1_ref[...], 0.0)
        out_ref[...] = jnp.dot(
            zz, wc2_ref[...], preferred_element_type=jnp.float32) + bc2_ref[...]


_pool = pl.pallas_call(
    _pool_body,
    grid=(N // PBLK,),
    in_specs=[
        pl.BlockSpec((1, 1, PBLK), lambda i: (i, 0, 0)),
        pl.BlockSpec((PBLK, H), lambda i: (i, 0)),
        pl.BlockSpec((H, H), lambda i: (0, 0)),
        pl.BlockSpec((1, H), lambda i: (0, 0)),
        pl.BlockSpec((H, H), lambda i: (0, 0)),
        pl.BlockSpec((1, H), lambda i: (0, 0)),
    ],
    out_specs=pl.BlockSpec((G, H), lambda i: (0, 0)),
    out_shape=jax.ShapeDtypeStruct((G, H), jnp.float32),
    scratch_shapes=[
        pltpu.VMEM((G, H), jnp.float32),
        pltpu.VMEM((G, H), jnp.float32),
    ],
)


def kernel(x, edge_index, batch,
           W0a, b0a, W0b, b0b, eps0,
           W1a, b1a, W1b, b1b, eps1,
           W2a, b2a, W2b, b2b, eps2,
           W3a, b3a, W3b, b3b, eps3,
           Wc1, bc1, Wc2, bc2):
    src = edge_index[0]
    dst = edge_index[1]
    dst = jnp.where(src == dst, N, dst)
    pad = EP - E
    src_p = jnp.concatenate(
        [src, jnp.zeros((pad,), jnp.int32)]).reshape(NW * NCHUNK, CH)
    dst_p = jnp.concatenate(
        [dst, jnp.full((pad,), N, jnp.int32)]).reshape(NW * NCHUNK, CH)

    params = [
        (W0a, b0a, W0b, b0b, eps0),
        (W1a, b1a, W1b, b1b, eps1),
        (W2a, b2a, W2b, b2b, eps2),
        (W3a, b3a, W3b, b3b, eps3),
    ]
    h = x
    for i, (Wa, ba, Wb, bb, eps) in enumerate(params):
        p0, p1 = _sc_aggregate(h, src_p, dst_p)
        dense = _dense_first if i == 0 else _dense_rest
        h = dense(h, p0, p1, Wa, ba.reshape(1, H), Wb, bb.reshape(1, H), eps)

    batch3 = batch.reshape(N // PBLK, 1, PBLK)
    Wc2p = jnp.pad(Wc2, ((0, 0), (0, H - C)))
    bc2p = jnp.pad(bc2, (0, H - C)).reshape(1, H)
    logits_pad = _pool(batch3, h, Wc1, bc1.reshape(1, H), Wc2p, bc2p)
    return logits_pad[:, :C]

# --- scband reference (transcript-rebuilt; emitter-appended) ---
"""Pipeline reference for scband-graph-net-57277683860151 (READ-ONLY COPY).

The authoritative reference and input builder live on the scoring server;
editing this copy changes nothing except your own understanding.
"""

import jax, jax.numpy as jnp
import numpy as np

N = 10000
E = 320000
D = 128
H = 128
C = 10
G = 64
L = 4


def setup_inputs(seed: int = 0) -> dict:
    key = jax.random.key(seed)
    ks = jax.random.split(key, 32)
    inp = {}
    inp["x"] = jax.random.normal(ks[0], (N, D), dtype=jnp.float32)
    inp["edge_index"] = jax.random.randint(ks[1], (2, E), 0, N, dtype=jnp.int32)
    inp["batch"] = jnp.sort(jax.random.randint(ks[2], (N,), 0, G, dtype=jnp.int32))
    for i in range(L):
        ind = D if i == 0 else H
        sa = 1.0 / np.sqrt(ind)
        sb = 1.0 / np.sqrt(H)
        inp[f"W{i}a"] = jax.random.uniform(ks[3 + 4 * i], (ind, H), minval=-sa, maxval=sa, dtype=jnp.float32)
        inp[f"b{i}a"] = jnp.zeros((H,), jnp.float32)
        inp[f"W{i}b"] = jax.random.uniform(ks[4 + 4 * i], (H, H), minval=-sb, maxval=sb, dtype=jnp.float32)
        inp[f"b{i}b"] = jnp.zeros((H,), jnp.float32)
        inp[f"eps{i}"] = jnp.zeros((1,), jnp.float32)
    sc = 1.0 / np.sqrt(H)
    inp["Wc1"] = jax.random.uniform(ks[20], (H, H), minval=-sc, maxval=sc, dtype=jnp.float32)
    inp["bc1"] = jnp.zeros((H,), jnp.float32)
    inp["Wc2"] = jax.random.uniform(ks[21], (H, C), minval=-sc, maxval=sc, dtype=jnp.float32)
    inp["bc2"] = jnp.zeros((C,), jnp.float32)
    return inp


def reference(x, edge_index, batch,
              W0a, b0a, W0b, b0b, eps0,
              W1a, b1a, W1b, b1b, eps1,
              W2a, b2a, W2b, b2b, eps2,
              W3a, b3a, W3b, b3b, eps3,
              Wc1, bc1, Wc2, bc2):
    src = edge_index[0]
    dst = edge_index[1]
    # remove_self_loops: zero out messages on self-loop edges
    mask = (src != dst).astype(x.dtype)[:, None]
    params = [
        (W0a, b0a, W0b, b0b, eps0),
        (W1a, b1a, W1b, b1b, eps1),
        (W2a, b2a, W2b, b2b, eps2),
        (W3a, b3a, W3b, b3b, eps3),
    ]
    h = x
    for i, (Wa, ba, Wb, bb, eps) in enumerate(params):
        # GIN_Conv: message = x_j, aggr='add'
        msgs = h[src] * mask
        aggr = jax.ops.segment_sum(msgs, dst, num_segments=N)
        upd = (1.0 + eps) * h + aggr  # broadcast eps shape (1,)
        # MLP (2 layers); internal residual active only for i > 0 (in_dim == out_dim)
        mlp_out = jnp.maximum(upd @ Wa + ba, 0.0) @ Wb + bb
        if i > 0:
            mlp_out = mlp_out + upd
        # ResidualGNNBlock: Identity norm, ReLU, Identity dropout, block residual
        out = jnp.maximum(mlp_out, 0.0)
        if h.shape[-1] == out.shape[-1]:
            out = out + h
        h = out
    # global_mean_pool over graph ids
    sums = jax.ops.segment_sum(h, batch, num_segments=G)
    counts = jax.ops.segment_sum(jnp.ones((N, 1), h.dtype), batch, num_segments=G)
    pooled = sums / jnp.maximum(counts, 1.0)
    # classifier MLP (eval mode: dropout is identity)
    z = jnp.maximum(pooled @ Wc1 + bc1, 0.0)
    logits = z @ Wc2 + bc2
    return logits

if __name__ == "__main__":
    import jax
    _d = setup_inputs()
    print(jax.jit(kernel)(*tuple(_d.values())))

</pallas_src>

<mosaic_0001>
#map = affine_map<(d0, d1) -> (0, 0)>
module attributes {stable_mosaic.version = 14 : i64} {
  func.func @_sc_body(%arg0: i32, %arg1: i32, %arg2: memref<10000x128xf32, #tpu.memory_space<hbm>>, %arg3: memref<2560x128xi32, #tpu.memory_space<hbm>>, %arg4: memref<2560x128xi32, #tpu.memory_space<hbm>>, %arg5: memref<10000x128xf32, #tpu.memory_space<hbm>>, %arg6: memref<10000x128xf32, #tpu.memory_space<hbm>>, %arg7: memref<8x128xi32, #tpu.memory_space<vmem>>, %arg8: memref<8x128xi32, #tpu.memory_space<vmem>>, %arg9: memref<128x128xf32, #tpu.memory_space<vmem>>, %arg10: memref<128x128xf32, #tpu.memory_space<vmem>>, %arg11: memref<10016x128xf32, #tpu.memory_space<vmem_shared>>, %arg12: memref<!tpu.dma_semaphore, #tpu.memory_space<semaphore_mem>>, %arg13: memref<!tpu.dma_semaphore, #tpu.memory_space<semaphore_mem>>, %arg14: memref<!tpu.dma_semaphore, #tpu.memory_space<semaphore_mem>>, %arg15: memref<!tpu.dma_semaphore, #tpu.memory_space<semaphore_mem>>) attributes {dimension_semantics = [#tpu.dimension_semantics<core_parallel>, #tpu.dimension_semantics<subcore_parallel>], iteration_bounds = array<i64: 2, 16>, scalar_prefetch = 0 : i64, scratch_operands = 9 : i64, tpu.core_type = #tpu.core_type<sc_vector_subcore>, window_params = [{transform_indices = #map}, {transform_indices = #map}, {transform_indices = #map}, {transform_indices = #map}, {transform_indices = #map}]} {
    %mul3A = arith.constant 2 : i32
    %mul3A_0 = arith.muli %arg1, %mul3A : i32
    %add3A = arith.addi %mul3A_0, %arg0 : i32
    %scan3A = arith.constant 0 : i32
    %scan3A_1 = arith.constant 0 : i32
    %scan3A_2 = arith.constant 128 : i32
    %scan3A_3 = arith.addi %scan3A_1, %scan3A_2 : i32
    %scan3A_4 = arith.constant 1 : i32
    scf.for %scan3A_56 = %scan3A_1 to %scan3A_3 step %scan3A_4  : i32 {
      %broadcast_in_dim3A = arith.constant 0.000000e+00 : f32
      %broadcast_in_dim3A_57 = vector.broadcast %broadcast_in_dim3A : f32 to vector<16xf32>
      %swap3A = arith.index_cast %scan3A_56 : i32 to index
      %swap3A_58 = arith.constant 0 : index
      %swap3A_59 = tpu.vector_load %arg9[%swap3A, %swap3A_58] {strides = array<i32>} : memref<128x128xf32, #tpu.memory_space<vmem>>, vector<1x16xf32>,
      %swap3A_60 = vector.shape_cast %swap3A_59 : vector<1x16xf32> to vector<16xf32>
      %swap3A_61 = vector.shape_cast %broadcast_in_dim3A_57 : vector<16xf32> to vector<1x16xf32>
      tpu.vector_store %arg9[%swap3A, %swap3A_58], %swap3A_61 {strides = array<i32>} : memref<128x128xf32, #tpu.memory_space<vmem>>, vector<1x16xf32>,
      %broadcast_in_dim3A_62 = arith.constant 0.000000e+00 : f32
      %broadcast_in_dim3A_63 = vector.broadcast %broadcast_in_dim3A_62 : f32 to vector<16xf32>
      %swap3A_64 = arith.index_cast %scan3A_56 : i32 to index
      %swap3A_65 = arith.constant 16 : index
      %swap3A_66 = tpu.vector_load %arg9[%swap3A_64, %swap3A_65] {strides = array<i32>} : memref<128x128xf32, #tpu.memory_space<vmem>>, vector<1x16xf32>,
      %swap3A_67 = vector.shape_cast %swap3A_66 : vector<1x16xf32> to vector<16xf32>
      %swap3A_68 = vector.shape_cast %broadcast_in_dim3A_63 : vector<16xf32> to vector<1x16xf32>
      tpu.vector_store %arg9[%swap3A_64, %swap3A_65], %swap3A_68 {strides = array<i32>} : memref<128x128xf32, #tpu.memory_space<vmem>>, vector<1x16xf32>,
      %broadcast_in_dim3A_69 = arith.constant 0.000000e+00 : f32
      %broadcast_in_dim3A_70 = vector.broadcast %broadcast_in_dim3A_69 : f32 to vector<16xf32>
      %swap3A_71 = arith.index_cast %scan3A_56 : i32 to index
      %swap3A_72 = arith.constant 32 : index
      %swap3A_73 = tpu.vector_load %arg9[%swap3A_71, %swap3A_72] {strides = array<i32>} : memref<128x128xf32, #tpu.memory_space<vmem>>, vector<1x16xf32>,
      %swap3A_74 = vector.shape_cast %swap3A_73 : vector<1x16xf32> to vector<16xf32>
      %swap3A_75 = vector.shape_cast %broadcast_in_dim3A_70 : vector<16xf32> to vector<1x16xf32>
      tpu.vector_store %arg9[%swap3A_71, %swap3A_72], %swap3A_75 {strides = array<i32>} : memref<128x128xf32, #tpu.memory_space<vmem>>, vector<1x16xf32>,
      %broadcast_in_dim3A_76 = arith.constant 0.000000e+00 : f32
      %broadcast_in_dim3A_77 = vector.broadcast %broadcast_in_dim3A_76 : f32 to vector<16xf32>
      %swap3A_78 = arith.index_cast %scan3A_56 : i32 to index
      %swap3A_79 = arith.constant 48 : index
      %swap3A_80 = tpu.vector_load %arg9[%swap3A_78, %swap3A_79] {strides = array<i32>} : memref<128x128xf32, #tpu.memory_space<vmem>>, vector<1x16xf32>,
      %swap3A_81 = vector.shape_cast %swap3A_80 : vector<1x16xf32> to vector<16xf32>
      %swap3A_82 = vector.shape_cast %broadcast_in_dim3A_77 : vector<16xf32> to vector<1x16xf32>
      tpu.vector_store %arg9[%swap3A_78, %swap3A_79], %swap3A_82 {strides = array<i32>} : memref<128x128xf32, #tpu.memory_space<vmem>>, vector<1x16xf32>,
      %broadcast_in_dim3A_83 = arith.constant 0.000000e+00 : f32
      %broadcast_in_dim3A_84 = vector.broadcast %broadcast_in_dim3A_83 : f32 to vector<16xf32>
      %swap3A_85 = arith.index_cast %scan3A_56 : i32 to index
      %swap3A_86 = arith.constant 64 : index
      %swap3A_87 = tpu.vector_load %arg9[%swap3A_85, %swap3A_86] {strides = array<i32>} : memref<128x128xf32, #tpu.memory_space<vmem>>, vector<1x16xf32>,
      %swap3A_88 = vector.shape_cast %swap3A_87 : vector<1x16xf32> to vector<16xf32>
      %swap3A_89 = vector.shape_cast %broadcast_in_dim3A_84 : vector<16xf32> to vector<1x16xf32>
      tpu.vector_store %arg9[%swap3A_85, %swap3A_86], %swap3A_89 {strides = array<i32>} : memref<128x128xf32, #tpu.memory_space<vmem>>, vector<1x16xf32>,
      %broadcast_in_dim3A_90 = arith.constant 0.000000e+00 : f32
      %broadcast_in_dim3A_91 = vector.broadcast %broadcast_in_dim3A_90 : f32 to vector<16xf32>
      %swap3A_92 = arith.index_cast %scan3A_56 : i32 to index
      %swap3A_93 = arith.constant 80 : index
      %swap3A_94 = tpu.vector_load %arg9[%swap3A_92, %swap3A_93] {strides = array<i32>} : memref<128x128xf32, #tpu.memory_space<vmem>>, vector<1x16xf32>,
      %swap3A_95 = vector.shape_cast %swap3A_94 : vector<1x16xf32> to vector<16xf32>
      %swap3A_96 = vector.shape_cast %broadcast_in_dim3A_91 : vector<16xf32> to vector<1x16xf32>
      tpu.vector_store %arg9[%swap3A_92, %swap3A_93], %swap3A_96 {strides = array<i32>} : memref<128x128xf32, #tpu.memory_space<vmem>>, vector<1x16xf32>,
      %broadcast_in_dim3A_97 = arith.constant 0.000000e+00 : f32
      %broadcast_in_dim3A_98 = vector.broadcast %broadcast_in_dim3A_97 : f32 to vector<16xf32>
      %swap3A_99 = arith.index_cast %scan3A_56 : i32 to index
      %swap3A_100 = arith.constant 96 : index
      %swap3A_101 = tpu.vector_load %arg9[%swap3A_99, %swap3A_100] {strides = array<i32>} : memref<128x128xf32, #tpu.memory_space<vmem>>, vector<1x16xf32>,
      %swap3A_102 = vector.shape_cast %swap3A_101 : vector<1x16xf32> to vector<16xf32>
      %swap3A_103 = vector.shape_cast %broadcast_in_dim3A_98 : vector<16xf32> to vector<1x16xf32>
      tpu.vector_store %arg9[%swap3A_99, %swap3A_100], %swap3A_103 {strides = array<i32>} : memref<128x128xf32, #tpu.memory_space<vmem>>, vector<1x16xf32>,
      %broadcast_in_dim3A_104 = arith.constant 0.000000e+00 : f32
      %broadcast_in_dim3A_105 = vector.broadcast %broadcast_in_dim3A_104 : f32 to vector<16xf32>
      %swap3A_106 = arith.index_cast %scan3A_56 : i32 to index
      %swap3A_107 = arith.constant 112 : index
      %swap3A_108 = tpu.vector_load %arg9[%swap3A_106, %swap3A_107] {strides = array<i32>} : memref<128x128xf32, #tpu.memory_space<vmem>>, vector<1x16xf32>,
      %swap3A_109 = vector.shape_cast %swap3A_108 : vector<1x16xf32> to vector<16xf32>
      %swap3A_110 = vector.shape_cast %broadcast_in_dim3A_105 : vector<16xf32> to vector<1x16xf32>
      tpu.vector_store %arg9[%swap3A_106, %swap3A_107], %swap3A_110 {strides = array<i32>} : memref<128x128xf32, #tpu.memory_space<vmem>>, vector<1x16xf32>,
    }
    %scan3A_5 = arith.constant 128 : i32
    %mul3A_6 = arith.constant 624 : i32
    %mul3A_7 = arith.muli %arg1, %mul3A_6 : i32
    %add3A_8 = arith.constant 0 : i32
    %add3A_9 = arith.addi %mul3A_7, %add3A_8 : i32
    "tpu.region"() ({
      %run_scoped3A = tpu.sem_alloc : memref<!tpu.dma_semaphore, #tpu.memory_space<semaphore_mem>>
      %dma_start3A_56 = arith.constant 0 : i32
      %dma_start3A_57 = tpu.memref_slice %arg11[%add3A_9, %dma_start3A_56] : memref<10016x128xf32, #tpu.memory_space<vmem_shared>> -> memref<128x128xf32, #tpu.memory_space<vmem_shared>>
      %dma_start3A_58 = arith.constant 0 : i32
      %dma_start3A_59 = tpu.memref_slice %arg11[%add3A_9, %dma_start3A_58] : memref<10016x128xf32, #tpu.memory_space<vmem_shared>> -> memref<128x128xf32, #tpu.memory_space<vmem_shared>>
      tpu.enqueue_dma source(%arg9 : memref<128x128xf32, #tpu.memory_space<vmem>>) target(%dma_start3A_59 : memref<128x128xf32, #tpu.memory_space<vmem_shared>>) target_semaphore(%run_scoped3A : memref<!tpu.dma_semaphore, #tpu.memory_space<semaphore_mem>>)
      %dma_wait3A = arith.constant 0 : i32
      %dma_wait3A_60 = tpu.memref_slice %arg11[%add3A_9, %dma_wait3A] : memref<10016x128xf32, #tpu.memory_space<vmem_shared>> -> memref<128x128xf32, #tpu.memory_space<vmem_shared>>
      %dma_wait3A_61 = arith.constant 0 : i32
      %dma_wait3A_62 = tpu.memref_slice %arg11[%add3A_9, %dma_wait3A_61] : memref<10016x128xf32, #tpu.memory_space<vmem_shared>> -> memref<128x128xf32, #tpu.memory_space<vmem_shared>>
      tpu.wait_dma2 semaphore(%run_scoped3A : memref<!tpu.dma_semaphore, #tpu.memory_space<semaphore_mem>>) src(%arg9 : memref<128x128xf32, #tpu.memory_space<vmem>>) dst(%dma_wait3A_62 : memref<128x128xf32, #tpu.memory_space<vmem_shared>>)
      tpu.yield
    }) : () -> ()
    %add3A_10 = arith.constant 128 : i32
    %add3A_11 = arith.addi %mul3A_7, %add3A_10 : i32
    "tpu.region"() ({
      %run_scoped3A = tpu.sem_alloc : memref<!tpu.dma_semaphore, #tpu.memory_space<semaphore_mem>>
      %dma_start3A_56 = arith.constant 0 : i32
      %dma_start3A_57 = tpu.memref_slice %arg11[%add3A_11, %dma_start3A_56] : memref<10016x128xf32, #tpu.memory_space<vmem_shared>> -> memref<128x128xf32, #tpu.memory_space<vmem_shared>>
      %dma_start3A_58 = arith.constant 0 : i32
      %dma_start3A_59 = tpu.memref_slice %arg11[%add3A_11, %dma_start3A_58] : memref<10016x128xf32, #tpu.memory_space<vmem_shared>> -> memref<128x128xf32, #tpu.memory_space<vmem_shared>>
      tpu.enqueue_dma source(%arg9 : memref<128x128xf32, #tpu.memory_space<vmem>>) target(%dma_start3A_59 : memref<128x128xf32, #tpu.memory_space<vmem_shared>>) target_semaphore(%run_scoped3A : memref<!tpu.dma_semaphore, #tpu.memory_space<semaphore_mem>>)
      %dma_wait3A = arith.constant 0 : i32
      %dma_wait3A_60 = tpu.memref_slice %arg11[%add3A_11, %dma_wait3A] : memref<10016x128xf32, #tpu.memory_space<vmem_shared>> -> memref<128x128xf32, #tpu.memory_space<vmem_shared>>
      %dma_wait3A_61 = arith.constant 0 : i32
      %dma_wait3A_62 = tpu.memref_slice %arg11[%add3A_11, %dma_wait3A_61] : memref<10016x128xf32, #tpu.memory_space<vmem_shared>> -> memref<128x128xf32, #tpu.memory_space<vmem_shared>>
      tpu.wait_dma2 semaphore(%run_scoped3A : memref<!tpu.dma_semaphore, #tpu.memory_space<semaphore_mem>>) src(%arg9 : memref<128x128xf32, #tpu.memory_space<vmem>>) dst(%dma_wait3A_62 : memref<128x128xf32, #tpu.memory_space<vmem_shared>>)
      tpu.yield
    }) : () -> ()
    %add3A_12 = arith.constant 256 : i32
    %add3A_13 = arith.addi %mul3A_7, %add3A_12 : i32
    "tpu.region"() ({
      %run_scoped3A = tpu.sem_alloc : memref<!tpu.dma_semaphore, #tpu.memory_space<semaphore_mem>>
      %dma_start3A_56 = arith.constant 0 : i32
      %dma_start3A_57 = tpu.memref_slice %arg11[%add3A_13, %dma_start3A_56] : memref<10016x128xf32, #tpu.memory_space<vmem_shared>> -> memref<128x128xf32, #tpu.memory_space<vmem_shared>>
      %dma_start3A_58 = arith.constant 0 : i32
      %dma_start3A_59 = tpu.memref_slice %arg11[%add3A_13, %dma_start3A_58] : memref<10016x128xf32, #tpu.memory_space<vmem_shared>> -> memref<128x128xf32, #tpu.memory_space<vmem_shared>>
      tpu.enqueue_dma source(%arg9 : memref<128x128xf32, #tpu.memory_space<vmem>>) target(%dma_start3A_59 : memref<128x128xf32, #tpu.memory_space<vmem_shared>>) target_semaphore(%run_scoped3A : memref<!tpu.dma_semaphore, #tpu.memory_space<semaphore_mem>>)
      %dma_wait3A = arith.constant 0 : i32
      %dma_wait3A_60 = tpu.memref_slice %arg11[%add3A_13, %dma_wait3A] : memref<10016x128xf32, #tpu.memory_space<vmem_shared>> -> memref<128x128xf32, #tpu.memory_space<vmem_shared>>
      %dma_wait3A_61 = arith.constant 0 : i32
      %dma_wait3A_62 = tpu.memref_slice %arg11[%add3A_13, %dma_wait3A_61] : memref<10016x128xf32, #tpu.memory_space<vmem_shared>> -> memref<128x128xf32, #tpu.memory_space<vmem_shared>>
      tpu.wait_dma2 semaphore(%run_scoped3A : memref<!tpu.dma_semaphore, #tpu.memory_space<semaphore_mem>>) src(%arg9 : memref<128x128xf32, #tpu.memory_space<vmem>>) dst(%dma_wait3A_62 : memref<128x128xf32, #tpu.memory_space<vmem_shared>>)
      tpu.yield
    }) : () -> ()
    %add3A_14 = arith.constant 384 : i32
    %add3A_15 = arith.addi %mul3A_7, %add3A_14 : i32
    "tpu.region"() ({
      %run_scoped3A = tpu.sem_alloc : memref<!tpu.dma_semaphore, #tpu.memory_space<semaphore_mem>>
      %dma_start3A_56 = arith.constant 0 : i32
      %dma_start3A_57 = tpu.memref_slice %arg11[%add3A_15, %dma_start3A_56] : memref<10016x128xf32, #tpu.memory_space<vmem_shared>> -> memref<128x128xf32, #tpu.memory_space<vmem_shared>>
      %dma_start3A_58 = arith.constant 0 : i32
      %dma_start3A_59 = tpu.memref_slice %arg11[%add3A_15, %dma_start3A_58] : memref<10016x128xf32, #tpu.memory_space<vmem_shared>> -> memref<128x128xf32, #tpu.memory_space<vmem_shared>>
      tpu.enqueue_dma source(%arg9 : memref<128x128xf32, #tpu.memory_space<vmem>>) target(%dma_start3A_59 : memref<128x128xf32, #tpu.memory_space<vmem_shared>>) target_semaphore(%run_scoped3A : memref<!tpu.dma_semaphore, #tpu.memory_space<semaphore_mem>>)
      %dma_wait3A = arith.constant 0 : i32
      %dma_wait3A_60 = tpu.memref_slice %arg11[%add3A_15, %dma_wait3A] : memref<10016x128xf32, #tpu.memory_space<vmem_shared>> -> memref<128x128xf32, #tpu.memory_space<vmem_shared>>
      %dma_wait3A_61 = arith.constant 0 : i32
      %dma_wait3A_62 = tpu.memref_slice %arg11[%add3A_15, %dma_wait3A_61] : memref<10016x128xf32, #tpu.memory_space<vmem_shared>> -> memref<128x128xf32, #tpu.memory_space<vmem_shared>>
      tpu.wait_dma2 semaphore(%run_scoped3A : memref<!tpu.dma_semaphore, #tpu.memory_space<semaphore_mem>>) src(%arg9 : memref<128x128xf32, #tpu.memory_space<vmem>>) dst(%dma_wait3A_62 : memref<128x128xf32, #tpu.memory_space<vmem_shared>>)
      tpu.yield
    }) : () -> ()
    %add3A_16 = arith.constant 512 : i32
    %add3A_17 = arith.addi %mul3A_7, %add3A_16 : i32
    "tpu.region"() ({
      %run_scoped3A = tpu.sem_alloc : memref<!tpu.dma_semaphore, #tpu.memory_space<semaphore_mem>>
      %dma_start3A_56 = arith.constant 0 : i32
      %dma_start3A_57 = arith.constant 0 : i32
      %dma_start3A_58 = tpu.memref_slice %arg9[%dma_start3A_56, %dma_start3A_57] : memref<128x128xf32, #tpu.memory_space<vmem>> -> memref<112x128xf32, #tpu.memory_space<vmem>>
      %dma_start3A_59 = arith.constant 0 : i32
      %dma_start3A_60 = tpu.memref_slice %arg11[%add3A_17, %dma_start3A_59] : memref<10016x128xf32, #tpu.memory_space<vmem_shared>> -> memref<112x128xf32, #tpu.memory_space<vmem_shared>>
      %dma_start3A_61 = arith.constant 0 : i32
      %dma_start3A_62 = tpu.memref_slice %arg11[%add3A_17, %dma_start3A_61] : memref<10016x128xf32, #tpu.memory_space<vmem_shared>> -> memref<112x128xf32, #tpu.memory_space<vmem_shared>>
      %dma_start3A_63 = arith.constant 0 : i32
      %dma_start3A_64 = arith.constant 0 : i32
      %dma_start3A_65 = tpu.memref_slice %arg9[%dma_start3A_63, %dma_start3A_64] : memref<128x128xf32, #tpu.memory_space<vmem>> -> memref<112x128xf32, #tpu.memory_space<vmem>>
      tpu.enqueue_dma source(%dma_start3A_65 : memref<112x128xf32, #tpu.memory_space<vmem>>) target(%dma_start3A_62 : memref<112x128xf32, #tpu.memory_space<vmem_shared>>) target_semaphore(%run_scoped3A : memref<!tpu.dma_semaphore, #tpu.memory_space<semaphore_mem>>)
      %dma_wait3A = arith.constant 0 : i32
      %dma_wait3A_66 = arith.constant 0 : i32
      %dma_wait3A_67 = tpu.memref_slice %arg9[%dma_wait3A, %dma_wait3A_66] : memref<128x128xf32, #tpu.memory_space<vmem>> -> memref<112x128xf32, #tpu.memory_space<vmem>>
      %dma_wait3A_68 = arith.constant 0 : i32
      %dma_wait3A_69 = tpu.memref_slice %arg11[%add3A_17, %dma_wait3A_68] : memref<10016x128xf32, #tpu.memory_space<vmem_shared>> -> memref<112x128xf32, #tpu.memory_space<vmem_shared>>
      %dma_wait3A_70 = arith.constant 0 : i32
      %dma_wait3A_71 = tpu.memref_slice %arg11[%add3A_17, %dma_wait3A_70] : memref<10016x128xf32, #tpu.memory_space<vmem_shared>> -> memref<112x128xf32, #tpu.memory_space<vmem_shared>>
      %dma_wait3A_72 = arith.constant 0 : i32
      %dma_wait3A_73 = arith.constant 0 : i32
      %dma_wait3A_74 = tpu.memref_slice %arg9[%dma_wait3A_72, %dma_wait3A_73] : memref<128x128xf32, #tpu.memory_space<vmem>> -> memref<112x128xf32, #tpu.memory_space<vmem>>
      tpu.wait_dma2 semaphore(%run_scoped3A : memref<!tpu.dma_semaphore, #tpu.memory_space<semaphore_mem>>) src(%dma_wait3A_74 : memref<112x128xf32, #tpu.memory_space<vmem>>) dst(%dma_wait3A_71 : memref<112x128xf32, #tpu.memory_space<vmem_shared>>)
      tpu.yield
    }) : () -> ()
    %eq3A = arith.constant 15 : i32
    %eq3A_18 = arith.cmpi eq, %arg1, %eq3A : i32
    %convert_element_type3A = arith.extui %eq3A_18 : i1 to i32
    %cond3A = arith.constant 0 : i32
    %cond3A_19 = arith.cmpi ne, %convert_element_type3A, %cond3A : i32
    scf.if %cond3A_19 {
      "tpu.region"() ({
        %run_scoped3A = tpu.sem_alloc : memref<!tpu.dma_semaphore, #tpu.memory_space<semaphore_mem>>
        %dma_start3A_56 = arith.constant 0 : i32
        %dma_start3A_57 = arith.constant 0 : i32
        %dma_start3A_58 = tpu.memref_slice %arg9[%dma_start3A_56, %dma_start3A_57] : memref<128x128xf32, #tpu.memory_space<vmem>> -> memref<32x128xf32, #tpu.memory_space<vmem>>
        %dma_start3A_59 = arith.constant 9984 : i32
        %dma_start3A_60 = arith.constant 0 : i32
        %dma_start3A_61 = tpu.memref_slice %arg11[%dma_start3A_59, %dma_start3A_60] : memref<10016x128xf32, #tpu.memory_space<vmem_shared>> -> memref<32x128xf32, #tpu.memory_space<vmem_shared>>
        %dma_start3A_62 = arith.constant 9984 : i32
        %dma_start3A_63 = arith.constant 0 : i32
        %dma_start3A_64 = tpu.memref_slice %arg11[%dma_start3A_62, %dma_start3A_63] : memref<10016x128xf32, #tpu.memory_space<vmem_shared>> -> memref<32x128xf32, #tpu.memory_space<vmem_shared>>
        %dma_start3A_65 = arith.constant 0 : i32
        %dma_start3A_66 = arith.constant 0 : i32
        %dma_start3A_67 = tpu.memref_slice %arg9[%dma_start3A_65, %dma_start3A_66] : memref<128x128xf32, #tpu.memory_space<vmem>> -> memref<32x128xf32, #tpu.memory_space<vmem>>
        tpu.enqueue_dma source(%dma_start3A_67 : memref<32x128xf32, #tpu.memory_space<vmem>>) target(%dma_start3A_64 : memref<32x128xf32, #tpu.memory_space<vmem_shared>>) target_semaphore(%run_scoped3A : memref<!tpu.dma_semaphore, #tpu.memory_space<semaphore_mem>>)
        %dma_wait3A = arith.constant 0 : i32
        %dma_wait3A_68 = arith.constant 0 : i32
        %dma_wait3A_69 = tpu.memref_slice %arg9[%dma_wait3A, %dma_wait3A_68] : memref<128x128xf32, #tpu.memory_space<vmem>> -> memref<32x128xf32, #tpu.memory_space<vmem>>
        %dma_wait3A_70 = arith.constant 9984 : i32
        %dma_wait3A_71 = arith.constant 0 : i32
        %dma_wait3A_72 = tpu.memref_slice %arg11[%dma_wait3A_70, %dma_wait3A_71] : memref<10016x128xf32, #tpu.memory_space<vmem_shared>> -> memref<32x128xf32, #tpu.memory_space<vmem_shared>>
        %dma_wait3A_73 = arith.constant 9984 : i32
        %dma_wait3A_74 = arith.constant 0 : i32
        %dma_wait3A_75 = tpu.memref_slice %arg11[%dma_wait3A_73, %dma_wait3A_74] : memref<10016x128xf32, #tpu.memory_space<vmem_shared>> -> memref<32x128xf32, #tpu.memory_space<vmem_shared>>
        %dma_wait3A_76 = arith.constant 0 : i32
        %dma_wait3A_77 = arith.constant 0 : i32
        %dma_wait3A_78 = tpu.memref_slice %arg9[%dma_wait3A_76, %dma_wait3A_77] : memref<128x128xf32, #tpu.memory_space<vmem>> -> memref<32x128xf32, #tpu.memory_space<vmem>>
        tpu.wait_dma2 semaphore(%run_scoped3A : memref<!tpu.dma_semaphore, #tpu.memory_space<semaphore_mem>>) src(%dma_wait3A_78 : memref<32x128xf32, #tpu.memory_space<vmem>>) dst(%dma_wait3A_75 : memref<32x128xf32, #tpu.memory_space<vmem_shared>>)
        tpu.yield
      }) : () -> ()
    } else {
    }
    %barrier3A = arith.constant 0 : index
    tpu.barrier barrier_id(%barrier3A)
    %mul3A_20 = arith.constant 80 : i32
    %mul3A_21 = arith.muli %add3A, %mul3A_20 : i32
    %add3A_22 = arith.constant 0 : i32
    %add3A_23 = arith.addi %mul3A_21, %add3A_22 : i32
    "tpu.region"() ({
      %run_scoped3A = tpu.sem_alloc : memref<!tpu.dma_semaphore, #tpu.memory_space<semaphore_mem>>
      %dma_start3A_56 = arith.constant 0 : i32
      %dma_start3A_57 = tpu.memref_slice %arg3[%add3A_23, %dma_start3A_56] : memref<2560x128xi32, #tpu.memory_space<hbm>> -> memref<8x128xi32, #tpu.memory_space<hbm>>
      %dma_start3A_58 = arith.constant 0 : i32
      %dma_start3A_59 = tpu.memref_slice %arg3[%add3A_23, %dma_start3A_58] : memref<2560x128xi32, #tpu.memory_space<hbm>> -> memref<8x128xi32, #tpu.memory_space<hbm>>
      tpu.enqueue_dma source(%dma_start3A_59 : memref<8x128xi32, #tpu.memory_space<hbm>>) target(%arg7 : memref<8x128xi32, #tpu.memory_space<vmem>>) target_semaphore(%run_scoped3A : memref<!tpu.dma_semaphore, #tpu.memory_space<semaphore_mem>>)
      %dma_wait3A = arith.constant 0 : i32
      %dma_wait3A_60 = tpu.memref_slice %arg3[%add3A_23, %dma_wait3A] : memref<2560x128xi32, #tpu.memory_space<hbm>> -> memref<8x128xi32, #tpu.memory_space<hbm>>
      %dma_wait3A_61 = arith.constant 0 : i32
      %dma_wait3A_62 = tpu.memref_slice %arg3[%add3A_23, %dma_wait3A_61] : memref<2560x128xi32, #tpu.memory_space<hbm>> -> memref<8x128xi32, #tpu.memory_space<hbm>>
      tpu.wait_dma2 semaphore(%run_scoped3A : memref<!tpu.dma_semaphore, #tpu.memory_space<semaphore_mem>>) src(%dma_wait3A_62 : memref<8x128xi32, #tpu.memory_space<hbm>>) dst(%arg7 : memref<8x128xi32, #tpu.memory_space<vmem>>)
      tpu.yield
    }) : () -> ()
    "tpu.region"() ({
      %run_scoped3A = tpu.sem_alloc : memref<!tpu.dma_semaphore, #tpu.memory_space<semaphore_mem>>
      %dma_start3A_56 = arith.constant 0 : i32
      %dma_start3A_57 = tpu.memref_slice %arg4[%add3A_23, %dma_start3A_56] : memref<2560x128xi32, #tpu.memory_space<hbm>> -> memref<8x128xi32, #tpu.memory_space<hbm>>
      %dma_start3A_58 = arith.constant 0 : i32
      %dma_start3A_59 = tpu.memref_slice %arg4[%add3A_23, %dma_start3A_58] : memref<2560x128xi32, #tpu.memory_space<hbm>> -> memref<8x128xi32, #tpu.memory_space<hbm>>
      tpu.enqueue_dma source(%dma_start3A_59 : memref<8x128xi32, #tpu.memory_space<hbm>>) target(%arg8 : memref<8x128xi32, #tpu.memory_space<vmem>>) target_semaphore(%run_scoped3A : memref<!tpu.dma_semaphore, #tpu.memory_space<semaphore_mem>>)
      %dma_wait3A = arith.constant 0 : i32
      %dma_wait3A_60 = tpu.memref_slice %arg4[%add3A_23, %dma_wait3A] : memref<2560x128xi32, #tpu.memory_space<hbm>> -> memref<8x128xi32, #tpu.memory_space<hbm>>
      %dma_wait3A_61 = arith.constant 0 : i32
      %dma_wait3A_62 = tpu.memref_slice %arg4[%add3A_23, %dma_wait3A_61] : memref<2560x128xi32, #tpu.memory_space<hbm>> -> memref<8x128xi32, #tpu.memory_space<hbm>>
      tpu.wait_dma2 semaphore(%run_scoped3A : memref<!tpu.dma_semaphore, #tpu.memory_space<semaphore_mem>>) src(%dma_wait3A_62 : memref<8x128xi32, #tpu.memory_space<hbm>>) dst(%arg8 : memref<8x128xi32, #tpu.memory_space<vmem>>)
      tpu.yield
    }) : () -> ()
    %dma_start3A = arith.constant 0 : i32
    %dma_start3A_24 = arith.constant 0 : i32
    %dma_start3A_25 = tpu.memref_slice %arg7[%dma_start3A, %dma_start3A_24] : memref<8x128xi32, #tpu.memory_space<vmem>> -> memref<1x128xi32, #tpu.memory_space<vmem>>
    %dma_start3A_26 = tpu.memref_squeeze %dma_start3A_25 : memref<1x128xi32, #tpu.memory_space<vmem>> -> memref<128xi32, #tpu.memory_space<vmem>>
    %dma_start3A_27 = arith.constant 0 : i32
    %dma_start3A_28 = arith.constant 0 : i32
    %dma_start3A_29 = tpu.memref_slice %arg2[%dma_start3A_27, %dma_start3A_28] : memref<10000x128xf32, #tpu.memory_space<hbm>> -> memref<10000x128xf32, #tpu.memory_space<hbm>>
    tpu.enqueue_indirect_dma source(%dma_start3A_29 : memref<10000x128xf32, #tpu.memory_space<hbm>>) target(%arg9 : memref<128x128xf32, #tpu.memory_space<vmem>>) offsets(%dma_start3A_26 : memref<128xi32, #tpu.memory_space<vmem>>) semaphore(%arg12 : memref<!tpu.dma_semaphore, #tpu.memory_space<semaphore_mem>>)
    %dma_start3A_30 = arith.constant 1 : i32
    %dma_start3A_31 = arith.constant 0 : i32
    %dma_start3A_32 = tpu.memref_slice %arg7[%dma_start3A_30, %dma_start3A_31] : memref<8x128xi32, #tpu.memory_space<vmem>> -> memref<1x128xi32, #tpu.memory_space<vmem>>
    %dma_start3A_33 = tpu.memref_squeeze %dma_start3A_32 : memref<1x128xi32, #tpu.memory_space<vmem>> -> memref<128xi32, #tpu.memory_space<vmem>>
    %dma_start3A_34 = arith.constant 0 : i32
    %dma_start3A_35 = arith.constant 0 : i32
    %dma_start3A_36 = tpu.memref_slice %arg2[%dma_start3A_34, %dma_start3A_35] : memref<10000x128xf32, #tpu.memory_space<hbm>> -> memref<10000x128xf32, #tpu.memory_space<hbm>>
    tpu.enqueue_indirect_dma source(%dma_start3A_36 : memref<10000x128xf32, #tpu.memory_space<hbm>>) target(%arg10 : memref<128x128xf32, #tpu.memory_space<vmem>>) offsets(%dma_start3A_33 : memref<128xi32, #tpu.memory_space<vmem>>) semaphore(%arg13 : memref<!tpu.dma_semaphore, #tpu.memory_space<semaphore_mem>>)
    %scan3A_37 = arith.constant 0 : i32
    %scan3A_38 = arith.constant 0 : i32
    %scan3A_39 = arith.constant 40 : i32
    %scan3A_40 = arith.addi %scan3A_38, %scan3A_39 : i32
    %scan3A_41 = arith.constant 1 : i32
    scf.for %scan3A_56 = %scan3A_38 to %scan3A_40 step %scan3A_41  : i32 {
      %mul3A_57 = arith.constant 2 : i32
      %mul3A_58 = arith.muli %mul3A_57, %scan3A_56 : i32
      %mul3A_59 = arith.constant 2 : i32
      %mul3A_60 = arith.muli %mul3A_59, %scan3A_56 : i32
      %add3A_61 = arith.constant 1 : i32
      %add3A_62 = arith.addi %mul3A_60, %add3A_61 : i32
      %jit3A = arith.constant 8 : i32
      %eq3A_63 = arith.constant 0 : i32
      %eq3A_64 = arith.cmpi eq, %jit3A, %eq3A_63 : i32
      %jit3A_65 = arith.constant 1 : i32
      %select_n3A = arith.select %eq3A_64, %jit3A_65, %jit3A : i32
      %rem3A = arith.remsi %mul3A_58, %select_n3A : i32
      %ne3A = arith.constant 0 : i32
      %ne3A_66 = arith.cmpi ne, %rem3A, %ne3A : i32
      %lt3A = arith.constant 0 : i32
      %lt3A_67 = arith.cmpi slt, %rem3A, %lt3A : i32
      %lt3A_68 = arith.constant 0 : i32
      %lt3A_69 = arith.cmpi slt, %select_n3A, %lt3A_68 : i32
      %ne3A_70 = arith.xori %lt3A_67, %lt3A_69 : i1
      %and3A = arith.andi %ne3A_70, %ne3A_66 : i1
      %add3A_71 = arith.addi %rem3A, %select_n3A : i32
      %select_n3A_72 = arith.select %and3A, %add3A_71, %rem3A : i32
      %jit3A_73 = arith.constant 8 : i32
      %eq3A_74 = arith.constant 0 : i32
      %eq3A_75 = arith.cmpi eq, %jit3A_73, %eq3A_74 : i32
      %jit3A_76 = arith.constant 1 : i32
      %select_n3A_77 = arith.select %eq3A_75, %jit3A_76, %jit3A_73 : i32
      %rem3A_78 = arith.remsi %add3A_62, %select_n3A_77 : i32
      %ne3A_79 = arith.constant 0 : i32
      %ne3A_80 = arith.cmpi ne, %rem3A_78, %ne3A_79 : i32
      %lt3A_81 = arith.constant 0 : i32
      %lt3A_82 = arith.cmpi slt, %rem3A_78, %lt3A_81 : i32
      %lt3A_83 = arith.constant 0 : i32
      %lt3A_84 = arith.cmpi slt, %select_n3A_77, %lt3A_83 : i32
      %ne3A_85 = arith.xori %lt3A_82, %lt3A_84 : i1
      %and3A_86 = arith.andi %ne3A_85, %ne3A_80 : i1
      %add3A_87 = arith.addi %rem3A_78, %select_n3A_77 : i32
      %select_n3A_88 = arith.select %and3A_86, %add3A_87, %rem3A_78 : i32
      %dma_wait3A = arith.constant 0 : i32
      %dma_wait3A_89 = tpu.memref_slice %arg7[%select_n3A_72, %dma_wait3A] : memref<8x128xi32, #tpu.memory_space<vmem>> -> memref<1x128xi32, #tpu.memory_space<vmem>>
      %dma_wait3A_90 = tpu.memref_squeeze %dma_wait3A_89 : memref<1x128xi32, #tpu.memory_space<vmem>> -> memref<128xi32, #tpu.memory_space<vmem>>
      %dma_wait3A_91 = arith.constant 0 : i32
      %dma_wait3A_92 = arith.constant 0 : i32
      %dma_wait3A_93 = tpu.memref_slice %arg2[%dma_wait3A_91, %dma_wait3A_92] : memref<10000x128xf32, #tpu.memory_space<hbm>> -> memref<10000x128xf32, #tpu.memory_space<hbm>>
      tpu.wait_indirect_dma semaphore(%arg12 : memref<!tpu.dma_semaphore, #tpu.memory_space<semaphore_mem>>) src(%dma_wait3A_93 : memref<10000x128xf32, #tpu.memory_space<hbm>>) dst(%arg9 : memref<128x128xf32, #tpu.memory_space<vmem>>)
      %dma_start3A_94 = arith.constant 0 : i32
      %dma_start3A_95 = tpu.memref_slice %arg8[%select_n3A_72, %dma_start3A_94] : memref<8x128xi32, #tpu.memory_space<vmem>> -> memref<1x128xi32, #tpu.memory_space<vmem>>
      %dma_start3A_96 = tpu.memref_squeeze %dma_start3A_95 : memref<1x128xi32, #tpu.memory_space<vmem>> -> memref<128xi32, #tpu.memory_space<vmem>>
      %dma_start3A_97 = arith.constant 0 : i32
      %dma_start3A_98 = arith.constant 0 : i32
      %dma_start3A_99 = tpu.memref_slice %arg11[%dma_start3A_97, %dma_start3A_98] : memref<10016x128xf32, #tpu.memory_space<vmem_shared>> -> memref<10016x128xf32, #tpu.memory_space<vmem_shared>>
      tpu.enqueue_indirect_dma source(%arg9 : memref<128x128xf32, #tpu.memory_space<vmem>>) target(%dma_start3A_99 : memref<10016x128xf32, #tpu.memory_space<vmem_shared>>) offsets(%dma_start3A_96 : memref<128xi32, #tpu.memory_space<vmem>>) semaphore(%arg14 : memref<!tpu.dma_semaphore, #tpu.memory_space<semaphore_mem>>) {add = true}
      %dma_wait3A_100 = arith.constant 0 : i32
      %dma_wait3A_101 = tpu.memref_slice %arg7[%select_n3A_88, %dma_wait3A_100] : memref<8x128xi32, #tpu.memory_space<vmem>> -> memref<1x128xi32, #tpu.memory_space<vmem>>
      %dma_wait3A_102 = tpu.memref_squeeze %dma_wait3A_101 : memref<1x128xi32, #tpu.memory_space<vmem>> -> memref<128xi32, #tpu.memory_space<vmem>>
      %dma_wait3A_103 = arith.constant 0 : i32
      %dma_wait3A_104 = arith.constant 0 : i32
      %dma_wait3A_105 = tpu.memref_slice %arg2[%dma_wait3A_103, %dma_wait3A_104] : memref<10000x128xf32, #tpu.memory_space<hbm>> -> memref<10000x128xf32, #tpu.memory_space<hbm>>
      tpu.wait_indirect_dma semaphore(%arg13 : memref<!tpu.dma_semaphore, #tpu.memory_space<semaphore_mem>>) src(%dma_wait3A_105 : memref<10000x128xf32, #tpu.memory_space<hbm>>) dst(%arg10 : memref<128x128xf32, #tpu.memory_space<vmem>>)
      %dma_start3A_106 = arith.constant 0 : i32
      %dma_start3A_107 = tpu.memref_slice %arg8[%select_n3A_88, %dma_start3A_106] : memref<8x128xi32, #tpu.memory_space<vmem>> -> memref<1x128xi32, #tpu.memory_space<vmem>>
      %dma_start3A_108 = tpu.memref_squeeze %dma_start3A_107 : memref<1x128xi32, #tpu.memory_space<vmem>> -> memref<128xi32, #tpu.memory_space<vmem>>
      %dma_start3A_109 = arith.constant 0 : i32
      %dma_start3A_110 = arith.constant 0 : i32
      %dma_start3A_111 = tpu.memref_slice %arg11[%dma_start3A_109, %dma_start3A_110] : memref<10016x128xf32, #tpu.memory_space<vmem_shared>> -> memref<10016x128xf32, #tpu.memory_space<vmem_shared>>
      tpu.enqueue_indirect_dma source(%arg10 : memref<128x128xf32, #tpu.memory_space<vmem>>) target(%dma_start3A_111 : memref<10016x128xf32, #tpu.memory_space<vmem_shared>>) offsets(%dma_start3A_108 : memref<128xi32, #tpu.memory_space<vmem>>) semaphore(%arg15 : memref<!tpu.dma_semaphore, #tpu.memory_space<semaphore_mem>>) {add = true}
      %dma_wait3A_112 = arith.constant 0 : i32
      %dma_wait3A_113 = tpu.memref_slice %arg8[%select_n3A_72, %dma_wait3A_112] : memref<8x128xi32, #tpu.memory_space<vmem>> -> memref<1x128xi32, #tpu.memory_space<vmem>>
      %dma_wait3A_114 = tpu.memref_squeeze %dma_wait3A_113 : memref<1x128xi32, #tpu.memory_space<vmem>> -> memref<128xi32, #tpu.memory_space<vmem>>
      %dma_wait3A_115 = arith.constant 0 : i32
      %dma_wait3A_116 = arith.constant 0 : i32
      %dma_wait3A_117 = tpu.memref_slice %arg11[%dma_wait3A_115, %dma_wait3A_116] : memref<10016x128xf32, #tpu.memory_space<vmem_shared>> -> memref<10016x128xf32, #tpu.memory_space<vmem_shared>>
      tpu.wait_indirect_dma semaphore(%arg14 : memref<!tpu.dma_semaphore, #tpu.memory_space<semaphore_mem>>) src(%arg9 : memref<128x128xf32, #tpu.memory_space<vmem>>) dst(%dma_wait3A_117 : memref<10016x128xf32, #tpu.memory_space<vmem_shared>>)
      %dma_wait3A_118 = arith.constant 0 : i32
      %dma_wait3A_119 = tpu.memref_slice %arg8[%select_n3A_88, %dma_wait3A_118] : memref<8x128xi32, #tpu.memory_space<vmem>> -> memref<1x128xi32, #tpu.memory_space<vmem>>
      %dma_wait3A_120 = tpu.memref_squeeze %dma_wait3A_119 : memref<1x128xi32, #tpu.memory_space<vmem>> -> memref<128xi32, #tpu.memory_space<vmem>>
      %dma_wait3A_121 = arith.constant 0 : i32
      %dma_wait3A_122 = arith.constant 0 : i32
      %dma_wait3A_123 = tpu.memref_slice %arg11[%dma_wait3A_121, %dma_wait3A_122] : memref<10016x128xf32, #tpu.memory_space<vmem_shared>> -> memref<10016x128xf32, #tpu.memory_space<vmem_shared>>
      tpu.wait_indirect_dma semaphore(%arg15 : memref<!tpu.dma_semaphore, #tpu.memory_space<semaphore_mem>>) src(%arg10 : memref<128x128xf32, #tpu.memory_space<vmem>>) dst(%dma_wait3A_123 : memref<10016x128xf32, #tpu.memory_space<vmem_shared>>)
      %lt3A_124 = arith.constant 39 : i32
      %lt3A_125 = arith.cmpi slt, %scan3A_56, %lt3A_124 : i32
      %add3A_126 = arith.constant 2 : i32
      %add3A_127 = arith.addi %mul3A_58, %add3A_126 : i32
      %jit3A_128 = arith.constant 8 : i32
      %eq3A_129 = arith.constant 0 : i32
      %eq3A_130 = arith.cmpi eq, %jit3A_128, %eq3A_129 : i32
      %jit3A_131 = arith.constant 1 : i32
      %select_n3A_132 = arith.select %eq3A_130, %jit3A_131, %jit3A_128 : i32
      %rem3A_133 = arith.remsi %add3A_127, %select_n3A_132 : i32
      %ne3A_134 = arith.constant 0 : i32
      %ne3A_135 = arith.cmpi ne, %rem3A_133, %ne3A_134 : i32
      %lt3A_136 = arith.constant 0 : i32
      %lt3A_137 = arith.cmpi slt, %rem3A_133, %lt3A_136 : i32
      %lt3A_138 = arith.constant 0 : i32
      %lt3A_139 = arith.cmpi slt, %select_n3A_132, %lt3A_138 : i32
      %ne3A_140 = arith.xori %lt3A_137, %lt3A_139 : i1
      %and3A_141 = arith.andi %ne3A_140, %ne3A_135 : i1
      %add3A_142 = arith.addi %rem3A_133, %select_n3A_132 : i32
      %select_n3A_143 = arith.select %and3A_141, %add3A_142, %rem3A_133 : i32
      %eq3A_144 = arith.constant 0 : i32
      %eq3A_145 = arith.cmpi eq, %select_n3A_143, %eq3A_144 : i32
      %and3A_146 = arith.andi %lt3A_125, %eq3A_145 : i1
      %convert_element_type3A_147 = arith.extui %and3A_146 : i1 to i32
      %cond3A_148 = arith.constant 0 : i32
      %cond3A_149 = arith.cmpi ne, %convert_element_type3A_147, %cond3A_148 : i32
      scf.if %cond3A_149 {
        %add3A_155 = arith.constant 2 : i32
        %add3A_156 = arith.addi %mul3A_58, %add3A_155 : i32
        %jit3A_157 = arith.constant 8 : i32
        %div3A = arith.divsi %add3A_156, %jit3A_157 : i32
        %sign3A = arith.constant 0 : i32
        %sign3A_158 = arith.cmpi sgt, %add3A_156, %sign3A : i32
        %sign3A_159 = arith.extui %sign3A_158 : i1 to i32
        %sign3A_160 = arith.constant 0 : i32
        %sign3A_161 = arith.cmpi slt, %add3A_156, %sign3A_160 : i32
        %sign3A_162 = arith.extui %sign3A_161 : i1 to i32
        %sign3A_163 = arith.subi %sign3A_159, %sign3A_162 : i32
        %sign3A_164 = arith.constant 0 : i32
        %sign3A_165 = arith.cmpi sgt, %jit3A_157, %sign3A_164 : i32
        %sign3A_166 = arith.extui %sign3A_165 : i1 to i32
        %sign3A_167 = arith.constant 0 : i32
        %sign3A_168 = arith.cmpi slt, %jit3A_157, %sign3A_167 : i32
        %sign3A_169 = arith.extui %sign3A_168 : i1 to i32
        %sign3A_170 = arith.subi %sign3A_166, %sign3A_169 : i32
        %ne3A_171 = arith.cmpi ne, %sign3A_163, %sign3A_170 : i32
        %rem3A_172 = arith.remsi %add3A_156, %jit3A_157 : i32
        %ne3A_173 = arith.constant 0 : i32
        %ne3A_174 = arith.cmpi ne, %rem3A_172, %ne3A_173 : i32
        %and3A_175 = arith.andi %ne3A_171, %ne3A_174 : i1
        %sub3A = arith.constant 1 : i32
        %sub3A_176 = arith.subi %div3A, %sub3A : i32
        %select_n3A_177 = arith.select %and3A_175, %sub3A_176, %div3A : i32
        %mul3A_178 = arith.constant 80 : i32
        %mul3A_179 = arith.muli %add3A, %mul3A_178 : i32
        %mul3A_180 = arith.constant 8 : i32
        %mul3A_181 = arith.muli %select_n3A_177, %mul3A_180 : i32
        %add3A_182 = arith.addi %mul3A_179, %mul3A_181 : i32
        "tpu.region"() ({
          %run_scoped3A = tpu.sem_alloc : memref<!tpu.dma_semaphore, #tpu.memory_space<semaphore_mem>>
          %dma_start3A_183 = arith.constant 0 : i32
          %dma_start3A_184 = tpu.memref_slice %arg3[%add3A_182, %dma_start3A_183] : memref<2560x128xi32, #tpu.memory_space<hbm>> -> memref<8x128xi32, #tpu.memory_space<hbm>>
          %dma_start3A_185 = arith.constant 0 : i32
          %dma_start3A_186 = tpu.memref_slice %arg3[%add3A_182, %dma_start3A_185] : memref<2560x128xi32, #tpu.memory_space<hbm>> -> memref<8x128xi32, #tpu.memory_space<hbm>>
          tpu.enqueue_dma source(%dma_start3A_186 : memref<8x128xi32, #tpu.memory_space<hbm>>) target(%arg7 : memref<8x128xi32, #tpu.memory_space<vmem>>) target_semaphore(%run_scoped3A : memref<!tpu.dma_semaphore, #tpu.memory_space<semaphore_mem>>)
          %dma_wait3A_187 = arith.constant 0 : i32
          %dma_wait3A_188 = tpu.memref_slice %arg3[%add3A_182, %dma_wait3A_187] : memref<2560x128xi32, #tpu.memory_space<hbm>> -> memref<8x128xi32, #tpu.memory_space<hbm>>
          %dma_wait3A_189 = arith.constant 0 : i32
          %dma_wait3A_190 = tpu.memref_slice %arg3[%add3A_182, %dma_wait3A_189] : memref<2560x128xi32, #tpu.memory_space<hbm>> -> memref<8x128xi32, #tpu.memory_space<hbm>>
          tpu.wait_dma2 semaphore(%run_scoped3A : memref<!tpu.dma_semaphore, #tpu.memory_space<semaphore_mem>>) src(%dma_wait3A_190 : memref<8x128xi32, #tpu.memory_space<hbm>>) dst(%arg7 : memref<8x128xi32, #tpu.memory_space<vmem>>)
          tpu.yield
        }) : () -> ()
        "tpu.region"() ({
          %run_scoped3A = tpu.sem_alloc : memref<!tpu.dma_semaphore, #tpu.memory_space<semaphore_mem>>
          %dma_start3A_183 = arith.constant 0 : i32
          %dma_start3A_184 = tpu.memref_slice %arg4[%add3A_182, %dma_start3A_183] : memref<2560x128xi32, #tpu.memory_space<hbm>> -> memref<8x128xi32, #tpu.memory_space<hbm>>
          %dma_start3A_185 = arith.constant 0 : i32
          %dma_start3A_186 = tpu.memref_slice %arg4[%add3A_182, %dma_start3A_185] : memref<2560x128xi32, #tpu.memory_space<hbm>> -> memref<8x128xi32, #tpu.memory_space<hbm>>
          tpu.enqueue_dma source(%dma_start3A_186 : memref<8x128xi32, #tpu.memory_space<hbm>>) target(%arg8 : memref<8x128xi32, #tpu.memory_space<vmem>>) target_semaphore(%run_scoped3A : memref<!tpu.dma_semaphore, #tpu.memory_space<semaphore_mem>>)
          %dma_wait3A_187 = arith.constant 0 : i32
          %dma_wait3A_188 = tpu.memref_slice %arg4[%add3A_182, %dma_wait3A_187] : memref<2560x128xi32, #tpu.memory_space<hbm>> -> memref<8x128xi32, #tpu.memory_space<hbm>>
          %dma_wait3A_189 = arith.constant 0 : i32
          %dma_wait3A_190 = tpu.memref_slice %arg4[%add3A_182, %dma_wait3A_189] : memref<2560x128xi32, #tpu.memory_space<hbm>> -> memref<8x128xi32, #tpu.memory_space<hbm>>
          tpu.wait_dma2 semaphore(%run_scoped3A : memref<!tpu.dma_semaphore, #tpu.memory_space<semaphore_mem>>) src(%dma_wait3A_190 : memref<8x128xi32, #tpu.memory_space<hbm>>) dst(%arg8 : memref<8x128xi32, #tpu.memory_space<vmem>>)
          tpu.yield
        }) : () -> ()
      } else {
      }
      %lt3A_150 = arith.constant 39 : i32
      %lt3A_151 = arith.cmpi slt, %scan3A_56, %lt3A_150 : i32
      %convert_element_type3A_152 = arith.extui %lt3A_151 : i1 to i32
      %cond3A_153 = arith.constant 0 : i32
      %cond3A_154 = arith.cmpi ne, %convert_element_type3A_152, %cond3A_153 : i32
      scf.if %cond3A_154 {
        %add3A_155 = arith.constant 2 : i32
        %add3A_156 = arith.addi %mul3A_58, %add3A_155 : i32
        %jit3A_157 = arith.constant 8 : i32
        %eq3A_158 = arith.constant 0 : i32
        %eq3A_159 = arith.cmpi eq, %jit3A_157, %eq3A_158 : i32
        %jit3A_160 = arith.constant 1 : i32
        %select_n3A_161 = arith.select %eq3A_159, %jit3A_160, %jit3A_157 : i32
        %rem3A_162 = arith.remsi %add3A_156, %select_n3A_161 : i32
        %ne3A_163 = arith.constant 0 : i32
        %ne3A_164 = arith.cmpi ne, %rem3A_162, %ne3A_163 : i32
        %lt3A_165 = arith.constant 0 : i32
        %lt3A_166 = arith.cmpi slt, %rem3A_162, %lt3A_165 : i32
        %lt3A_167 = arith.constant 0 : i32
        %lt3A_168 = arith.cmpi slt, %select_n3A_161, %lt3A_167 : i32
        %ne3A_169 = arith.xori %lt3A_166, %lt3A_168 : i1
        %and3A_170 = arith.andi %ne3A_169, %ne3A_164 : i1
        %add3A_171 = arith.addi %rem3A_162, %select_n3A_161 : i32
        %select_n3A_172 = arith.select %and3A_170, %add3A_171, %rem3A_162 : i32
        %dma_start3A_173 = arith.constant 0 : i32
        %dma_start3A_174 = tpu.memref_slice %arg7[%select_n3A_172, %dma_start3A_173] : memref<8x128xi32, #tpu.memory_space<vmem>> -> memref<1x128xi32, #tpu.memory_space<vmem>>
        %dma_start3A_175 = tpu.memref_squeeze %dma_start3A_174 : memref<1x128xi32, #tpu.memory_space<vmem>> -> memref<128xi32, #tpu.memory_space<vmem>>
        %dma_start3A_176 = arith.constant 0 : i32
        %dma_start3A_177 = arith.constant 0 : i32
        %dma_start3A_178 = tpu.memref_slice %arg2[%dma_start3A_176, %dma_start3A_177] : memref<10000x128xf32, #tpu.memory_space<hbm>> -> memref<10000x128xf32, #tpu.memory_space<hbm>>
        tpu.enqueue_indirect_dma source(%dma_start3A_178 : memref<10000x128xf32, #tpu.memory_space<hbm>>) target(%arg9 : memref<128x128xf32, #tpu.memory_space<vmem>>) offsets(%dma_start3A_175 : memref<128xi32, #tpu.memory_space<vmem>>) semaphore(%arg12 : memref<!tpu.dma_semaphore, #tpu.memory_space<semaphore_mem>>)
        %add3A_179 = arith.constant 2 : i32
        %add3A_180 = arith.addi %add3A_62, %add3A_179 : i32
        %jit3A_181 = arith.constant 8 : i32
        %eq3A_182 = arith.constant 0 : i32
        %eq3A_183 = arith.cmpi eq, %jit3A_181, %eq3A_182 : i32
        %jit3A_184 = arith.constant 1 : i32
        %select_n3A_185 = arith.select %eq3A_183, %jit3A_184, %jit3A_181 : i32
        %rem3A_186 = arith.remsi %add3A_180, %select_n3A_185 : i32
        %ne3A_187 = arith.constant 0 : i32
        %ne3A_188 = arith.cmpi ne, %rem3A_186, %ne3A_187 : i32
        %lt3A_189 = arith.constant 0 : i32
        %lt3A_190 = arith.cmpi slt, %rem3A_186, %lt3A_189 : i32
        %lt3A_191 = arith.constant 0 : i32
        %lt3A_192 = arith.cmpi slt, %select_n3A_185, %lt3A_191 : i32
        %ne3A_193 = arith.xori %lt3A_190, %lt3A_192 : i1
        %and3A_194 = arith.andi %ne3A_193, %ne3A_188 : i1
        %add3A_195 = arith.addi %rem3A_186, %select_n3A_185 : i32
        %select_n3A_196 = arith.select %and3A_194, %add3A_195, %rem3A_186 : i32
        %dma_start3A_197 = arith.constant 0 : i32
        %dma_start3A_198 = tpu.memref_slice %arg7[%select_n3A_196, %dma_start3A_197] : memref<8x128xi32, #tpu.memory_space<vmem>> -> memref<1x128xi32, #tpu.memory_space<vmem>>
        %dma_start3A_199 = tpu.memref_squeeze %dma_start3A_198 : memref<1x128xi32, #tpu.memory_space<vmem>> -> memref<128xi32, #tpu.memory_space<vmem>>
        %dma_start3A_200 = arith.constant 0 : i32
        %dma_start3A_201 = arith.constant 0 : i32
        %dma_start3A_202 = tpu.memref_slice %arg2[%dma_start3A_200, %dma_start3A_201] : memref<10000x128xf32, #tpu.memory_space<hbm>> -> memref<10000x128xf32, #tpu.memory_space<hbm>>
        tpu.enqueue_indirect_dma source(%dma_start3A_202 : memref<10000x128xf32, #tpu.memory_space<hbm>>) target(%arg10 : memref<128x128xf32, #tpu.memory_space<vmem>>) offsets(%dma_start3A_199 : memref<128xi32, #tpu.memory_space<vmem>>) semaphore(%arg13 : memref<!tpu.dma_semaphore, #tpu.memory_space<semaphore_mem>>)
      } else {
      }
    }
    %scan3A_42 = arith.constant 40 : i32
    %barrier3A_43 = arith.constant 0 : index
    tpu.barrier barrier_id(%barrier3A_43)
    %mul3A_44 = arith.constant 624 : i32
    %mul3A_45 = arith.muli %arg1, %mul3A_44 : i32
    %eq3A_46 = arith.constant 0 : i32
    %eq3A_47 = arith.cmpi eq, %arg0, %eq3A_46 : i32
    %convert_element_type3A_48 = arith.extui %eq3A_47 : i1 to i32
    %cond3A_49 = arith.constant 0 : i32
    %cond3A_50 = arith.cmpi ne, %convert_element_type3A_48, %cond3A_49 : i32
    scf.if %cond3A_50 {
      "tpu.region"() ({
        %run_scoped3A = tpu.sem_alloc : memref<!tpu.dma_semaphore, #tpu.memory_space<semaphore_mem>>
        %dma_start3A_61 = arith.constant 0 : i32
        %dma_start3A_62 = tpu.memref_slice %arg5[%mul3A_45, %dma_start3A_61] : memref<10000x128xf32, #tpu.memory_space<hbm>> -> memref<624x128xf32, #tpu.memory_space<hbm>>
        %dma_start3A_63 = arith.constant 0 : i32
        %dma_start3A_64 = tpu.memref_slice %arg11[%mul3A_45, %dma_start3A_63] : memref<10016x128xf32, #tpu.memory_space<vmem_shared>> -> memref<624x128xf32, #tpu.memory_space<vmem_shared>>
        tpu.enqueue_dma source(%dma_start3A_64 : memref<624x128xf32, #tpu.memory_space<vmem_shared>>) target(%dma_start3A_62 : memref<624x128xf32, #tpu.memory_space<hbm>>) target_semaphore(%run_scoped3A : memref<!tpu.dma_semaphore, #tpu.memory_space<semaphore_mem>>)
        %dma_wait3A = arith.constant 0 : i32
        %dma_wait3A_65 = tpu.memref_slice %arg5[%mul3A_45, %dma_wait3A] : memref<10000x128xf32, #tpu.memory_space<hbm>> -> memref<624x128xf32, #tpu.memory_space<hbm>>
        %dma_wait3A_66 = arith.constant 0 : i32
        %dma_wait3A_67 = tpu.memref_slice %arg11[%mul3A_45, %dma_wait3A_66] : memref<10016x128xf32, #tpu.memory_space<vmem_shared>> -> memref<624x128xf32, #tpu.memory_space<vmem_shared>>
        tpu.wait_dma2 semaphore(%run_scoped3A : memref<!tpu.dma_semaphore, #tpu.memory_space<semaphore_mem>>) src(%dma_wait3A_67 : memref<624x128xf32, #tpu.memory_space<vmem_shared>>) dst(%dma_wait3A_65 : memref<624x128xf32, #tpu.memory_space<hbm>>)
        tpu.yield
      }) : () -> ()
      %eq3A_56 = arith.constant 15 : i32
      %eq3A_57 = arith.cmpi eq, %arg1, %eq3A_56 : i32
      %convert_element_type3A_58 = arith.extui %eq3A_57 : i1 to i32
      %cond3A_59 = arith.constant 0 : i32
      %cond3A_60 = arith.cmpi ne, %convert_element_type3A_58, %cond3A_59 : i32
      scf.if %cond3A_60 {
        "tpu.region"() ({
          %run_scoped3A = tpu.sem_alloc : memref<!tpu.dma_semaphore, #tpu.memory_space<semaphore_mem>>
          %dma_start3A_61 = arith.constant 9984 : i32
          %dma_start3A_62 = arith.constant 0 : i32
          %dma_start3A_63 = tpu.memref_slice %arg5[%dma_start3A_61, %dma_start3A_62] : memref<10000x128xf32, #tpu.memory_space<hbm>> -> memref<16x128xf32, #tpu.memory_space<hbm>>
          %dma_start3A_64 = arith.constant 9984 : i32
          %dma_start3A_65 = arith.constant 0 : i32
          %dma_start3A_66 = tpu.memref_slice %arg11[%dma_start3A_64, %dma_start3A_65] : memref<10016x128xf32, #tpu.memory_space<vmem_shared>> -> memref<16x128xf32, #tpu.memory_space<vmem_shared>>
          tpu.enqueue_dma source(%dma_start3A_66 : memref<16x128xf32, #tpu.memory_space<vmem_shared>>) target(%dma_start3A_63 : memref<16x128xf32, #tpu.memory_space<hbm>>) target_semaphore(%run_scoped3A : memref<!tpu.dma_semaphore, #tpu.memory_space<semaphore_mem>>)
          %dma_wait3A = arith.constant 9984 : i32
          %dma_wait3A_67 = arith.constant 0 : i32
          %dma_wait3A_68 = tpu.memref_slice %arg5[%dma_wait3A, %dma_wait3A_67] : memref<10000x128xf32, #tpu.memory_space<hbm>> -> memref<16x128xf32, #tpu.memory_space<hbm>>
          %dma_wait3A_69 = arith.constant 9984 : i32
          %dma_wait3A_70 = arith.constant 0 : i32
          %dma_wait3A_71 = tpu.memref_slice %arg11[%dma_wait3A_69, %dma_wait3A_70] : memref<10016x128xf32, #tpu.memory_space<vmem_shared>> -> memref<16x128xf32, #tpu.memory_space<vmem_shared>>
          tpu.wait_dma2 semaphore(%run_scoped3A : memref<!tpu.dma_semaphore, #tpu.memory_space<semaphore_mem>>) src(%dma_wait3A_71 : memref<16x128xf32, #tpu.memory_space<vmem_shared>>) dst(%dma_wait3A_68 : memref<16x128xf32, #tpu.memory_space<hbm>>)
          tpu.yield
        }) : () -> ()
      } else {
      }
    } else {
    }
    %eq3A_51 = arith.constant 1 : i32
    %eq3A_52 = arith.cmpi eq, %arg0, %eq3A_51 : i32
    %convert_element_type3A_53 = arith.extui %eq3A_52 : i1 to i32
    %cond3A_54 = arith.constant 0 : i32
    %cond3A_55 = arith.cmpi ne, %convert_element_type3A_53, %cond3A_54 : i32
    scf.if %cond3A_55 {
      "tpu.region"() ({
        %run_scoped3A = tpu.sem_alloc : memref<!tpu.dma_semaphore, #tpu.memory_space<semaphore_mem>>
        %dma_start3A_61 = arith.constant 0 : i32
        %dma_start3A_62 = tpu.memref_slice %arg6[%mul3A_45, %dma_start3A_61] : memref<10000x128xf32, #tpu.memory_space<hbm>> -> memref<624x128xf32, #tpu.memory_space<hbm>>
        %dma_start3A_63 = arith.constant 0 : i32
        %dma_start3A_64 = tpu.memref_slice %arg11[%mul3A_45, %dma_start3A_63] : memref<10016x128xf32, #tpu.memory_space<vmem_shared>> -> memref<624x128xf32, #tpu.memory_space<vmem_shared>>
        tpu.enqueue_dma source(%dma_start3A_64 : memref<624x128xf32, #tpu.memory_space<vmem_shared>>) target(%dma_start3A_62 : memref<624x128xf32, #tpu.memory_space<hbm>>) target_semaphore(%run_scoped3A : memref<!tpu.dma_semaphore, #tpu.memory_space<semaphore_mem>>)
        %dma_wait3A = arith.constant 0 : i32
        %dma_wait3A_65 = tpu.memref_slice %arg6[%mul3A_45, %dma_wait3A] : memref<10000x128xf32, #tpu.memory_space<hbm>> -> memref<624x128xf32, #tpu.memory_space<hbm>>
        %dma_wait3A_66 = arith.constant 0 : i32
        %dma_wait3A_67 = tpu.memref_slice %arg11[%mul3A_45, %dma_wait3A_66] : memref<10016x128xf32, #tpu.memory_space<vmem_shared>> -> memref<624x128xf32, #tpu.memory_space<vmem_shared>>
        tpu.wait_dma2 semaphore(%run_scoped3A : memref<!tpu.dma_semaphore, #tpu.memory_space<semaphore_mem>>) src(%dma_wait3A_67 : memref<624x128xf32, #tpu.memory_space<vmem_shared>>) dst(%dma_wait3A_65 : memref<624x128xf32, #tpu.memory_space<hbm>>)
        tpu.yield
      }) : () -> ()
      %eq3A_56 = arith.constant 15 : i32
      %eq3A_57 = arith.cmpi eq, %arg1, %eq3A_56 : i32
      %convert_element_type3A_58 = arith.extui %eq3A_57 : i1 to i32
      %cond3A_59 = arith.constant 0 : i32
      %cond3A_60 = arith.cmpi ne, %convert_element_type3A_58, %cond3A_59 : i32
      scf.if %cond3A_60 {
        "tpu.region"() ({
          %run_scoped3A = tpu.sem_alloc : memref<!tpu.dma_semaphore, #tpu.memory_space<semaphore_mem>>
          %dma_start3A_61 = arith.constant 9984 : i32
          %dma_start3A_62 = arith.constant 0 : i32
          %dma_start3A_63 = tpu.memref_slice %arg6[%dma_start3A_61, %dma_start3A_62] : memref<10000x128xf32, #tpu.memory_space<hbm>> -> memref<16x128xf32, #tpu.memory_space<hbm>>
          %dma_start3A_64 = arith.constant 9984 : i32
          %dma_start3A_65 = arith.constant 0 : i32
          %dma_start3A_66 = tpu.memref_slice %arg11[%dma_start3A_64, %dma_start3A_65] : memref<10016x128xf32, #tpu.memory_space<vmem_shared>> -> memref<16x128xf32, #tpu.memory_space<vmem_shared>>
          tpu.enqueue_dma source(%dma_start3A_66 : memref<16x128xf32, #tpu.memory_space<vmem_shared>>) target(%dma_start3A_63 : memref<16x128xf32, #tpu.memory_space<hbm>>) target_semaphore(%run_scoped3A : memref<!tpu.dma_semaphore, #tpu.memory_space<semaphore_mem>>)
          %dma_wait3A = arith.constant 9984 : i32
          %dma_wait3A_67 = arith.constant 0 : i32
          %dma_wait3A_68 = tpu.memref_slice %arg6[%dma_wait3A, %dma_wait3A_67] : memref<10000x128xf32, #tpu.memory_space<hbm>> -> memref<16x128xf32, #tpu.memory_space<hbm>>
          %dma_wait3A_69 = arith.constant 9984 : i32
          %dma_wait3A_70 = arith.constant 0 : i32
          %dma_wait3A_71 = tpu.memref_slice %arg11[%dma_wait3A_69, %dma_wait3A_70] : memref<10016x128xf32, #tpu.memory_space<vmem_shared>> -> memref<16x128xf32, #tpu.memory_space<vmem_shared>>
          tpu.wait_dma2 semaphore(%run_scoped3A : memref<!tpu.dma_semaphore, #tpu.memory_space<semaphore_mem>>) src(%dma_wait3A_71 : memref<16x128xf32, #tpu.memory_space<vmem_shared>>) dst(%dma_wait3A_68 : memref<16x128xf32, #tpu.memory_space<hbm>>)
          tpu.yield
        }) : () -> ()
      } else {
      }
    } else {
    }
    return
  }
}

#map = affine_map<(d0, d1) -> (0, 0)>
module attributes {stable_mosaic.version = 14 : i64} {
  func.func @_sc_body(%arg0: i32, %arg1: i32, %arg2: memref<10000x128xf32, #tpu.memory_space<hbm>>, %arg3: memref<2560x128xi32, #tpu.memory_space<hbm>>, %arg4: memref<2560x128xi32, #tpu.memory_space<hbm>>, %arg5: memref<10000x128xf32, #tpu.memory_space<hbm>>, %arg6: memref<10000x128xf32, #tpu.memory_space<hbm>>, %arg7: memref<8x128xi32, #tpu.memory_space<vmem>>, %arg8: memref<8x128xi32, #tpu.memory_space<vmem>>, %arg9: memref<128x128xf32, #tpu.memory_space<vmem>>, %arg10: memref<128x128xf32, #tpu.memory_space<vmem>>, %arg11: memref<10016x128xf32, #tpu.memory_space<vmem_shared>>, %arg12: memref<!tpu.dma_semaphore, #tpu.memory_space<semaphore_mem>>, %arg13: memref<!tpu.dma_semaphore, #tpu.memory_space<semaphore_mem>>, %arg14: memref<!tpu.dma_semaphore, #tpu.memory_space<semaphore_mem>>, %arg15: memref<!tpu.dma_semaphore, #tpu.memory_space<semaphore_mem>>) attributes {dimension_semantics = [#tpu.dimension_semantics<core_parallel>, #tpu.dimension_semantics<subcore_parallel>], iteration_bounds = array<i64: 2, 16>, scalar_prefetch = 0 : i64, scratch_operands = 9 : i64, tpu.core_type = #tpu.core_type<sc_vector_subcore>, window_params = [{transform_indices = #map}, {transform_indices = #map}, {transform_indices = #map}, {transform_indices = #map}, {transform_indices = #map}]} {
    %mul3A = arith.constant 2 : i32
    %mul3A_0 = arith.muli %arg1, %mul3A : i32
    %add3A = arith.addi %mul3A_0, %arg0 : i32
    %scan3A = arith.constant 0 : i32
    %scan3A_1 = arith.constant 0 : i32
    %scan3A_2 = arith.constant 128 : i32
    %scan3A_3 = arith.addi %scan3A_1, %scan3A_2 : i32
    %scan3A_4 = arith.constant 1 : i32
    scf.for %scan3A_56 = %scan3A_1 to %scan3A_3 step %scan3A_4  : i32 {
      %broadcast_in_dim3A = arith.constant 0.000000e+00 : f32
      %broadcast_in_dim3A_57 = vector.broadcast %broadcast_in_dim3A : f32 to vector<16xf32>
      %swap3A = arith.index_cast %scan3A_56 : i32 to index
      %swap3A_58 = arith.constant 0 : index
      %swap3A_59 = tpu.vector_load %arg9[%swap3A, %swap3A_58] {strides = array<i32>} : memref<128x128xf32, #tpu.memory_space<vmem>>, vector<1x16xf32>,
      %swap3A_60 = vector.shape_cast %swap3A_59 : vector<1x16xf32> to vector<16xf32>
      %swap3A_61 = vector.shape_cast %broadcast_in_dim3A_57 : vector<16xf32> to vector<1x16xf32>
      tpu.vector_store %arg9[%swap3A, %swap3A_58], %swap3A_61 {strides = array<i32>} : memref<128x128xf32, #tpu.memory_space<vmem>>, vector<1x16xf32>,
      %broadcast_in_dim3A_62 = arith.constant 0.000000e+00 : f32
      %broadcast_in_dim3A_63 = vector.broadcast %broadcast_in_dim3A_62 : f32 to vector<16xf32>
      %swap3A_64 = arith.index_cast %scan3A_56 : i32 to index
      %swap3A_65 = arith.constant 16 : index
      %swap3A_66 = tpu.vector_load %arg9[%swap3A_64, %swap3A_65] {strides = array<i32>} : memref<128x128xf32, #tpu.memory_space<vmem>>, vector<1x16xf32>,
      %swap3A_67 = vector.shape_cast %swap3A_66 : vector<1x16xf32> to vector<16xf32>
      %swap3A_68 = vector.shape_cast %broadcast_in_dim3A_63 : vector<16xf32> to vector<1x16xf32>
      tpu.vector_store %arg9[%swap3A_64, %swap3A_65], %swap3A_68 {strides = array<i32>} : memref<128x128xf32, #tpu.memory_space<vmem>>, vector<1x16xf32>,
      %broadcast_in_dim3A_69 = arith.constant 0.000000e+00 : f32
      %broadcast_in_dim3A_70 = vector.broadcast %broadcast_in_dim3A_69 : f32 to vector<16xf32>
      %swap3A_71 = arith.index_cast %scan3A_56 : i32 to index
      %swap3A_72 = arith.constant 32 : index
      %swap3A_73 = tpu.vector_load %arg9[%swap3A_71, %swap3A_72] {strides = array<i32>} : memref<128x128xf32, #tpu.memory_space<vmem>>, vector<1x16xf32>,
      %swap3A_74 = vector.shape_cast %swap3A_73 : vector<1x16xf32> to vector<16xf32>
      %swap3A_75 = vector.shape_cast %broadcast_in_dim3A_70 : vector<16xf32> to vector<1x16xf32>
      tpu.vector_store %arg9[%swap3A_71, %swap3A_72], %swap3A_75 {strides = array<i32>} : memref<128x128xf32, #tpu.memory_space<vmem>>, vector<1x16xf32>,
      %broadcast_in_dim3A_76 = arith.constant 0.000000e+00 : f32
      %broadcast_in_dim3A_77 = vector.broadcast %broadcast_in_dim3A_76 : f32 to vector<16xf32>
      %swap3A_78 = arith.index_cast %scan3A_56 : i32 to index
      %swap3A_79 = arith.constant 48 : index
      %swap3A_80 = tpu.vector_load %arg9[%swap3A_78, %swap3A_79] {strides = array<i32>} : memref<128x128xf32, #tpu.memory_space<vmem>>, vector<1x16xf32>,
      %swap3A_81 = vector.shape_cast %swap3A_80 : vector<1x16xf32> to vector<16xf32>
      %swap3A_82 = vector.shape_cast %broadcast_in_dim3A_77 : vector<16xf32> to vector<1x16xf32>
      tpu.vector_store %arg9[%swap3A_78, %swap3A_79], %swap3A_82 {strides = array<i32>} : memref<128x128xf32, #tpu.memory_space<vmem>>, vector<1x16xf32>,
      %broadcast_in_dim3A_83 = arith.constant 0.000000e+00 : f32
      %broadcast_in_dim3A_84 = vector.broadcast %broadcast_in_dim3A_83 : f32 to vector<16xf32>
      %swap3A_85 = arith.index_cast %scan3A_56 : i32 to index
      %swap3A_86 = arith.constant 64 : index
      %swap3A_87 = tpu.vector_load %arg9[%swap3A_85, %swap3A_86] {strides = array<i32>} : memref<128x128xf32, #tpu.memory_space<vmem>>, vector<1x16xf32>,
      %swap3A_88 = vector.shape_cast %swap3A_87 : vector<1x16xf32> to vector<16xf32>
      %swap3A_89 = vector.shape_cast %broadcast_in_dim3A_84 : vector<16xf32> to vector<1x16xf32>
      tpu.vector_store %arg9[%swap3A_85, %swap3A_86], %swap3A_89 {strides = array<i32>} : memref<128x128xf32, #tpu.memory_space<vmem>>, vector<1x16xf32>,
      %broadcast_in_dim3A_90 = arith.constant 0.000000e+00 : f32
      %broadcast_in_dim3A_91 = vector.broadcast %broadcast_in_dim3A_90 : f32 to vector<16xf32>
      %swap3A_92 = arith.index_cast %scan3A_56 : i32 to index
      %swap3A_93 = arith.constant 80 : index
      %swap3A_94 = tpu.vector_load %arg9[%swap3A_92, %swap3A_93] {strides = array<i32>} : memref<128x128xf32, #tpu.memory_space<vmem>>, vector<1x16xf32>,
      %swap3A_95 = vector.shape_cast %swap3A_94 : vector<1x16xf32> to vector<16xf32>
      %swap3A_96 = vector.shape_cast %broadcast_in_dim3A_91 : vector<16xf32> to vector<1x16xf32>
      tpu.vector_store %arg9[%swap3A_92, %swap3A_93], %swap3A_96 {strides = array<i32>} : memref<128x128xf32, #tpu.memory_space<vmem>>, vector<1x16xf32>,
      %broadcast_in_dim3A_97 = arith.constant 0.000000e+00 : f32
      %broadcast_in_dim3A_98 = vector.broadcast %broadcast_in_dim3A_97 : f32 to vector<16xf32>
      %swap3A_99 = arith.index_cast %scan3A_56 : i32 to index
      %swap3A_100 = arith.constant 96 : index
      %swap3A_101 = tpu.vector_load %arg9[%swap3A_99, %swap3A_100] {strides = array<i32>} : memref<128x128xf32, #tpu.memory_space<vmem>>, vector<1x16xf32>,
      %swap3A_102 = vector.shape_cast %swap3A_101 : vector<1x16xf32> to vector<16xf32>
      %swap3A_103 = vector.shape_cast %broadcast_in_dim3A_98 : vector<16xf32> to vector<1x16xf32>
      tpu.vector_store %arg9[%swap3A_99, %swap3A_100], %swap3A_103 {strides = array<i32>} : memref<128x128xf32, #tpu.memory_space<vmem>>, vector<1x16xf32>,
      %broadcast_in_dim3A_104 = arith.constant 0.000000e+00 : f32
      %broadcast_in_dim3A_105 = vector.broadcast %broadcast_in_dim3A_104 : f32 to vector<16xf32>
      %swap3A_106 = arith.index_cast %scan3A_56 : i32 to index
      %swap3A_107 = arith.constant 112 : index
      %swap3A_108 = tpu.vector_load %arg9[%swap3A_106, %swap3A_107] {strides = array<i32>} : memref<128x128xf32, #tpu.memory_space<vmem>>, vector<1x16xf32>,
      %swap3A_109 = vector.shape_cast %swap3A_108 : vector<1x16xf32> to vector<16xf32>
      %swap3A_110 = vector.shape_cast %broadcast_in_dim3A_105 : vector<16xf32> to vector<1x16xf32>
      tpu.vector_store %arg9[%swap3A_106, %swap3A_107], %swap3A_110 {strides = array<i32>} : memref<128x128xf32, #tpu.memory_space<vmem>>, vector<1x16xf32>,
    }
    %scan3A_5 = arith.constant 128 : i32
    %mul3A_6 = arith.constant 624 : i32
    %mul3A_7 = arith.muli %arg1, %mul3A_6 : i32
    %add3A_8 = arith.constant 0 : i32
    %add3A_9 = arith.addi %mul3A_7, %add3A_8 : i32
    "tpu.region"() ({
      %run_scoped3A = tpu.sem_alloc : memref<!tpu.dma_semaphore, #tpu.memory_space<semaphore_mem>>
      %dma_start3A_56 = arith.constant 0 : i32
      %dma_start3A_57 = tpu.memref_slice %arg11[%add3A_9, %dma_start3A_56] : memref<10016x128xf32, #tpu.memory_space<vmem_shared>> -> memref<128x128xf32, #tpu.memory_space<vmem_shared>>
      %dma_start3A_58 = arith.constant 0 : i32
      %dma_start3A_59 = tpu.memref_slice %arg11[%add3A_9, %dma_start3A_58] : memref<10016x128xf32, #tpu.memory_space<vmem_shared>> -> memref<128x128xf32, #tpu.memory_space<vmem_shared>>
      tpu.enqueue_dma source(%arg9 : memref<128x128xf32, #tpu.memory_space<vmem>>) target(%dma_start3A_59 : memref<128x128xf32, #tpu.memory_space<vmem_shared>>) target_semaphore(%run_scoped3A : memref<!tpu.dma_semaphore, #tpu.memory_space<semaphore_mem>>)
      %dma_wait3A = arith.constant 0 : i32
      %dma_wait3A_60 = tpu.memref_slice %arg11[%add3A_9, %dma_wait3A] : memref<10016x128xf32, #tpu.memory_space<vmem_shared>> -> memref<128x128xf32, #tpu.memory_space<vmem_shared>>
      %dma_wait3A_61 = arith.constant 0 : i32
      %dma_wait3A_62 = tpu.memref_slice %arg11[%add3A_9, %dma_wait3A_61] : memref<10016x128xf32, #tpu.memory_space<vmem_shared>> -> memref<128x128xf32, #tpu.memory_space<vmem_shared>>
      tpu.wait_dma2 semaphore(%run_scoped3A : memref<!tpu.dma_semaphore, #tpu.memory_space<semaphore_mem>>) src(%arg9 : memref<128x128xf32, #tpu.memory_space<vmem>>) dst(%dma_wait3A_62 : memref<128x128xf32, #tpu.memory_space<vmem_shared>>)
      tpu.yield
    }) : () -> ()
    %add3A_10 = arith.constant 128 : i32
    %add3A_11 = arith.addi %mul3A_7, %add3A_10 : i32
    "tpu.region"() ({
      %run_scoped3A = tpu.sem_alloc : memref<!tpu.dma_semaphore, #tpu.memory_space<semaphore_mem>>
      %dma_start3A_56 = arith.constant 0 : i32
      %dma_start3A_57 = tpu.memref_slice %arg11[%add3A_11, %dma_start3A_56] : memref<10016x128xf32, #tpu.memory_space<vmem_shared>> -> memref<128x128xf32, #tpu.memory_space<vmem_shared>>
      %dma_start3A_58 = arith.constant 0 : i32
      %dma_start3A_59 = tpu.memref_slice %arg11[%add3A_11, %dma_start3A_58] : memref<10016x128xf32, #tpu.memory_space<vmem_shared>> -> memref<128x128xf32, #tpu.memory_space<vmem_shared>>
      tpu.enqueue_dma source(%arg9 : memref<128x128xf32, #tpu.memory_space<vmem>>) target(%dma_start3A_59 : memref<128x128xf32, #tpu.memory_space<vmem_shared>>) target_semaphore(%run_scoped3A : memref<!tpu.dma_semaphore, #tpu.memory_space<semaphore_mem>>)
      %dma_wait3A = arith.constant 0 : i32
      %dma_wait3A_60 = tpu.memref_slice %arg11[%add3A_11, %dma_wait3A] : memref<10016x128xf32, #tpu.memory_space<vmem_shared>> -> memref<128x128xf32, #tpu.memory_space<vmem_shared>>
      %dma_wait3A_61 = arith.constant 0 : i32
      %dma_wait3A_62 = tpu.memref_slice %arg11[%add3A_11, %dma_wait3A_61] : memref<10016x128xf32, #tpu.memory_space<vmem_shared>> -> memref<128x128xf32, #tpu.memory_space<vmem_shared>>
      tpu.wait_dma2 semaphore(%run_scoped3A : memref<!tpu.dma_semaphore, #tpu.memory_space<semaphore_mem>>) src(%arg9 : memref<128x128xf32, #tpu.memory_space<vmem>>) dst(%dma_wait3A_62 : memref<128x128xf32, #tpu.memory_space<vmem_shared>>)
      tpu.yield
    }) : () -> ()
    %add3A_12 = arith.constant 256 : i32
    %add3A_13 = arith.addi %mul3A_7, %add3A_12 : i32
    "tpu.region"() ({
      %run_scoped3A = tpu.sem_alloc : memref<!tpu.dma_semaphore, #tpu.memory_space<semaphore_mem>>
      %dma_start3A_56 = arith.constant 0 : i32
      %dma_start3A_57 = tpu.memref_slice %arg11[%add3A_13, %dma_start3A_56] : memref<10016x128xf32, #tpu.memory_space<vmem_shared>> -> memref<128x128xf32, #tpu.memory_space<vmem_shared>>
      %dma_start3A_58 = arith.constant 0 : i32
      %dma_start3A_59 = tpu.memref_slice %arg11[%add3A_13, %dma_start3A_58] : memref<10016x128xf32, #tpu.memory_space<vmem_shared>> -> memref<128x128xf32, #tpu.memory_space<vmem_shared>>
      tpu.enqueue_dma source(%arg9 : memref<128x128xf32, #tpu.memory_space<vmem>>) target(%dma_start3A_59 : memref<128x128xf32, #tpu.memory_space<vmem_shared>>) target_semaphore(%run_scoped3A : memref<!tpu.dma_semaphore, #tpu.memory_space<semaphore_mem>>)
      %dma_wait3A = arith.constant 0 : i32
      %dma_wait3A_60 = tpu.memref_slice %arg11[%add3A_13, %dma_wait3A] : memref<10016x128xf32, #tpu.memory_space<vmem_shared>> -> memref<128x128xf32, #tpu.memory_space<vmem_shared>>
      %dma_wait3A_61 = arith.constant 0 : i32
      %dma_wait3A_62 = tpu.memref_slice %arg11[%add3A_13, %dma_wait3A_61] : memref<10016x128xf32, #tpu.memory_space<vmem_shared>> -> memref<128x128xf32, #tpu.memory_space<vmem_shared>>
      tpu.wait_dma2 semaphore(%run_scoped3A : memref<!tpu.dma_semaphore, #tpu.memory_space<semaphore_mem>>) src(%arg9 : memref<128x128xf32, #tpu.memory_space<vmem>>) dst(%dma_wait3A_62 : memref<128x128xf32, #tpu.memory_space<vmem_shared>>)
      tpu.yield
    }) : () -> ()
    %add3A_14 = arith.constant 384 : i32
    %add3A_15 = arith.addi %mul3A_7, %add3A_14 : i32
    "tpu.region"() ({
      %run_scoped3A = tpu.sem_alloc : memref<!tpu.dma_semaphore, #tpu.memory_space<semaphore_mem>>
      %dma_start3A_56 = arith.constant 0 : i32
      %dma_start3A_57 = tpu.memref_slice %arg11[%add3A_15, %dma_start3A_56] : memref<10016x128xf32, #tpu.memory_space<vmem_shared>> -> memref<128x128xf32, #tpu.memory_space<vmem_shared>>
      %dma_start3A_58 = arith.constant 0 : i32
      %dma_start3A_59 = tpu.memref_slice %arg11[%add3A_15, %dma_start3A_58] : memref<10016x128xf32, #tpu.memory_space<vmem_shared>> -> memref<128x128xf32, #tpu.memory_space<vmem_shared>>
      tpu.enqueue_dma source(%arg9 : memref<128x128xf32, #tpu.memory_space<vmem>>) target(%dma_start3A_59 : memref<128x128xf32, #tpu.memory_space<vmem_shared>>) target_semaphore(%run_scoped3A : memref<!tpu.dma_semaphore, #tpu.memory_space<semaphore_mem>>)
      %dma_wait3A = arith.constant 0 : i32
      %dma_wait3A_60 = tpu.memref_slice %arg11[%add3A_15, %dma_wait3A] : memref<10016x128xf32, #tpu.memory_space<vmem_shared>> -> memref<128x128xf32, #tpu.memory_space<vmem_shared>>
      %dma_wait3A_61 = arith.constant 0 : i32
      %dma_wait3A_62 = tpu.memref_slice %arg11[%add3A_15, %dma_wait3A_61] : memref<10016x128xf32, #tpu.memory_space<vmem_shared>> -> memref<128x128xf32, #tpu.memory_space<vmem_shared>>
      tpu.wait_dma2 semaphore(%run_scoped3A : memref<!tpu.dma_semaphore, #tpu.memory_space<semaphore_mem>>) src(%arg9 : memref<128x128xf32, #tpu.memory_space<vmem>>) dst(%dma_wait3A_62 : memref<128x128xf32, #tpu.memory_space<vmem_shared>>)
      tpu.yield
    }) : () -> ()
    %add3A_16 = arith.constant 512 : i32
    %add3A_17 = arith.addi %mul3A_7, %add3A_16 : i32
    "tpu.region"() ({
      %run_scoped3A = tpu.sem_alloc : memref<!tpu.dma_semaphore, #tpu.memory_space<semaphore_mem>>
      %dma_start3A_56 = arith.constant 0 : i32
      %dma_start3A_57 = arith.constant 0 : i32
      %dma_start3A_58 = tpu.memref_slice %arg9[%dma_start3A_56, %dma_start3A_57] : memref<128x128xf32, #tpu.memory_space<vmem>> -> memref<112x128xf32, #tpu.memory_space<vmem>>
      %dma_start3A_59 = arith.constant 0 : i32
      %dma_start3A_60 = tpu.memref_slice %arg11[%add3A_17, %dma_start3A_59] : memref<10016x128xf32, #tpu.memory_space<vmem_shared>> -> memref<112x128xf32, #tpu.memory_space<vmem_shared>>
      %dma_start3A_61 = arith.constant 0 : i32
      %dma_start3A_62 = tpu.memref_slice %arg11[%add3A_17, %dma_start3A_61] : memref<10016x128xf32, #tpu.memory_space<vmem_shared>> -> memref<112x128xf32, #tpu.memory_space<vmem_shared>>
      %dma_start3A_63 = arith.constant 0 : i32
      %dma_start3A_64 = arith.constant 0 : i32
      %dma_start3A_65 = tpu.memref_slice %arg9[%dma_start3A_63, %dma_start3A_64] : memref<128x128xf32, #tpu.memory_space<vmem>> -> memref<112x128xf32, #tpu.memory_space<vmem>>
      tpu.enqueue_dma source(%dma_start3A_65 : memref<112x128xf32, #tpu.memory_space<vmem>>) target(%dma_start3A_62 : memref<112x128xf32, #tpu.memory_space<vmem_shared>>) target_semaphore(%run_scoped3A : memref<!tpu.dma_semaphore, #tpu.memory_space<semaphore_mem>>)
      %dma_wait3A = arith.constant 0 : i32
      %dma_wait3A_66 = arith.constant 0 : i32
      %dma_wait3A_67 = tpu.memref_slice %arg9[%dma_wait3A, %dma_wait3A_66] : memref<128x128xf32, #tpu.memory_space<vmem>> -> memref<112x128xf32, #tpu.memory_space<vmem>>
      %dma_wait3A_68 = arith.constant 0 : i32
      %dma_wait3A_69 = tpu.memref_slice %arg11[%add3A_17, %dma_wait3A_68] : memref<10016x128xf32, #tpu.memory_space<vmem_shared>> -> memref<112x128xf32, #tpu.memory_space<vmem_shared>>
      %dma_wait3A_70 = arith.constant 0 : i32
      %dma_wait3A_71 = tpu.memref_slice %arg11[%add3A_17, %dma_wait3A_70] : memref<10016x128xf32, #tpu.memory_space<vmem_shared>> -> memref<112x128xf32, #tpu.memory_space<vmem_shared>>
      %dma_wait3A_72 = arith.constant 0 : i32
      %dma_wait3A_73 = arith.constant 0 : i32
      %dma_wait3A_74 = tpu.memref_slice %arg9[%dma_wait3A_72, %dma_wait3A_73] : memref<128x128xf32, #tpu.memory_space<vmem>> -> memref<112x128xf32, #tpu.memory_space<vmem>>
      tpu.wait_dma2 semaphore(%run_scoped3A : memref<!tpu.dma_semaphore, #tpu.memory_space<semaphore_mem>>) src(%dma_wait3A_74 : memref<112x128xf32, #tpu.memory_space<vmem>>) dst(%dma_wait3A_71 : memref<112x128xf32, #tpu.memory_space<vmem_shared>>)
      tpu.yield
    }) : () -> ()
    %eq3A = arith.constant 15 : i32
    %eq3A_18 = arith.cmpi eq, %arg1, %eq3A : i32
    %convert_element_type3A = arith.extui %eq3A_18 : i1 to i32
    %cond3A = arith.constant 0 : i32
    %cond3A_19 = arith.cmpi ne, %convert_element_type3A, %cond3A : i32
    scf.if %cond3A_19 {
      "tpu.region"() ({
        %run_scoped3A = tpu.sem_alloc : memref<!tpu.dma_semaphore, #tpu.memory_space<semaphore_mem>>
        %dma_start3A_56 = arith.constant 0 : i32
        %dma_start3A_57 = arith.constant 0 : i32
        %dma_start3A_58 = tpu.memref_slice %arg9[%dma_start3A_56, %dma_start3A_57] : memref<128x128xf32, #tpu.memory_space<vmem>> -> memref<32x128xf32, #tpu.memory_space<vmem>>
        %dma_start3A_59 = arith.constant 9984 : i32
        %dma_start3A_60 = arith.constant 0 : i32
        %dma_start3A_61 = tpu.memref_slice %arg11[%dma_start3A_59, %dma_start3A_60] : memref<10016x128xf32, #tpu.memory_space<vmem_shared>> -> memref<32x128xf32, #tpu.memory_space<vmem_shared>>
        %dma_start3A_62 = arith.constant 9984 : i32
        %dma_start3A_63 = arith.constant 0 : i32
        %dma_start3A_64 = tpu.memref_slice %arg11[%dma_start3A_62, %dma_start3A_63] : memref<10016x128xf32, #tpu.memory_space<vmem_shared>> -> memref<32x128xf32, #tpu.memory_space<vmem_shared>>
        %dma_start3A_65 = arith.constant 0 : i32
        %dma_start3A_66 = arith.constant 0 : i32
        %dma_start3A_67 = tpu.memref_slice %arg9[%dma_start3A_65, %dma_start3A_66] : memref<128x128xf32, #tpu.memory_space<vmem>> -> memref<32x128xf32, #tpu.memory_space<vmem>>
        tpu.enqueue_dma source(%dma_start3A_67 : memref<32x128xf32, #tpu.memory_space<vmem>>) target(%dma_start3A_64 : memref<32x128xf32, #tpu.memory_space<vmem_shared>>) target_semaphore(%run_scoped3A : memref<!tpu.dma_semaphore, #tpu.memory_space<semaphore_mem>>)
        %dma_wait3A = arith.constant 0 : i32
        %dma_wait3A_68 = arith.constant 0 : i32
        %dma_wait3A_69 = tpu.memref_slice %arg9[%dma_wait3A, %dma_wait3A_68] : memref<128x128xf32, #tpu.memory_space<vmem>> -> memref<32x128xf32, #tpu.memory_space<vmem>>
        %dma_wait3A_70 = arith.constant 9984 : i32
        %dma_wait3A_71 = arith.constant 0 : i32
        %dma_wait3A_72 = tpu.memref_slice %arg11[%dma_wait3A_70, %dma_wait3A_71] : memref<10016x128xf32, #tpu.memory_space<vmem_shared>> -> memref<32x128xf32, #tpu.memory_space<vmem_shared>>
        %dma_wait3A_73 = arith.constant 9984 : i32
        %dma_wait3A_74 = arith.constant 0 : i32
        %dma_wait3A_75 = tpu.memref_slice %arg11[%dma_wait3A_73, %dma_wait3A_74] : memref<10016x128xf32, #tpu.memory_space<vmem_shared>> -> memref<32x128xf32, #tpu.memory_space<vmem_shared>>
        %dma_wait3A_76 = arith.constant 0 : i32
        %dma_wait3A_77 = arith.constant 0 : i32
        %dma_wait3A_78 = tpu.memref_slice %arg9[%dma_wait3A_76, %dma_wait3A_77] : memref<128x128xf32, #tpu.memory_space<vmem>> -> memref<32x128xf32, #tpu.memory_space<vmem>>
        tpu.wait_dma2 semaphore(%run_scoped3A : memref<!tpu.dma_semaphore, #tpu.memory_space<semaphore_mem>>) src(%dma_wait3A_78 : memref<32x128xf32, #tpu.memory_space<vmem>>) dst(%dma_wait3A_75 : memref<32x128xf32, #tpu.memory_space<vmem_shared>>)
        tpu.yield
      }) : () -> ()
    } else {
    }
    %barrier3A = arith.constant 0 : index
    tpu.barrier barrier_id(%barrier3A)
    %mul3A_20 = arith.constant 80 : i32
    %mul3A_21 = arith.muli %add3A, %mul3A_20 : i32
    %add3A_22 = arith.constant 0 : i32
    %add3A_23 = arith.addi %mul3A_21, %add3A_22 : i32
    "tpu.region"() ({
      %run_scoped3A = tpu.sem_alloc : memref<!tpu.dma_semaphore, #tpu.memory_space<semaphore_mem>>
      %dma_start3A_56 = arith.constant 0 : i32
      %dma_start3A_57 = tpu.memref_slice %arg3[%add3A_23, %dma_start3A_56] : memref<2560x128xi32, #tpu.memory_space<hbm>> -> memref<8x128xi32, #tpu.memory_space<hbm>>
      %dma_start3A_58 = arith.constant 0 : i32
      %dma_start3A_59 = tpu.memref_slice %arg3[%add3A_23, %dma_start3A_58] : memref<2560x128xi32, #tpu.memory_space<hbm>> -> memref<8x128xi32, #tpu.memory_space<hbm>>
      tpu.enqueue_dma source(%dma_start3A_59 : memref<8x128xi32, #tpu.memory_space<hbm>>) target(%arg7 : memref<8x128xi32, #tpu.memory_space<vmem>>) target_semaphore(%run_scoped3A : memref<!tpu.dma_semaphore, #tpu.memory_space<semaphore_mem>>)
      %dma_wait3A = arith.constant 0 : i32
      %dma_wait3A_60 = tpu.memref_slice %arg3[%add3A_23, %dma_wait3A] : memref<2560x128xi32, #tpu.memory_space<hbm>> -> memref<8x128xi32, #tpu.memory_space<hbm>>
      %dma_wait3A_61 = arith.constant 0 : i32
      %dma_wait3A_62 = tpu.memref_slice %arg3[%add3A_23, %dma_wait3A_61] : memref<2560x128xi32, #tpu.memory_space<hbm>> -> memref<8x128xi32, #tpu.memory_space<hbm>>
      tpu.wait_dma2 semaphore(%run_scoped3A : memref<!tpu.dma_semaphore, #tpu.memory_space<semaphore_mem>>) src(%dma_wait3A_62 : memref<8x128xi32, #tpu.memory_space<hbm>>) dst(%arg7 : memref<8x128xi32, #tpu.memory_space<vmem>>)
      tpu.yield
    }) : () -> ()
    "tpu.region"() ({
      %run_scoped3A = tpu.sem_alloc : memref<!tpu.dma_semaphore, #tpu.memory_space<semaphore_mem>>
      %dma_start3A_56 = arith.constant 0 : i32
      %dma_start3A_57 = tpu.memref_slice %arg4[%add3A_23, %dma_start3A_56] : memref<2560x128xi32, #tpu.memory_space<hbm>> -> memref<8x128xi32, #tpu.memory_space<hbm>>
      %dma_start3A_58 = arith.constant 0 : i32
      %dma_start3A_59 = tpu.memref_slice %arg4[%add3A_23, %dma_start3A_58] : memref<2560x128xi32, #tpu.memory_space<hbm>> -> memref<8x128xi32, #tpu.memory_space<hbm>>
      tpu.enqueue_dma source(%dma_start3A_59 : memref<8x128xi32, #tpu.memory_space<hbm>>) target(%arg8 : memref<8x128xi32, #tpu.memory_space<vmem>>) target_semaphore(%run_scoped3A : memref<!tpu.dma_semaphore, #tpu.memory_space<semaphore_mem>>)
      %dma_wait3A = arith.constant 0 : i32
      %dma_wait3A_60 = tpu.memref_slice %arg4[%add3A_23, %dma_wait3A] : memref<2560x128xi32, #tpu.memory_space<hbm>> -> memref<8x128xi32, #tpu.memory_space<hbm>>
      %dma_wait3A_61 = arith.constant 0 : i32
      %dma_wait3A_62 = tpu.memref_slice %arg4[%add3A_23, %dma_wait3A_61] : memref<2560x128xi32, #tpu.memory_space<hbm>> -> memref<8x128xi32, #tpu.memory_space<hbm>>
      tpu.wait_dma2 semaphore(%run_scoped3A : memref<!tpu.dma_semaphore, #tpu.memory_space<semaphore_mem>>) src(%dma_wait3A_62 : memref<8x128xi32, #tpu.memory_space<hbm>>) dst(%arg8 : memref<8x128xi32, #tpu.memory_space<vmem>>)
      tpu.yield
    }) : () -> ()
    %dma_start3A = arith.constant 0 : i32
    %dma_start3A_24 = arith.constant 0 : i32
    %dma_start3A_25 = tpu.memref_slice %arg7[%dma_start3A, %dma_start3A_24] : memref<8x128xi32, #tpu.memory_space<vmem>> -> memref<1x128xi32, #tpu.memory_space<vmem>>
    %dma_start3A_26 = tpu.memref_squeeze %dma_start3A_25 : memref<1x128xi32, #tpu.memory_space<vmem>> -> memref<128xi32, #tpu.memory_space<vmem>>
    %dma_start3A_27 = arith.constant 0 : i32
    %dma_start3A_28 = arith.constant 0 : i32
    %dma_start3A_29 = tpu.memref_slice %arg2[%dma_start3A_27, %dma_start3A_28] : memref<10000x128xf32, #tpu.memory_space<hbm>> -> memref<10000x128xf32, #tpu.memory_space<hbm>>
    tpu.enqueue_indirect_dma source(%dma_start3A_29 : memref<10000x128xf32, #tpu.memory_space<hbm>>) target(%arg9 : memref<128x128xf32, #tpu.memory_space<vmem>>) offsets(%dma_start3A_26 : memref<128xi32, #tpu.memory_space<vmem>>) semaphore(%arg12 : memref<!tpu.dma_semaphore, #tpu.memory_space<semaphore_mem>>)
    %dma_start3A_30 = arith.constant 1 : i32
    %dma_start3A_31 = arith.constant 0 : i32
    %dma_start3A_32 = tpu.memref_slice %arg7[%dma_start3A_30, %dma_start3A_31] : memref<8x128xi32, #tpu.memory_space<vmem>> -> memref<1x128xi32, #tpu.memory_space<vmem>>
    %dma_start3A_33 = tpu.memref_squeeze %dma_start3A_32 : memref<1x128xi32, #tpu.memory_space<vmem>> -> memref<128xi32, #tpu.memory_space<vmem>>
    %dma_start3A_34 = arith.constant 0 : i32
    %dma_start3A_35 = arith.constant 0 : i32
    %dma_start3A_36 = tpu.memref_slice %arg2[%dma_start3A_34, %dma_start3A_35] : memref<10000x128xf32, #tpu.memory_space<hbm>> -> memref<10000x128xf32, #tpu.memory_space<hbm>>
    tpu.enqueue_indirect_dma source(%dma_start3A_36 : memref<10000x128xf32, #tpu.memory_space<hbm>>) target(%arg10 : memref<128x128xf32, #tpu.memory_space<vmem>>) offsets(%dma_start3A_33 : memref<128xi32, #tpu.memory_space<vmem>>) semaphore(%arg13 : memref<!tpu.dma_semaphore, #tpu.memory_space<semaphore_mem>>)
    %scan3A_37 = arith.constant 0 : i32
    %scan3A_38 = arith.constant 0 : i32
    %scan3A_39 = arith.constant 40 : i32
    %scan3A_40 = arith.addi %scan3A_38, %scan3A_39 : i32
    %scan3A_41 = arith.constant 1 : i32
    scf.for %scan3A_56 = %scan3A_38 to %scan3A_40 step %scan3A_41  : i32 {
      %mul3A_57 = arith.constant 2 : i32
      %mul3A_58 = arith.muli %mul3A_57, %scan3A_56 : i32
      %mul3A_59 = arith.constant 2 : i32
      %mul3A_60 = arith.muli %mul3A_59, %scan3A_56 : i32
      %add3A_61 = arith.constant 1 : i32
      %add3A_62 = arith.addi %mul3A_60, %add3A_61 : i32
      %jit3A = arith.constant 8 : i32
      %eq3A_63 = arith.constant 0 : i32
      %eq3A_64 = arith.cmpi eq, %jit3A, %eq3A_63 : i32
      %jit3A_65 = arith.constant 1 : i32
      %select_n3A = arith.select %eq3A_64, %jit3A_65, %jit3A : i32
      %rem3A = arith.remsi %mul3A_58, %select_n3A : i32
      %ne3A = arith.constant 0 : i32
      %ne3A_66 = arith.cmpi ne, %rem3A, %ne3A : i32
      %lt3A = arith.constant 0 : i32
      %lt3A_67 = arith.cmpi slt, %rem3A, %lt3A : i32
      %lt3A_68 = arith.constant 0 : i32
      %lt3A_69 = arith.cmpi slt, %select_n3A, %lt3A_68 : i32
      %ne3A_70 = arith.xori %lt3A_67, %lt3A_69 : i1
      %and3A = arith.andi %ne3A_70, %ne3A_66 : i1
      %add3A_71 = arith.addi %rem3A, %select_n3A : i32
      %select_n3A_72 = arith.select %and3A, %add3A_71, %rem3A : i32
      %jit3A_73 = arith.constant 8 : i32
      %eq3A_74 = arith.constant 0 : i32
      %eq3A_75 = arith.cmpi eq, %jit3A_73, %eq3A_74 : i32
      %jit3A_76 = arith.constant 1 : i32
      %select_n3A_77 = arith.select %eq3A_75, %jit3A_76, %jit3A_73 : i32
      %rem3A_78 = arith.remsi %add3A_62, %select_n3A_77 : i32
      %ne3A_79 = arith.constant 0 : i32
      %ne3A_80 = arith.cmpi ne, %rem3A_78, %ne3A_79 : i32
      %lt3A_81 = arith.constant 0 : i32
      %lt3A_82 = arith.cmpi slt, %rem3A_78, %lt3A_81 : i32
      %lt3A_83 = arith.constant 0 : i32
      %lt3A_84 = arith.cmpi slt, %select_n3A_77, %lt3A_83 : i32
      %ne3A_85 = arith.xori %lt3A_82, %lt3A_84 : i1
      %and3A_86 = arith.andi %ne3A_85, %ne3A_80 : i1
      %add3A_87 = arith.addi %rem3A_78, %select_n3A_77 : i32
      %select_n3A_88 = arith.select %and3A_86, %add3A_87, %rem3A_78 : i32
      %dma_wait3A = arith.constant 0 : i32
      %dma_wait3A_89 = tpu.memref_slice %arg7[%select_n3A_72, %dma_wait3A] : memref<8x128xi32, #tpu.memory_space<vmem>> -> memref<1x128xi32, #tpu.memory_space<vmem>>
      %dma_wait3A_90 = tpu.memref_squeeze %dma_wait3A_89 : memref<1x128xi32, #tpu.memory_space<vmem>> -> memref<128xi32, #tpu.memory_space<vmem>>
      %dma_wait3A_91 = arith.constant 0 : i32
      %dma_wait3A_92 = arith.constant 0 : i32
      %dma_wait3A_93 = tpu.memref_slice %arg2[%dma_wait3A_91, %dma_wait3A_92] : memref<10000x128xf32, #tpu.memory_space<hbm>> -> memref<10000x128xf32, #tpu.memory_space<hbm>>
      tpu.wait_indirect_dma semaphore(%arg12 : memref<!tpu.dma_semaphore, #tpu.memory_space<semaphore_mem>>) src(%dma_wait3A_93 : memref<10000x128xf32, #tpu.memory_space<hbm>>) dst(%arg9 : memref<128x128xf32, #tpu.memory_space<vmem>>)
      %dma_start3A_94 = arith.constant 0 : i32
      %dma_start3A_95 = tpu.memref_slice %arg8[%select_n3A_72, %dma_start3A_94] : memref<8x128xi32, #tpu.memory_space<vmem>> -> memref<1x128xi32, #tpu.memory_space<vmem>>
      %dma_start3A_96 = tpu.memref_squeeze %dma_start3A_95 : memref<1x128xi32, #tpu.memory_space<vmem>> -> memref<128xi32, #tpu.memory_space<vmem>>
      %dma_start3A_97 = arith.constant 0 : i32
      %dma_start3A_98 = arith.constant 0 : i32
      %dma_start3A_99 = tpu.memref_slice %arg11[%dma_start3A_97, %dma_start3A_98] : memref<10016x128xf32, #tpu.memory_space<vmem_shared>> -> memref<10016x128xf32, #tpu.memory_space<vmem_shared>>
      tpu.enqueue_indirect_dma source(%arg9 : memref<128x128xf32, #tpu.memory_space<vmem>>) target(%dma_start3A_99 : memref<10016x128xf32, #tpu.memory_space<vmem_shared>>) offsets(%dma_start3A_96 : memref<128xi32, #tpu.memory_space<vmem>>) semaphore(%arg14 : memref<!tpu.dma_semaphore, #tpu.memory_space<semaphore_mem>>) {add = true}
      %dma_wait3A_100 = arith.constant 0 : i32
      %dma_wait3A_101 = tpu.memref_slice %arg7[%select_n3A_88, %dma_wait3A_100] : memref<8x128xi32, #tpu.memory_space<vmem>> -> memref<1x128xi32, #tpu.memory_space<vmem>>
      %dma_wait3A_102 = tpu.memref_squeeze %dma_wait3A_101 : memref<1x128xi32, #tpu.memory_space<vmem>> -> memref<128xi32, #tpu.memory_space<vmem>>
      %dma_wait3A_103 = arith.constant 0 : i32
      %dma_wait3A_104 = arith.constant 0 : i32
      %dma_wait3A_105 = tpu.memref_slice %arg2[%dma_wait3A_103, %dma_wait3A_104] : memref<10000x128xf32, #tpu.memory_space<hbm>> -> memref<10000x128xf32, #tpu.memory_space<hbm>>
      tpu.wait_indirect_dma semaphore(%arg13 : memref<!tpu.dma_semaphore, #tpu.memory_space<semaphore_mem>>) src(%dma_wait3A_105 : memref<10000x128xf32, #tpu.memory_space<hbm>>) dst(%arg10 : memref<128x128xf32, #tpu.memory_space<vmem>>)
      %dma_start3A_106 = arith.constant 0 : i32
      %dma_start3A_107 = tpu.memref_slice %arg8[%select_n3A_88, %dma_start3A_106] : memref<8x128xi32, #tpu.memory_space<vmem>> -> memref<1x128xi32, #tpu.memory_space<vmem>>
      %dma_start3A_108 = tpu.memref_squeeze %dma_start3A_107 : memref<1x128xi32, #tpu.memory_space<vmem>> -> memref<128xi32, #tpu.memory_space<vmem>>
      %dma_start3A_109 = arith.constant 0 : i32
      %dma_start3A_110 = arith.constant 0 : i32
      %dma_start3A_111 = tpu.memref_slice %arg11[%dma_start3A_109, %dma_start3A_110] : memref<10016x128xf32, #tpu.memory_space<vmem_shared>> -> memref<10016x128xf32, #tpu.memory_space<vmem_shared>>
      tpu.enqueue_indirect_dma source(%arg10 : memref<128x128xf32, #tpu.memory_space<vmem>>) target(%dma_start3A_111 : memref<10016x128xf32, #tpu.memory_space<vmem_shared>>) offsets(%dma_start3A_108 : memref<128xi32, #tpu.memory_space<vmem>>) semaphore(%arg15 : memref<!tpu.dma_semaphore, #tpu.memory_space<semaphore_mem>>) {add = true}
      %dma_wait3A_112 = arith.constant 0 : i32
      %dma_wait3A_113 = tpu.memref_slice %arg8[%select_n3A_72, %dma_wait3A_112] : memref<8x128xi32, #tpu.memory_space<vmem>> -> memref<1x128xi32, #tpu.memory_space<vmem>>
      %dma_wait3A_114 = tpu.memref_squeeze %dma_wait3A_113 : memref<1x128xi32, #tpu.memory_space<vmem>> -> memref<128xi32, #tpu.memory_space<vmem>>
      %dma_wait3A_115 = arith.constant 0 : i32
      %dma_wait3A_116 = arith.constant 0 : i32
      %dma_wait3A_117 = tpu.memref_slice %arg11[%dma_wait3A_115, %dma_wait3A_116] : memref<10016x128xf32, #tpu.memory_space<vmem_shared>> -> memref<10016x128xf32, #tpu.memory_space<vmem_shared>>
      tpu.wait_indirect_dma semaphore(%arg14 : memref<!tpu.dma_semaphore, #tpu.memory_space<semaphore_mem>>) src(%arg9 : memref<128x128xf32, #tpu.memory_space<vmem>>) dst(%dma_wait3A_117 : memref<10016x128xf32, #tpu.memory_space<vmem_shared>>)
      %dma_wait3A_118 = arith.constant 0 : i32
      %dma_wait3A_119 = tpu.memref_slice %arg8[%select_n3A_88, %dma_wait3A_118] : memref<8x128xi32, #tpu.memory_space<vmem>> -> memref<1x128xi32, #tpu.memory_space<vmem>>
      %dma_wait3A_120 = tpu.memref_squeeze %dma_wait3A_119 : memref<1x128xi32, #tpu.memory_space<vmem>> -> memref<128xi32, #tpu.memory_space<vmem>>
      %dma_wait3A_121 = arith.constant 0 : i32
      %dma_wait3A_122 = arith.constant 0 : i32
      %dma_wait3A_123 = tpu.memref_slice %arg11[%dma_wait3A_121, %dma_wait3A_122] : memref<10016x128xf32, #tpu.memory_space<vmem_shared>> -> memref<10016x128xf32, #tpu.memory_space<vmem_shared>>
      tpu.wait_indirect_dma semaphore(%arg15 : memref<!tpu.dma_semaphore, #tpu.memory_space<semaphore_mem>>) src(%arg10 : memref<128x128xf32, #tpu.memory_space<vmem>>) dst(%dma_wait3A_123 : memref<10016x128xf32, #tpu.memory_space<vmem_shared>>)
      %lt3A_124 = arith.constant 39 : i32
      %lt3A_125 = arith.cmpi slt, %scan3A_56, %lt3A_124 : i32
      %add3A_126 = arith.constant 2 : i32
      %add3A_127 = arith.addi %mul3A_58, %add3A_126 : i32
      %jit3A_128 = arith.constant 8 : i32
      %eq3A_129 = arith.constant 0 : i32
      %eq3A_130 = arith.cmpi eq, %jit3A_128, %eq3A_129 : i32
      %jit3A_131 = arith.constant 1 : i32
      %select_n3A_132 = arith.select %eq3A_130, %jit3A_131, %jit3A_128 : i32
      %rem3A_133 = arith.remsi %add3A_127, %select_n3A_132 : i32
      %ne3A_134 = arith.constant 0 : i32
      %ne3A_135 = arith.cmpi ne, %rem3A_133, %ne3A_134 : i32
      %lt3A_136 = arith.constant 0 : i32
      %lt3A_137 = arith.cmpi slt, %rem3A_133, %lt3A_136 : i32
      %lt3A_138 = arith.constant 0 : i32
      %lt3A_139 = arith.cmpi slt, %select_n3A_132, %lt3A_138 : i32
      %ne3A_140 = arith.xori %lt3A_137, %lt3A_139 : i1
      %and3A_141 = arith.andi %ne3A_140, %ne3A_135 : i1
      %add3A_142 = arith.addi %rem3A_133, %select_n3A_132 : i32
      %select_n3A_143 = arith.select %and3A_141, %add3A_142, %rem3A_133 : i32
      %eq3A_144 = arith.constant 0 : i32
      %eq3A_145 = arith.cmpi eq, %select_n3A_143, %eq3A_144 : i32
      %and3A_146 = arith.andi %lt3A_125, %eq3A_145 : i1
      %convert_element_type3A_147 = arith.extui %and3A_146 : i1 to i32
      %cond3A_148 = arith.constant 0 : i32
      %cond3A_149 = arith.cmpi ne, %convert_element_type3A_147, %cond3A_148 : i32
      scf.if %cond3A_149 {
        %add3A_155 = arith.constant 2 : i32
        %add3A_156 = arith.addi %mul3A_58, %add3A_155 : i32
        %jit3A_157 = arith.constant 8 : i32
        %div3A = arith.divsi %add3A_156, %jit3A_157 : i32
        %sign3A = arith.constant 0 : i32
        %sign3A_158 = arith.cmpi sgt, %add3A_156, %sign3A : i32
        %sign3A_159 = arith.extui %sign3A_158 : i1 to i32
        %sign3A_160 = arith.constant 0 : i32
        %sign3A_161 = arith.cmpi slt, %add3A_156, %sign3A_160 : i32
        %sign3A_162 = arith.extui %sign3A_161 : i1 to i32
        %sign3A_163 = arith.subi %sign3A_159, %sign3A_162 : i32
        %sign3A_164 = arith.constant 0 : i32
        %sign3A_165 = arith.cmpi sgt, %jit3A_157, %sign3A_164 : i32
        %sign3A_166 = arith.extui %sign3A_165 : i1 to i32
        %sign3A_167 = arith.constant 0 : i32
        %sign3A_168 = arith.cmpi slt, %jit3A_157, %sign3A_167 : i32
        %sign3A_169 = arith.extui %sign3A_168 : i1 to i32
        %sign3A_170 = arith.subi %sign3A_166, %sign3A_169 : i32
        %ne3A_171 = arith.cmpi ne, %sign3A_163, %sign3A_170 : i32
        %rem3A_172 = arith.remsi %add3A_156, %jit3A_157 : i32
        %ne3A_173 = arith.constant 0 : i32
        %ne3A_174 = arith.cmpi ne, %rem3A_172, %ne3A_173 : i32
        %and3A_175 = arith.andi %ne3A_171, %ne3A_174 : i1
        %sub3A = arith.constant 1 : i32
        %sub3A_176 = arith.subi %div3A, %sub3A : i32
        %select_n3A_177 = arith.select %and3A_175, %sub3A_176, %div3A : i32
        %mul3A_178 = arith.constant 80 : i32
        %mul3A_179 = arith.muli %add3A, %mul3A_178 : i32
        %mul3A_180 = arith.constant 8 : i32
        %mul3A_181 = arith.muli %select_n3A_177, %mul3A_180 : i32
        %add3A_182 = arith.addi %mul3A_179, %mul3A_181 : i32
        "tpu.region"() ({
          %run_scoped3A = tpu.sem_alloc : memref<!tpu.dma_semaphore, #tpu.memory_space<semaphore_mem>>
          %dma_start3A_183 = arith.constant 0 : i32
          %dma_start3A_184 = tpu.memref_slice %arg3[%add3A_182, %dma_start3A_183] : memref<2560x128xi32, #tpu.memory_space<hbm>> -> memref<8x128xi32, #tpu.memory_space<hbm>>
          %dma_start3A_185 = arith.constant 0 : i32
          %dma_start3A_186 = tpu.memref_slice %arg3[%add3A_182, %dma_start3A_185] : memref<2560x128xi32, #tpu.memory_space<hbm>> -> memref<8x128xi32, #tpu.memory_space<hbm>>
          tpu.enqueue_dma source(%dma_start3A_186 : memref<8x128xi32, #tpu.memory_space<hbm>>) target(%arg7 : memref<8x128xi32, #tpu.memory_space<vmem>>) target_semaphore(%run_scoped3A : memref<!tpu.dma_semaphore, #tpu.memory_space<semaphore_mem>>)
          %dma_wait3A_187 = arith.constant 0 : i32
          %dma_wait3A_188 = tpu.memref_slice %arg3[%add3A_182, %dma_wait3A_187] : memref<2560x128xi32, #tpu.memory_space<hbm>> -> memref<8x128xi32, #tpu.memory_space<hbm>>
          %dma_wait3A_189 = arith.constant 0 : i32
          %dma_wait3A_190 = tpu.memref_slice %arg3[%add3A_182, %dma_wait3A_189] : memref<2560x128xi32, #tpu.memory_space<hbm>> -> memref<8x128xi32, #tpu.memory_space<hbm>>
          tpu.wait_dma2 semaphore(%run_scoped3A : memref<!tpu.dma_semaphore, #tpu.memory_space<semaphore_mem>>) src(%dma_wait3A_190 : memref<8x128xi32, #tpu.memory_space<hbm>>) dst(%arg7 : memref<8x128xi32, #tpu.memory_space<vmem>>)
          tpu.yield
        }) : () -> ()
        "tpu.region"() ({
          %run_scoped3A = tpu.sem_alloc : memref<!tpu.dma_semaphore, #tpu.memory_space<semaphore_mem>>
          %dma_start3A_183 = arith.constant 0 : i32
          %dma_start3A_184 = tpu.memref_slice %arg4[%add3A_182, %dma_start3A_183] : memref<2560x128xi32, #tpu.memory_space<hbm>> -> memref<8x128xi32, #tpu.memory_space<hbm>>
          %dma_start3A_185 = arith.constant 0 : i32
          %dma_start3A_186 = tpu.memref_slice %arg4[%add3A_182, %dma_start3A_185] : memref<2560x128xi32, #tpu.memory_space<hbm>> -> memref<8x128xi32, #tpu.memory_space<hbm>>
          tpu.enqueue_dma source(%dma_start3A_186 : memref<8x128xi32, #tpu.memory_space<hbm>>) target(%arg8 : memref<8x128xi32, #tpu.memory_space<vmem>>) target_semaphore(%run_scoped3A : memref<!tpu.dma_semaphore, #tpu.memory_space<semaphore_mem>>)
          %dma_wait3A_187 = arith.constant 0 : i32
          %dma_wait3A_188 = tpu.memref_slice %arg4[%add3A_182, %dma_wait3A_187] : memref<2560x128xi32, #tpu.memory_space<hbm>> -> memref<8x128xi32, #tpu.memory_space<hbm>>
          %dma_wait3A_189 = arith.constant 0 : i32
          %dma_wait3A_190 = tpu.memref_slice %arg4[%add3A_182, %dma_wait3A_189] : memref<2560x128xi32, #tpu.memory_space<hbm>> -> memref<8x128xi32, #tpu.memory_space<hbm>>
          tpu.wait_dma2 semaphore(%run_scoped3A : memref<!tpu.dma_semaphore, #tpu.memory_space<semaphore_mem>>) src(%dma_wait3A_190 : memref<8x128xi32, #tpu.memory_space<hbm>>) dst(%arg8 : memref<8x128xi32, #tpu.memory_space<vmem>>)
          tpu.yield
        }) : () -> ()
      } else {
      }
      %lt3A_150 = arith.constant 39 : i32
      %lt3A_151 = arith.cmpi slt, %scan3A_56, %lt3A_150 : i32
      %convert_element_type3A_152 = arith.extui %lt3A_151 : i1 to i32
      %cond3A_153 = arith.constant 0 : i32
      %cond3A_154 = arith.cmpi ne, %convert_element_type3A_152, %cond3A_153 : i32
      scf.if %cond3A_154 {
        %add3A_155 = arith.constant 2 : i32
        %add3A_156 = arith.addi %mul3A_58, %add3A_155 : i32
        %jit3A_157 = arith.constant 8 : i32
        %eq3A_158 = arith.constant 0 : i32
        %eq3A_159 = arith.cmpi eq, %jit3A_157, %eq3A_158 : i32
        %jit3A_160 = arith.constant 1 : i32
        %select_n3A_161 = arith.select %eq3A_159, %jit3A_160, %jit3A_157 : i32
        %rem3A_162 = arith.remsi %add3A_156, %select_n3A_161 : i32
        %ne3A_163 = arith.constant 0 : i32
        %ne3A_164 = arith.cmpi ne, %rem3A_162, %ne3A_163 : i32
        %lt3A_165 = arith.constant 0 : i32
        %lt3A_166 = arith.cmpi slt, %rem3A_162, %lt3A_165 : i32
        %lt3A_167 = arith.constant 0 : i32
        %lt3A_168 = arith.cmpi slt, %select_n3A_161, %lt3A_167 : i32
        %ne3A_169 = arith.xori %lt3A_166, %lt3A_168 : i1
        %and3A_170 = arith.andi %ne3A_169, %ne3A_164 : i1
        %add3A_171 = arith.addi %rem3A_162, %select_n3A_161 : i32
        %select_n3A_172 = arith.select %and3A_170, %add3A_171, %rem3A_162 : i32
        %dma_start3A_173 = arith.constant 0 : i32
        %dma_start3A_174 = tpu.memref_slice %arg7[%select_n3A_172, %dma_start3A_173] : memref<8x128xi32, #tpu.memory_space<vmem>> -> memref<1x128xi32, #tpu.memory_space<vmem>>
        %dma_start3A_175 = tpu.memref_squeeze %dma_start3A_174 : memref<1x128xi32, #tpu.memory_space<vmem>> -> memref<128xi32, #tpu.memory_space<vmem>>
        %dma_start3A_176 = arith.constant 0 : i32
        %dma_start3A_177 = arith.constant 0 : i32
        %dma_start3A_178 = tpu.memref_slice %arg2[%dma_start3A_176, %dma_start3A_177] : memref<10000x128xf32, #tpu.memory_space<hbm>> -> memref<10000x128xf32, #tpu.memory_space<hbm>>
        tpu.enqueue_indirect_dma source(%dma_start3A_178 : memref<10000x128xf32, #tpu.memory_space<hbm>>) target(%arg9 : memref<128x128xf32, #tpu.memory_space<vmem>>) offsets(%dma_start3A_175 : memref<128xi32, #tpu.memory_space<vmem>>) semaphore(%arg12 : memref<!tpu.dma_semaphore, #tpu.memory_space<semaphore_mem>>)
        %add3A_179 = arith.constant 2 : i32
        %add3A_180 = arith.addi %add3A_62, %add3A_179 : i32
        %jit3A_181 = arith.constant 8 : i32
        %eq3A_182 = arith.constant 0 : i32
        %eq3A_183 = arith.cmpi eq, %jit3A_181, %eq3A_182 : i32
        %jit3A_184 = arith.constant 1 : i32
        %select_n3A_185 = arith.select %eq3A_183, %jit3A_184, %jit3A_181 : i32
        %rem3A_186 = arith.remsi %add3A_180, %select_n3A_185 : i32
        %ne3A_187 = arith.constant 0 : i32
        %ne3A_188 = arith.cmpi ne, %rem3A_186, %ne3A_187 : i32
        %lt3A_189 = arith.constant 0 : i32
        %lt3A_190 = arith.cmpi slt, %rem3A_186, %lt3A_189 : i32
        %lt3A_191 = arith.constant 0 : i32
        %lt3A_192 = arith.cmpi slt, %select_n3A_185, %lt3A_191 : i32
        %ne3A_193 = arith.xori %lt3A_190, %lt3A_192 : i1
        %and3A_194 = arith.andi %ne3A_193, %ne3A_188 : i1
        %add3A_195 = arith.addi %rem3A_186, %select_n3A_185 : i32
        %select_n3A_196 = arith.select %and3A_194, %add3A_195, %rem3A_186 : i32
        %dma_start3A_197 = arith.constant 0 : i32
        %dma_start3A_198 = tpu.memref_slice %arg7[%select_n3A_196, %dma_start3A_197] : memref<8x128xi32, #tpu.memory_space<vmem>> -> memref<1x128xi32, #tpu.memory_space<vmem>>
        %dma_start3A_199 = tpu.memref_squeeze %dma_start3A_198 : memref<1x128xi32, #tpu.memory_space<vmem>> -> memref<128xi32, #tpu.memory_space<vmem>>
        %dma_start3A_200 = arith.constant 0 : i32
        %dma_start3A_201 = arith.constant 0 : i32
        %dma_start3A_202 = tpu.memref_slice %arg2[%dma_start3A_200, %dma_start3A_201] : memref<10000x128xf32, #tpu.memory_space<hbm>> -> memref<10000x128xf32, #tpu.memory_space<hbm>>
        tpu.enqueue_indirect_dma source(%dma_start3A_202 : memref<10000x128xf32, #tpu.memory_space<hbm>>) target(%arg10 : memref<128x128xf32, #tpu.memory_space<vmem>>) offsets(%dma_start3A_199 : memref<128xi32, #tpu.memory_space<vmem>>) semaphore(%arg13 : memref<!tpu.dma_semaphore, #tpu.memory_space<semaphore_mem>>)
      } else {
      }
    }
    %scan3A_42 = arith.constant 40 : i32
    %barrier3A_43 = arith.constant 0 : index
    tpu.barrier barrier_id(%barrier3A_43)
    %mul3A_44 = arith.constant 624 : i32
    %mul3A_45 = arith.muli %arg1, %mul3A_44 : i32
    %eq3A_46 = arith.constant 0 : i32
    %eq3A_47 = arith.cmpi eq, %arg0, %eq3A_46 : i32
    %convert_element_type3A_48 = arith.extui %eq3A_47 : i1 to i32
    %cond3A_49 = arith.constant 0 : i32
    %cond3A_50 = arith.cmpi ne, %convert_element_type3A_48, %cond3A_49 : i32
    scf.if %cond3A_50 {
      "tpu.region"() ({
        %run_scoped3A = tpu.sem_alloc : memref<!tpu.dma_semaphore, #tpu.memory_space<semaphore_mem>>
        %dma_start3A_61 = arith.constant 0 : i32
        %dma_start3A_62 = tpu.memref_slice %arg5[%mul3A_45, %dma_start3A_61] : memref<10000x128xf32, #tpu.memory_space<hbm>> -> memref<624x128xf32, #tpu.memory_space<hbm>>
        %dma_start3A_63 = arith.constant 0 : i32
        %dma_start3A_64 = tpu.memref_slice %arg11[%mul3A_45, %dma_start3A_63] : memref<10016x128xf32, #tpu.memory_space<vmem_shared>> -> memref<624x128xf32, #tpu.memory_space<vmem_shared>>
        tpu.enqueue_dma source(%dma_start3A_64 : memref<624x128xf32, #tpu.memory_space<vmem_shared>>) target(%dma_start3A_62 : memref<624x128xf32, #tpu.memory_space<hbm>>) target_semaphore(%run_scoped3A : memref<!tpu.dma_semaphore, #tpu.memory_space<semaphore_mem>>)
        %dma_wait3A = arith.constant 0 : i32
        %dma_wait3A_65 = tpu.memref_slice %arg5[%mul3A_45, %dma_wait3A] : memref<10000x128xf32, #tpu.memory_space<hbm>> -> memref<624x128xf32, #tpu.memory_space<hbm>>
        %dma_wait3A_66 = arith.constant 0 : i32
        %dma_wait3A_67 = tpu.memref_slice %arg11[%mul3A_45, %dma_wait3A_66] : memref<10016x128xf32, #tpu.memory_space<vmem_shared>> -> memref<624x128xf32, #tpu.memory_space<vmem_shared>>
        tpu.wait_dma2 semaphore(%run_scoped3A : memref<!tpu.dma_semaphore, #tpu.memory_space<semaphore_mem>>) src(%dma_wait3A_67 : memref<624x128xf32, #tpu.memory_space<vmem_shared>>) dst(%dma_wait3A_65 : memref<624x128xf32, #tpu.memory_space<hbm>>)
        tpu.yield
      }) : () -> ()
      %eq3A_56 = arith.constant 15 : i32
      %eq3A_57 = arith.cmpi eq, %arg1, %eq3A_56 : i32
      %convert_element_type3A_58 = arith.extui %eq3A_57 : i1 to i32
      %cond3A_59 = arith.constant 0 : i32
      %cond3A_60 = arith.cmpi ne, %convert_element_type3A_58, %cond3A_59 : i32
      scf.if %cond3A_60 {
        "tpu.region"() ({
          %run_scoped3A = tpu.sem_alloc : memref<!tpu.dma_semaphore, #tpu.memory_space<semaphore_mem>>
          %dma_start3A_61 = arith.constant 9984 : i32
          %dma_start3A_62 = arith.constant 0 : i32
          %dma_start3A_63 = tpu.memref_slice %arg5[%dma_start3A_61, %dma_start3A_62] : memref<10000x128xf32, #tpu.memory_space<hbm>> -> memref<16x128xf32, #tpu.memory_space<hbm>>
          %dma_start3A_64 = arith.constant 9984 : i32
          %dma_start3A_65 = arith.constant 0 : i32
          %dma_start3A_66 = tpu.memref_slice %arg11[%dma_start3A_64, %dma_start3A_65] : memref<10016x128xf32, #tpu.memory_space<vmem_shared>> -> memref<16x128xf32, #tpu.memory_space<vmem_shared>>
          tpu.enqueue_dma source(%dma_start3A_66 : memref<16x128xf32, #tpu.memory_space<vmem_shared>>) target(%dma_start3A_63 : memref<16x128xf32, #tpu.memory_space<hbm>>) target_semaphore(%run_scoped3A : memref<!tpu.dma_semaphore, #tpu.memory_space<semaphore_mem>>)
          %dma_wait3A = arith.constant 9984 : i32
          %dma_wait3A_67 = arith.constant 0 : i32
          %dma_wait3A_68 = tpu.memref_slice %arg5[%dma_wait3A, %dma_wait3A_67] : memref<10000x128xf32, #tpu.memory_space<hbm>> -> memref<16x128xf32, #tpu.memory_space<hbm>>
          %dma_wait3A_69 = arith.constant 9984 : i32
          %dma_wait3A_70 = arith.constant 0 : i32
          %dma_wait3A_71 = tpu.memref_slice %arg11[%dma_wait3A_69, %dma_wait3A_70] : memref<10016x128xf32, #tpu.memory_space<vmem_shared>> -> memref<16x128xf32, #tpu.memory_space<vmem_shared>>
          tpu.wait_dma2 semaphore(%run_scoped3A : memref<!tpu.dma_semaphore, #tpu.memory_space<semaphore_mem>>) src(%dma_wait3A_71 : memref<16x128xf32, #tpu.memory_space<vmem_shared>>) dst(%dma_wait3A_68 : memref<16x128xf32, #tpu.memory_space<hbm>>)
          tpu.yield
        }) : () -> ()
      } else {
      }
    } else {
    }
    %eq3A_51 = arith.constant 1 : i32
    %eq3A_52 = arith.cmpi eq, %arg0, %eq3A_51 : i32
    %convert_element_type3A_53 = arith.extui %eq3A_52 : i1 to i32
    %cond3A_54 = arith.constant 0 : i32
    %cond3A_55 = arith.cmpi ne, %convert_element_type3A_53, %cond3A_54 : i32
    scf.if %cond3A_55 {
      "tpu.region"() ({
        %run_scoped3A = tpu.sem_alloc : memref<!tpu.dma_semaphore, #tpu.memory_space<semaphore_mem>>
        %dma_start3A_61 = arith.constant 0 : i32
        %dma_start3A_62 = tpu.memref_slice %arg6[%mul3A_45, %dma_start3A_61] : memref<10000x128xf32, #tpu.memory_space<hbm>> -> memref<624x128xf32, #tpu.memory_space<hbm>>
        %dma_start3A_63 = arith.constant 0 : i32
        %dma_start3A_64 = tpu.memref_slice %arg11[%mul3A_45, %dma_start3A_63] : memref<10016x128xf32, #tpu.memory_space<vmem_shared>> -> memref<624x128xf32, #tpu.memory_space<vmem_shared>>
        tpu.enqueue_dma source(%dma_start3A_64 : memref<624x128xf32, #tpu.memory_space<vmem_shared>>) target(%dma_start3A_62 : memref<624x128xf32, #tpu.memory_space<hbm>>) target_semaphore(%run_scoped3A : memref<!tpu.dma_semaphore, #tpu.memory_space<semaphore_mem>>)
        %dma_wait3A = arith.constant 0 : i32
        %dma_wait3A_65 = tpu.memref_slice %arg6[%mul3A_45, %dma_wait3A] : memref<10000x128xf32, #tpu.memory_space<hbm>> -> memref<624x128xf32, #tpu.memory_space<hbm>>
        %dma_wait3A_66 = arith.constant 0 : i32
        %dma_wait3A_67 = tpu.memref_slice %arg11[%mul3A_45, %dma_wait3A_66] : memref<10016x128xf32, #tpu.memory_space<vmem_shared>> -> memref<624x128xf32, #tpu.memory_space<vmem_shared>>
        tpu.wait_dma2 semaphore(%run_scoped3A : memref<!tpu.dma_semaphore, #tpu.memory_space<semaphore_mem>>) src(%dma_wait3A_67 : memref<624x128xf32, #tpu.memory_space<vmem_shared>>) dst(%dma_wait3A_65 : memref<624x128xf32, #tpu.memory_space<hbm>>)
        tpu.yield
      }) : () -> ()
      %eq3A_56 = arith.constant 15 : i32
      %eq3A_57 = arith.cmpi eq, %arg1, %eq3A_56 : i32
      %convert_element_type3A_58 = arith.extui %eq3A_57 : i1 to i32
      %cond3A_59 = arith.constant 0 : i32
      %cond3A_60 = arith.cmpi ne, %convert_element_type3A_58, %cond3A_59 : i32
      scf.if %cond3A_60 {
        "tpu.region"() ({
          %run_scoped3A = tpu.sem_alloc : memref<!tpu.dma_semaphore, #tpu.memory_space<semaphore_mem>>
          %dma_start3A_61 = arith.constant 9984 : i32
          %dma_start3A_62 = arith.constant 0 : i32
          %dma_start3A_63 = tpu.memref_slice %arg6[%dma_start3A_61, %dma_start3A_62] : memref<10000x128xf32, #tpu.memory_space<hbm>> -> memref<16x128xf32, #tpu.memory_space<hbm>>
          %dma_start3A_64 = arith.constant 9984 : i32
          %dma_start3A_65 = arith.constant 0 : i32
          %dma_start3A_66 = tpu.memref_slice %arg11[%dma_start3A_64, %dma_start3A_65] : memref<10016x128xf32, #tpu.memory_space<vmem_shared>> -> memref<16x128xf32, #tpu.memory_space<vmem_shared>>
          tpu.enqueue_dma source(%dma_start3A_66 : memref<16x128xf32, #tpu.memory_space<vmem_shared>>) target(%dma_start3A_63 : memref<16x128xf32, #tpu.memory_space<hbm>>) target_semaphore(%run_scoped3A : memref<!tpu.dma_semaphore, #tpu.memory_space<semaphore_mem>>)
          %dma_wait3A = arith.constant 9984 : i32
          %dma_wait3A_67 = arith.constant 0 : i32
          %dma_wait3A_68 = tpu.memref_slice %arg6[%dma_wait3A, %dma_wait3A_67] : memref<10000x128xf32, #tpu.memory_space<hbm>> -> memref<16x128xf32, #tpu.memory_space<hbm>>
          %dma_wait3A_69 = arith.constant 9984 : i32
          %dma_wait3A_70 = arith.constant 0 : i32
          %dma_wait3A_71 = tpu.memref_slice %arg11[%dma_wait3A_69, %dma_wait3A_70] : memref<10016x128xf32, #tpu.memory_space<vmem_shared>> -> memref<16x128xf32, #tpu.memory_space<vmem_shared>>
          tpu.wait_dma2 semaphore(%run_scoped3A : memref<!tpu.dma_semaphore, #tpu.memory_space<semaphore_mem>>) src(%dma_wait3A_71 : memref<16x128xf32, #tpu.memory_space<vmem_shared>>) dst(%dma_wait3A_68 : memref<16x128xf32, #tpu.memory_space<hbm>>)
          tpu.yield
        }) : () -> ()
      } else {
      }
    } else {
    }
    return
  }
}

#map = affine_map<(d0, d1) -> (0, 0)>
module attributes {stable_mosaic.version = 14 : i64} {
  func.func @_sc_body(%arg0: i32, %arg1: i32, %arg2: memref<10000x128xf32, #tpu.memory_space<hbm>>, %arg3: memref<2560x128xi32, #tpu.memory_space<hbm>>, %arg4: memref<2560x128xi32, #tpu.memory_space<hbm>>, %arg5: memref<10000x128xf32, #tpu.memory_space<hbm>>, %arg6: memref<10000x128xf32, #tpu.memory_space<hbm>>, %arg7: memref<8x128xi32, #tpu.memory_space<vmem>>, %arg8: memref<8x128xi32, #tpu.memory_space<vmem>>, %arg9: memref<128x128xf32, #tpu.memory_space<vmem>>, %arg10: memref<128x128xf32, #tpu.memory_space<vmem>>, %arg11: memref<10016x128xf32, #tpu.memory_space<vmem_shared>>, %arg12: memref<!tpu.dma_semaphore, #tpu.memory_space<semaphore_mem>>, %arg13: memref<!tpu.dma_semaphore, #tpu.memory_space<semaphore_mem>>, %arg14: memref<!tpu.dma_semaphore, #tpu.memory_space<semaphore_mem>>, %arg15: memref<!tpu.dma_semaphore, #tpu.memory_space<semaphore_mem>>) attributes {dimension_semantics = [#tpu.dimension_semantics<core_parallel>, #tpu.dimension_semantics<subcore_parallel>], iteration_bounds = array<i64: 2, 16>, scalar_prefetch = 0 : i64, scratch_operands = 9 : i64, tpu.core_type = #tpu.core_type<sc_vector_subcore>, window_params = [{transform_indices = #map}, {transform_indices = #map}, {transform_indices = #map}, {transform_indices = #map}, {transform_indices = #map}]} {
    %mul3A = arith.constant 2 : i32
    %mul3A_0 = arith.muli %arg1, %mul3A : i32
    %add3A = arith.addi %mul3A_0, %arg0 : i32
    %scan3A = arith.constant 0 : i32
    %scan3A_1 = arith.constant 0 : i32
    %scan3A_2 = arith.constant 128 : i32
    %scan3A_3 = arith.addi %scan3A_1, %scan3A_2 : i32
    %scan3A_4 = arith.constant 1 : i32
    scf.for %scan3A_56 = %scan3A_1 to %scan3A_3 step %scan3A_4  : i32 {
      %broadcast_in_dim3A = arith.constant 0.000000e+00 : f32
      %broadcast_in_dim3A_57 = vector.broadcast %broadcast_in_dim3A : f32 to vector<16xf32>
      %swap3A = arith.index_cast %scan3A_56 : i32 to index
      %swap3A_58 = arith.constant 0 : index
      %swap3A_59 = tpu.vector_load %arg9[%swap3A, %swap3A_58] {strides = array<i32>} : memref<128x128xf32, #tpu.memory_space<vmem>>, vector<1x16xf32>,
      %swap3A_60 = vector.shape_cast %swap3A_59 : vector<1x16xf32> to vector<16xf32>
      %swap3A_61 = vector.shape_cast %broadcast_in_dim3A_57 : vector<16xf32> to vector<1x16xf32>
      tpu.vector_store %arg9[%swap3A, %swap3A_58], %swap3A_61 {strides = array<i32>} : memref<128x128xf32, #tpu.memory_space<vmem>>, vector<1x16xf32>,
      %broadcast_in_dim3A_62 = arith.constant 0.000000e+00 : f32
      %broadcast_in_dim3A_63 = vector.broadcast %broadcast_in_dim3A_62 : f32 to vector<16xf32>
      %swap3A_64 = arith.index_cast %scan3A_56 : i32 to index
      %swap3A_65 = arith.constant 16 : index
      %swap3A_66 = tpu.vector_load %arg9[%swap3A_64, %swap3A_65] {strides = array<i32>} : memref<128x128xf32, #tpu.memory_space<vmem>>, vector<1x16xf32>,
      %swap3A_67 = vector.shape_cast %swap3A_66 : vector<1x16xf32> to vector<16xf32>
      %swap3A_68 = vector.shape_cast %broadcast_in_dim3A_63 : vector<16xf32> to vector<1x16xf32>
      tpu.vector_store %arg9[%swap3A_64, %swap3A_65], %swap3A_68 {strides = array<i32>} : memref<128x128xf32, #tpu.memory_space<vmem>>, vector<1x16xf32>,
      %broadcast_in_dim3A_69 = arith.constant 0.000000e+00 : f32
      %broadcast_in_dim3A_70 = vector.broadcast %broadcast_in_dim3A_69 : f32 to vector<16xf32>
      %swap3A_71 = arith.index_cast %scan3A_56 : i32 to index
      %swap3A_72 = arith.constant 32 : index
      %swap3A_73 = tpu.vector_load %arg9[%swap3A_71, %swap3A_72] {strides = array<i32>} : memref<128x128xf32, #tpu.memory_space<vmem>>, vector<1x16xf32>,
      %swap3A_74 = vector.shape_cast %swap3A_73 : vector<1x16xf32> to vector<16xf32>
      %swap3A_75 = vector.shape_cast %broadcast_in_dim3A_70 : vector<16xf32> to vector<1x16xf32>
      tpu.vector_store %arg9[%swap3A_71, %swap3A_72], %swap3A_75 {strides = array<i32>} : memref<128x128xf32, #tpu.memory_space<vmem>>, vector<1x16xf32>,
      %broadcast_in_dim3A_76 = arith.constant 0.000000e+00 : f32
      %broadcast_in_dim3A_77 = vector.broadcast %broadcast_in_dim3A_76 : f32 to vector<16xf32>
      %swap3A_78 = arith.index_cast %scan3A_56 : i32 to index
      %swap3A_79 = arith.constant 48 : index
      %swap3A_80 = tpu.vector_load %arg9[%swap3A_78, %swap3A_79] {strides = array<i32>} : memref<128x128xf32, #tpu.memory_space<vmem>>, vector<1x16xf32>,
      %swap3A_81 = vector.shape_cast %swap3A_80 : vector<1x16xf32> to vector<16xf32>
      %swap3A_82 = vector.shape_cast %broadcast_in_dim3A_77 : vector<16xf32> to vector<1x16xf32>
      tpu.vector_store %arg9[%swap3A_78, %swap3A_79], %swap3A_82 {strides = array<i32>} : memref<128x128xf32, #tpu.memory_space<vmem>>, vector<1x16xf32>,
      %broadcast_in_dim3A_83 = arith.constant 0.000000e+00 : f32
      %broadcast_in_dim3A_84 = vector.broadcast %broadcast_in_dim3A_83 : f32 to vector<16xf32>
      %swap3A_85 = arith.index_cast %scan3A_56 : i32 to index
      %swap3A_86 = arith.constant 64 : index
      %swap3A_87 = tpu.vector_load %arg9[%swap3A_85, %swap3A_86] {strides = array<i32>} : memref<128x128xf32, #tpu.memory_space<vmem>>, vector<1x16xf32>,
      %swap3A_88 = vector.shape_cast %swap3A_87 : vector<1x16xf32> to vector<16xf32>
      %swap3A_89 = vector.shape_cast %broadcast_in_dim3A_84 : vector<16xf32> to vector<1x16xf32>
      tpu.vector_store %arg9[%swap3A_85, %swap3A_86], %swap3A_89 {strides = array<i32>} : memref<128x128xf32, #tpu.memory_space<vmem>>, vector<1x16xf32>,
      %broadcast_in_dim3A_90 = arith.constant 0.000000e+00 : f32
      %broadcast_in_dim3A_91 = vector.broadcast %broadcast_in_dim3A_90 : f32 to vector<16xf32>
      %swap3A_92 = arith.index_cast %scan3A_56 : i32 to index
      %swap3A_93 = arith.constant 80 : index
      %swap3A_94 = tpu.vector_load %arg9[%swap3A_92, %swap3A_93] {strides = array<i32>} : memref<128x128xf32, #tpu.memory_space<vmem>>, vector<1x16xf32>,
      %swap3A_95 = vector.shape_cast %swap3A_94 : vector<1x16xf32> to vector<16xf32>
      %swap3A_96 = vector.shape_cast %broadcast_in_dim3A_91 : vector<16xf32> to vector<1x16xf32>
      tpu.vector_store %arg9[%swap3A_92, %swap3A_93], %swap3A_96 {strides = array<i32>} : memref<128x128xf32, #tpu.memory_space<vmem>>, vector<1x16xf32>,
      %broadcast_in_dim3A_97 = arith.constant 0.000000e+00 : f32
      %broadcast_in_dim3A_98 = vector.broadcast %broadcast_in_dim3A_97 : f32 to vector<16xf32>
      %swap3A_99 = arith.index_cast %scan3A_56 : i32 to index
      %swap3A_100 = arith.constant 96 : index
      %swap3A_101 = tpu.vector_load %arg9[%swap3A_99, %swap3A_100] {strides = array<i32>} : memref<128x128xf32, #tpu.memory_space<vmem>>, vector<1x16xf32>,
      %swap3A_102 = vector.shape_cast %swap3A_101 : vector<1x16xf32> to vector<16xf32>
      %swap3A_103 = vector.shape_cast %broadcast_in_dim3A_98 : vector<16xf32> to vector<1x16xf32>
      tpu.vector_store %arg9[%swap3A_99, %swap3A_100], %swap3A_103 {strides = array<i32>} : memref<128x128xf32, #tpu.memory_space<vmem>>, vector<1x16xf32>,
      %broadcast_in_dim3A_104 = arith.constant 0.000000e+00 : f32
      %broadcast_in_dim3A_105 = vector.broadcast %broadcast_in_dim3A_104 : f32 to vector<16xf32>
      %swap3A_106 = arith.index_cast %scan3A_56 : i32 to index
      %swap3A_107 = arith.constant 112 : index
      %swap3A_108 = tpu.vector_load %arg9[%swap3A_106, %swap3A_107] {strides = array<i32>} : memref<128x128xf32, #tpu.memory_space<vmem>>, vector<1x16xf32>,
      %swap3A_109 = vector.shape_cast %swap3A_108 : vector<1x16xf32> to vector<16xf32>
      %swap3A_110 = vector.shape_cast %broadcast_in_dim3A_105 : vector<16xf32> to vector<1x16xf32>
      tpu.vector_store %arg9[%swap3A_106, %swap3A_107], %swap3A_110 {strides = array<i32>} : memref<128x128xf32, #tpu.memory_space<vmem>>, vector<1x16xf32>,
    }
    %scan3A_5 = arith.constant 128 : i32
    %mul3A_6 = arith.constant 624 : i32
    %mul3A_7 = arith.muli %arg1, %mul3A_6 : i32
    %add3A_8 = arith.constant 0 : i32
    %add3A_9 = arith.addi %mul3A_7, %add3A_8 : i32
    "tpu.region"() ({
      %run_scoped3A = tpu.sem_alloc : memref<!tpu.dma_semaphore, #tpu.memory_space<semaphore_mem>>
      %dma_start3A_56 = arith.constant 0 : i32
      %dma_start3A_57 = tpu.memref_slice %arg11[%add3A_9, %dma_start3A_56] : memref<10016x128xf32, #tpu.memory_space<vmem_shared>> -> memref<128x128xf32, #tpu.memory_space<vmem_shared>>
      %dma_start3A_58 = arith.constant 0 : i32
      %dma_start3A_59 = tpu.memref_slice %arg11[%add3A_9, %dma_start3A_58] : memref<10016x128xf32, #tpu.memory_space<vmem_shared>> -> memref<128x128xf32, #tpu.memory_space<vmem_shared>>
      tpu.enqueue_dma source(%arg9 : memref<128x128xf32, #tpu.memory_space<vmem>>) target(%dma_start3A_59 : memref<128x128xf32, #tpu.memory_space<vmem_shared>>) target_semaphore(%run_scoped3A : memref<!tpu.dma_semaphore, #tpu.memory_space<semaphore_mem>>)
      %dma_wait3A = arith.constant 0 : i32
      %dma_wait3A_60 = tpu.memref_slice %arg11[%add3A_9, %dma_wait3A] : memref<10016x128xf32, #tpu.memory_space<vmem_shared>> -> memref<128x128xf32, #tpu.memory_space<vmem_shared>>
      %dma_wait3A_61 = arith.constant 0 : i32
      %dma_wait3A_62 = tpu.memref_slice %arg11[%add3A_9, %dma_wait3A_61] : memref<10016x128xf32, #tpu.memory_space<vmem_shared>> -> memref<128x128xf32, #tpu.memory_space<vmem_shared>>
      tpu.wait_dma2 semaphore(%run_scoped3A : memref<!tpu.dma_semaphore, #tpu.memory_space<semaphore_mem>>) src(%arg9 : memref<128x128xf32, #tpu.memory_space<vmem>>) dst(%dma_wait3A_62 : memref<128x128xf32, #tpu.memory_space<vmem_shared>>)
      tpu.yield
    }) : () -> ()
    %add3A_10 = arith.constant 128 : i32
    %add3A_11 = arith.addi %mul3A_7, %add3A_10 : i32
    "tpu.region"() ({
      %run_scoped3A = tpu.sem_alloc : memref<!tpu.dma_semaphore, #tpu.memory_space<semaphore_mem>>
      %dma_start3A_56 = arith.constant 0 : i32
      %dma_start3A_57 = tpu.memref_slice %arg11[%add3A_11, %dma_start3A_56] : memref<10016x128xf32, #tpu.memory_space<vmem_shared>> -> memref<128x128xf32, #tpu.memory_space<vmem_shared>>
      %dma_start3A_58 = arith.constant 0 : i32
      %dma_start3A_59 = tpu.memref_slice %arg11[%add3A_11, %dma_start3A_58] : memref<10016x128xf32, #tpu.memory_space<vmem_shared>> -> memref<128x128xf32, #tpu.memory_space<vmem_shared>>
      tpu.enqueue_dma source(%arg9 : memref<128x128xf32, #tpu.memory_space<vmem>>) target(%dma_start3A_59 : memref<128x128xf32, #tpu.memory_space<vmem_shared>>) target_semaphore(%run_scoped3A : memref<!tpu.dma_semaphore, #tpu.memory_space<semaphore_mem>>)
      %dma_wait3A = arith.constant 0 : i32
      %dma_wait3A_60 = tpu.memref_slice %arg11[%add3A_11, %dma_wait3A] : memref<10016x128xf32, #tpu.memory_space<vmem_shared>> -> memref<128x128xf32, #tpu.memory_space<vmem_shared>>
      %dma_wait3A_61 = arith.constant 0 : i32
      %dma_wait3A_62 = tpu.memref_slice %arg11[%add3A_11, %dma_wait3A_61] : memref<10016x128xf32, #tpu.memory_space<vmem_shared>> -> memref<128x128xf32, #tpu.memory_space<vmem_shared>>
      tpu.wait_dma2 semaphore(%run_scoped3A : memref<!tpu.dma_semaphore, #tpu.memory_space<semaphore_mem>>) src(%arg9 : memref<128x128xf32, #tpu.memory_space<vmem>>) dst(%dma_wait3A_62 : memref<128x128xf32, #tpu.memory_space<vmem_shared>>)
      tpu.yield
    }) : () -> ()
    %add3A_12 = arith.constant 256 : i32
    %add3A_13 = arith.addi %mul3A_7, %add3A_12 : i32
    "tpu.region"() ({
      %run_scoped3A = tpu.sem_alloc : memref<!tpu.dma_semaphore, #tpu.memory_space<semaphore_mem>>
      %dma_start3A_56 = arith.constant 0 : i32
      %dma_start3A_57 = tpu.memref_slice %arg11[%add3A_13, %dma_start3A_56] : memref<10016x128xf32, #tpu.memory_space<vmem_shared>> -> memref<128x128xf32, #tpu.memory_space<vmem_shared>>
      %dma_start3A_58 = arith.constant 0 : i32
      %dma_start3A_59 = tpu.memref_slice %arg11[%add3A_13, %dma_start3A_58] : memref<10016x128xf32, #tpu.memory_space<vmem_shared>> -> memref<128x128xf32, #tpu.memory_space<vmem_shared>>
      tpu.enqueue_dma source(%arg9 : memref<128x128xf32, #tpu.memory_space<vmem>>) target(%dma_start3A_59 : memref<128x128xf32, #tpu.memory_space<vmem_shared>>) target_semaphore(%run_scoped3A : memref<!tpu.dma_semaphore, #tpu.memory_space<semaphore_mem>>)
      %dma_wait3A = arith.constant 0 : i32
      %dma_wait3A_60 = tpu.memref_slice %arg11[%add3A_13, %dma_wait3A] : memref<10016x128xf32, #tpu.memory_space<vmem_shared>> -> memref<128x128xf32, #tpu.memory_space<vmem_shared>>
      %dma_wait3A_61 = arith.constant 0 : i32
      %dma_wait3A_62 = tpu.memref_slice %arg11[%add3A_13, %dma_wait3A_61] : memref<10016x128xf32, #tpu.memory_space<vmem_shared>> -> memref<128x128xf32, #tpu.memory_space<vmem_shared>>
      tpu.wait_dma2 semaphore(%run_scoped3A : memref<!tpu.dma_semaphore, #tpu.memory_space<semaphore_mem>>) src(%arg9 : memref<128x128xf32, #tpu.memory_space<vmem>>) dst(%dma_wait3A_62 : memref<128x128xf32, #tpu.memory_space<vmem_shared>>)
      tpu.yield
    }) : () -> ()
    %add3A_14 = arith.constant 384 : i32
    %add3A_15 = arith.addi %mul3A_7, %add3A_14 : i32
    "tpu.region"() ({
      %run_scoped3A = tpu.sem_alloc : memref<!tpu.dma_semaphore, #tpu.memory_space<semaphore_mem>>
      %dma_start3A_56 = arith.constant 0 : i32
      %dma_start3A_57 = tpu.memref_slice %arg11[%add3A_15, %dma_start3A_56] : memref<10016x128xf32, #tpu.memory_space<vmem_shared>> -> memref<128x128xf32, #tpu.memory_space<vmem_shared>>
      %dma_start3A_58 = arith.constant 0 : i32
      %dma_start3A_59 = tpu.memref_slice %arg11[%add3A_15, %dma_start3A_58] : memref<10016x128xf32, #tpu.memory_space<vmem_shared>> -> memref<128x128xf32, #tpu.memory_space<vmem_shared>>
      tpu.enqueue_dma source(%arg9 : memref<128x128xf32, #tpu.memory_space<vmem>>) target(%dma_start3A_59 : memref<128x128xf32, #tpu.memory_space<vmem_shared>>) target_semaphore(%run_scoped3A : memref<!tpu.dma_semaphore, #tpu.memory_space<semaphore_mem>>)
      %dma_wait3A = arith.constant 0 : i32
      %dma_wait3A_60 = tpu.memref_slice %arg11[%add3A_15, %dma_wait3A] : memref<10016x128xf32, #tpu.memory_space<vmem_shared>> -> memref<128x128xf32, #tpu.memory_space<vmem_shared>>
      %dma_wait3A_61 = arith.constant 0 : i32
      %dma_wait3A_62 = tpu.memref_slice %arg11[%add3A_15, %dma_wait3A_61] : memref<10016x128xf32, #tpu.memory_space<vmem_shared>> -> memref<128x128xf32, #tpu.memory_space<vmem_shared>>
      tpu.wait_dma2 semaphore(%run_scoped3A : memref<!tpu.dma_semaphore, #tpu.memory_space<semaphore_mem>>) src(%arg9 : memref<128x128xf32, #tpu.memory_space<vmem>>) dst(%dma_wait3A_62 : memref<128x128xf32, #tpu.memory_space<vmem_shared>>)
      tpu.yield
    }) : () -> ()
    %add3A_16 = arith.constant 512 : i32
    %add3A_17 = arith.addi %mul3A_7, %add3A_16 : i32
    "tpu.region"() ({
      %run_scoped3A = tpu.sem_alloc : memref<!tpu.dma_semaphore, #tpu.memory_space<semaphore_mem>>
      %dma_start3A_56 = arith.constant 0 : i32
      %dma_start3A_57 = arith.constant 0 : i32
      %dma_start3A_58 = tpu.memref_slice %arg9[%dma_start3A_56, %dma_start3A_57] : memref<128x128xf32, #tpu.memory_space<vmem>> -> memref<112x128xf32, #tpu.memory_space<vmem>>
      %dma_start3A_59 = arith.constant 0 : i32
      %dma_start3A_60 = tpu.memref_slice %arg11[%add3A_17, %dma_start3A_59] : memref<10016x128xf32, #tpu.memory_space<vmem_shared>> -> memref<112x128xf32, #tpu.memory_space<vmem_shared>>
      %dma_start3A_61 = arith.constant 0 : i32
      %dma_start3A_62 = tpu.memref_slice %arg11[%add3A_17, %dma_start3A_61] : memref<10016x128xf32, #tpu.memory_space<vmem_shared>> -> memref<112x128xf32, #tpu.memory_space<vmem_shared>>
      %dma_start3A_63 = arith.constant 0 : i32
      %dma_start3A_64 = arith.constant 0 : i32
      %dma_start3A_65 = tpu.memref_slice %arg9[%dma_start3A_63, %dma_start3A_64] : memref<128x128xf32, #tpu.memory_space<vmem>> -> memref<112x128xf32, #tpu.memory_space<vmem>>
      tpu.enqueue_dma source(%dma_start3A_65 : memref<112x128xf32, #tpu.memory_space<vmem>>) target(%dma_start3A_62 : memref<112x128xf32, #tpu.memory_space<vmem_shared>>) target_semaphore(%run_scoped3A : memref<!tpu.dma_semaphore, #tpu.memory_space<semaphore_mem>>)
      %dma_wait3A = arith.constant 0 : i32
      %dma_wait3A_66 = arith.constant 0 : i32
      %dma_wait3A_67 = tpu.memref_slice %arg9[%dma_wait3A, %dma_wait3A_66] : memref<128x128xf32, #tpu.memory_space<vmem>> -> memref<112x128xf32, #tpu.memory_space<vmem>>
      %dma_wait3A_68 = arith.constant 0 : i32
      %dma_wait3A_69 = tpu.memref_slice %arg11[%add3A_17, %dma_wait3A_68] : memref<10016x128xf32, #tpu.memory_space<vmem_shared>> -> memref<112x128xf32, #tpu.memory_space<vmem_shared>>
      %dma_wait3A_70 = arith.constant 0 : i32
      %dma_wait3A_71 = tpu.memref_slice %arg11[%add3A_17, %dma_wait3A_70] : memref<10016x128xf32, #tpu.memory_space<vmem_shared>> -> memref<112x128xf32, #tpu.memory_space<vmem_shared>>
      %dma_wait3A_72 = arith.constant 0 : i32
      %dma_wait3A_73 = arith.constant 0 : i32
      %dma_wait3A_74 = tpu.memref_slice %arg9[%dma_wait3A_72, %dma_wait3A_73] : memref<128x128xf32, #tpu.memory_space<vmem>> -> memref<112x128xf32, #tpu.memory_space<vmem>>
      tpu.wait_dma2 semaphore(%run_scoped3A : memref<!tpu.dma_semaphore, #tpu.memory_space<semaphore_mem>>) src(%dma_wait3A_74 : memref<112x128xf32, #tpu.memory_space<vmem>>) dst(%dma_wait3A_71 : memref<112x128xf32, #tpu.memory_space<vmem_shared>>)
      tpu.yield
    }) : () -> ()
    %eq3A = arith.constant 15 : i32
    %eq3A_18 = arith.cmpi eq, %arg1, %eq3A : i32
    %convert_element_type3A = arith.extui %eq3A_18 : i1 to i32
    %cond3A = arith.constant 0 : i32
    %cond3A_19 = arith.cmpi ne, %convert_element_type3A, %cond3A : i32
    scf.if %cond3A_19 {
      "tpu.region"() ({
        %run_scoped3A = tpu.sem_alloc : memref<!tpu.dma_semaphore, #tpu.memory_space<semaphore_mem>>
        %dma_start3A_56 = arith.constant 0 : i32
        %dma_start3A_57 = arith.constant 0 : i32
        %dma_start3A_58 = tpu.memref_slice %arg9[%dma_start3A_56, %dma_start3A_57] : memref<128x128xf32, #tpu.memory_space<vmem>> -> memref<32x128xf32, #tpu.memory_space<vmem>>
        %dma_start3A_59 = arith.constant 9984 : i32
        %dma_start3A_60 = arith.constant 0 : i32
        %dma_start3A_61 = tpu.memref_slice %arg11[%dma_start3A_59, %dma_start3A_60] : memref<10016x128xf32, #tpu.memory_space<vmem_shared>> -> memref<32x128xf32, #tpu.memory_space<vmem_shared>>
        %dma_start3A_62 = arith.constant 9984 : i32
        %dma_start3A_63 = arith.constant 0 : i32
        %dma_start3A_64 = tpu.memref_slice %arg11[%dma_start3A_62, %dma_start3A_63] : memref<10016x128xf32, #tpu.memory_space<vmem_shared>> -> memref<32x128xf32, #tpu.memory_space<vmem_shared>>
        %dma_start3A_65 = arith.constant 0 : i32
        %dma_start3A_66 = arith.constant 0 : i32
        %dma_start3A_67 = tpu.memref_slice %arg9[%dma_start3A_65, %dma_start3A_66] : memref<128x128xf32, #tpu.memory_space<vmem>> -> memref<32x128xf32, #tpu.memory_space<vmem>>
        tpu.enqueue_dma source(%dma_start3A_67 : memref<32x128xf32, #tpu.memory_space<vmem>>) target(%dma_start3A_64 : memref<32x128xf32, #tpu.memory_space<vmem_shared>>) target_semaphore(%run_scoped3A : memref<!tpu.dma_semaphore, #tpu.memory_space<semaphore_mem>>)
        %dma_wait3A = arith.constant 0 : i32
        %dma_wait3A_68 = arith.constant 0 : i32
        %dma_wait3A_69 = tpu.memref_slice %arg9[%dma_wait3A, %dma_wait3A_68] : memref<128x128xf32, #tpu.memory_space<vmem>> -> memref<32x128xf32, #tpu.memory_space<vmem>>
        %dma_wait3A_70 = arith.constant 9984 : i32
        %dma_wait3A_71 = arith.constant 0 : i32
        %dma_wait3A_72 = tpu.memref_slice %arg11[%dma_wait3A_70, %dma_wait3A_71] : memref<10016x128xf32, #tpu.memory_space<vmem_shared>> -> memref<32x128xf32, #tpu.memory_space<vmem_shared>>
        %dma_wait3A_73 = arith.constant 9984 : i32
        %dma_wait3A_74 = arith.constant 0 : i32
        %dma_wait3A_75 = tpu.memref_slice %arg11[%dma_wait3A_73, %dma_wait3A_74] : memref<10016x128xf32, #tpu.memory_space<vmem_shared>> -> memref<32x128xf32, #tpu.memory_space<vmem_shared>>
        %dma_wait3A_76 = arith.constant 0 : i32
        %dma_wait3A_77 = arith.constant 0 : i32
        %dma_wait3A_78 = tpu.memref_slice %arg9[%dma_wait3A_76, %dma_wait3A_77] : memref<128x128xf32, #tpu.memory_space<vmem>> -> memref<32x128xf32, #tpu.memory_space<vmem>>
        tpu.wait_dma2 semaphore(%run_scoped3A : memref<!tpu.dma_semaphore, #tpu.memory_space<semaphore_mem>>) src(%dma_wait3A_78 : memref<32x128xf32, #tpu.memory_space<vmem>>) dst(%dma_wait3A_75 : memref<32x128xf32, #tpu.memory_space<vmem_shared>>)
        tpu.yield
      }) : () -> ()
    } else {
    }
    %barrier3A = arith.constant 0 : index
    tpu.barrier barrier_id(%barrier3A)
    %mul3A_20 = arith.constant 80 : i32
    %mul3A_21 = arith.muli %add3A, %mul3A_20 : i32
    %add3A_22 = arith.constant 0 : i32
    %add3A_23 = arith.addi %mul3A_21, %add3A_22 : i32
    "tpu.region"() ({
      %run_scoped3A = tpu.sem_alloc : memref<!tpu.dma_semaphore, #tpu.memory_space<semaphore_mem>>
      %dma_start3A_56 = arith.constant 0 : i32
      %dma_start3A_57 = tpu.memref_slice %arg3[%add3A_23, %dma_start3A_56] : memref<2560x128xi32, #tpu.memory_space<hbm>> -> memref<8x128xi32, #tpu.memory_space<hbm>>
      %dma_start3A_58 = arith.constant 0 : i32
      %dma_start3A_59 = tpu.memref_slice %arg3[%add3A_23, %dma_start3A_58] : memref<2560x128xi32, #tpu.memory_space<hbm>> -> memref<8x128xi32, #tpu.memory_space<hbm>>
      tpu.enqueue_dma source(%dma_start3A_59 : memref<8x128xi32, #tpu.memory_space<hbm>>) target(%arg7 : memref<8x128xi32, #tpu.memory_space<vmem>>) target_semaphore(%run_scoped3A : memref<!tpu.dma_semaphore, #tpu.memory_space<semaphore_mem>>)
      %dma_wait3A = arith.constant 0 : i32
      %dma_wait3A_60 = tpu.memref_slice %arg3[%add3A_23, %dma_wait3A] : memref<2560x128xi32, #tpu.memory_space<hbm>> -> memref<8x128xi32, #tpu.memory_space<hbm>>
      %dma_wait3A_61 = arith.constant 0 : i32
      %dma_wait3A_62 = tpu.memref_slice %arg3[%add3A_23, %dma_wait3A_61] : memref<2560x128xi32, #tpu.memory_space<hbm>> -> memref<8x128xi32, #tpu.memory_space<hbm>>
      tpu.wait_dma2 semaphore(%run_scoped3A : memref<!tpu.dma_semaphore, #tpu.memory_space<semaphore_mem>>) src(%dma_wait3A_62 : memref<8x128xi32, #tpu.memory_space<hbm>>) dst(%arg7 : memref<8x128xi32, #tpu.memory_space<vmem>>)
      tpu.yield
    }) : () -> ()
    "tpu.region"() ({
      %run_scoped3A = tpu.sem_alloc : memref<!tpu.dma_semaphore, #tpu.memory_space<semaphore_mem>>
      %dma_start3A_56 = arith.constant 0 : i32
      %dma_start3A_57 = tpu.memref_slice %arg4[%add3A_23, %dma_start3A_56] : memref<2560x128xi32, #tpu.memory_space<hbm>> -> memref<8x128xi32, #tpu.memory_space<hbm>>
      %dma_start3A_58 = arith.constant 0 : i32
      %dma_start3A_59 = tpu.memref_slice %arg4[%add3A_23, %dma_start3A_58] : memref<2560x128xi32, #tpu.memory_space<hbm>> -> memref<8x128xi32, #tpu.memory_space<hbm>>
      tpu.enqueue_dma source(%dma_start3A_59 : memref<8x128xi32, #tpu.memory_space<hbm>>) target(%arg8 : memref<8x128xi32, #tpu.memory_space<vmem>>) target_semaphore(%run_scoped3A : memref<!tpu.dma_semaphore, #tpu.memory_space<semaphore_mem>>)
      %dma_wait3A = arith.constant 0 : i32
      %dma_wait3A_60 = tpu.memref_slice %arg4[%add3A_23, %dma_wait3A] : memref<2560x128xi32, #tpu.memory_space<hbm>> -> memref<8x128xi32, #tpu.memory_space<hbm>>
      %dma_wait3A_61 = arith.constant 0 : i32
      %dma_wait3A_62 = tpu.memref_slice %arg4[%add3A_23, %dma_wait3A_61] : memref<2560x128xi32, #tpu.memory_space<hbm>> -> memref<8x128xi32, #tpu.memory_space<hbm>>
      tpu.wait_dma2 semaphore(%run_scoped3A : memref<!tpu.dma_semaphore, #tpu.memory_space<semaphore_mem>>) src(%dma_wait3A_62 : memref<8x128xi32, #tpu.memory_space<hbm>>) dst(%arg8 : memref<8x128xi32, #tpu.memory_space<vmem>>)
      tpu.yield
    }) : () -> ()
    %dma_start3A = arith.constant 0 : i32
    %dma_start3A_24 = arith.constant 0 : i32
    %dma_start3A_25 = tpu.memref_slice %arg7[%dma_start3A, %dma_start3A_24] : memref<8x128xi32, #tpu.memory_space<vmem>> -> memref<1x128xi32, #tpu.memory_space<vmem>>
    %dma_start3A_26 = tpu.memref_squeeze %dma_start3A_25 : memref<1x128xi32, #tpu.memory_space<vmem>> -> memref<128xi32, #tpu.memory_space<vmem>>
    %dma_start3A_27 = arith.constant 0 : i32
    %dma_start3A_28 = arith.constant 0 : i32
    %dma_start3A_29 = tpu.memref_slice %arg2[%dma_start3A_27, %dma_start3A_28] : memref<10000x128xf32, #tpu.memory_space<hbm>> -> memref<10000x128xf32, #tpu.memory_space<hbm>>
    tpu.enqueue_indirect_dma source(%dma_start3A_29 : memref<10000x128xf32, #tpu.memory_space<hbm>>) target(%arg9 : memref<128x128xf32, #tpu.memory_space<vmem>>) offsets(%dma_start3A_26 : memref<128xi32, #tpu.memory_space<vmem>>) semaphore(%arg12 : memref<!tpu.dma_semaphore, #tpu.memory_space<semaphore_mem>>)
    %dma_start3A_30 = arith.constant 1 : i32
    %dma_start3A_31 = arith.constant 0 : i32
    %dma_start3A_32 = tpu.memref_slice %arg7[%dma_start3A_30, %dma_start3A_31] : memref<8x128xi32, #tpu.memory_space<vmem>> -> memref<1x128xi32, #tpu.memory_space<vmem>>
    %dma_start3A_33 = tpu.memref_squeeze %dma_start3A_32 : memref<1x128xi32, #tpu.memory_space<vmem>> -> memref<128xi32, #tpu.memory_space<vmem>>
    %dma_start3A_34 = arith.constant 0 : i32
    %dma_start3A_35 = arith.constant 0 : i32
    %dma_start3A_36 = tpu.memref_slice %arg2[%dma_start3A_34, %dma_start3A_35] : memref<10000x128xf32, #tpu.memory_space<hbm>> -> memref<10000x128xf32, #tpu.memory_space<hbm>>
    tpu.enqueue_indirect_dma source(%dma_start3A_36 : memref<10000x128xf32, #tpu.memory_space<hbm>>) target(%arg10 : memref<128x128xf32, #tpu.memory_space<vmem>>) offsets(%dma_start3A_33 : memref<128xi32, #tpu.memory_space<vmem>>) semaphore(%arg13 : memref<!tpu.dma_semaphore, #tpu.memory_space<semaphore_mem>>)
    %scan3A_37 = arith.constant 0 : i32
    %scan3A_38 = arith.constant 0 : i32
    %scan3A_39 = arith.constant 40 : i32
    %scan3A_40 = arith.addi %scan3A_38, %scan3A_39 : i32
    %scan3A_41 = arith.constant 1 : i32
    scf.for %scan3A_56 = %scan3A_38 to %scan3A_40 step %scan3A_41  : i32 {
      %mul3A_57 = arith.constant 2 : i32
      %mul3A_58 = arith.muli %mul3A_57, %scan3A_56 : i32
      %mul3A_59 = arith.constant 2 : i32
      %mul3A_60 = arith.muli %mul3A_59, %scan3A_56 : i32
      %add3A_61 = arith.constant 1 : i32
      %add3A_62 = arith.addi %mul3A_60, %add3A_61 : i32
      %jit3A = arith.constant 8 : i32
      %eq3A_63 = arith.constant 0 : i32
      %eq3A_64 = arith.cmpi eq, %jit3A, %eq3A_63 : i32
      %jit3A_65 = arith.constant 1 : i32
      %select_n3A = arith.select %eq3A_64, %jit3A_65, %jit3A : i32
      %rem3A = arith.remsi %mul3A_58, %select_n3A : i32
      %ne3A = arith.constant 0 : i32
      %ne3A_66 = arith.cmpi ne, %rem3A, %ne3A : i32
      %lt3A = arith.constant 0 : i32
      %lt3A_67 = arith.cmpi slt, %rem3A, %lt3A : i32
      %lt3A_68 = arith.constant 0 : i32
      %lt3A_69 = arith.cmpi slt, %select_n3A, %lt3A_68 : i32
      %ne3A_70 = arith.xori %lt3A_67, %lt3A_69 : i1
      %and3A = arith.andi %ne3A_70, %ne3A_66 : i1
      %add3A_71 = arith.addi %rem3A, %select_n3A : i32
      %select_n3A_72 = arith.select %and3A, %add3A_71, %rem3A : i32
      %jit3A_73 = arith.constant 8 : i32
      %eq3A_74 = arith.constant 0 : i32
      %eq3A_75 = arith.cmpi eq, %jit3A_73, %eq3A_74 : i32
      %jit3A_76 = arith.constant 1 : i32
      %select_n3A_77 = arith.select %eq3A_75, %jit3A_76, %jit3A_73 : i32
      %rem3A_78 = arith.remsi %add3A_62, %select_n3A_77 : i32
      %ne3A_79 = arith.constant 0 : i32
      %ne3A_80 = arith.cmpi ne, %rem3A_78, %ne3A_79 : i32
      %lt3A_81 = arith.constant 0 : i32
      %lt3A_82 = arith.cmpi slt, %rem3A_78, %lt3A_81 : i32
      %lt3A_83 = arith.constant 0 : i32
      %lt3A_84 = arith.cmpi slt, %select_n3A_77, %lt3A_83 : i32
      %ne3A_85 = arith.xori %lt3A_82, %lt3A_84 : i1
      %and3A_86 = arith.andi %ne3A_85, %ne3A_80 : i1
      %add3A_87 = arith.addi %rem3A_78, %select_n3A_77 : i32
      %select_n3A_88 = arith.select %and3A_86, %add3A_87, %rem3A_78 : i32
      %dma_wait3A = arith.constant 0 : i32
      %dma_wait3A_89 = tpu.memref_slice %arg7[%select_n3A_72, %dma_wait3A] : memref<8x128xi32, #tpu.memory_space<vmem>> -> memref<1x128xi32, #tpu.memory_space<vmem>>
      %dma_wait3A_90 = tpu.memref_squeeze %dma_wait3A_89 : memref<1x128xi32, #tpu.memory_space<vmem>> -> memref<128xi32, #tpu.memory_space<vmem>>
      %dma_wait3A_91 = arith.constant 0 : i32
      %dma_wait3A_92 = arith.constant 0 : i32
      %dma_wait3A_93 = tpu.memref_slice %arg2[%dma_wait3A_91, %dma_wait3A_92] : memref<10000x128xf32, #tpu.memory_space<hbm>> -> memref<10000x128xf32, #tpu.memory_space<hbm>>
      tpu.wait_indirect_dma semaphore(%arg12 : memref<!tpu.dma_semaphore, #tpu.memory_space<semaphore_mem>>) src(%dma_wait3A_93 : memref<10000x128xf32, #tpu.memory_space<hbm>>) dst(%arg9 : memref<128x128xf32, #tpu.memory_space<vmem>>)
      %dma_start3A_94 = arith.constant 0 : i32
      %dma_start3A_95 = tpu.memref_slice %arg8[%select_n3A_72, %dma_start3A_94] : memref<8x128xi32, #tpu.memory_space<vmem>> -> memref<1x128xi32, #tpu.memory_space<vmem>>
      %dma_start3A_96 = tpu.memref_squeeze %dma_start3A_95 : memref<1x128xi32, #tpu.memory_space<vmem>> -> memref<128xi32, #tpu.memory_space<vmem>>
      %dma_start3A_97 = arith.constant 0 : i32
      %dma_start3A_98 = arith.constant 0 : i32
      %dma_start3A_99 = tpu.memref_slice %arg11[%dma_start3A_97, %dma_start3A_98] : memref<10016x128xf32, #tpu.memory_space<vmem_shared>> -> memref<10016x128xf32, #tpu.memory_space<vmem_shared>>
      tpu.enqueue_indirect_dma source(%arg9 : memref<128x128xf32, #tpu.memory_space<vmem>>) target(%dma_start3A_99 : memref<10016x128xf32, #tpu.memory_space<vmem_shared>>) offsets(%dma_start3A_96 : memref<128xi32, #tpu.memory_space<vmem>>) semaphore(%arg14 : memref<!tpu.dma_semaphore, #tpu.memory_space<semaphore_mem>>) {add = true}
      %dma_wait3A_100 = arith.constant 0 : i32
      %dma_wait3A_101 = tpu.memref_slice %arg7[%select_n3A_88, %dma_wait3A_100] : memref<8x128xi32, #tpu.memory_space<vmem>> -> memref<1x128xi32, #tpu.memory_space<vmem>>
      %dma_wait3A_102 = tpu.memref_squeeze %dma_wait3A_101 : memref<1x128xi32, #tpu.memory_space<vmem>> -> memref<128xi32, #tpu.memory_space<vmem>>
      %dma_wait3A_103 = arith.constant 0 : i32
      %dma_wait3A_104 = arith.constant 0 : i32
      %dma_wait3A_105 = tpu.memref_slice %arg2[%dma_wait3A_103, %dma_wait3A_104] : memref<10000x128xf32, #tpu.memory_space<hbm>> -> memref<10000x128xf32, #tpu.memory_space<hbm>>
      tpu.wait_indirect_dma semaphore(%arg13 : memref<!tpu.dma_semaphore, #tpu.memory_space<semaphore_mem>>) src(%dma_wait3A_105 : memref<10000x128xf32, #tpu.memory_space<hbm>>) dst(%arg10 : memref<128x128xf32, #tpu.memory_space<vmem>>)
      %dma_start3A_106 = arith.constant 0 : i32
      %dma_start3A_107 = tpu.memref_slice %arg8[%select_n3A_88, %dma_start3A_106] : memref<8x128xi32, #tpu.memory_space<vmem>> -> memref<1x128xi32, #tpu.memory_space<vmem>>
      %dma_start3A_108 = tpu.memref_squeeze %dma_start3A_107 : memref<1x128xi32, #tpu.memory_space<vmem>> -> memref<128xi32, #tpu.memory_space<vmem>>
      %dma_start3A_109 = arith.constant 0 : i32
      %dma_start3A_110 = arith.constant 0 : i32
      %dma_start3A_111 = tpu.memref_slice %arg11[%dma_start3A_109, %dma_start3A_110] : memref<10016x128xf32, #tpu.memory_space<vmem_shared>> -> memref<10016x128xf32, #tpu.memory_space<vmem_shared>>
      tpu.enqueue_indirect_dma source(%arg10 : memref<128x128xf32, #tpu.memory_space<vmem>>) target(%dma_start3A_111 : memref<10016x128xf32, #tpu.memory_space<vmem_shared>>) offsets(%dma_start3A_108 : memref<128xi32, #tpu.memory_space<vmem>>) semaphore(%arg15 : memref<!tpu.dma_semaphore, #tpu.memory_space<semaphore_mem>>) {add = true}
      %dma_wait3A_112 = arith.constant 0 : i32
      %dma_wait3A_113 = tpu.memref_slice %arg8[%select_n3A_72, %dma_wait3A_112] : memref<8x128xi32, #tpu.memory_space<vmem>> -> memref<1x128xi32, #tpu.memory_space<vmem>>
      %dma_wait3A_114 = tpu.memref_squeeze %dma_wait3A_113 : memref<1x128xi32, #tpu.memory_space<vmem>> -> memref<128xi32, #tpu.memory_space<vmem>>
      %dma_wait3A_115 = arith.constant 0 : i32
      %dma_wait3A_116 = arith.constant 0 : i32
      %dma_wait3A_117 = tpu.memref_slice %arg11[%dma_wait3A_115, %dma_wait3A_116] : memref<10016x128xf32, #tpu.memory_space<vmem_shared>> -> memref<10016x128xf32, #tpu.memory_space<vmem_shared>>
      tpu.wait_indirect_dma semaphore(%arg14 : memref<!tpu.dma_semaphore, #tpu.memory_space<semaphore_mem>>) src(%arg9 : memref<128x128xf32, #tpu.memory_space<vmem>>) dst(%dma_wait3A_117 : memref<10016x128xf32, #tpu.memory_space<vmem_shared>>)
      %dma_wait3A_118 = arith.constant 0 : i32
      %dma_wait3A_119 = tpu.memref_slice %arg8[%select_n3A_88, %dma_wait3A_118] : memref<8x128xi32, #tpu.memory_space<vmem>> -> memref<1x128xi32, #tpu.memory_space<vmem>>
      %dma_wait3A_120 = tpu.memref_squeeze %dma_wait3A_119 : memref<1x128xi32, #tpu.memory_space<vmem>> -> memref<128xi32, #tpu.memory_space<vmem>>
      %dma_wait3A_121 = arith.constant 0 : i32
      %dma_wait3A_122 = arith.constant 0 : i32
      %dma_wait3A_123 = tpu.memref_slice %arg11[%dma_wait3A_121, %dma_wait3A_122] : memref<10016x128xf32, #tpu.memory_space<vmem_shared>> -> memref<10016x128xf32, #tpu.memory_space<vmem_shared>>
      tpu.wait_indirect_dma semaphore(%arg15 : memref<!tpu.dma_semaphore, #tpu.memory_space<semaphore_mem>>) src(%arg10 : memref<128x128xf32, #tpu.memory_space<vmem>>) dst(%dma_wait3A_123 : memref<10016x128xf32, #tpu.memory_space<vmem_shared>>)
      %lt3A_124 = arith.constant 39 : i32
      %lt3A_125 = arith.cmpi slt, %scan3A_56, %lt3A_124 : i32
      %add3A_126 = arith.constant 2 : i32
      %add3A_127 = arith.addi %mul3A_58, %add3A_126 : i32
      %jit3A_128 = arith.constant 8 : i32
      %eq3A_129 = arith.constant 0 : i32
      %eq3A_130 = arith.cmpi eq, %jit3A_128, %eq3A_129 : i32
      %jit3A_131 = arith.constant 1 : i32
      %select_n3A_132 = arith.select %eq3A_130, %jit3A_131, %jit3A_128 : i32
      %rem3A_133 = arith.remsi %add3A_127, %select_n3A_132 : i32
      %ne3A_134 = arith.constant 0 : i32
      %ne3A_135 = arith.cmpi ne, %rem3A_133, %ne3A_134 : i32
      %lt3A_136 = arith.constant 0 : i32
      %lt3A_137 = arith.cmpi slt, %rem3A_133, %lt3A_136 : i32
      %lt3A_138 = arith.constant 0 : i32
      %lt3A_139 = arith.cmpi slt, %select_n3A_132, %lt3A_138 : i32
      %ne3A_140 = arith.xori %lt3A_137, %lt3A_139 : i1
      %and3A_141 = arith.andi %ne3A_140, %ne3A_135 : i1
      %add3A_142 = arith.addi %rem3A_133, %select_n3A_132 : i32
      %select_n3A_143 = arith.select %and3A_141, %add3A_142, %rem3A_133 : i32
      %eq3A_144 = arith.constant 0 : i32
      %eq3A_145 = arith.cmpi eq, %select_n3A_143, %eq3A_144 : i32
      %and3A_146 = arith.andi %lt3A_125, %eq3A_145 : i1
      %convert_element_type3A_147 = arith.extui %and3A_146 : i1 to i32
      %cond3A_148 = arith.constant 0 : i32
      %cond3A_149 = arith.cmpi ne, %convert_element_type3A_147, %cond3A_148 : i32
      scf.if %cond3A_149 {
        %add3A_155 = arith.constant 2 : i32
        %add3A_156 = arith.addi %mul3A_58, %add3A_155 : i32
        %jit3A_157 = arith.constant 8 : i32
        %div3A = arith.divsi %add3A_156, %jit3A_157 : i32
        %sign3A = arith.constant 0 : i32
        %sign3A_158 = arith.cmpi sgt, %add3A_156, %sign3A : i32
        %sign3A_159 = arith.extui %sign3A_158 : i1 to i32
        %sign3A_160 = arith.constant 0 : i32
        %sign3A_161 = arith.cmpi slt, %add3A_156, %sign3A_160 : i32
        %sign3A_162 = arith.extui %sign3A_161 : i1 to i32
        %sign3A_163 = arith.subi %sign3A_159, %sign3A_162 : i32
        %sign3A_164 = arith.constant 0 : i32
        %sign3A_165 = arith.cmpi sgt, %jit3A_157, %sign3A_164 : i32
        %sign3A_166 = arith.extui %sign3A_165 : i1 to i32
        %sign3A_167 = arith.constant 0 : i32
        %sign3A_168 = arith.cmpi slt, %jit3A_157, %sign3A_167 : i32
        %sign3A_169 = arith.extui %sign3A_168 : i1 to i32
        %sign3A_170 = arith.subi %sign3A_166, %sign3A_169 : i32
        %ne3A_171 = arith.cmpi ne, %sign3A_163, %sign3A_170 : i32
        %rem3A_172 = arith.remsi %add3A_156, %jit3A_157 : i32
        %ne3A_173 = arith.constant 0 : i32
        %ne3A_174 = arith.cmpi ne, %rem3A_172, %ne3A_173 : i32
        %and3A_175 = arith.andi %ne3A_171, %ne3A_174 : i1
        %sub3A = arith.constant 1 : i32
        %sub3A_176 = arith.subi %div3A, %sub3A : i32
        %select_n3A_177 = arith.select %and3A_175, %sub3A_176, %div3A : i32
        %mul3A_178 = arith.constant 80 : i32
        %mul3A_179 = arith.muli %add3A, %mul3A_178 : i32
        %mul3A_180 = arith.constant 8 : i32
        %mul3A_181 = arith.muli %select_n3A_177, %mul3A_180 : i32
        %add3A_182 = arith.addi %mul3A_179, %mul3A_181 : i32
        "tpu.region"() ({
          %run_scoped3A = tpu.sem_alloc : memref<!tpu.dma_semaphore, #tpu.memory_space<semaphore_mem>>
          %dma_start3A_183 = arith.constant 0 : i32
          %dma_start3A_184 = tpu.memref_slice %arg3[%add3A_182, %dma_start3A_183] : memref<2560x128xi32, #tpu.memory_space<hbm>> -> memref<8x128xi32, #tpu.memory_space<hbm>>
          %dma_start3A_185 = arith.constant 0 : i32
          %dma_start3A_186 = tpu.memref_slice %arg3[%add3A_182, %dma_start3A_185] : memref<2560x128xi32, #tpu.memory_space<hbm>> -> memref<8x128xi32, #tpu.memory_space<hbm>>
          tpu.enqueue_dma source(%dma_start3A_186 : memref<8x128xi32, #tpu.memory_space<hbm>>) target(%arg7 : memref<8x128xi32, #tpu.memory_space<vmem>>) target_semaphore(%run_scoped3A : memref<!tpu.dma_semaphore, #tpu.memory_space<semaphore_mem>>)
          %dma_wait3A_187 = arith.constant 0 : i32
          %dma_wait3A_188 = tpu.memref_slice %arg3[%add3A_182, %dma_wait3A_187] : memref<2560x128xi32, #tpu.memory_space<hbm>> -> memref<8x128xi32, #tpu.memory_space<hbm>>
          %dma_wait3A_189 = arith.constant 0 : i32
          %dma_wait3A_190 = tpu.memref_slice %arg3[%add3A_182, %dma_wait3A_189] : memref<2560x128xi32, #tpu.memory_space<hbm>> -> memref<8x128xi32, #tpu.memory_space<hbm>>
          tpu.wait_dma2 semaphore(%run_scoped3A : memref<!tpu.dma_semaphore, #tpu.memory_space<semaphore_mem>>) src(%dma_wait3A_190 : memref<8x128xi32, #tpu.memory_space<hbm>>) dst(%arg7 : memref<8x128xi32, #tpu.memory_space<vmem>>)
          tpu.yield
        }) : () -> ()
        "tpu.region"() ({
          %run_scoped3A = tpu.sem_alloc : memref<!tpu.dma_semaphore, #tpu.memory_space<semaphore_mem>>
          %dma_start3A_183 = arith.constant 0 : i32
          %dma_start3A_184 = tpu.memref_slice %arg4[%add3A_182, %dma_start3A_183] : memref<2560x128xi32, #tpu.memory_space<hbm>> -> memref<8x128xi32, #tpu.memory_space<hbm>>
          %dma_start3A_185 = arith.constant 0 : i32
          %dma_start3A_186 = tpu.memref_slice %arg4[%add3A_182, %dma_start3A_185] : memref<2560x128xi32, #tpu.memory_space<hbm>> -> memref<8x128xi32, #tpu.memory_space<hbm>>
          tpu.enqueue_dma source(%dma_start3A_186 : memref<8x128xi32, #tpu.memory_space<hbm>>) target(%arg8 : memref<8x128xi32, #tpu.memory_space<vmem>>) target_semaphore(%run_scoped3A : memref<!tpu.dma_semaphore, #tpu.memory_space<semaphore_mem>>)
          %dma_wait3A_187 = arith.constant 0 : i32
          %dma_wait3A_188 = tpu.memref_slice %arg4[%add3A_182, %dma_wait3A_187] : memref<2560x128xi32, #tpu.memory_space<hbm>> -> memref<8x128xi32, #tpu.memory_space<hbm>>
          %dma_wait3A_189 = arith.constant 0 : i32
          %dma_wait3A_190 = tpu.memref_slice %arg4[%add3A_182, %dma_wait3A_189] : memref<2560x128xi32, #tpu.memory_space<hbm>> -> memref<8x128xi32, #tpu.memory_space<hbm>>
          tpu.wait_dma2 semaphore(%run_scoped3A : memref<!tpu.dma_semaphore, #tpu.memory_space<semaphore_mem>>) src(%dma_wait3A_190 : memref<8x128xi32, #tpu.memory_space<hbm>>) dst(%arg8 : memref<8x128xi32, #tpu.memory_space<vmem>>)
          tpu.yield
        }) : () -> ()
      } else {
      }
      %lt3A_150 = arith.constant 39 : i32
      %lt3A_151 = arith.cmpi slt, %scan3A_56, %lt3A_150 : i32
      %convert_element_type3A_152 = arith.extui %lt3A_151 : i1 to i32
      %cond3A_153 = arith.constant 0 : i32
      %cond3A_154 = arith.cmpi ne, %convert_element_type3A_152, %cond3A_153 : i32
      scf.if %cond3A_154 {
        %add3A_155 = arith.constant 2 : i32
        %add3A_156 = arith.addi %mul3A_58, %add3A_155 : i32
        %jit3A_157 = arith.constant 8 : i32
        %eq3A_158 = arith.constant 0 : i32
        %eq3A_159 = arith.cmpi eq, %jit3A_157, %eq3A_158 : i32
        %jit3A_160 = arith.constant 1 : i32
        %select_n3A_161 = arith.select %eq3A_159, %jit3A_160, %jit3A_157 : i32
        %rem3A_162 = arith.remsi %add3A_156, %select_n3A_161 : i32
        %ne3A_163 = arith.constant 0 : i32
        %ne3A_164 = arith.cmpi ne, %rem3A_162, %ne3A_163 : i32
        %lt3A_165 = arith.constant 0 : i32
        %lt3A_166 = arith.cmpi slt, %rem3A_162, %lt3A_165 : i32
        %lt3A_167 = arith.constant 0 : i32
        %lt3A_168 = arith.cmpi slt, %select_n3A_161, %lt3A_167 : i32
        %ne3A_169 = arith.xori %lt3A_166, %lt3A_168 : i1
        %and3A_170 = arith.andi %ne3A_169, %ne3A_164 : i1
        %add3A_171 = arith.addi %rem3A_162, %select_n3A_161 : i32
        %select_n3A_172 = arith.select %and3A_170, %add3A_171, %rem3A_162 : i32
        %dma_start3A_173 = arith.constant 0 : i32
        %dma_start3A_174 = tpu.memref_slice %arg7[%select_n3A_172, %dma_start3A_173] : memref<8x128xi32, #tpu.memory_space<vmem>> -> memref<1x128xi32, #tpu.memory_space<vmem>>
        %dma_start3A_175 = tpu.memref_squeeze %dma_start3A_174 : memref<1x128xi32, #tpu.memory_space<vmem>> -> memref<128xi32, #tpu.memory_space<vmem>>
        %dma_start3A_176 = arith.constant 0 : i32
        %dma_start3A_177 = arith.constant 0 : i32
        %dma_start3A_178 = tpu.memref_slice %arg2[%dma_start3A_176, %dma_start3A_177] : memref<10000x128xf32, #tpu.memory_space<hbm>> -> memref<10000x128xf32, #tpu.memory_space<hbm>>
        tpu.enqueue_indirect_dma source(%dma_start3A_178 : memref<10000x128xf32, #tpu.memory_space<hbm>>) target(%arg9 : memref<128x128xf32, #tpu.memory_space<vmem>>) offsets(%dma_start3A_175 : memref<128xi32, #tpu.memory_space<vmem>>) semaphore(%arg12 : memref<!tpu.dma_semaphore, #tpu.memory_space<semaphore_mem>>)
        %add3A_179 = arith.constant 2 : i32
        %add3A_180 = arith.addi %add3A_62, %add3A_179 : i32
        %jit3A_181 = arith.constant 8 : i32
        %eq3A_182 = arith.constant 0 : i32
        %eq3A_183 = arith.cmpi eq, %jit3A_181, %eq3A_182 : i32
        %jit3A_184 = arith.constant 1 : i32
        %select_n3A_185 = arith.select %eq3A_183, %jit3A_184, %jit3A_181 : i32
        %rem3A_186 = arith.remsi %add3A_180, %select_n3A_185 : i32
        %ne3A_187 = arith.constant 0 : i32
        %ne3A_188 = arith.cmpi ne, %rem3A_186, %ne3A_187 : i32
        %lt3A_189 = arith.constant 0 : i32
        %lt3A_190 = arith.cmpi slt, %rem3A_186, %lt3A_189 : i32
        %lt3A_191 = arith.constant 0 : i32
        %lt3A_192 = arith.cmpi slt, %select_n3A_185, %lt3A_191 : i32
        %ne3A_193 = arith.xori %lt3A_190, %lt3A_192 : i1
        %and3A_194 = arith.andi %ne3A_193, %ne3A_188 : i1
        %add3A_195 = arith.addi %rem3A_186, %select_n3A_185 : i32
        %select_n3A_196 = arith.select %and3A_194, %add3A_195, %rem3A_186 : i32
        %dma_start3A_197 = arith.constant 0 : i32
        %dma_start3A_198 = tpu.memref_slice %arg7[%select_n3A_196, %dma_start3A_197] : memref<8x128xi32, #tpu.memory_space<vmem>> -> memref<1x128xi32, #tpu.memory_space<vmem>>
        %dma_start3A_199 = tpu.memref_squeeze %dma_start3A_198 : memref<1x128xi32, #tpu.memory_space<vmem>> -> memref<128xi32, #tpu.memory_space<vmem>>
        %dma_start3A_200 = arith.constant 0 : i32
        %dma_start3A_201 = arith.constant 0 : i32
        %dma_start3A_202 = tpu.memref_slice %arg2[%dma_start3A_200, %dma_start3A_201] : memref<10000x128xf32, #tpu.memory_space<hbm>> -> memref<10000x128xf32, #tpu.memory_space<hbm>>
        tpu.enqueue_indirect_dma source(%dma_start3A_202 : memref<10000x128xf32, #tpu.memory_space<hbm>>) target(%arg10 : memref<128x128xf32, #tpu.memory_space<vmem>>) offsets(%dma_start3A_199 : memref<128xi32, #tpu.memory_space<vmem>>) semaphore(%arg13 : memref<!tpu.dma_semaphore, #tpu.memory_space<semaphore_mem>>)
      } else {
      }
    }
    %scan3A_42 = arith.constant 40 : i32
    %barrier3A_43 = arith.constant 0 : index
    tpu.barrier barrier_id(%barrier3A_43)
    %mul3A_44 = arith.constant 624 : i32
    %mul3A_45 = arith.muli %arg1, %mul3A_44 : i32
    %eq3A_46 = arith.constant 0 : i32
    %eq3A_47 = arith.cmpi eq, %arg0, %eq3A_46 : i32
    %convert_element_type3A_48 = arith.extui %eq3A_47 : i1 to i32
    %cond3A_49 = arith.constant 0 : i32
    %cond3A_50 = arith.cmpi ne, %convert_element_type3A_48, %cond3A_49 : i32
    scf.if %cond3A_50 {
      "tpu.region"() ({
        %run_scoped3A = tpu.sem_alloc : memref<!tpu.dma_semaphore, #tpu.memory_space<semaphore_mem>>
        %dma_start3A_61 = arith.constant 0 : i32
        %dma_start3A_62 = tpu.memref_slice %arg5[%mul3A_45, %dma_start3A_61] : memref<10000x128xf32, #tpu.memory_space<hbm>> -> memref<624x128xf32, #tpu.memory_space<hbm>>
        %dma_start3A_63 = arith.constant 0 : i32
        %dma_start3A_64 = tpu.memref_slice %arg11[%mul3A_45, %dma_start3A_63] : memref<10016x128xf32, #tpu.memory_space<vmem_shared>> -> memref<624x128xf32, #tpu.memory_space<vmem_shared>>
        tpu.enqueue_dma source(%dma_start3A_64 : memref<624x128xf32, #tpu.memory_space<vmem_shared>>) target(%dma_start3A_62 : memref<624x128xf32, #tpu.memory_space<hbm>>) target_semaphore(%run_scoped3A : memref<!tpu.dma_semaphore, #tpu.memory_space<semaphore_mem>>)
        %dma_wait3A = arith.constant 0 : i32
        %dma_wait3A_65 = tpu.memref_slice %arg5[%mul3A_45, %dma_wait3A] : memref<10000x128xf32, #tpu.memory_space<hbm>> -> memref<624x128xf32, #tpu.memory_space<hbm>>
        %dma_wait3A_66 = arith.constant 0 : i32
        %dma_wait3A_67 = tpu.memref_slice %arg11[%mul3A_45, %dma_wait3A_66] : memref<10016x128xf32, #tpu.memory_space<vmem_shared>> -> memref<624x128xf32, #tpu.memory_space<vmem_shared>>
        tpu.wait_dma2 semaphore(%run_scoped3A : memref<!tpu.dma_semaphore, #tpu.memory_space<semaphore_mem>>) src(%dma_wait3A_67 : memref<624x128xf32, #tpu.memory_space<vmem_shared>>) dst(%dma_wait3A_65 : memref<624x128xf32, #tpu.memory_space<hbm>>)
        tpu.yield
      }) : () -> ()
      %eq3A_56 = arith.constant 15 : i32
      %eq3A_57 = arith.cmpi eq, %arg1, %eq3A_56 : i32
      %convert_element_type3A_58 = arith.extui %eq3A_57 : i1 to i32
      %cond3A_59 = arith.constant 0 : i32
      %cond3A_60 = arith.cmpi ne, %convert_element_type3A_58, %cond3A_59 : i32
      scf.if %cond3A_60 {
        "tpu.region"() ({
          %run_scoped3A = tpu.sem_alloc : memref<!tpu.dma_semaphore, #tpu.memory_space<semaphore_mem>>
          %dma_start3A_61 = arith.constant 9984 : i32
          %dma_start3A_62 = arith.constant 0 : i32
          %dma_start3A_63 = tpu.memref_slice %arg5[%dma_start3A_61, %dma_start3A_62] : memref<10000x128xf32, #tpu.memory_space<hbm>> -> memref<16x128xf32, #tpu.memory_space<hbm>>
          %dma_start3A_64 = arith.constant 9984 : i32
          %dma_start3A_65 = arith.constant 0 : i32
          %dma_start3A_66 = tpu.memref_slice %arg11[%dma_start3A_64, %dma_start3A_65] : memref<10016x128xf32, #tpu.memory_space<vmem_shared>> -> memref<16x128xf32, #tpu.memory_space<vmem_shared>>
          tpu.enqueue_dma source(%dma_start3A_66 : memref<16x128xf32, #tpu.memory_space<vmem_shared>>) target(%dma_start3A_63 : memref<16x128xf32, #tpu.memory_space<hbm>>) target_semaphore(%run_scoped3A : memref<!tpu.dma_semaphore, #tpu.memory_space<semaphore_mem>>)
          %dma_wait3A = arith.constant 9984 : i32
          %dma_wait3A_67 = arith.constant 0 : i32
          %dma_wait3A_68 = tpu.memref_slice %arg5[%dma_wait3A, %dma_wait3A_67] : memref<10000x128xf32, #tpu.memory_space<hbm>> -> memref<16x128xf32, #tpu.memory_space<hbm>>
          %dma_wait3A_69 = arith.constant 9984 : i32
          %dma_wait3A_70 = arith.constant 0 : i32
          %dma_wait3A_71 = tpu.memref_slice %arg11[%dma_wait3A_69, %dma_wait3A_70] : memref<10016x128xf32, #tpu.memory_space<vmem_shared>> -> memref<16x128xf32, #tpu.memory_space<vmem_shared>>
          tpu.wait_dma2 semaphore(%run_scoped3A : memref<!tpu.dma_semaphore, #tpu.memory_space<semaphore_mem>>) src(%dma_wait3A_71 : memref<16x128xf32, #tpu.memory_space<vmem_shared>>) dst(%dma_wait3A_68 : memref<16x128xf32, #tpu.memory_space<hbm>>)
          tpu.yield
        }) : () -> ()
      } else {
      }
    } else {
    }
    %eq3A_51 = arith.constant 1 : i32
    %eq3A_52 = arith.cmpi eq, %arg0, %eq3A_51 : i32
    %convert_element_type3A_53 = arith.extui %eq3A_52 : i1 to i32
    %cond3A_54 = arith.constant 0 : i32
    %cond3A_55 = arith.cmpi ne, %convert_element_type3A_53, %cond3A_54 : i32
    scf.if %cond3A_55 {
      "tpu.region"() ({
        %run_scoped3A = tpu.sem_alloc : memref<!tpu.dma_semaphore, #tpu.memory_space<semaphore_mem>>
        %dma_start3A_61 = arith.constant 0 : i32
        %dma_start3A_62 = tpu.memref_slice %arg6[%mul3A_45, %dma_start3A_61] : memref<10000x128xf32, #tpu.memory_space<hbm>> -> memref<624x128xf32, #tpu.memory_space<hbm>>
        %dma_start3A_63 = arith.constant 0 : i32
        %dma_start3A_64 = tpu.memref_slice %arg11[%mul3A_45, %dma_start3A_63] : memref<10016x128xf32, #tpu.memory_space<vmem_shared>> -> memref<624x128xf32, #tpu.memory_space<vmem_shared>>
        tpu.enqueue_dma source(%dma_start3A_64 : memref<624x128xf32, #tpu.memory_space<vmem_shared>>) target(%dma_start3A_62 : memref<624x128xf32, #tpu.memory_space<hbm>>) target_semaphore(%run_scoped3A : memref<!tpu.dma_semaphore, #tpu.memory_space<semaphore_mem>>)
        %dma_wait3A = arith.constant 0 : i32
        %dma_wait3A_65 = tpu.memref_slice %arg6[%mul3A_45, %dma_wait3A] : memref<10000x128xf32, #tpu.memory_space<hbm>> -> memref<624x128xf32, #tpu.memory_space<hbm>>
        %dma_wait3A_66 = arith.constant 0 : i32
        %dma_wait3A_67 = tpu.memref_slice %arg11[%mul3A_45, %dma_wait3A_66] : memref<10016x128xf32, #tpu.memory_space<vmem_shared>> -> memref<624x128xf32, #tpu.memory_space<vmem_shared>>
        tpu.wait_dma2 semaphore(%run_scoped3A : memref<!tpu.dma_semaphore, #tpu.memory_space<semaphore_mem>>) src(%dma_wait3A_67 : memref<624x128xf32, #tpu.memory_space<vmem_shared>>) dst(%dma_wait3A_65 : memref<624x128xf32, #tpu.memory_space<hbm>>)
        tpu.yield
      }) : () -> ()
      %eq3A_56 = arith.constant 15 : i32
      %eq3A_57 = arith.cmpi eq, %arg1, %eq3A_56 : i32
      %convert_element_type3A_58 = arith.extui %eq3A_57 : i1 to i32
      %cond3A_59 = arith.constant 0 : i32
      %cond3A_60 = arith.cmpi ne, %convert_element_type3A_58, %cond3A_59 : i32
      scf.if %cond3A_60 {
        "tpu.region"() ({
          %run_scoped3A = tpu.sem_alloc : memref<!tpu.dma_semaphore, #tpu.memory_space<semaphore_mem>>
          %dma_start3A_61 = arith.constant 9984 : i32
          %dma_start3A_62 = arith.constant 0 : i32
          %dma_start3A_63 = tpu.memref_slice %arg6[%dma_start3A_61, %dma_start3A_62] : memref<10000x128xf32, #tpu.memory_space<hbm>> -> memref<16x128xf32, #tpu.memory_space<hbm>>
          %dma_start3A_64 = arith.constant 9984 : i32
          %dma_start3A_65 = arith.constant 0 : i32
          %dma_start3A_66 = tpu.memref_slice %arg11[%dma_start3A_64, %dma_start3A_65] : memref<10016x128xf32, #tpu.memory_space<vmem_shared>> -> memref<16x128xf32, #tpu.memory_space<vmem_shared>>
          tpu.enqueue_dma source(%dma_start3A_66 : memref<16x128xf32, #tpu.memory_space<vmem_shared>>) target(%dma_start3A_63 : memref<16x128xf32, #tpu.memory_space<hbm>>) target_semaphore(%run_scoped3A : memref<!tpu.dma_semaphore, #tpu.memory_space<semaphore_mem>>)
          %dma_wait3A = arith.constant 9984 : i32
          %dma_wait3A_67 = arith.constant 0 : i32
          %dma_wait3A_68 = tpu.memref_slice %arg6[%dma_wait3A, %dma_wait3A_67] : memref<10000x128xf32, #tpu.memory_space<hbm>> -> memref<16x128xf32, #tpu.memory_space<hbm>>
          %dma_wait3A_69 = arith.constant 9984 : i32
          %dma_wait3A_70 = arith.constant 0 : i32
          %dma_wait3A_71 = tpu.memref_slice %arg11[%dma_wait3A_69, %dma_wait3A_70] : memref<10016x128xf32, #tpu.memory_space<vmem_shared>> -> memref<16x128xf32, #tpu.memory_space<vmem_shared>>
          tpu.wait_dma2 semaphore(%run_scoped3A : memref<!tpu.dma_semaphore, #tpu.memory_space<semaphore_mem>>) src(%dma_wait3A_71 : memref<16x128xf32, #tpu.memory_space<vmem_shared>>) dst(%dma_wait3A_68 : memref<16x128xf32, #tpu.memory_space<hbm>>)
          tpu.yield
        }) : () -> ()
      } else {
      }
    } else {
    }
    return
  }
}

#map = affine_map<(d0, d1) -> (0, 0)>
module attributes {stable_mosaic.version = 14 : i64} {
  func.func @_sc_body(%arg0: i32, %arg1: i32, %arg2: memref<10000x128xf32, #tpu.memory_space<hbm>>, %arg3: memref<2560x128xi32, #tpu.memory_space<hbm>>, %arg4: memref<2560x128xi32, #tpu.memory_space<hbm>>, %arg5: memref<10000x128xf32, #tpu.memory_space<hbm>>, %arg6: memref<10000x128xf32, #tpu.memory_space<hbm>>, %arg7: memref<8x128xi32, #tpu.memory_space<vmem>>, %arg8: memref<8x128xi32, #tpu.memory_space<vmem>>, %arg9: memref<128x128xf32, #tpu.memory_space<vmem>>, %arg10: memref<128x128xf32, #tpu.memory_space<vmem>>, %arg11: memref<10016x128xf32, #tpu.memory_space<vmem_shared>>, %arg12: memref<!tpu.dma_semaphore, #tpu.memory_space<semaphore_mem>>, %arg13: memref<!tpu.dma_semaphore, #tpu.memory_space<semaphore_mem>>, %arg14: memref<!tpu.dma_semaphore, #tpu.memory_space<semaphore_mem>>, %arg15: memref<!tpu.dma_semaphore, #tpu.memory_space<semaphore_mem>>) attributes {dimension_semantics = [#tpu.dimension_semantics<core_parallel>, #tpu.dimension_semantics<subcore_parallel>], iteration_bounds = array<i64: 2, 16>, scalar_prefetch = 0 : i64, scratch_operands = 9 : i64, tpu.core_type = #tpu.core_type<sc_vector_subcore>, window_params = [{transform_indices = #map}, {transform_indices = #map}, {transform_indices = #map}, {transform_indices = #map}, {transform_indices = #map}]} {
    %mul3A = arith.constant 2 : i32
    %mul3A_0 = arith.muli %arg1, %mul3A : i32
    %add3A = arith.addi %mul3A_0, %arg0 : i32
    %scan3A = arith.constant 0 : i32
    %scan3A_1 = arith.constant 0 : i32
    %scan3A_2 = arith.constant 128 : i32
    %scan3A_3 = arith.addi %scan3A_1, %scan3A_2 : i32
    %scan3A_4 = arith.constant 1 : i32
    scf.for %scan3A_56 = %scan3A_1 to %scan3A_3 step %scan3A_4  : i32 {
      %broadcast_in_dim3A = arith.constant 0.000000e+00 : f32
      %broadcast_in_dim3A_57 = vector.broadcast %broadcast_in_dim3A : f32 to vector<16xf32>
      %swap3A = arith.index_cast %scan3A_56 : i32 to index
      %swap3A_58 = arith.constant 0 : index
      %swap3A_59 = tpu.vector_load %arg9[%swap3A, %swap3A_58] {strides = array<i32>} : memref<128x128xf32, #tpu.memory_space<vmem>>, vector<1x16xf32>,
      %swap3A_60 = vector.shape_cast %swap3A_59 : vector<1x16xf32> to vector<16xf32>
      %swap3A_61 = vector.shape_cast %broadcast_in_dim3A_57 : vector<16xf32> to vector<1x16xf32>
      tpu.vector_store %arg9[%swap3A, %swap3A_58], %swap3A_61 {strides = array<i32>} : memref<128x128xf32, #tpu.memory_space<vmem>>, vector<1x16xf32>,
      %broadcast_in_dim3A_62 = arith.constant 0.000000e+00 : f32
      %broadcast_in_dim3A_63 = vector.broadcast %broadcast_in_dim3A_62 : f32 to vector<16xf32>
      %swap3A_64 = arith.index_cast %scan3A_56 : i32 to index
      %swap3A_65 = arith.constant 16 : index
      %swap3A_66 = tpu.vector_load %arg9[%swap3A_64, %swap3A_65] {strides = array<i32>} : memref<128x128xf32, #tpu.memory_space<vmem>>, vector<1x16xf32>,
      %swap3A_67 = vector.shape_cast %swap3A_66 : vector<1x16xf32> to vector<16xf32>
      %swap3A_68 = vector.shape_cast %broadcast_in_dim3A_63 : vector<16xf32> to vector<1x16xf32>
      tpu.vector_store %arg9[%swap3A_64, %swap3A_65], %swap3A_68 {strides = array<i32>} : memref<128x128xf32, #tpu.memory_space<vmem>>, vector<1x16xf32>,
      %broadcast_in_dim3A_69 = arith.constant 0.000000e+00 : f32
      %broadcast_in_dim3A_70 = vector.broadcast %broadcast_in_dim3A_69 : f32 to vector<16xf32>
      %swap3A_71 = arith.index_cast %scan3A_56 : i32 to index
      %swap3A_72 = arith.constant 32 : index
      %swap3A_73 = tpu.vector_load %arg9[%swap3A_71, %swap3A_72] {strides = array<i32>} : memref<128x128xf32, #tpu.memory_space<vmem>>, vector<1x16xf32>,
      %swap3A_74 = vector.shape_cast %swap3A_73 : vector<1x16xf32> to vector<16xf32>
      %swap3A_75 = vector.shape_cast %broadcast_in_dim3A_70 : vector<16xf32> to vector<1x16xf32>
      tpu.vector_store %arg9[%swap3A_71, %swap3A_72], %swap3A_75 {strides = array<i32>} : memref<128x128xf32, #tpu.memory_space<vmem>>, vector<1x16xf32>,
      %broadcast_in_dim3A_76 = arith.constant 0.000000e+00 : f32
      %broadcast_in_dim3A_77 = vector.broadcast %broadcast_in_dim3A_76 : f32 to vector<16xf32>
      %swap3A_78 = arith.index_cast %scan3A_56 : i32 to index
      %swap3A_79 = arith.constant 48 : index
      %swap3A_80 = tpu.vector_load %arg9[%swap3A_78, %swap3A_79] {strides = array<i32>} : memref<128x128xf32, #tpu.memory_space<vmem>>, vector<1x16xf32>,
      %swap3A_81 = vector.shape_cast %swap3A_80 : vector<1x16xf32> to vector<16xf32>
      %swap3A_82 = vector.shape_cast %broadcast_in_dim3A_77 : vector<16xf32> to vector<1x16xf32>
      tpu.vector_store %arg9[%swap3A_78, %swap3A_79], %swap3A_82 {strides = array<i32>} : memref<128x128xf32, #tpu.memory_space<vmem>>, vector<1x16xf32>,
      %broadcast_in_dim3A_83 = arith.constant 0.000000e+00 : f32
      %broadcast_in_dim3A_84 = vector.broadcast %broadcast_in_dim3A_83 : f32 to vector<16xf32>
      %swap3A_85 = arith.index_cast %scan3A_56 : i32 to index
      %swap3A_86 = arith.constant 64 : index
      %swap3A_87 = tpu.vector_load %arg9[%swap3A_85, %swap3A_86] {strides = array<i32>} : memref<128x128xf32, #tpu.memory_space<vmem>>, vector<1x16xf32>,
      %swap3A_88 = vector.shape_cast %swap3A_87 : vector<1x16xf32> to vector<16xf32>
      %swap3A_89 = vector.shape_cast %broadcast_in_dim3A_84 : vector<16xf32> to vector<1x16xf32>
      tpu.vector_store %arg9[%swap3A_85, %swap3A_86], %swap3A_89 {strides = array<i32>} : memref<128x128xf32, #tpu.memory_space<vmem>>, vector<1x16xf32>,
      %broadcast_in_dim3A_90 = arith.constant 0.000000e+00 : f32
      %broadcast_in_dim3A_91 = vector.broadcast %broadcast_in_dim3A_90 : f32 to vector<16xf32>
      %swap3A_92 = arith.index_cast %scan3A_56 : i32 to index
      %swap3A_93 = arith.constant 80 : index
      %swap3A_94 = tpu.vector_load %arg9[%swap3A_92, %swap3A_93] {strides = array<i32>} : memref<128x128xf32, #tpu.memory_space<vmem>>, vector<1x16xf32>,
      %swap3A_95 = vector.shape_cast %swap3A_94 : vector<1x16xf32> to vector<16xf32>
      %swap3A_96 = vector.shape_cast %broadcast_in_dim3A_91 : vector<16xf32> to vector<1x16xf32>
      tpu.vector_store %arg9[%swap3A_92, %swap3A_93], %swap3A_96 {strides = array<i32>} : memref<128x128xf32, #tpu.memory_space<vmem>>, vector<1x16xf32>,
      %broadcast_in_dim3A_97 = arith.constant 0.000000e+00 : f32
      %broadcast_in_dim3A_98 = vector.broadcast %broadcast_in_dim3A_97 : f32 to vector<16xf32>
      %swap3A_99 = arith.index_cast %scan3A_56 : i32 to index
      %swap3A_100 = arith.constant 96 : index
      %swap3A_101 = tpu.vector_load %arg9[%swap3A_99, %swap3A_100] {strides = array<i32>} : memref<128x128xf32, #tpu.memory_space<vmem>>, vector<1x16xf32>,
      %swap3A_102 = vector.shape_cast %swap3A_101 : vector<1x16xf32> to vector<16xf32>
      %swap3A_103 = vector.shape_cast %broadcast_in_dim3A_98 : vector<16xf32> to vector<1x16xf32>
      tpu.vector_store %arg9[%swap3A_99, %swap3A_100], %swap3A_103 {strides = array<i32>} : memref<128x128xf32, #tpu.memory_space<vmem>>, vector<1x16xf32>,
      %broadcast_in_dim3A_104 = arith.constant 0.000000e+00 : f32
      %broadcast_in_dim3A_105 = vector.broadcast %broadcast_in_dim3A_104 : f32 to vector<16xf32>
      %swap3A_106 = arith.index_cast %scan3A_56 : i32 to index
      %swap3A_107 = arith.constant 112 : index
      %swap3A_108 = tpu.vector_load %arg9[%swap3A_106, %swap3A_107] {strides = array<i32>} : memref<128x128xf32, #tpu.memory_space<vmem>>, vector<1x16xf32>,
      %swap3A_109 = vector.shape_cast %swap3A_108 : vector<1x16xf32> to vector<16xf32>
      %swap3A_110 = vector.shape_cast %broadcast_in_dim3A_105 : vector<16xf32> to vector<1x16xf32>
      tpu.vector_store %arg9[%swap3A_106, %swap3A_107], %swap3A_110 {strides = array<i32>} : memref<128x128xf32, #tpu.memory_space<vmem>>, vector<1x16xf32>,
    }
    %scan3A_5 = arith.constant 128 : i32
    %mul3A_6 = arith.constant 624 : i32
    %mul3A_7 = arith.muli %arg1, %mul3A_6 : i32
    %add3A_8 = arith.constant 0 : i32
    %add3A_9 = arith.addi %mul3A_7, %add3A_8 : i32
    "tpu.region"() ({
      %run_scoped3A = tpu.sem_alloc : memref<!tpu.dma_semaphore, #tpu.memory_space<semaphore_mem>>
      %dma_start3A_56 = arith.constant 0 : i32
      %dma_start3A_57 = tpu.memref_slice %arg11[%add3A_9, %dma_start3A_56] : memref<10016x128xf32, #tpu.memory_space<vmem_shared>> -> memref<128x128xf32, #tpu.memory_space<vmem_shared>>
      %dma_start3A_58 = arith.constant 0 : i32
      %dma_start3A_59 = tpu.memref_slice %arg11[%add3A_9, %dma_start3A_58] : memref<10016x128xf32, #tpu.memory_space<vmem_shared>> -> memref<128x128xf32, #tpu.memory_space<vmem_shared>>
      tpu.enqueue_dma source(%arg9 : memref<128x128xf32, #tpu.memory_space<vmem>>) target(%dma_start3A_59 : memref<128x128xf32, #tpu.memory_space<vmem_shared>>) target_semaphore(%run_scoped3A : memref<!tpu.dma_semaphore, #tpu.memory_space<semaphore_mem>>)
      %dma_wait3A = arith.constant 0 : i32
      %dma_wait3A_60 = tpu.memref_slice %arg11[%add3A_9, %dma_wait3A] : memref<10016x128xf32, #tpu.memory_space<vmem_shared>> -> memref<128x128xf32, #tpu.memory_space<vmem_shared>>
      %dma_wait3A_61 = arith.constant 0 : i32
      %dma_wait3A_62 = tpu.memref_slice %arg11[%add3A_9, %dma_wait3A_61] : memref<10016x128xf32, #tpu.memory_space<vmem_shared>> -> memref<128x128xf32, #tpu.memory_space<vmem_shared>>
      tpu.wait_dma2 semaphore(%run_scoped3A : memref<!tpu.dma_semaphore, #tpu.memory_space<semaphore_mem>>) src(%arg9 : memref<128x128xf32, #tpu.memory_space<vmem>>) dst(%dma_wait3A_62 : memref<128x128xf32, #tpu.memory_space<vmem_shared>>)
      tpu.yield
    }) : () -> ()
    %add3A_10 = arith.constant 128 : i32
    %add3A_11 = arith.addi %mul3A_7, %add3A_10 : i32
    "tpu.region"() ({
      %run_scoped3A = tpu.sem_alloc : memref<!tpu.dma_semaphore, #tpu.memory_space<semaphore_mem>>
      %dma_start3A_56 = arith.constant 0 : i32
      %dma_start3A_57 = tpu.memref_slice %arg11[%add3A_11, %dma_start3A_56] : memref<10016x128xf32, #tpu.memory_space<vmem_shared>> -> memref<128x128xf32, #tpu.memory_space<vmem_shared>>
      %dma_start3A_58 = arith.constant 0 : i32
      %dma_start3A_59 = tpu.memref_slice %arg11[%add3A_11, %dma_start3A_58] : memref<10016x128xf32, #tpu.memory_space<vmem_shared>> -> memref<128x128xf32, #tpu.memory_space<vmem_shared>>
      tpu.enqueue_dma source(%arg9 : memref<128x128xf32, #tpu.memory_space<vmem>>) target(%dma_start3A_59 : memref<128x128xf32, #tpu.memory_space<vmem_shared>>) target_semaphore(%run_scoped3A : memref<!tpu.dma_semaphore, #tpu.memory_space<semaphore_mem>>)
      %dma_wait3A = arith.constant 0 : i32
      %dma_wait3A_60 = tpu.memref_slice %arg11[%add3A_11, %dma_wait3A] : memref<10016x128xf32, #tpu.memory_space<vmem_shared>> -> memref<128x128xf32, #tpu.memory_space<vmem_shared>>
      %dma_wait3A_61 = arith.constant 0 : i32
      %dma_wait3A_62 = tpu.memref_slice %arg11[%add3A_11, %dma_wait3A_61] : memref<10016x128xf32, #tpu.memory_space<vmem_shared>> -> memref<128x128xf32, #tpu.memory_space<vmem_shared>>
      tpu.wait_dma2 semaphore(%run_scoped3A : memref<!tpu.dma_semaphore, #tpu.memory_space<semaphore_mem>>) src(%arg9 : memref<128x128xf32, #tpu.memory_space<vmem>>) dst(%dma_wait3A_62 : memref<128x128xf32, #tpu.memory_space<vmem_shared>>)
      tpu.yield
    }) : () -> ()
    %add3A_12 = arith.constant 256 : i32
    %add3A_13 = arith.addi %mul3A_7, %add3A_12 : i32
    "tpu.region"() ({
      %run_scoped3A = tpu.sem_alloc : memref<!tpu.dma_semaphore, #tpu.memory_space<semaphore_mem>>
      %dma_start3A_56 = arith.constant 0 : i32
      %dma_start3A_57 = tpu.memref_slice %arg11[%add3A_13, %dma_start3A_56] : memref<10016x128xf32, #tpu.memory_space<vmem_shared>> -> memref<128x128xf32, #tpu.memory_space<vmem_shared>>
      %dma_start3A_58 = arith.constant 0 : i32
      %dma_start3A_59 = tpu.memref_slice %arg11[%add3A_13, %dma_start3A_58] : memref<10016x128xf32, #tpu.memory_space<vmem_shared>> -> memref<128x128xf32, #tpu.memory_space<vmem_shared>>
      tpu.enqueue_dma source(%arg9 : memref<128x128xf32, #tpu.memory_space<vmem>>) target(%dma_start3A_59 : memref<128x128xf32, #tpu.memory_space<vmem_shared>>) target_semaphore(%run_scoped3A : memref<!tpu.dma_semaphore, #tpu.memory_space<semaphore_mem>>)
      %dma_wait3A = arith.constant 0 : i32
      %dma_wait3A_60 = tpu.memref_slice %arg11[%add3A_13, %dma_wait3A] : memref<10016x128xf32, #tpu.memory_space<vmem_shared>> -> memref<128x128xf32, #tpu.memory_space<vmem_shared>>
      %dma_wait3A_61 = arith.constant 0 : i32
      %dma_wait3A_62 = tpu.memref_slice %arg11[%add3A_13, %dma_wait3A_61] : memref<10016x128xf32, #tpu.memory_space<vmem_shared>> -> memref<128x128xf32, #tpu.memory_space<vmem_shared>>
      tpu.wait_dma2 semaphore(%run_scoped3A : memref<!tpu.dma_semaphore, #tpu.memory_space<semaphore_mem>>) src(%arg9 : memref<128x128xf32, #tpu.memory_space<vmem>>) dst(%dma_wait3A_62 : memref<128x128xf32, #tpu.memory_space<vmem_shared>>)
      tpu.yield
    }) : () -> ()
    %add3A_14 = arith.constant 384 : i32
    %add3A_15 = arith.addi %mul3A_7, %add3A_14 : i32
    "tpu.region"() ({
      %run_scoped3A = tpu.sem_alloc : memref<!tpu.dma_semaphore, #tpu.memory_space<semaphore_mem>>
      %dma_start3A_56 = arith.constant 0 : i32
      %dma_start3A_57 = tpu.memref_slice %arg11[%add3A_15, %dma_start3A_56] : memref<10016x128xf32, #tpu.memory_space<vmem_shared>> -> memref<128x128xf32, #tpu.memory_space<vmem_shared>>
      %dma_start3A_58 = arith.constant 0 : i32
      %dma_start3A_59 = tpu.memref_slice %arg11[%add3A_15, %dma_start3A_58] : memref<10016x128xf32, #tpu.memory_space<vmem_shared>> -> memref<128x128xf32, #tpu.memory_space<vmem_shared>>
      tpu.enqueue_dma source(%arg9 : memref<128x128xf32, #tpu.memory_space<vmem>>) target(%dma_start3A_59 : memref<128x128xf32, #tpu.memory_space<vmem_shared>>) target_semaphore(%run_scoped3A : memref<!tpu.dma_semaphore, #tpu.memory_space<semaphore_mem>>)
      %dma_wait3A = arith.constant 0 : i32
      %dma_wait3A_60 = tpu.memref_slice %arg11[%add3A_15, %dma_wait3A] : memref<10016x128xf32, #tpu.memory_space<vmem_shared>> -> memref<128x128xf32, #tpu.memory_space<vmem_shared>>
      %dma_wait3A_61 = arith.constant 0 : i32
      %dma_wait3A_62 = tpu.memref_slice %arg11[%add3A_15, %dma_wait3A_61] : memref<10016x128xf32, #tpu.memory_space<vmem_shared>> -> memref<128x128xf32, #tpu.memory_space<vmem_shared>>
      tpu.wait_dma2 semaphore(%run_scoped3A : memref<!tpu.dma_semaphore, #tpu.memory_space<semaphore_mem>>) src(%arg9 : memref<128x128xf32, #tpu.memory_space<vmem>>) dst(%dma_wait3A_62 : memref<128x128xf32, #tpu.memory_space<vmem_shared>>)
      tpu.yield
    }) : () -> ()
    %add3A_16 = arith.constant 512 : i32
    %add3A_17 = arith.addi %mul3A_7, %add3A_16 : i32
    "tpu.region"() ({
      %run_scoped3A = tpu.sem_alloc : memref<!tpu.dma_semaphore, #tpu.memory_space<semaphore_mem>>
      %dma_start3A_56 = arith.constant 0 : i32
      %dma_start3A_57 = arith.constant 0 : i32
      %dma_start3A_58 = tpu.memref_slice %arg9[%dma_start3A_56, %dma_start3A_57] : memref<128x128xf32, #tpu.memory_space<vmem>> -> memref<112x128xf32, #tpu.memory_space<vmem>>
      %dma_start3A_59 = arith.constant 0 : i32
      %dma_start3A_60 = tpu.memref_slice %arg11[%add3A_17, %dma_start3A_59] : memref<10016x128xf32, #tpu.memory_space<vmem_shared>> -> memref<112x128xf32, #tpu.memory_space<vmem_shared>>
      %dma_start3A_61 = arith.constant 0 : i32
      %dma_start3A_62 = tpu.memref_slice %arg11[%add3A_17, %dma_start3A_61] : memref<10016x128xf32, #tpu.memory_space<vmem_shared>> -> memref<112x128xf32, #tpu.memory_space<vmem_shared>>
      %dma_start3A_63 = arith.constant 0 : i32
      %dma_start3A_64 = arith.constant 0 : i32
      %dma_start3A_65 = tpu.memref_slice %arg9[%dma_start3A_63, %dma_start3A_64] : memref<128x128xf32, #tpu.memory_space<vmem>> -> memref<112x128xf32, #tpu.memory_space<vmem>>
      tpu.enqueue_dma source(%dma_start3A_65 : memref<112x128xf32, #tpu.memory_space<vmem>>) target(%dma_start3A_62 : memref<112x128xf32, #tpu.memory_space<vmem_shared>>) target_semaphore(%run_scoped3A : memref<!tpu.dma_semaphore, #tpu.memory_space<semaphore_mem>>)
      %dma_wait3A = arith.constant 0 : i32
      %dma_wait3A_66 = arith.constant 0 : i32
      %dma_wait3A_67 = tpu.memref_slice %arg9[%dma_wait3A, %dma_wait3A_66] : memref<128x128xf32, #tpu.memory_space<vmem>> -> memref<112x128xf32, #tpu.memory_space<vmem>>
      %dma_wait3A_68 = arith.constant 0 : i32
      %dma_wait3A_69 = tpu.memref_slice %arg11[%add3A_17, %dma_wait3A_68] : memref<10016x128xf32, #tpu.memory_space<vmem_shared>> -> memref<112x128xf32, #tpu.memory_space<vmem_shared>>
      %dma_wait3A_70 = arith.constant 0 : i32
      %dma_wait3A_71 = tpu.memref_slice %arg11[%add3A_17, %dma_wait3A_70] : memref<10016x128xf32, #tpu.memory_space<vmem_shared>> -> memref<112x128xf32, #tpu.memory_space<vmem_shared>>
      %dma_wait3A_72 = arith.constant 0 : i32
      %dma_wait3A_73 = arith.constant 0 : i32
      %dma_wait3A_74 = tpu.memref_slice %arg9[%dma_wait3A_72, %dma_wait3A_73] : memref<128x128xf32, #tpu.memory_space<vmem>> -> memref<112x128xf32, #tpu.memory_space<vmem>>
      tpu.wait_dma2 semaphore(%run_scoped3A : memref<!tpu.dma_semaphore, #tpu.memory_space<semaphore_mem>>) src(%dma_wait3A_74 : memref<112x128xf32, #tpu.memory_space<vmem>>) dst(%dma_wait3A_71 : memref<112x128xf32, #tpu.memory_space<vmem_shared>>)
      tpu.yield
    }) : () -> ()
    %eq3A = arith.constant 15 : i32
    %eq3A_18 = arith.cmpi eq, %arg1, %eq3A : i32
    %convert_element_type3A = arith.extui %eq3A_18 : i1 to i32
    %cond3A = arith.constant 0 : i32
    %cond3A_19 = arith.cmpi ne, %convert_element_type3A, %cond3A : i32
    scf.if %cond3A_19 {
      "tpu.region"() ({
        %run_scoped3A = tpu.sem_alloc : memref<!tpu.dma_semaphore, #tpu.memory_space<semaphore_mem>>
        %dma_start3A_56 = arith.constant 0 : i32
        %dma_start3A_57 = arith.constant 0 : i32
        %dma_start3A_58 = tpu.memref_slice %arg9[%dma_start3A_56, %dma_start3A_57] : memref<128x128xf32, #tpu.memory_space<vmem>> -> memref<32x128xf32, #tpu.memory_space<vmem>>
        %dma_start3A_59 = arith.constant 9984 : i32
        %dma_start3A_60 = arith.constant 0 : i32
        %dma_start3A_61 = tpu.memref_slice %arg11[%dma_start3A_59, %dma_start3A_60] : memref<10016x128xf32, #tpu.memory_space<vmem_shared>> -> memref<32x128xf32, #tpu.memory_space<vmem_shared>>
        %dma_start3A_62 = arith.constant 9984 : i32
        %dma_start3A_63 = arith.constant 0 : i32
        %dma_start3A_64 = tpu.memref_slice %arg11[%dma_start3A_62, %dma_start3A_63] : memref<10016x128xf32, #tpu.memory_space<vmem_shared>> -> memref<32x128xf32, #tpu.memory_space<vmem_shared>>
        %dma_start3A_65 = arith.constant 0 : i32
        %dma_start3A_66 = arith.constant 0 : i32
        %dma_start3A_67 = tpu.memref_slice %arg9[%dma_start3A_65, %dma_start3A_66] : memref<128x128xf32, #tpu.memory_space<vmem>> -> memref<32x128xf32, #tpu.memory_space<vmem>>
        tpu.enqueue_dma source(%dma_start3A_67 : memref<32x128xf32, #tpu.memory_space<vmem>>) target(%dma_start3A_64 : memref<32x128xf32, #tpu.memory_space<vmem_shared>>) target_semaphore(%run_scoped3A : memref<!tpu.dma_semaphore, #tpu.memory_space<semaphore_mem>>)
        %dma_wait3A = arith.constant 0 : i32
        %dma_wait3A_68 = arith.constant 0 : i32
        %dma_wait3A_69 = tpu.memref_slice %arg9[%dma_wait3A, %dma_wait3A_68] : memref<128x128xf32, #tpu.memory_space<vmem>> -> memref<32x128xf32, #tpu.memory_space<vmem>>
        %dma_wait3A_70 = arith.constant 9984 : i32
        %dma_wait3A_71 = arith.constant 0 : i32
        %dma_wait3A_72 = tpu.memref_slice %arg11[%dma_wait3A_70, %dma_wait3A_71] : memref<10016x128xf32, #tpu.memory_space<vmem_shared>> -> memref<32x128xf32, #tpu.memory_space<vmem_shared>>
        %dma_wait3A_73 = arith.constant 9984 : i32
        %dma_wait3A_74 = arith.constant 0 : i32
        %dma_wait3A_75 = tpu.memref_slice %arg11[%dma_wait3A_73, %dma_wait3A_74] : memref<10016x128xf32, #tpu.memory_space<vmem_shared>> -> memref<32x128xf32, #tpu.memory_space<vmem_shared>>
        %dma_wait3A_76 = arith.constant 0 : i32
        %dma_wait3A_77 = arith.constant 0 : i32
        %dma_wait3A_78 = tpu.memref_slice %arg9[%dma_wait3A_76, %dma_wait3A_77] : memref<128x128xf32, #tpu.memory_space<vmem>> -> memref<32x128xf32, #tpu.memory_space<vmem>>
        tpu.wait_dma2 semaphore(%run_scoped3A : memref<!tpu.dma_semaphore, #tpu.memory_space<semaphore_mem>>) src(%dma_wait3A_78 : memref<32x128xf32, #tpu.memory_space<vmem>>) dst(%dma_wait3A_75 : memref<32x128xf32, #tpu.memory_space<vmem_shared>>)
        tpu.yield
      }) : () -> ()
    } else {
    }
    %barrier3A = arith.constant 0 : index
    tpu.barrier barrier_id(%barrier3A)
    %mul3A_20 = arith.constant 80 : i32
    %mul3A_21 = arith.muli %add3A, %mul3A_20 : i32
    %add3A_22 = arith.constant 0 : i32
    %add3A_23 = arith.addi %mul3A_21, %add3A_22 : i32
    "tpu.region"() ({
      %run_scoped3A = tpu.sem_alloc : memref<!tpu.dma_semaphore, #tpu.memory_space<semaphore_mem>>
      %dma_start3A_56 = arith.constant 0 : i32
      %dma_start3A_57 = tpu.memref_slice %arg3[%add3A_23, %dma_start3A_56] : memref<2560x128xi32, #tpu.memory_space<hbm>> -> memref<8x128xi32, #tpu.memory_space<hbm>>
      %dma_start3A_58 = arith.constant 0 : i32
      %dma_start3A_59 = tpu.memref_slice %arg3[%add3A_23, %dma_start3A_58] : memref<2560x128xi32, #tpu.memory_space<hbm>> -> memref<8x128xi32, #tpu.memory_space<hbm>>
      tpu.enqueue_dma source(%dma_start3A_59 : memref<8x128xi32, #tpu.memory_space<hbm>>) target(%arg7 : memref<8x128xi32, #tpu.memory_space<vmem>>) target_semaphore(%run_scoped3A : memref<!tpu.dma_semaphore, #tpu.memory_space<semaphore_mem>>)
      %dma_wait3A = arith.constant 0 : i32
      %dma_wait3A_60 = tpu.memref_slice %arg3[%add3A_23, %dma_wait3A] : memref<2560x128xi32, #tpu.memory_space<hbm>> -> memref<8x128xi32, #tpu.memory_space<hbm>>
      %dma_wait3A_61 = arith.constant 0 : i32
      %dma_wait3A_62 = tpu.memref_slice %arg3[%add3A_23, %dma_wait3A_61] : memref<2560x128xi32, #tpu.memory_space<hbm>> -> memref<8x128xi32, #tpu.memory_space<hbm>>
      tpu.wait_dma2 semaphore(%run_scoped3A : memref<!tpu.dma_semaphore, #tpu.memory_space<semaphore_mem>>) src(%dma_wait3A_62 : memref<8x128xi32, #tpu.memory_space<hbm>>) dst(%arg7 : memref<8x128xi32, #tpu.memory_space<vmem>>)
      tpu.yield
    }) : () -> ()
    "tpu.region"() ({
      %run_scoped3A = tpu.sem_alloc : memref<!tpu.dma_semaphore, #tpu.memory_space<semaphore_mem>>
      %dma_start3A_56 = arith.constant 0 : i32
      %dma_start3A_57 = tpu.memref_slice %arg4[%add3A_23, %dma_start3A_56] : memref<2560x128xi32, #tpu.memory_space<hbm>> -> memref<8x128xi32, #tpu.memory_space<hbm>>
      %dma_start3A_58 = arith.constant 0 : i32
      %dma_start3A_59 = tpu.memref_slice %arg4[%add3A_23, %dma_start3A_58] : memref<2560x128xi32, #tpu.memory_space<hbm>> -> memref<8x128xi32, #tpu.memory_space<hbm>>
      tpu.enqueue_dma source(%dma_start3A_59 : memref<8x128xi32, #tpu.memory_space<hbm>>) target(%arg8 : memref<8x128xi32, #tpu.memory_space<vmem>>) target_semaphore(%run_scoped3A : memref<!tpu.dma_semaphore, #tpu.memory_space<semaphore_mem>>)
      %dma_wait3A = arith.constant 0 : i32
      %dma_wait3A_60 = tpu.memref_slice %arg4[%add3A_23, %dma_wait3A] : memref<2560x128xi32, #tpu.memory_space<hbm>> -> memref<8x128xi32, #tpu.memory_space<hbm>>
      %dma_wait3A_61 = arith.constant 0 : i32
      %dma_wait3A_62 = tpu.memref_slice %arg4[%add3A_23, %dma_wait3A_61] : memref<2560x128xi32, #tpu.memory_space<hbm>> -> memref<8x128xi32, #tpu.memory_space<hbm>>
      tpu.wait_dma2 semaphore(%run_scoped3A : memref<!tpu.dma_semaphore, #tpu.memory_space<semaphore_mem>>) src(%dma_wait3A_62 : memref<8x128xi32, #tpu.memory_space<hbm>>) dst(%arg8 : memref<8x128xi32, #tpu.memory_space<vmem>>)
      tpu.yield
    }) : () -> ()
    %dma_start3A = arith.constant 0 : i32
    %dma_start3A_24 = arith.constant 0 : i32
    %dma_start3A_25 = tpu.memref_slice %arg7[%dma_start3A, %dma_start3A_24] : memref<8x128xi32, #tpu.memory_space<vmem>> -> memref<1x128xi32, #tpu.memory_space<vmem>>
    %dma_start3A_26 = tpu.memref_squeeze %dma_start3A_25 : memref<1x128xi32, #tpu.memory_space<vmem>> -> memref<128xi32, #tpu.memory_space<vmem>>
    %dma_start3A_27 = arith.constant 0 : i32
    %dma_start3A_28 = arith.constant 0 : i32
    %dma_start3A_29 = tpu.memref_slice %arg2[%dma_start3A_27, %dma_start3A_28] : memref<10000x128xf32, #tpu.memory_space<hbm>> -> memref<10000x128xf32, #tpu.memory_space<hbm>>
    tpu.enqueue_indirect_dma source(%dma_start3A_29 : memref<10000x128xf32, #tpu.memory_space<hbm>>) target(%arg9 : memref<128x128xf32, #tpu.memory_space<vmem>>) offsets(%dma_start3A_26 : memref<128xi32, #tpu.memory_space<vmem>>) semaphore(%arg12 : memref<!tpu.dma_semaphore, #tpu.memory_space<semaphore_mem>>)
    %dma_start3A_30 = arith.constant 1 : i32
    %dma_start3A_31 = arith.constant 0 : i32
    %dma_start3A_32 = tpu.memref_slice %arg7[%dma_start3A_30, %dma_start3A_31] : memref<8x128xi32, #tpu.memory_space<vmem>> -> memref<1x128xi32, #tpu.memory_space<vmem>>
    %dma_start3A_33 = tpu.memref_squeeze %dma_start3A_32 : memref<1x128xi32, #tpu.memory_space<vmem>> -> memref<128xi32, #tpu.memory_space<vmem>>
    %dma_start3A_34 = arith.constant 0 : i32
    %dma_start3A_35 = arith.constant 0 : i32
    %dma_start3A_36 = tpu.memref_slice %arg2[%dma_start3A_34, %dma_start3A_35] : memref<10000x128xf32, #tpu.memory_space<hbm>> -> memref<10000x128xf32, #tpu.memory_space<hbm>>
    tpu.enqueue_indirect_dma source(%dma_start3A_36 : memref<10000x128xf32, #tpu.memory_space<hbm>>) target(%arg10 : memref<128x128xf32, #tpu.memory_space<vmem>>) offsets(%dma_start3A_33 : memref<128xi32, #tpu.memory_space<vmem>>) semaphore(%arg13 : memref<!tpu.dma_semaphore, #tpu.memory_space<semaphore_mem>>)
    %scan3A_37 = arith.constant 0 : i32
    %scan3A_38 = arith.constant 0 : i32
    %scan3A_39 = arith.constant 40 : i32
    %scan3A_40 = arith.addi %scan3A_38, %scan3A_39 : i32
    %scan3A_41 = arith.constant 1 : i32
    scf.for %scan3A_56 = %scan3A_38 to %scan3A_40 step %scan3A_41  : i32 {
      %mul3A_57 = arith.constant 2 : i32
      %mul3A_58 = arith.muli %mul3A_57, %scan3A_56 : i32
      %mul3A_59 = arith.constant 2 : i32
      %mul3A_60 = arith.muli %mul3A_59, %scan3A_56 : i32
      %add3A_61 = arith.constant 1 : i32
      %add3A_62 = arith.addi %mul3A_60, %add3A_61 : i32
      %jit3A = arith.constant 8 : i32
      %eq3A_63 = arith.constant 0 : i32
      %eq3A_64 = arith.cmpi eq, %jit3A, %eq3A_63 : i32
      %jit3A_65 = arith.constant 1 : i32
      %select_n3A = arith.select %eq3A_64, %jit3A_65, %jit3A : i32
      %rem3A = arith.remsi %mul3A_58, %select_n3A : i32
      %ne3A = arith.constant 0 : i32
      %ne3A_66 = arith.cmpi ne, %rem3A, %ne3A : i32
      %lt3A = arith.constant 0 : i32
      %lt3A_67 = arith.cmpi slt, %rem3A, %lt3A : i32
      %lt3A_68 = arith.constant 0 : i32
      %lt3A_69 = arith.cmpi slt, %select_n3A, %lt3A_68 : i32
      %ne3A_70 = arith.xori %lt3A_67, %lt3A_69 : i1
      %and3A = arith.andi %ne3A_70, %ne3A_66 : i1
      %add3A_71 = arith.addi %rem3A, %select_n3A : i32
      %select_n3A_72 = arith.select %and3A, %add3A_71, %rem3A : i32
      %jit3A_73 = arith.constant 8 : i32
      %eq3A_74 = arith.constant 0 : i32
      %eq3A_75 = arith.cmpi eq, %jit3A_73, %eq3A_74 : i32
      %jit3A_76 = arith.constant 1 : i32
      %select_n3A_77 = arith.select %eq3A_75, %jit3A_76, %jit3A_73 : i32
      %rem3A_78 = arith.remsi %add3A_62, %select_n3A_77 : i32
      %ne3A_79 = arith.constant 0 : i32
      %ne3A_80 = arith.cmpi ne, %rem3A_78, %ne3A_79 : i32
      %lt3A_81 = arith.constant 0 : i32
      %lt3A_82 = arith.cmpi slt, %rem3A_78, %lt3A_81 : i32
      %lt3A_83 = arith.constant 0 : i32
      %lt3A_84 = arith.cmpi slt, %select_n3A_77, %lt3A_83 : i32
      %ne3A_85 = arith.xori %lt3A_82, %lt3A_84 : i1
      %and3A_86 = arith.andi %ne3A_85, %ne3A_80 : i1
      %add3A_87 = arith.addi %rem3A_78, %select_n3A_77 : i32
      %select_n3A_88 = arith.select %and3A_86, %add3A_87, %rem3A_78 : i32
      %dma_wait3A = arith.constant 0 : i32
      %dma_wait3A_89 = tpu.memref_slice %arg7[%select_n3A_72, %dma_wait3A] : memref<8x128xi32, #tpu.memory_space<vmem>> -> memref<1x128xi32, #tpu.memory_space<vmem>>
      %dma_wait3A_90 = tpu.memref_squeeze %dma_wait3A_89 : memref<1x128xi32, #tpu.memory_space<vmem>> -> memref<128xi32, #tpu.memory_space<vmem>>
      %dma_wait3A_91 = arith.constant 0 : i32
      %dma_wait3A_92 = arith.constant 0 : i32
      %dma_wait3A_93 = tpu.memref_slice %arg2[%dma_wait3A_91, %dma_wait3A_92] : memref<10000x128xf32, #tpu.memory_space<hbm>> -> memref<10000x128xf32, #tpu.memory_space<hbm>>
      tpu.wait_indirect_dma semaphore(%arg12 : memref<!tpu.dma_semaphore, #tpu.memory_space<semaphore_mem>>) src(%dma_wait3A_93 : memref<10000x128xf32, #tpu.memory_space<hbm>>) dst(%arg9 : memref<128x128xf32, #tpu.memory_space<vmem>>)
      %dma_start3A_94 = arith.constant 0 : i32
      %dma_start3A_95 = tpu.memref_slice %arg8[%select_n3A_72, %dma_start3A_94] : memref<8x128xi32, #tpu.memory_space<vmem>> -> memref<1x128xi32, #tpu.memory_space<vmem>>
      %dma_start3A_96 = tpu.memref_squeeze %dma_start3A_95 : memref<1x128xi32, #tpu.memory_space<vmem>> -> memref<128xi32, #tpu.memory_space<vmem>>
      %dma_start3A_97 = arith.constant 0 : i32
      %dma_start3A_98 = arith.constant 0 : i32
      %dma_start3A_99 = tpu.memref_slice %arg11[%dma_start3A_97, %dma_start3A_98] : memref<10016x128xf32, #tpu.memory_space<vmem_shared>> -> memref<10016x128xf32, #tpu.memory_space<vmem_shared>>
      tpu.enqueue_indirect_dma source(%arg9 : memref<128x128xf32, #tpu.memory_space<vmem>>) target(%dma_start3A_99 : memref<10016x128xf32, #tpu.memory_space<vmem_shared>>) offsets(%dma_start3A_96 : memref<128xi32, #tpu.memory_space<vmem>>) semaphore(%arg14 : memref<!tpu.dma_semaphore, #tpu.memory_space<semaphore_mem>>) {add = true}
      %dma_wait3A_100 = arith.constant 0 : i32
      %dma_wait3A_101 = tpu.memref_slice %arg7[%select_n3A_88, %dma_wait3A_100] : memref<8x128xi32, #tpu.memory_space<vmem>> -> memref<1x128xi32, #tpu.memory_space<vmem>>
      %dma_wait3A_102 = tpu.memref_squeeze %dma_wait3A_101 : memref<1x128xi32, #tpu.memory_space<vmem>> -> memref<128xi32, #tpu.memory_space<vmem>>
      %dma_wait3A_103 = arith.constant 0 : i32
      %dma_wait3A_104 = arith.constant 0 : i32
      %dma_wait3A_105 = tpu.memref_slice %arg2[%dma_wait3A_103, %dma_wait3A_104] : memref<10000x128xf32, #tpu.memory_space<hbm>> -> memref<10000x128xf32, #tpu.memory_space<hbm>>
      tpu.wait_indirect_dma semaphore(%arg13 : memref<!tpu.dma_semaphore, #tpu.memory_space<semaphore_mem>>) src(%dma_wait3A_105 : memref<10000x128xf32, #tpu.memory_space<hbm>>) dst(%arg10 : memref<128x128xf32, #tpu.memory_space<vmem>>)
      %dma_start3A_106 = arith.constant 0 : i32
      %dma_start3A_107 = tpu.memref_slice %arg8[%select_n3A_88, %dma_start3A_106] : memref<8x128xi32, #tpu.memory_space<vmem>> -> memref<1x128xi32, #tpu.memory_space<vmem>>
      %dma_start3A_108 = tpu.memref_squeeze %dma_start3A_107 : memref<1x128xi32, #tpu.memory_space<vmem>> -> memref<128xi32, #tpu.memory_space<vmem>>
      %dma_start3A_109 = arith.constant 0 : i32
      %dma_start3A_110 = arith.constant 0 : i32
      %dma_start3A_111 = tpu.memref_slice %arg11[%dma_start3A_109, %dma_start3A_110] : memref<10016x128xf32, #tpu.memory_space<vmem_shared>> -> memref<10016x128xf32, #tpu.memory_space<vmem_shared>>
      tpu.enqueue_indirect_dma source(%arg10 : memref<128x128xf32, #tpu.memory_space<vmem>>) target(%dma_start3A_111 : memref<10016x128xf32, #tpu.memory_space<vmem_shared>>) offsets(%dma_start3A_108 : memref<128xi32, #tpu.memory_space<vmem>>) semaphore(%arg15 : memref<!tpu.dma_semaphore, #tpu.memory_space<semaphore_mem>>) {add = true}
      %dma_wait3A_112 = arith.constant 0 : i32
      %dma_wait3A_113 = tpu.memref_slice %arg8[%select_n3A_72, %dma_wait3A_112] : memref<8x128xi32, #tpu.memory_space<vmem>> -> memref<1x128xi32, #tpu.memory_space<vmem>>
      %dma_wait3A_114 = tpu.memref_squeeze %dma_wait3A_113 : memref<1x128xi32, #tpu.memory_space<vmem>> -> memref<128xi32, #tpu.memory_space<vmem>>
      %dma_wait3A_115 = arith.constant 0 : i32
      %dma_wait3A_116 = arith.constant 0 : i32
      %dma_wait3A_117 = tpu.memref_slice %arg11[%dma_wait3A_115, %dma_wait3A_116] : memref<10016x128xf32, #tpu.memory_space<vmem_shared>> -> memref<10016x128xf32, #tpu.memory_space<vmem_shared>>
      tpu.wait_indirect_dma semaphore(%arg14 : memref<!tpu.dma_semaphore, #tpu.memory_space<semaphore_mem>>) src(%arg9 : memref<128x128xf32, #tpu.memory_space<vmem>>) dst(%dma_wait3A_117 : memref<10016x128xf32, #tpu.memory_space<vmem_shared>>)
      %dma_wait3A_118 = arith.constant 0 : i32
      %dma_wait3A_119 = tpu.memref_slice %arg8[%select_n3A_88, %dma_wait3A_118] : memref<8x128xi32, #tpu.memory_space<vmem>> -> memref<1x128xi32, #tpu.memory_space<vmem>>
      %dma_wait3A_120 = tpu.memref_squeeze %dma_wait3A_119 : memref<1x128xi32, #tpu.memory_space<vmem>> -> memref<128xi32, #tpu.memory_space<vmem>>
      %dma_wait3A_121 = arith.constant 0 : i32
      %dma_wait3A_122 = arith.constant 0 : i32
      %dma_wait3A_123 = tpu.memref_slice %arg11[%dma_wait3A_121, %dma_wait3A_122] : memref<10016x128xf32, #tpu.memory_space<vmem_shared>> -> memref<10016x128xf32, #tpu.memory_space<vmem_shared>>
      tpu.wait_indirect_dma semaphore(%arg15 : memref<!tpu.dma_semaphore, #tpu.memory_space<semaphore_mem>>) src(%arg10 : memref<128x128xf32, #tpu.memory_space<vmem>>) dst(%dma_wait3A_123 : memref<10016x128xf32, #tpu.memory_space<vmem_shared>>)
      %lt3A_124 = arith.constant 39 : i32
      %lt3A_125 = arith.cmpi slt, %scan3A_56, %lt3A_124 : i32
      %add3A_126 = arith.constant 2 : i32
      %add3A_127 = arith.addi %mul3A_58, %add3A_126 : i32
      %jit3A_128 = arith.constant 8 : i32
      %eq3A_129 = arith.constant 0 : i32
      %eq3A_130 = arith.cmpi eq, %jit3A_128, %eq3A_129 : i32
      %jit3A_131 = arith.constant 1 : i32
      %select_n3A_132 = arith.select %eq3A_130, %jit3A_131, %jit3A_128 : i32
      %rem3A_133 = arith.remsi %add3A_127, %select_n3A_132 : i32
      %ne3A_134 = arith.constant 0 : i32
      %ne3A_135 = arith.cmpi ne, %rem3A_133, %ne3A_134 : i32
      %lt3A_136 = arith.constant 0 : i32
      %lt3A_137 = arith.cmpi slt, %rem3A_133, %lt3A_136 : i32
      %lt3A_138 = arith.constant 0 : i32
      %lt3A_139 = arith.cmpi slt, %select_n3A_132, %lt3A_138 : i32
      %ne3A_140 = arith.xori %lt3A_137, %lt3A_139 : i1
      %and3A_141 = arith.andi %ne3A_140, %ne3A_135 : i1
      %add3A_142 = arith.addi %rem3A_133, %select_n3A_132 : i32
      %select_n3A_143 = arith.select %and3A_141, %add3A_142, %rem3A_133 : i32
      %eq3A_144 = arith.constant 0 : i32
      %eq3A_145 = arith.cmpi eq, %select_n3A_143, %eq3A_144 : i32
      %and3A_146 = arith.andi %lt3A_125, %eq3A_145 : i1
      %convert_element_type3A_147 = arith.extui %and3A_146 : i1 to i32
      %cond3A_148 = arith.constant 0 : i32
      %cond3A_149 = arith.cmpi ne, %convert_element_type3A_147, %cond3A_148 : i32
      scf.if %cond3A_149 {
        %add3A_155 = arith.constant 2 : i32
        %add3A_156 = arith.addi %mul3A_58, %add3A_155 : i32
        %jit3A_157 = arith.constant 8 : i32
        %div3A = arith.divsi %add3A_156, %jit3A_157 : i32
        %sign3A = arith.constant 0 : i32
        %sign3A_158 = arith.cmpi sgt, %add3A_156, %sign3A : i32
        %sign3A_159 = arith.extui %sign3A_158 : i1 to i32
        %sign3A_160 = arith.constant 0 : i32
        %sign3A_161 = arith.cmpi slt, %add3A_156, %sign3A_160 : i32
        %sign3A_162 = arith.extui %sign3A_161 : i1 to i32
        %sign3A_163 = arith.subi %sign3A_159, %sign3A_162 : i32
        %sign3A_164 = arith.constant 0 : i32
        %sign3A_165 = arith.cmpi sgt, %jit3A_157, %sign3A_164 : i32
        %sign3A_166 = arith.extui %sign3A_165 : i1 to i32
        %sign3A_167 = arith.constant 0 : i32
        %sign3A_168 = arith.cmpi slt, %jit3A_157, %sign3A_167 : i32
        %sign3A_169 = arith.extui %sign3A_168 : i1 to i32
        %sign3A_170 = arith.subi %sign3A_166, %sign3A_169 : i32
        %ne3A_171 = arith.cmpi ne, %sign3A_163, %sign3A_170 : i32
        %rem3A_172 = arith.remsi %add3A_156, %jit3A_157 : i32
        %ne3A_173 = arith.constant 0 : i32
        %ne3A_174 = arith.cmpi ne, %rem3A_172, %ne3A_173 : i32
        %and3A_175 = arith.andi %ne3A_171, %ne3A_174 : i1
        %sub3A = arith.constant 1 : i32
        %sub3A_176 = arith.subi %div3A, %sub3A : i32
        %select_n3A_177 = arith.select %and3A_175, %sub3A_176, %div3A : i32
        %mul3A_178 = arith.constant 80 : i32
        %mul3A_179 = arith.muli %add3A, %mul3A_178 : i32
        %mul3A_180 = arith.constant 8 : i32
        %mul3A_181 = arith.muli %select_n3A_177, %mul3A_180 : i32
        %add3A_182 = arith.addi %mul3A_179, %mul3A_181 : i32
        "tpu.region"() ({
          %run_scoped3A = tpu.sem_alloc : memref<!tpu.dma_semaphore, #tpu.memory_space<semaphore_mem>>
          %dma_start3A_183 = arith.constant 0 : i32
          %dma_start3A_184 = tpu.memref_slice %arg3[%add3A_182, %dma_start3A_183] : memref<2560x128xi32, #tpu.memory_space<hbm>> -> memref<8x128xi32, #tpu.memory_space<hbm>>
          %dma_start3A_185 = arith.constant 0 : i32
          %dma_start3A_186 = tpu.memref_slice %arg3[%add3A_182, %dma_start3A_185] : memref<2560x128xi32, #tpu.memory_space<hbm>> -> memref<8x128xi32, #tpu.memory_space<hbm>>
          tpu.enqueue_dma source(%dma_start3A_186 : memref<8x128xi32, #tpu.memory_space<hbm>>) target(%arg7 : memref<8x128xi32, #tpu.memory_space<vmem>>) target_semaphore(%run_scoped3A : memref<!tpu.dma_semaphore, #tpu.memory_space<semaphore_mem>>)
          %dma_wait3A_187 = arith.constant 0 : i32
          %dma_wait3A_188 = tpu.memref_slice %arg3[%add3A_182, %dma_wait3A_187] : memref<2560x128xi32, #tpu.memory_space<hbm>> -> memref<8x128xi32, #tpu.memory_space<hbm>>
          %dma_wait3A_189 = arith.constant 0 : i32
          %dma_wait3A_190 = tpu.memref_slice %arg3[%add3A_182, %dma_wait3A_189] : memref<2560x128xi32, #tpu.memory_space<hbm>> -> memref<8x128xi32, #tpu.memory_space<hbm>>
          tpu.wait_dma2 semaphore(%run_scoped3A : memref<!tpu.dma_semaphore, #tpu.memory_space<semaphore_mem>>) src(%dma_wait3A_190 : memref<8x128xi32, #tpu.memory_space<hbm>>) dst(%arg7 : memref<8x128xi32, #tpu.memory_space<vmem>>)
          tpu.yield
        }) : () -> ()
        "tpu.region"() ({
          %run_scoped3A = tpu.sem_alloc : memref<!tpu.dma_semaphore, #tpu.memory_space<semaphore_mem>>
          %dma_start3A_183 = arith.constant 0 : i32
          %dma_start3A_184 = tpu.memref_slice %arg4[%add3A_182, %dma_start3A_183] : memref<2560x128xi32, #tpu.memory_space<hbm>> -> memref<8x128xi32, #tpu.memory_space<hbm>>
          %dma_start3A_185 = arith.constant 0 : i32
          %dma_start3A_186 = tpu.memref_slice %arg4[%add3A_182, %dma_start3A_185] : memref<2560x128xi32, #tpu.memory_space<hbm>> -> memref<8x128xi32, #tpu.memory_space<hbm>>
          tpu.enqueue_dma source(%dma_start3A_186 : memref<8x128xi32, #tpu.memory_space<hbm>>) target(%arg8 : memref<8x128xi32, #tpu.memory_space<vmem>>) target_semaphore(%run_scoped3A : memref<!tpu.dma_semaphore, #tpu.memory_space<semaphore_mem>>)
          %dma_wait3A_187 = arith.constant 0 : i32
          %dma_wait3A_188 = tpu.memref_slice %arg4[%add3A_182, %dma_wait3A_187] : memref<2560x128xi32, #tpu.memory_space<hbm>> -> memref<8x128xi32, #tpu.memory_space<hbm>>
          %dma_wait3A_189 = arith.constant 0 : i32
          %dma_wait3A_190 = tpu.memref_slice %arg4[%add3A_182, %dma_wait3A_189] : memref<2560x128xi32, #tpu.memory_space<hbm>> -> memref<8x128xi32, #tpu.memory_space<hbm>>
          tpu.wait_dma2 semaphore(%run_scoped3A : memref<!tpu.dma_semaphore, #tpu.memory_space<semaphore_mem>>) src(%dma_wait3A_190 : memref<8x128xi32, #tpu.memory_space<hbm>>) dst(%arg8 : memref<8x128xi32, #tpu.memory_space<vmem>>)
          tpu.yield
        }) : () -> ()
      } else {
      }
      %lt3A_150 = arith.constant 39 : i32
      %lt3A_151 = arith.cmpi slt, %scan3A_56, %lt3A_150 : i32
      %convert_element_type3A_152 = arith.extui %lt3A_151 : i1 to i32
      %cond3A_153 = arith.constant 0 : i32
      %cond3A_154 = arith.cmpi ne, %convert_element_type3A_152, %cond3A_153 : i32
      scf.if %cond3A_154 {
        %add3A_155 = arith.constant 2 : i32
        %add3A_156 = arith.addi %mul3A_58, %add3A_155 : i32
        %jit3A_157 = arith.constant 8 : i32
        %eq3A_158 = arith.constant 0 : i32
        %eq3A_159 = arith.cmpi eq, %jit3A_157, %eq3A_158 : i32
        %jit3A_160 = arith.constant 1 : i32
        %select_n3A_161 = arith.select %eq3A_159, %jit3A_160, %jit3A_157 : i32
        %rem3A_162 = arith.remsi %add3A_156, %select_n3A_161 : i32
        %ne3A_163 = arith.constant 0 : i32
        %ne3A_164 = arith.cmpi ne, %rem3A_162, %ne3A_163 : i32
        %lt3A_165 = arith.constant 0 : i32
        %lt3A_166 = arith.cmpi slt, %rem3A_162, %lt3A_165 : i32
        %lt3A_167 = arith.constant 0 : i32
        %lt3A_168 = arith.cmpi slt, %select_n3A_161, %lt3A_167 : i32
        %ne3A_169 = arith.xori %lt3A_166, %lt3A_168 : i1
        %and3A_170 = arith.andi %ne3A_169, %ne3A_164 : i1
        %add3A_171 = arith.addi %rem3A_162, %select_n3A_161 : i32
        %select_n3A_172 = arith.select %and3A_170, %add3A_171, %rem3A_162 : i32
        %dma_start3A_173 = arith.constant 0 : i32
        %dma_start3A_174 = tpu.memref_slice %arg7[%select_n3A_172, %dma_start3A_173] : memref<8x128xi32, #tpu.memory_space<vmem>> -> memref<1x128xi32, #tpu.memory_space<vmem>>
        %dma_start3A_175 = tpu.memref_squeeze %dma_start3A_174 : memref<1x128xi32, #tpu.memory_space<vmem>> -> memref<128xi32, #tpu.memory_space<vmem>>
        %dma_start3A_176 = arith.constant 0 : i32
        %dma_start3A_177 = arith.constant 0 : i32
        %dma_start3A_178 = tpu.memref_slice %arg2[%dma_start3A_176, %dma_start3A_177] : memref<10000x128xf32, #tpu.memory_space<hbm>> -> memref<10000x128xf32, #tpu.memory_space<hbm>>
        tpu.enqueue_indirect_dma source(%dma_start3A_178 : memref<10000x128xf32, #tpu.memory_space<hbm>>) target(%arg9 : memref<128x128xf32, #tpu.memory_space<vmem>>) offsets(%dma_start3A_175 : memref<128xi32, #tpu.memory_space<vmem>>) semaphore(%arg12 : memref<!tpu.dma_semaphore, #tpu.memory_space<semaphore_mem>>)
        %add3A_179 = arith.constant 2 : i32
        %add3A_180 = arith.addi %add3A_62, %add3A_179 : i32
        %jit3A_181 = arith.constant 8 : i32
        %eq3A_182 = arith.constant 0 : i32
        %eq3A_183 = arith.cmpi eq, %jit3A_181, %eq3A_182 : i32
        %jit3A_184 = arith.constant 1 : i32
        %select_n3A_185 = arith.select %eq3A_183, %jit3A_184, %jit3A_181 : i32
        %rem3A_186 = arith.remsi %add3A_180, %select_n3A_185 : i32
        %ne3A_187 = arith.constant 0 : i32
        %ne3A_188 = arith.cmpi ne, %rem3A_186, %ne3A_187 : i32
        %lt3A_189 = arith.constant 0 : i32
        %lt3A_190 = arith.cmpi slt, %rem3A_186, %lt3A_189 : i32
        %lt3A_191 = arith.constant 0 : i32
        %lt3A_192 = arith.cmpi slt, %select_n3A_185, %lt3A_191 : i32
        %ne3A_193 = arith.xori %lt3A_190, %lt3A_192 : i1
        %and3A_194 = arith.andi %ne3A_193, %ne3A_188 : i1
        %add3A_195 = arith.addi %rem3A_186, %select_n3A_185 : i32
        %select_n3A_196 = arith.select %and3A_194, %add3A_195, %rem3A_186 : i32
        %dma_start3A_197 = arith.constant 0 : i32
        %dma_start3A_198 = tpu.memref_slice %arg7[%select_n3A_196, %dma_start3A_197] : memref<8x128xi32, #tpu.memory_space<vmem>> -> memref<1x128xi32, #tpu.memory_space<vmem>>
        %dma_start3A_199 = tpu.memref_squeeze %dma_start3A_198 : memref<1x128xi32, #tpu.memory_space<vmem>> -> memref<128xi32, #tpu.memory_space<vmem>>
        %dma_start3A_200 = arith.constant 0 : i32
        %dma_start3A_201 = arith.constant 0 : i32
        %dma_start3A_202 = tpu.memref_slice %arg2[%dma_start3A_200, %dma_start3A_201] : memref<10000x128xf32, #tpu.memory_space<hbm>> -> memref<10000x128xf32, #tpu.memory_space<hbm>>
        tpu.enqueue_indirect_dma source(%dma_start3A_202 : memref<10000x128xf32, #tpu.memory_space<hbm>>) target(%arg10 : memref<128x128xf32, #tpu.memory_space<vmem>>) offsets(%dma_start3A_199 : memref<128xi32, #tpu.memory_space<vmem>>) semaphore(%arg13 : memref<!tpu.dma_semaphore, #tpu.memory_space<semaphore_mem>>)
      } else {
      }
    }
    %scan3A_42 = arith.constant 40 : i32
    %barrier3A_43 = arith.constant 0 : index
    tpu.barrier barrier_id(%barrier3A_43)
    %mul3A_44 = arith.constant 624 : i32
    %mul3A_45 = arith.muli %arg1, %mul3A_44 : i32
    %eq3A_46 = arith.constant 0 : i32
    %eq3A_47 = arith.cmpi eq, %arg0, %eq3A_46 : i32
    %convert_element_type3A_48 = arith.extui %eq3A_47 : i1 to i32
    %cond3A_49 = arith.constant 0 : i32
    %cond3A_50 = arith.cmpi ne, %convert_element_type3A_48, %cond3A_49 : i32
    scf.if %cond3A_50 {
      "tpu.region"() ({
        %run_scoped3A = tpu.sem_alloc : memref<!tpu.dma_semaphore, #tpu.memory_space<semaphore_mem>>
        %dma_start3A_61 = arith.constant 0 : i32
        %dma_start3A_62 = tpu.memref_slice %arg5[%mul3A_45, %dma_start3A_61] : memref<10000x128xf32, #tpu.memory_space<hbm>> -> memref<624x128xf32, #tpu.memory_space<hbm>>
        %dma_start3A_63 = arith.constant 0 : i32
        %dma_start3A_64 = tpu.memref_slice %arg11[%mul3A_45, %dma_start3A_63] : memref<10016x128xf32, #tpu.memory_space<vmem_shared>> -> memref<624x128xf32, #tpu.memory_space<vmem_shared>>
        tpu.enqueue_dma source(%dma_start3A_64 : memref<624x128xf32, #tpu.memory_space<vmem_shared>>) target(%dma_start3A_62 : memref<624x128xf32, #tpu.memory_space<hbm>>) target_semaphore(%run_scoped3A : memref<!tpu.dma_semaphore, #tpu.memory_space<semaphore_mem>>)
        %dma_wait3A = arith.constant 0 : i32
        %dma_wait3A_65 = tpu.memref_slice %arg5[%mul3A_45, %dma_wait3A] : memref<10000x128xf32, #tpu.memory_space<hbm>> -> memref<624x128xf32, #tpu.memory_space<hbm>>
        %dma_wait3A_66 = arith.constant 0 : i32
        %dma_wait3A_67 = tpu.memref_slice %arg11[%mul3A_45, %dma_wait3A_66] : memref<10016x128xf32, #tpu.memory_space<vmem_shared>> -> memref<624x128xf32, #tpu.memory_space<vmem_shared>>
        tpu.wait_dma2 semaphore(%run_scoped3A : memref<!tpu.dma_semaphore, #tpu.memory_space<semaphore_mem>>) src(%dma_wait3A_67 : memref<624x128xf32, #tpu.memory_space<vmem_shared>>) dst(%dma_wait3A_65 : memref<624x128xf32, #tpu.memory_space<hbm>>)
        tpu.yield
      }) : () -> ()
      %eq3A_56 = arith.constant 15 : i32
      %eq3A_57 = arith.cmpi eq, %arg1, %eq3A_56 : i32
      %convert_element_type3A_58 = arith.extui %eq3A_57 : i1 to i32
      %cond3A_59 = arith.constant 0 : i32
      %cond3A_60 = arith.cmpi ne, %convert_element_type3A_58, %cond3A_59 : i32
      scf.if %cond3A_60 {
        "tpu.region"() ({
          %run_scoped3A = tpu.sem_alloc : memref<!tpu.dma_semaphore, #tpu.memory_space<semaphore_mem>>
          %dma_start3A_61 = arith.constant 9984 : i32
          %dma_start3A_62 = arith.constant 0 : i32
          %dma_start3A_63 = tpu.memref_slice %arg5[%dma_start3A_61, %dma_start3A_62] : memref<10000x128xf32, #tpu.memory_space<hbm>> -> memref<16x128xf32, #tpu.memory_space<hbm>>
          %dma_start3A_64 = arith.constant 9984 : i32
          %dma_start3A_65 = arith.constant 0 : i32
          %dma_start3A_66 = tpu.memref_slice %arg11[%dma_start3A_64, %dma_start3A_65] : memref<10016x128xf32, #tpu.memory_space<vmem_shared>> -> memref<16x128xf32, #tpu.memory_space<vmem_shared>>
          tpu.enqueue_dma source(%dma_start3A_66 : memref<16x128xf32, #tpu.memory_space<vmem_shared>>) target(%dma_start3A_63 : memref<16x128xf32, #tpu.memory_space<hbm>>) target_semaphore(%run_scoped3A : memref<!tpu.dma_semaphore, #tpu.memory_space<semaphore_mem>>)
          %dma_wait3A = arith.constant 9984 : i32
          %dma_wait3A_67 = arith.constant 0 : i32
          %dma_wait3A_68 = tpu.memref_slice %arg5[%dma_wait3A, %dma_wait3A_67] : memref<10000x128xf32, #tpu.memory_space<hbm>> -> memref<16x128xf32, #tpu.memory_space<hbm>>
          %dma_wait3A_69 = arith.constant 9984 : i32
          %dma_wait3A_70 = arith.constant 0 : i32
          %dma_wait3A_71 = tpu.memref_slice %arg11[%dma_wait3A_69, %dma_wait3A_70] : memref<10016x128xf32, #tpu.memory_space<vmem_shared>> -> memref<16x128xf32, #tpu.memory_space<vmem_shared>>
          tpu.wait_dma2 semaphore(%run_scoped3A : memref<!tpu.dma_semaphore, #tpu.memory_space<semaphore_mem>>) src(%dma_wait3A_71 : memref<16x128xf32, #tpu.memory_space<vmem_shared>>) dst(%dma_wait3A_68 : memref<16x128xf32, #tpu.memory_space<hbm>>)
          tpu.yield
        }) : () -> ()
      } else {
      }
    } else {
    }
    %eq3A_51 = arith.constant 1 : i32
    %eq3A_52 = arith.cmpi eq, %arg0, %eq3A_51 : i32
    %convert_element_type3A_53 = arith.extui %eq3A_52 : i1 to i32
    %cond3A_54 = arith.constant 0 : i32
    %cond3A_55 = arith.cmpi ne, %convert_element_type3A_53, %cond3A_54 : i32
    scf.if %cond3A_55 {
      "tpu.region"() ({
        %run_scoped3A = tpu.sem_alloc : memref<!tpu.dma_semaphore, #tpu.memory_space<semaphore_mem>>
        %dma_start3A_61 = arith.constant 0 : i32
        %dma_start3A_62 = tpu.memref_slice %arg6[%mul3A_45, %dma_start3A_61] : memref<10000x128xf32, #tpu.memory_space<hbm>> -> memref<624x128xf32, #tpu.memory_space<hbm>>
        %dma_start3A_63 = arith.constant 0 : i32
        %dma_start3A_64 = tpu.memref_slice %arg11[%mul3A_45, %dma_start3A_63] : memref<10016x128xf32, #tpu.memory_space<vmem_shared>> -> memref<624x128xf32, #tpu.memory_space<vmem_shared>>
        tpu.enqueue_dma source(%dma_start3A_64 : memref<624x128xf32, #tpu.memory_space<vmem_shared>>) target(%dma_start3A_62 : memref<624x128xf32, #tpu.memory_space<hbm>>) target_semaphore(%run_scoped3A : memref<!tpu.dma_semaphore, #tpu.memory_space<semaphore_mem>>)
        %dma_wait3A = arith.constant 0 : i32
        %dma_wait3A_65 = tpu.memref_slice %arg6[%mul3A_45, %dma_wait3A] : memref<10000x128xf32, #tpu.memory_space<hbm>> -> memref<624x128xf32, #tpu.memory_space<hbm>>
        %dma_wait3A_66 = arith.constant 0 : i32
        %dma_wait3A_67 = tpu.memref_slice %arg11[%mul3A_45, %dma_wait3A_66] : memref<10016x128xf32, #tpu.memory_space<vmem_shared>> -> memref<624x128xf32, #tpu.memory_space<vmem_shared>>
        tpu.wait_dma2 semaphore(%run_scoped3A : memref<!tpu.dma_semaphore, #tpu.memory_space<semaphore_mem>>) src(%dma_wait3A_67 : memref<624x128xf32, #tpu.memory_space<vmem_shared>>) dst(%dma_wait3A_65 : memref<624x128xf32, #tpu.memory_space<hbm>>)
        tpu.yield
      }) : () -> ()
      %eq3A_56 = arith.constant 15 : i32
      %eq3A_57 = arith.cmpi eq, %arg1, %eq3A_56 : i32
      %convert_element_type3A_58 = arith.extui %eq3A_57 : i1 to i32
      %cond3A_59 = arith.constant 0 : i32
      %cond3A_60 = arith.cmpi ne, %convert_element_type3A_58, %cond3A_59 : i32
      scf.if %cond3A_60 {
        "tpu.region"() ({
          %run_scoped3A = tpu.sem_alloc : memref<!tpu.dma_semaphore, #tpu.memory_space<semaphore_mem>>
          %dma_start3A_61 = arith.constant 9984 : i32
          %dma_start3A_62 = arith.constant 0 : i32
          %dma_start3A_63 = tpu.memref_slice %arg6[%dma_start3A_61, %dma_start3A_62] : memref<10000x128xf32, #tpu.memory_space<hbm>> -> memref<16x128xf32, #tpu.memory_space<hbm>>
          %dma_start3A_64 = arith.constant 9984 : i32
          %dma_start3A_65 = arith.constant 0 : i32
          %dma_start3A_66 = tpu.memref_slice %arg11[%dma_start3A_64, %dma_start3A_65] : memref<10016x128xf32, #tpu.memory_space<vmem_shared>> -> memref<16x128xf32, #tpu.memory_space<vmem_shared>>
          tpu.enqueue_dma source(%dma_start3A_66 : memref<16x128xf32, #tpu.memory_space<vmem_shared>>) target(%dma_start3A_63 : memref<16x128xf32, #tpu.memory_space<hbm>>) target_semaphore(%run_scoped3A : memref<!tpu.dma_semaphore, #tpu.memory_space<semaphore_mem>>)
          %dma_wait3A = arith.constant 9984 : i32
          %dma_wait3A_67 = arith.constant 0 : i32
          %dma_wait3A_68 = tpu.memref_slice %arg6[%dma_wait3A, %dma_wait3A_67] : memref<10000x128xf32, #tpu.memory_space<hbm>> -> memref<16x128xf32, #tpu.memory_space<hbm>>
          %dma_wait3A_69 = arith.constant 9984 : i32
          %dma_wait3A_70 = arith.constant 0 : i32
          %dma_wait3A_71 = tpu.memref_slice %arg11[%dma_wait3A_69, %dma_wait3A_70] : memref<10016x128xf32, #tpu.memory_space<vmem_shared>> -> memref<16x128xf32, #tpu.memory_space<vmem_shared>>
          tpu.wait_dma2 semaphore(%run_scoped3A : memref<!tpu.dma_semaphore, #tpu.memory_space<semaphore_mem>>) src(%dma_wait3A_71 : memref<16x128xf32, #tpu.memory_space<vmem_shared>>) dst(%dma_wait3A_68 : memref<16x128xf32, #tpu.memory_space<hbm>>)
          tpu.yield
        }) : () -> ()
      } else {
      }
    } else {
    }
    return
  }
}

module attributes {stable_mosaic.version = 14 : i64} {
  func.func @body(%arg0: i32, %arg1: memref<1000x128xf32, #tpu.memory_space<vmem>>, %arg2: memref<1000x128xf32, #tpu.memory_space<vmem>>, %arg3: memref<1000x128xf32, #tpu.memory_space<vmem>>, %arg4: memref<128x128xf32, #tpu.memory_space<vmem>>, %arg5: memref<1x128xf32, #tpu.memory_space<vmem>>, %arg6: memref<128x128xf32, #tpu.memory_space<vmem>>, %arg7: memref<1x128xf32, #tpu.memory_space<vmem>>, %arg8: memref<1xf32, #tpu.memory_space<smem>>, %arg9: memref<1000x128xf32, #tpu.memory_space<vmem>>) attributes {dimension_semantics = [#tpu.dimension_semantics<arbitrary>], iteration_bounds = array<i64: 10>, scalar_prefetch = 0 : i64, scratch_operands = 0 : i64, tpu.core_type = #tpu.core_type<tc>, window_params = [{transform_indices = @transform_0, window_bounds = array<i64: 1000, 128>}, {transform_indices = @transform_1, window_bounds = array<i64: 1000, 128>}, {transform_indices = @transform_2, window_bounds = array<i64: 1000, 128>}, {pipeline_mode = #tpu.pipeline_mode<synchronous>, transform_indices = @transform_3, window_bounds = array<i64: 128, 128>}, {pipeline_mode = #tpu.pipeline_mode<synchronous>, transform_indices = @transform_4, window_bounds = array<i64: 1, 128>}, {pipeline_mode = #tpu.pipeline_mode<synchronous>, transform_indices = @transform_5, window_bounds = array<i64: 128, 128>}, {pipeline_mode = #tpu.pipeline_mode<synchronous>, transform_indices = @transform_6, window_bounds = array<i64: 1, 128>}, {transform_indices = @transform_7, window_bounds = array<i64: 1>}, {transform_indices = @transform_8, window_bounds = array<i64: 1000, 128>}]} {
    %get3A = arith.constant 0 : index
    %get3A_0 = arith.constant 0 : index
    %get3A_1 = vector.load %arg1[%get3A, %get3A_0] : memref<1000x128xf32, #tpu.memory_space<vmem>>, vector<1000x128xf32>
    %get3A_2 = arith.constant 0 : index
    %get3A_3 = memref.load %arg8[%get3A_2] : memref<1xf32, #tpu.memory_space<smem>>
    %add3A = arith.constant 1.000000e+00 : f32
    %add3A_4 = arith.addf %add3A, %get3A_3 : f32
    %mul3A = vector.broadcast %add3A_4 : f32 to vector<1000x128xf32>
    %mul3A_5 = arith.mulf %mul3A, %get3A_1 : vector<1000x128xf32>
    %get3A_6 = arith.constant 0 : index
    %get3A_7 = arith.constant 0 : index
    %get3A_8 = vector.load %arg2[%get3A_6, %get3A_7] : memref<1000x128xf32, #tpu.memory_space<vmem>>, vector<1000x128xf32>
    %get3A_9 = arith.constant 0 : index
    %get3A_10 = arith.constant 0 : index
    %get3A_11 = vector.load %arg3[%get3A_9, %get3A_10] : memref<1000x128xf32, #tpu.memory_space<vmem>>, vector<1000x128xf32>
    %add3A_12 = arith.addf %get3A_8, %get3A_11 : vector<1000x128xf32>
    %add3A_13 = arith.addf %mul3A_5, %add3A_12 : vector<1000x128xf32>
    %get3A_14 = arith.constant 0 : index
    %get3A_15 = arith.constant 0 : index
    %get3A_16 = vector.load %arg4[%get3A_14, %get3A_15] : memref<128x128xf32, #tpu.memory_space<vmem>>, vector<128x128xf32>
    %dot_general3A = arith.constant dense<0.000000e+00> : vector<1000x128xf32>
    %dot_general3A_17 = tpu.matmul %add3A_13, %get3A_16, %dot_general3A {dimension_numbers = #tpu.dot_dimension_numbers<[1], [0], [0], [1], [0, 0, 1, 1], [], []>, transpose_lhs_hint = false} : vector<1000x128xf32>, vector<128x128xf32>, vector<1000x128xf32> -> vector<1000x128xf32>
    %get3A_18 = arith.constant 0 : index
    %get3A_19 = arith.constant 0 : index
    %get3A_20 = vector.load %arg5[%get3A_18, %get3A_19] : memref<1x128xf32, #tpu.memory_space<vmem>>, vector<1x128xf32>
    %add3A_21 = vector.broadcast %get3A_20 : vector<1x128xf32> to vector<1000x128xf32>
    %add3A_22 = arith.addf %dot_general3A_17, %add3A_21 : vector<1000x128xf32>
    %max3A = arith.constant 0.000000e+00 : f32
    %max3A_23 = vector.broadcast %max3A : f32 to vector<1000x128xf32>
    %max3A_24 = arith.maximumf %add3A_22, %max3A_23 : vector<1000x128xf32>
    %get3A_25 = arith.constant 0 : index
    %get3A_26 = arith.constant 0 : index
    %get3A_27 = vector.load %arg6[%get3A_25, %get3A_26] : memref<128x128xf32, #tpu.memory_space<vmem>>, vector<128x128xf32>
    %dot_general3A_28 = arith.constant dense<0.000000e+00> : vector<1000x128xf32>
    %dot_general3A_29 = tpu.matmul %max3A_24, %get3A_27, %dot_general3A_28 {dimension_numbers = #tpu.dot_dimension_numbers<[1], [0], [0], [1], [0, 0, 1, 1], [], []>, transpose_lhs_hint = false} : vector<1000x128xf32>, vector<128x128xf32>, vector<1000x128xf32> -> vector<1000x128xf32>
    %get3A_30 = arith.constant 0 : index
    %get3A_31 = arith.constant 0 : index
    %get3A_32 = vector.load %arg7[%get3A_30, %get3A_31] : memref<1x128xf32, #tpu.memory_space<vmem>>, vector<1x128xf32>
    %add3A_33 = vector.broadcast %get3A_32 : vector<1x128xf32> to vector<1000x128xf32>
    %add3A_34 = arith.addf %dot_general3A_29, %add3A_33 : vector<1000x128xf32>
    %max3A_35 = arith.constant 0.000000e+00 : f32
    %max3A_36 = vector.broadcast %max3A_35 : f32 to vector<1000x128xf32>
    %max3A_37 = arith.maximumf %add3A_34, %max3A_36 : vector<1000x128xf32>
    %add3A_38 = arith.addf %max3A_37, %get3A_1 : vector<1000x128xf32>
    %swap3A = arith.constant 0 : index
    %swap3A_39 = arith.constant 0 : index
    %swap3A_40 = vector.load %arg9[%swap3A, %swap3A_39] : memref<1000x128xf32, #tpu.memory_space<vmem>>, vector<1000x128xf32>
    tpu.vector_store %arg9[%swap3A, %swap3A_39], %add3A_38 {strides = array<i32>} : memref<1000x128xf32, #tpu.memory_space<vmem>>, vector<1000x128xf32>,
    return
  }
  func.func @transform_0(%arg0: i32) -> (i32, i32) {
    %c0_i32 = arith.constant 0 : i32
    %c0_i32_0 = arith.constant 0 : i32
    return %arg0, %c0_i32 : i32, i32
  }
  func.func @transform_1(%arg0: i32) -> (i32, i32) {
    %c0_i32 = arith.constant 0 : i32
    %c0_i32_0 = arith.constant 0 : i32
    return %arg0, %c0_i32 : i32, i32
  }
  func.func @transform_2(%arg0: i32) -> (i32, i32) {
    %c0_i32 = arith.constant 0 : i32
    %c0_i32_0 = arith.constant 0 : i32
    return %arg0, %c0_i32 : i32, i32
  }
  func.func @transform_3(%arg0: i32) -> (i32, i32) {
    %c0_i32 = arith.constant 0 : i32
    %c0_i32_0 = arith.constant 0 : i32
    %c0_i32_1 = arith.constant 0 : i32
    return %c0_i32, %c0_i32_0 : i32, i32
  }
  func.func @transform_4(%arg0: i32) -> (i32, i32) {
    %c0_i32 = arith.constant 0 : i32
    %c0_i32_0 = arith.constant 0 : i32
    %c0_i32_1 = arith.constant 0 : i32
    return %c0_i32, %c0_i32_0 : i32, i32
  }
  func.func @transform_5(%arg0: i32) -> (i32, i32) {
    %c0_i32 = arith.constant 0 : i32
    %c0_i32_0 = arith.constant 0 : i32
    %c0_i32_1 = arith.constant 0 : i32
    return %c0_i32, %c0_i32_0 : i32, i32
  }
  func.func @transform_6(%arg0: i32) -> (i32, i32) {
    %c0_i32 = arith.constant 0 : i32
    %c0_i32_0 = arith.constant 0 : i32
    %c0_i32_1 = arith.constant 0 : i32
    return %c0_i32, %c0_i32_0 : i32, i32
  }
  func.func @transform_7(%arg0: i32) -> i32 {
    %c0_i32 = arith.constant 0 : i32
    %c0_i32_0 = arith.constant 0 : i32
    return %c0_i32 : i32
  }
  func.func @transform_8(%arg0: i32) -> (i32, i32) {
    %c0_i32 = arith.constant 0 : i32
    %c0_i32_0 = arith.constant 0 : i32
    return %arg0, %c0_i32 : i32, i32
  }
}

module attributes {stable_mosaic.version = 14 : i64} {
  func.func @body(%arg0: i32, %arg1: memref<1000x128xf32, #tpu.memory_space<vmem>>, %arg2: memref<1000x128xf32, #tpu.memory_space<vmem>>, %arg3: memref<1000x128xf32, #tpu.memory_space<vmem>>, %arg4: memref<128x128xf32, #tpu.memory_space<vmem>>, %arg5: memref<1x128xf32, #tpu.memory_space<vmem>>, %arg6: memref<128x128xf32, #tpu.memory_space<vmem>>, %arg7: memref<1x128xf32, #tpu.memory_space<vmem>>, %arg8: memref<1xf32, #tpu.memory_space<smem>>, %arg9: memref<1000x128xf32, #tpu.memory_space<vmem>>) attributes {dimension_semantics = [#tpu.dimension_semantics<arbitrary>], iteration_bounds = array<i64: 10>, scalar_prefetch = 0 : i64, scratch_operands = 0 : i64, tpu.core_type = #tpu.core_type<tc>, window_params = [{transform_indices = @transform_0, window_bounds = array<i64: 1000, 128>}, {transform_indices = @transform_1, window_bounds = array<i64: 1000, 128>}, {transform_indices = @transform_2, window_bounds = array<i64: 1000, 128>}, {pipeline_mode = #tpu.pipeline_mode<synchronous>, transform_indices = @transform_3, window_bounds = array<i64: 128, 128>}, {pipeline_mode = #tpu.pipeline_mode<synchronous>, transform_indices = @transform_4, window_bounds = array<i64: 1, 128>}, {pipeline_mode = #tpu.pipeline_mode<synchronous>, transform_indices = @transform_5, window_bounds = array<i64: 128, 128>}, {pipeline_mode = #tpu.pipeline_mode<synchronous>, transform_indices = @transform_6, window_bounds = array<i64: 1, 128>}, {transform_indices = @transform_7, window_bounds = array<i64: 1>}, {transform_indices = @transform_8, window_bounds = array<i64: 1000, 128>}]} {
    %get3A = arith.constant 0 : index
    %get3A_0 = arith.constant 0 : index
    %get3A_1 = vector.load %arg1[%get3A, %get3A_0] : memref<1000x128xf32, #tpu.memory_space<vmem>>, vector<1000x128xf32>
    %get3A_2 = arith.constant 0 : index
    %get3A_3 = memref.load %arg8[%get3A_2] : memref<1xf32, #tpu.memory_space<smem>>
    %add3A = arith.constant 1.000000e+00 : f32
    %add3A_4 = arith.addf %add3A, %get3A_3 : f32
    %mul3A = vector.broadcast %add3A_4 : f32 to vector<1000x128xf32>
    %mul3A_5 = arith.mulf %mul3A, %get3A_1 : vector<1000x128xf32>
    %get3A_6 = arith.constant 0 : index
    %get3A_7 = arith.constant 0 : index
    %get3A_8 = vector.load %arg2[%get3A_6, %get3A_7] : memref<1000x128xf32, #tpu.memory_space<vmem>>, vector<1000x128xf32>
    %get3A_9 = arith.constant 0 : index
    %get3A_10 = arith.constant 0 : index
    %get3A_11 = vector.load %arg3[%get3A_9, %get3A_10] : memref<1000x128xf32, #tpu.memory_space<vmem>>, vector<1000x128xf32>
    %add3A_12 = arith.addf %get3A_8, %get3A_11 : vector<1000x128xf32>
    %add3A_13 = arith.addf %mul3A_5, %add3A_12 : vector<1000x128xf32>
    %get3A_14 = arith.constant 0 : index
    %get3A_15 = arith.constant 0 : index
    %get3A_16 = vector.load %arg4[%get3A_14, %get3A_15] : memref<128x128xf32, #tpu.memory_space<vmem>>, vector<128x128xf32>
    %dot_general3A = arith.constant dense<0.000000e+00> : vector<1000x128xf32>
    %dot_general3A_17 = tpu.matmul %add3A_13, %get3A_16, %dot_general3A {dimension_numbers = #tpu.dot_dimension_numbers<[1], [0], [0], [1], [0, 0, 1, 1], [], []>, transpose_lhs_hint = false} : vector<1000x128xf32>, vector<128x128xf32>, vector<1000x128xf32> -> vector<1000x128xf32>
    %get3A_18 = arith.constant 0 : index
    %get3A_19 = arith.constant 0 : index
    %get3A_20 = vector.load %arg5[%get3A_18, %get3A_19] : memref<1x128xf32, #tpu.memory_space<vmem>>, vector<1x128xf32>
    %add3A_21 = vector.broadcast %get3A_20 : vector<1x128xf32> to vector<1000x128xf32>
    %add3A_22 = arith.addf %dot_general3A_17, %add3A_21 : vector<1000x128xf32>
    %max3A = arith.constant 0.000000e+00 : f32
    %max3A_23 = vector.broadcast %max3A : f32 to vector<1000x128xf32>
    %max3A_24 = arith.maximumf %add3A_22, %max3A_23 : vector<1000x128xf32>
    %get3A_25 = arith.constant 0 : index
    %get3A_26 = arith.constant 0 : index
    %get3A_27 = vector.load %arg6[%get3A_25, %get3A_26] : memref<128x128xf32, #tpu.memory_space<vmem>>, vector<128x128xf32>
    %dot_general3A_28 = arith.constant dense<0.000000e+00> : vector<1000x128xf32>
    %dot_general3A_29 = tpu.matmul %max3A_24, %get3A_27, %dot_general3A_28 {dimension_numbers = #tpu.dot_dimension_numbers<[1], [0], [0], [1], [0, 0, 1, 1], [], []>, transpose_lhs_hint = false} : vector<1000x128xf32>, vector<128x128xf32>, vector<1000x128xf32> -> vector<1000x128xf32>
    %get3A_30 = arith.constant 0 : index
    %get3A_31 = arith.constant 0 : index
    %get3A_32 = vector.load %arg7[%get3A_30, %get3A_31] : memref<1x128xf32, #tpu.memory_space<vmem>>, vector<1x128xf32>
    %add3A_33 = vector.broadcast %get3A_32 : vector<1x128xf32> to vector<1000x128xf32>
    %add3A_34 = arith.addf %dot_general3A_29, %add3A_33 : vector<1000x128xf32>
    %add3A_35 = arith.addf %add3A_34, %add3A_13 : vector<1000x128xf32>
    %max3A_36 = arith.constant 0.000000e+00 : f32
    %max3A_37 = vector.broadcast %max3A_36 : f32 to vector<1000x128xf32>
    %max3A_38 = arith.maximumf %add3A_35, %max3A_37 : vector<1000x128xf32>
    %add3A_39 = arith.addf %max3A_38, %get3A_1 : vector<1000x128xf32>
    %swap3A = arith.constant 0 : index
    %swap3A_40 = arith.constant 0 : index
    %swap3A_41 = vector.load %arg9[%swap3A, %swap3A_40] : memref<1000x128xf32, #tpu.memory_space<vmem>>, vector<1000x128xf32>
    tpu.vector_store %arg9[%swap3A, %swap3A_40], %add3A_39 {strides = array<i32>} : memref<1000x128xf32, #tpu.memory_space<vmem>>, vector<1000x128xf32>,
    return
  }
  func.func @transform_0(%arg0: i32) -> (i32, i32) {
    %c0_i32 = arith.constant 0 : i32
    %c0_i32_0 = arith.constant 0 : i32
    return %arg0, %c0_i32 : i32, i32
  }
  func.func @transform_1(%arg0: i32) -> (i32, i32) {
    %c0_i32 = arith.constant 0 : i32
    %c0_i32_0 = arith.constant 0 : i32
    return %arg0, %c0_i32 : i32, i32
  }
  func.func @transform_2(%arg0: i32) -> (i32, i32) {
    %c0_i32 = arith.constant 0 : i32
    %c0_i32_0 = arith.constant 0 : i32
    return %arg0, %c0_i32 : i32, i32
  }
  func.func @transform_3(%arg0: i32) -> (i32, i32) {
    %c0_i32 = arith.constant 0 : i32
    %c0_i32_0 = arith.constant 0 : i32
    %c0_i32_1 = arith.constant 0 : i32
    return %c0_i32, %c0_i32_0 : i32, i32
  }
  func.func @transform_4(%arg0: i32) -> (i32, i32) {
    %c0_i32 = arith.constant 0 : i32
    %c0_i32_0 = arith.constant 0 : i32
    %c0_i32_1 = arith.constant 0 : i32
    return %c0_i32, %c0_i32_0 : i32, i32
  }
  func.func @transform_5(%arg0: i32) -> (i32, i32) {
    %c0_i32 = arith.constant 0 : i32
    %c0_i32_0 = arith.constant 0 : i32
    %c0_i32_1 = arith.constant 0 : i32
    return %c0_i32, %c0_i32_0 : i32, i32
  }
  func.func @transform_6(%arg0: i32) -> (i32, i32) {
    %c0_i32 = arith.constant 0 : i32
    %c0_i32_0 = arith.constant 0 : i32
    %c0_i32_1 = arith.constant 0 : i32
    return %c0_i32, %c0_i32_0 : i32, i32
  }
  func.func @transform_7(%arg0: i32) -> i32 {
    %c0_i32 = arith.constant 0 : i32
    %c0_i32_0 = arith.constant 0 : i32
    return %c0_i32 : i32
  }
  func.func @transform_8(%arg0: i32) -> (i32, i32) {
    %c0_i32 = arith.constant 0 : i32
    %c0_i32_0 = arith.constant 0 : i32
    return %arg0, %c0_i32 : i32, i32
  }
}

module attributes {stable_mosaic.version = 14 : i64} {
  func.func @_pool_body(%arg0: i32, %arg1: memref<1x1x1000xi32, #tpu.memory_space<vmem>>, %arg2: memref<1000x128xf32, #tpu.memory_space<vmem>>, %arg3: memref<128x128xf32, #tpu.memory_space<vmem>>, %arg4: memref<1x128xf32, #tpu.memory_space<vmem>>, %arg5: memref<128x128xf32, #tpu.memory_space<vmem>>, %arg6: memref<1x128xf32, #tpu.memory_space<vmem>>, %arg7: memref<64x128xf32, #tpu.memory_space<vmem>>, %arg8: memref<64x128xf32, #tpu.memory_space<vmem>>, %arg9: memref<64x128xf32, #tpu.memory_space<vmem>>) attributes {dimension_semantics = [#tpu.dimension_semantics<arbitrary>], iteration_bounds = array<i64: 10>, scalar_prefetch = 0 : i64, scratch_operands = 2 : i64, tpu.core_type = #tpu.core_type<tc>, window_params = [{transform_indices = @transform_0, window_bounds = array<i64: 1, 1, 1000>}, {transform_indices = @transform_1, window_bounds = array<i64: 1000, 128>}, {pipeline_mode = #tpu.pipeline_mode<synchronous>, transform_indices = @transform_2, window_bounds = array<i64: 128, 128>}, {pipeline_mode = #tpu.pipeline_mode<synchronous>, transform_indices = @transform_3, window_bounds = array<i64: 1, 128>}, {pipeline_mode = #tpu.pipeline_mode<synchronous>, transform_indices = @transform_4, window_bounds = array<i64: 128, 128>}, {pipeline_mode = #tpu.pipeline_mode<synchronous>, transform_indices = @transform_5, window_bounds = array<i64: 1, 128>}, {pipeline_mode = #tpu.pipeline_mode<synchronous>, transform_indices = @transform_6, window_bounds = array<i64: 64, 128>}]} {
    %eq3A = arith.constant 0 : i32
    %eq3A_0 = arith.cmpi eq, %arg0, %eq3A : i32
    %convert_element_type3A = arith.extui %eq3A_0 : i1 to i32
    %cond3A = arith.constant 0 : i32
    %cond3A_1 = arith.cmpi ne, %convert_element_type3A, %cond3A : i32
    scf.if %cond3A_1 {
      %broadcast_in_dim3A_33 = arith.constant 0.000000e+00 : f32
      %broadcast_in_dim3A_34 = vector.broadcast %broadcast_in_dim3A_33 : f32 to vector<64x128xf32>
      %swap3A_35 = arith.constant 0 : index
      %swap3A_36 = arith.constant 0 : index
      %swap3A_37 = vector.load %arg8[%swap3A_35, %swap3A_36] : memref<64x128xf32, #tpu.memory_space<vmem>>, vector<64x128xf32>
      tpu.vector_store %arg8[%swap3A_35, %swap3A_36], %broadcast_in_dim3A_34 {strides = array<i32>} : memref<64x128xf32, #tpu.memory_space<vmem>>, vector<64x128xf32>,
      %broadcast_in_dim3A_38 = arith.constant 0.000000e+00 : f32
      %broadcast_in_dim3A_39 = vector.broadcast %broadcast_in_dim3A_38 : f32 to vector<64x128xf32>
      %swap3A_40 = arith.constant 0 : index
      %swap3A_41 = arith.constant 0 : index
      %swap3A_42 = vector.load %arg9[%swap3A_40, %swap3A_41] : memref<64x128xf32, #tpu.memory_space<vmem>>, vector<64x128xf32>
      tpu.vector_store %arg9[%swap3A_40, %swap3A_41], %broadcast_in_dim3A_39 {strides = array<i32>} : memref<64x128xf32, #tpu.memory_space<vmem>>, vector<64x128xf32>,
    } else {
    }
    %iota3A = tpu.iota {dimensions = array<i32: 0>} : vector<64x1000xi32>
    %get3A = arith.constant 0 : index
    %get3A_2 = arith.constant 0 : index
    %get3A_3 = arith.constant 0 : index
    %get3A_4 = vector.load %arg1[%get3A, %get3A_2, %get3A_3] : memref<1x1x1000xi32, #tpu.memory_space<vmem>>, vector<1x1x1000xi32>
    %get3A_5 = vector.shape_cast %get3A_4 : vector<1x1x1000xi32> to vector<1x1000xi32>
    %eq3A_6 = vector.broadcast %get3A_5 : vector<1x1000xi32> to vector<64x1000xi32>
    %eq3A_7 = arith.cmpi eq, %eq3A_6, %iota3A : vector<64x1000xi32>
    %convert_element_type3A_8 = arith.extui %eq3A_7 : vector<64x1000xi1> to vector<64x1000xi32>
    %convert_element_type3A_9 = arith.sitofp %convert_element_type3A_8 : vector<64x1000xi32> to vector<64x1000xf32>
    %get3A_10 = arith.constant 0 : index
    %get3A_11 = arith.constant 0 : index
    %get3A_12 = vector.load %arg8[%get3A_10, %get3A_11] : memref<64x128xf32, #tpu.memory_space<vmem>>, vector<64x128xf32>
    %get3A_13 = arith.constant 0 : index
    %get3A_14 = arith.constant 0 : index
    %get3A_15 = vector.load %arg2[%get3A_13, %get3A_14] : memref<1000x128xf32, #tpu.memory_space<vmem>>, vector<1000x128xf32>
    %dot_general3A = arith.constant dense<0.000000e+00> : vector<64x128xf32>
    %dot_general3A_16 = tpu.matmul %convert_element_type3A_9, %get3A_15, %dot_general3A {dimension_numbers = #tpu.dot_dimension_numbers<[1], [0], [0], [1], [0, 0, 1, 1], [], []>, transpose_lhs_hint = false} : vector<64x1000xf32>, vector<1000x128xf32>, vector<64x128xf32> -> vector<64x128xf32>
    %add3A = arith.addf %get3A_12, %dot_general3A_16 : vector<64x128xf32>
    %swap3A = arith.constant 0 : index
    %swap3A_17 = arith.constant 0 : index
    %swap3A_18 = vector.load %arg8[%swap3A, %swap3A_17] : memref<64x128xf32, #tpu.memory_space<vmem>>, vector<64x128xf32>
    tpu.vector_store %arg8[%swap3A, %swap3A_17], %add3A {strides = array<i32>} : memref<64x128xf32, #tpu.memory_space<vmem>>, vector<64x128xf32>,
    %get3A_19 = arith.constant 0 : index
    %get3A_20 = arith.constant 0 : index
    %get3A_21 = vector.load %arg9[%get3A_19, %get3A_20] : memref<64x128xf32, #tpu.memory_space<vmem>>, vector<64x128xf32>
    %reduce_sum3A = arith.constant dense<0.000000e+00> : vector<64xf32>
    %reduce_sum3A_22 = vector.multi_reduction <add>, %convert_element_type3A_9, %reduce_sum3A [1] : vector<64x1000xf32> to vector<64xf32>
    %broadcast_in_dim3A = vector.shape_cast %reduce_sum3A_22 : vector<64xf32> to vector<64x1xf32>
    %add3A_23 = vector.broadcast %broadcast_in_dim3A : vector<64x1xf32> to vector<64x128xf32>
    %add3A_24 = arith.addf %get3A_21, %add3A_23 : vector<64x128xf32>
    %swap3A_25 = arith.constant 0 : index
    %swap3A_26 = arith.constant 0 : index
    %swap3A_27 = vector.load %arg9[%swap3A_25, %swap3A_26] : memref<64x128xf32, #tpu.memory_space<vmem>>, vector<64x128xf32>
    tpu.vector_store %arg9[%swap3A_25, %swap3A_26], %add3A_24 {strides = array<i32>} : memref<64x128xf32, #tpu.memory_space<vmem>>, vector<64x128xf32>,
    %eq3A_28 = arith.constant 9 : i32
    %eq3A_29 = arith.cmpi eq, %arg0, %eq3A_28 : i32
    %convert_element_type3A_30 = arith.extui %eq3A_29 : i1 to i32
    %cond3A_31 = arith.constant 0 : i32
    %cond3A_32 = arith.cmpi ne, %convert_element_type3A_30, %cond3A_31 : i32
    scf.if %cond3A_32 {
      %get3A_33 = arith.constant 0 : index
      %get3A_34 = arith.constant 0 : index
      %get3A_35 = vector.load %arg8[%get3A_33, %get3A_34] : memref<64x128xf32, #tpu.memory_space<vmem>>, vector<64x128xf32>
      %get3A_36 = arith.constant 0 : index
      %get3A_37 = arith.constant 0 : index
      %get3A_38 = vector.load %arg9[%get3A_36, %get3A_37] : memref<64x128xf32, #tpu.memory_space<vmem>>, vector<64x128xf32>
      %max3A = arith.constant 1.000000e+00 : f32
      %max3A_39 = vector.broadcast %max3A : f32 to vector<64x128xf32>
      %max3A_40 = arith.maximumf %get3A_38, %max3A_39 : vector<64x128xf32>
      %div3A = arith.divf %get3A_35, %max3A_40 : vector<64x128xf32>
      %get3A_41 = arith.constant 0 : index
      %get3A_42 = arith.constant 0 : index
      %get3A_43 = vector.load %arg3[%get3A_41, %get3A_42] : memref<128x128xf32, #tpu.memory_space<vmem>>, vector<128x128xf32>
      %dot_general3A_44 = arith.constant dense<0.000000e+00> : vector<64x128xf32>
      %dot_general3A_45 = tpu.matmul %div3A, %get3A_43, %dot_general3A_44 {dimension_numbers = #tpu.dot_dimension_numbers<[1], [0], [0], [1], [0, 0, 1, 1], [], []>, transpose_lhs_hint = false} : vector<64x128xf32>, vector<128x128xf32>, vector<64x128xf32> -> vector<64x128xf32>
      %get3A_46 = arith.constant 0 : index
      %get3A_47 = arith.constant 0 : index
      %get3A_48 = vector.load %arg4[%get3A_46, %get3A_47] : memref<1x128xf32, #tpu.memory_space<vmem>>, vector<1x128xf32>
      %add3A_49 = vector.broadcast %get3A_48 : vector<1x128xf32> to vector<64x128xf32>
      %add3A_50 = arith.addf %dot_general3A_45, %add3A_49 : vector<64x128xf32>
      %max3A_51 = arith.constant 0.000000e+00 : f32
      %max3A_52 = vector.broadcast %max3A_51 : f32 to vector<64x128xf32>
      %max3A_53 = arith.maximumf %add3A_50, %max3A_52 : vector<64x128xf32>
      %get3A_54 = arith.constant 0 : index
      %get3A_55 = arith.constant 0 : index
      %get3A_56 = vector.load %arg5[%get3A_54, %get3A_55] : memref<128x128xf32, #tpu.memory_space<vmem>>, vector<128x128xf32>
      %dot_general3A_57 = arith.constant dense<0.000000e+00> : vector<64x128xf32>
      %dot_general3A_58 = tpu.matmul %max3A_53, %get3A_56, %dot_general3A_57 {dimension_numbers = #tpu.dot_dimension_numbers<[1], [0], [0], [1], [0, 0, 1, 1], [], []>, transpose_lhs_hint = false} : vector<64x128xf32>, vector<128x128xf32>, vector<64x128xf32> -> vector<64x128xf32>
      %get3A_59 = arith.constant 0 : index
      %get3A_60 = arith.constant 0 : index
      %get3A_61 = vector.load %arg6[%get3A_59, %get3A_60] : memref<1x128xf32, #tpu.memory_space<vmem>>, vector<1x128xf32>
      %add3A_62 = vector.broadcast %get3A_61 : vector<1x128xf32> to vector<64x128xf32>
      %add3A_63 = arith.addf %dot_general3A_58, %add3A_62 : vector<64x128xf32>
      %swap3A_64 = arith.constant 0 : index
      %swap3A_65 = arith.constant 0 : index
      %swap3A_66 = vector.load %arg7[%swap3A_64, %swap3A_65] : memref<64x128xf32, #tpu.memory_space<vmem>>, vector<64x128xf32>
      tpu.vector_store %arg7[%swap3A_64, %swap3A_65], %add3A_63 {strides = array<i32>} : memref<64x128xf32, #tpu.memory_space<vmem>>, vector<64x128xf32>,
    } else {
    }
    return
  }
  func.func @transform_0(%arg0: i32) -> (i32, i32, i32) {
    %c0_i32 = arith.constant 0 : i32
    %c0_i32_0 = arith.constant 0 : i32
    %c0_i32_1 = arith.constant 0 : i32
    return %arg0, %c0_i32, %c0_i32_0 : i32, i32, i32
  }
  func.func @transform_1(%arg0: i32) -> (i32, i32) {
    %c0_i32 = arith.constant 0 : i32
    %c0_i32_0 = arith.constant 0 : i32
    return %arg0, %c0_i32 : i32, i32
  }
  func.func @transform_2(%arg0: i32) -> (i32, i32) {
    %c0_i32 = arith.constant 0 : i32
    %c0_i32_0 = arith.constant 0 : i32
    %c0_i32_1 = arith.constant 0 : i32
    return %c0_i32, %c0_i32_0 : i32, i32
  }
  func.func @transform_3(%arg0: i32) -> (i32, i32) {
    %c0_i32 = arith.constant 0 : i32
    %c0_i32_0 = arith.constant 0 : i32
    %c0_i32_1 = arith.constant 0 : i32
    return %c0_i32, %c0_i32_0 : i32, i32
  }
  func.func @transform_4(%arg0: i32) -> (i32, i32) {
    %c0_i32 = arith.constant 0 : i32
    %c0_i32_0 = arith.constant 0 : i32
    %c0_i32_1 = arith.constant 0 : i32
    return %c0_i32, %c0_i32_0 : i32, i32
  }
  func.func @transform_5(%arg0: i32) -> (i32, i32) {
    %c0_i32 = arith.constant 0 : i32
    %c0_i32_0 = arith.constant 0 : i32
    %c0_i32_1 = arith.constant 0 : i32
    return %c0_i32, %c0_i32_0 : i32, i32
  }
  func.func @transform_6(%arg0: i32) -> (i32, i32) {
    %c0_i32 = arith.constant 0 : i32
    %c0_i32_0 = arith.constant 0 : i32
    %c0_i32_1 = arith.constant 0 : i32
    return %c0_i32, %c0_i32_0 : i32, i32
  }
}

</mosaic_0001>

<sc_bundles>
// kernel: kernel.11.cloned.1.call-start
scs
__scs_entry_jumppad:
0x0: {  	(pc) =	sbr.rel $0x88, $3  }
0x1: {  	(tag) =	ssettag $0x0;
	lr =	simm.s32 $0x1  }
0x2: {  	[smem:$0x3F86] =	sst lr;
	_ =	strace $0xD0000000  }
0x3: {  	_ = 	snop  }
0x4: {  	_ = 	snop  }
0x5: {  	_ = 	snop  }
0x6: {  	_ = 	snop  }
0x7: {  	_ = 	snop  }
__scs_overlays_trampoline_lowered:
0x8: {  	[smem:$0x3F95] =	sst s0  }
0x9: {  	[smem:$0x3F96] =	sst s1  }
0xa: {  	[smem:$0x3F97] =	sst s2  }
0xb: {  	[smem:$0x3F98] =	sst s3  }
0xc: {  	[smem:$0x3F99] =	sst s4  }
0xd: {  	[smem:$0x3F9A] =	sst s5  }
0xe: {  	[smem:$0x3F9B] =	sst s6  }
0xf: {  	[smem:$0x3F9C] =	sst s7  }
0x10: {  	[smem:$0x3F9D] =	sst s8  }
0x11: {  	[smem:$0x3F9E] =	sst s9;
	s0 =	simm.s32 @!p0 $0x0  }
0x12: {  	s1 =	sld [smem:$0x3F84];
	s0 =	simm.s32 @p0 $0x1  }
0x13: {  	[smem:$0x3F9F] =	sst s0;
	s0 =	simm.s32 @!p1 $0x0  }
0x14: {  	s2 =	sld [smem:$0x3F83];
	s0 =	simm.s32 @p1 $0x1  }
0x15: {  	[smem:$0x3FA0] =	sst s0;
	s0 =	simm.s32 @!p2 $0x0  }
0x16: {  	s3 =	sld [smem:$0x3FDB];
	s0 =	simm.s32 @p2 $0x1  }
0x17: {  	s4 =	simm.s32 $0x1BF5;
	[smem:$0x3FA2] =	sst s0  }
0x18: {  	s0 =	sld [smem:$0x3F85];
	_ =	swait.ge [sflag:s4], $0x0  }
0x19: {  	s7 =	sld [smem:$0x3F86]  }
0x1a: {  	s8 =	sadd.s32 $0xFFFFE003, lr  }
0x1b: {  	s9 =	sadd.s32 $0xFFFFFEF7, lr;
	s5 =	simm.s32 $0xFFFFFFFF;
	p2 =	slt.u32 s8, $0xFFFFF086  }
0x1c: {  	p1 =	slt.u32 s9, $0xF7A;
	s5 =	simm.s32 @!p2 $0x0  }
0x1d: {  	s5 =	simm.s32 @p1 $0x1;
	p0 =	seq.s32 s7, s2  }
0x1e: {  	s7 =	smul.u32 @!p0 $0xF7A, s2;
	p2 =	seq.s32 @!p0 s5, $0x0  }
0x1f: {  	s9 =	smul.u32 $0xF7A, s1;
	s8 =	simm.s32 @!p0 $0x1BF5;
	p2 =	por !p2, p0  }
0x20: {  	[sflag:s8] =	ssyncset.s32 @!p0 $0xFFFFF086;
	s6 =	sadd.s32 @!p0 s3, s7;
	s7 =	simm.s32 @!p0 $0x108  }
0x21: {  	s3 =	sadd.s32 s3, s9;
	s6 =	sadd.s32 @!p0 $0x88, s6;
	s7 =	simm.s32 @p2 $0x1082  }
0x22: {  	[simem:s7], [sflag:s8] =	dma.local @!p0 [hbm:s6], $0xF7A  }
0x23: {  	s9 =	sor.u32 $0xD0000000, s2;
	s6 =	simm.s32 $0x108;
	_ =	swait.ge @!p0 [sflag:s8], $0x0  }
0x24: {  	s3 =	sadd.s32 $0x88, s3;
	s6 =	simm.s32 @!p1 $0x1082;
	[sflag:s4] =	ssyncset.s32 $0xFFFFF086  }
0x25: {  	[simem:s6], [sflag:s4] =	dma.local [hbm:s3], $0xF7A  }
0x26: {  	[smem:$0x3F86] =	sst s1;
	(tag) =	ssettag s2;
	_ =	strace s9  }
0x27: {  	s1 =	sld [smem:$0x3F96]  }
0x28: {  	s2 =	sld [smem:$0x3F97]  }
0x29: {  	s4 =	sld [smem:$0x3F99]  }
0x2a: {  	p0 =	seq.s32 s5, $0x0;
	s5 =	sld [smem:$0x3F9A]  }
0x2b: {  	s6 =	sld [smem:$0x3F9B]  }
0x2c: {  	s7 =	sld [smem:$0x3F9C]  }
0x2d: {  	s3 =	simm.s32 $0x108;
	s8 =	sld [smem:$0x3F9D]  }
0x2e: {  	s3 =	simm.s32 @!p0 $0x1082;
	s9 =	sld [smem:$0x3F9E]  }
0x2f: {  	lr =	sadd.s32 s0, s3;
	s0 =	sld [smem:$0x3F95]  }
0x30: {  	s3 =	sld [smem:$0x3F98]  }
0x31: {  	[smem:$0x3FA1] =	sst s10  }
0x32: {  	s10 =	sld [smem:$0x3F9F];
	_ =	sdelay $0x3  }
0x33: {  	p0 =	seq.s32 s10, $0x1;
	s10 =	sld [smem:$0x3FA1];
	_ =	sdelay $0x3  }
0x34: {  	[smem:$0x3FA1] =	sst s10  }
0x35: {  	s10 =	sld [smem:$0x3FA0];
	_ =	sdelay $0x3  }
0x36: {  	p1 =	seq.s32 s10, $0x1;
	s10 =	sld [smem:$0x3FA1];
	_ =	sdelay $0x3  }
0x37: {  	[smem:$0x3FA1] =	sst s10  }
0x38: {  	s10 =	sld [smem:$0x3FA2]  }
0x39: {  	_ = 	snop;
	(pc) =	sbr.ind lr, $3  }
0x3a: {  	_ = 	snop  }
0x3b: {  	_ = 	snop  }
0x3c: {  	p2 =	seq.s32 s10, $0x1;
	s10 =	sld [smem:$0x3FA1]  }
0x3d: {  	_ =	shalt  }
0x3e: {  	_ =	shalt  }
0x3f: {  	_ =	shalt  }
0x40: {  	_ =	shalt  }
0x41: {  	_ =	shalt  }
0x42: {  	_ =	shalt  }
0x43: {  	_ =	shalt  }
0x44: {  	_ =	shalt  }
0x45: {  	_ =	shalt  }
0x46: {  	_ =	shalt  }
0x47: {  	_ =	shalt  }
0x48: {  	_ =	shalt  }
0x49: {  	_ =	shalt  }
0x4a: {  	_ =	shalt  }
0x4b: {  	_ =	shalt  }
0x4c: {  	_ =	shalt  }
0x4d: {  	_ =	shalt  }
0x4e: {  	_ =	shalt  }
0x4f: {  	_ =	shalt  }
0x50: {  	_ =	shalt  }
0x51: {  	_ =	shalt  }
0x52: {  	_ =	shalt  }
0x53: {  	_ =	shalt  }
0x54: {  	_ =	shalt  }
0x55: {  	_ =	shalt  }
0x56: {  	_ =	shalt  }
0x57: {  	_ =	shalt  }
0x58: {  	_ =	shalt  }
0x59: {  	_ =	shalt  }
0x5a: {  	_ =	shalt  }
0x5b: {  	_ =	shalt  }
0x5c: {  	_ =	shalt  }
0x5d: {  	_ =	shalt  }
0x5e: {  	_ =	shalt  }
0x5f: {  	_ =	shalt  }
0x60: {  	_ =	shalt  }
0x61: {  	_ =	shalt  }
0x62: {  	_ =	shalt  }
0x63: {  	_ =	shalt  }
0x64: {  	_ =	shalt  }
0x65: {  	_ =	shalt  }
0x66: {  	_ =	shalt  }
0x67: {  	_ =	shalt  }
0x68: {  	_ =	shalt  }
0x69: {  	_ =	shalt  }
0x6a: {  	_ =	shalt  }
0x6b: {  	_ =	shalt  }
0x6c: {  	_ =	shalt  }
0x6d: {  	_ =	shalt  }
0x6e: {  	_ =	shalt  }
0x6f: {  	_ =	shalt  }
0x70: {  	_ =	shalt  }
0x71: {  	_ =	shalt  }
0x72: {  	_ =	shalt  }
0x73: {  	_ =	shalt  }
0x74: {  	_ =	shalt  }
0x75: {  	_ =	shalt  }
0x76: {  	_ =	shalt  }
0x77: {  	_ =	shalt  }
0x78: {  	_ =	shalt  }
0x79: {  	_ =	shalt  }
0x7a: {  	_ =	shalt  }
0x7b: {  	_ =	shalt  }
0x7c: {  	_ =	shalt  }
0x7d: {  	_ =	shalt  }
0x7e: {  	_ =	shalt  }
0x7f: {  	_ =	shalt  }
0x80: {  	_ =	shalt  }
0x81: {  	_ =	shalt  }
0x82: {  	_ =	shalt  }
0x83: {  	_ =	shalt  }
0x84: {  	_ =	shalt  }
0x85: {  	_ =	shalt  }
0x86: {  	_ =	shalt  }
0x87: {  	_ =	shalt  }
.Lfunc_end0:
.L_simem_size_0:
called_computation_lowered:
.L_overlay_start_0:
0x88: {  	s2 =	sld [smem:$0x3FD9]  }
0x89: {  	s3 =	sld [smem:$0x3FFE];
	_ =	sdelay $0x1  }
0x8a: {  	s1 =	srdreg.scid  }
0x8b: {  	s0 =	sand.u32 $0x1, s1  }
0x8c: {  	s17 =	sshll.u32 s0, $0xA;
	s2 =	sadd.s32 s3, s2  }
0x8d: {  	s2 =	sadd.s32 s2, s17  }
0x8e: {  	[smem:$0x3FAD] =	sst s2  }
0x8f: {  	_ = 	snop  }
0x90: {  	s2 =	sld [smem:$0x3FC9];
	(tm) =	ssettm $0x1  }
0x91: {  	s18 =	sld [smem:$0x3FFB];
	_ =	sdelay $0x3  }
0x92: {  	_ =	strace s18  }
0x93: {  	s3 =	sld [smem:$0x3FFC];
	_ =	sdelay $0x3  }
0x94: {  	_ =	strace s3  }
0x95: {  	s3 =	sld [smem:$0x3FFD];
	_ =	sdelay $0x3  }
0x96: {  	_ =	strace s3  }
0x97: {  	_ =	strace $0x8FFFFFFF  }
0x98: {  	s19 =	sld [smem:$0x3FDB];
	_ =	sdelay $0x1  }
0x99: {  	s4 =	simm.s32 $_scs_section_size  }
0x9a: {  	s5 =	simm.s32 $_size__tile_overlayer_lowered;
	s6 =	simm.s32 $_tile_overlayer_lowered  }
0x9b: {  	s22 =	simm.s32 $0x1BFF;
	s21 =	sshll.u32 s6, $0x1;
	s3 =	sadd.s32 s4, s19  }
0x9c: {  	s7 =	simm.s32 $0x0;
	s20 =	sshll.u32 s5, $0x1;
	s5 =	sadd.s32 s21, s3  }
0x9d: {  	[timem:s7], [sflag:s22] =	dma.local [hbm:s5], s20  }
0x9e: {  	_ =	swait.ge [sflag:s22], s20  }
0x9f: {  	s4 =	ssub.s32 $0x0, s20;
	[sflag:s22] =	ssyncset.done $0x0  }
0xa0: {  	[sflag:s22] =	ssyncadd.s32 s4;
	_ =	sdelay $0x1  }
0xa1: {  	s23 =	simm.s32 $0x1B8B  }
0xa2: {  	_ =	swait.ge [sflag:s23], $0x1  }
0xa3: {  	[sflag:s23] =	ssyncset.done $0x0  }
0xa4: {  	s25 =	simm.s32 $0x1B8E;
	s24 =	sld [smem:$0x3FFE];
	[sflag:s23] =	ssyncadd.s32 $0xFFFFFFFF  }
0xa5: {  	s26 =	simm.s32 $execute0_lowered;
	[smem:$0x3FD2] =	sst s25  }
0xa6: {  	s5 =	sshll.u32 s26, $0x1;
	_ =	strace $0x80000046;
	[dreg:$0x1] =	wrdreg $0xFFFFFFFF  }
0xa7: {  	s28 =	simm.s32 $_size_execute0_lowered;
	s3 =	sadd.s32 s3, s5;
	[dreg:$0x0] =	wrdreg $0x0  }
0xa8: {  	s5 =	sshll.u32 s28, $0x1;
	[dreg:$0x2] =	wrdreg s3  }
0xa9: {  	[dreg:$0x3] =	wrdreg s5  }
0xaa: {  	[dreg:$0x4] =	wrdreg $0xC0  }
0xab: {  	_ =	task [dreg:s7], $0x5FFFF  }
0xac: {  	[dreg:$0x1] =	wrdreg $0xFFFFFFFF  }
0xad: {  	[dreg:$0x0] =	wrdreg $0x60  }
0xae: {  	[dreg:$0x2] =	wrdreg s2  }
0xaf: {  	[dreg:$0x3] =	wrdreg s24  }
0xb0: {  	[dreg:$0x4] =	wrdreg $0x88000  }
0xb1: {  	[dreg:$0x5] =	wrdreg $0x9  }
0xb2: {  	_ =	task.clear_ibuf [dreg:s7], $0x6FFFF;
	_ =	strace $0x90000046  }
0xb3: {  	s29 =	simm.s32 $0x9;
	_ =	strace $0x80000048  }
0xb4: {  	_ =	swait.ge [sflag:s29], $0x1  }
0xb5: {  	[sflag:s29] =	ssyncadd.s32 $0xFFFFFFFF  }
0xb6: {  	_ =	strace $0x90000048  }
0xb7: {  	_ =	sfence  }
0xb8: {  	s30 =	sld [smem:$0x0];
	_ =	sdelay $0x2  }
0xb9: {  	s31 =	sshll.u32 s1, $0xD;
	s1 =	sshrl.u32 s1, $0x2  }
0xba: {  	s3 =	sand.u32 $0x4000, s31;
	s1 =	sadd.s32 s1, s30  }
0xbb: {  	s0 =	sor.u32 s3, s0;
	s1 =	sshll.u32 s1, $0x11  }
0xbc: {  	s0 =	sor.u32 s1, s0  }
0xbd: {  	s0 =	sadd.s32 $0x8F2B, s0  }
0xbe: {  	[sflag:s0] =	ssyncadd.remote.s32 $0x1  }
0xbf: {  	_ =	sfence.sel $0xFFFF  }
0xc0: {  	[dreg:$0x0] =	wrdreg $0xFFFFFFFF;
	(pc) =	sbr.abs _section_cstart, $3  }
0xc1: {  	[dreg:$0x1] =	wrdreg $0xFFFFFFFF  }
0xc2: {  	_ =	task.clear_ibuf [dreg:s7], $0x2FFFF;
	_ =	strace $0x9FFFFFFF  }
0xc3: {  	(tm) =	ssettm $0x7FFFFFFF  }
tec
execute0_lowered:
.L_overlay_start_1:
0x0: {  	(tag) =	ssettag $0x1  }
0x1: {  	s1 =	rddreg [dreg:$0x0]  }
0x2: {  	s0 =	rddreg [dreg:$0x1]  }
0x3: {  	s2 =	rddreg [dreg:$0x2]  }
0x4: {  	s4 =	simm.s32 $0x0;
	s3 =	stileid.u32;
	s7 =	srdreg.scid  }
0x5: {  	s21 =	simm.s32 $0x800;
	s22 =	simm.s32 $0x5;
	s28 =	simm.s32 $0x2  }
0x6: {  	s29 =	simm.s32 $0x3;
	s30 =	simm.s32 $0x4;
	s23 =	simm.s32 $0x0  }
0x7: {  	[smem:$0x7FF] =	sst s4;
	s5 =	sadd.s32 $0x10800, s0;
	s8 =	smul.u32 $0x4E000, s3  }
0x8: {  	s6 =	sadd.s32 $0x6800, s0;
	s19 =	sadd.s32 $0x1A800, s0;
	s7 =	sand.u32 $0x1, s7  }
0x9: {  	s20 =	sadd.s32 $0x41A00, s0;
	s11 =	sshll.u32 s3, $0x1;
	s14 =	sadd.s32 $0x138000, s2  }
0xa: {  	s18 =	smul.u32 $0x2700, s3;
	p1 =	sne.s32 s3, $0xF;
	p2 =	seq.s32 s3, $0xF  }
0xb: {  	_ =	strace $0x80000047;
	s24 =	ssub.s32 $0x2, s7;
	[dreg:$0x4] =	wrdreg s19  }
0xc: {  	s25 =	sor.u32 s7, s11;
	p0 =	seq.s32 s7, $0x1;
	[dreg:$0x5] =	wrdreg s20  }
0xd: {  	s8 =	sshrl.u32 s8, $0x2;
	s10 =	sshrl.u32 s24, $0x1;
	s16 =	smul.u32 $0x500, s25  }
0xe: {  	s17 =	smul.u32 $0xA, s25;
	s26 =	sadd.s32 s19, s18;
	s31 =	sadd.s32 s20, s18  }
.Ltmp0:
0xf: {  	s25 =	simm.s32 $0x4800;
	[dreg:$0x6] =	wrdreg s26;
	(pc) =	sbr.rel .LBB2_1-.Ltmp0, $4  }
0x10: {  	s9 =	sadd.s32 s8, s2;
	s0 =	ssub.s32 s24, s10;
	[dreg:$0x7] =	wrdreg s31  }
0x11: {  	s24 =	simm.s32 $0x80;
	s26 =	simm.s32 $0x1;
	s10 =	sadd.s32 $0x4000, s9  }
0x12: {  	s11 =	sadd.s32 $0x8000, s9;
	s12 =	sadd.s32 $0xC000, s9;
	s13 =	sadd.s32 $0x10000, s9  }
0x13: {  	v0 =	vimm.f32 $0.0e+00;
	s15 =	sadd.s32 s5, s16;
	s16 =	sadd.s32 s6, s16;
	s20 =	smax.u32 s0, $0x1  }
.LBB2_8:
0x14: {  	s0 =	sadd.s32 $0x27000, s8;
	s3 =	sshrl.u32 s14, $0x3  }
0x15: {  	[hbm:s0], [sflag:s7] =	dma.local [spmem:s3], $0x100  }
0x16: {  	_ =	swait.ge [sflag:s22], $0x100  }
0x17: {  	[sflag:s22] =	ssyncset.done $0x0  }
0x18: {  	[sflag:s22] =	ssyncadd.s32 $0xFFFFFF00  }
.LBB2_9:
0x19: {  	s23 =	sadd.s32 $0x1, s23  }
0x1a: {  	p3 =	sne.s32 s23, s20  }
.Ltmp1:
0x1b: {  	_ = 	snop;
	(pc) =	sbr.rel @!p3 .LBB2_10-.Ltmp1, $1  }
0x1c: {  	_ =	sdelay $0x3  }
.LBB2_1:
0x1d: {  	s7 =	simm.s32 $0x0;
	s18 =	simm.s32 $0x200  }
.LBB2_2:
0x1e: {  	p3 =	sne.s32 s18, $0xFE00;
	[tilespmem:s7+$0x870] =	vst v0  }
0x1f: {  	[tilespmem:s7+$0x800] =	vst v0  }
0x20: {  	[tilespmem:s7+$0x810] =	vst v0  }
.Ltmp2:
0x21: {  	[tilespmem:s7+$0x820] =	vst v0;
	(pc) =	sbr.rel @p3 .LBB2_2-.Ltmp2, $4  }
0x22: {  	[tilespmem:s7+$0x830] =	vst v0  }
0x23: {  	[tilespmem:s7+$0x840] =	vst v0  }
0x24: {  	[tilespmem:s7+$0x850] =	vst v0  }
0x25: {  	[tilespmem:s7+$0x860] =	vst v0;
	s7 =	sshra.s32 s18, $0x2;
	s18 =	sadd.s32 $0x200, s18  }
0x26: {  	[tilespmem:s7+$0x870] =	vst v0  }
0x27: {  	[tilespmem:s7+$0x800] =	vst v0  }
0x28: {  	[tilespmem:s7+$0x810] =	vst v0  }
0x29: {  	[tilespmem:s7+$0x820] =	vst v0  }
0x2a: {  	[tilespmem:s7+$0x830] =	vst v0  }
0x2b: {  	[tilespmem:s7+$0x840] =	vst v0  }
0x2c: {  	[tilespmem:s7+$0x850] =	vst v0  }
0x2d: {  	[tilespmem:s7+$0x860] =	vst v0  }
0x2e: {  	[spmem:s9] =	stream.linear.scatter [tilespmem:s21], [sflag:$0x5], $0x4000, $0x38;
	[tilespmem:$0x1C100] =	vst v63  }
0x2f: {  	_ =	swait.ge [sflag:s22], $0x4000  }
0x30: {  	[sflag:s22] =	ssyncset.done $0x0  }
0x31: {  	[sflag:s22] =	ssyncadd.s32 $0xFFFFC000  }
0x32: {  	[spmem:s10] =	stream.linear.scatter [tilespmem:s21], [sflag:$0x5], $0x4000, $0x38;
	[tilespmem:$0x1C100] =	vst v63  }
0x33: {  	_ =	swait.ge [sflag:s22], $0x4000  }
0x34: {  	[sflag:s22] =	ssyncset.done $0x0  }
0x35: {  	[sflag:s22] =	ssyncadd.s32 $0xFFFFC000  }
0x36: {  	[spmem:s11] =	stream.linear.scatter [tilespmem:s21], [sflag:$0x5], $0x4000, $0x38;
	[tilespmem:$0x1C100] =	vst v63  }
0x37: {  	_ =	swait.ge [sflag:s22], $0x4000  }
0x38: {  	[sflag:s22] =	ssyncset.done $0x0  }
0x39: {  	[sflag:s22] =	ssyncadd.s32 $0xFFFFC000  }
0x3a: {  	[spmem:s12] =	stream.linear.scatter [tilespmem:s21], [sflag:$0x5], $0x4000, $0x38;
	[tilespmem:$0x1C100] =	vst v63  }
0x3b: {  	_ =	swait.ge [sflag:s22], $0x4000  }
0x3c: {  	[sflag:s22] =	ssyncset.done $0x0  }
0x3d: {  	[sflag:s22] =	ssyncadd.s32 $0xFFFFC000  }
0x3e: {  	[spmem:s13] =	stream.linear.scatter [tilespmem:s21], [sflag:$0x5], $0x3800, $0x38;
	[tilespmem:$0x1C100] =	vst v63  }
0x3f: {  	_ =	swait.ge [sflag:s22], $0x3800  }
0x40: {  	[sflag:s22] =	ssyncset.done $0x0  }
0x41: {  	s7 =	simm.s32 @!p1 $0x800;
	[sflag:s22] =	ssyncadd.s32 $0xFFFFC800  }
0x42: {  	[spmem:s14] =	stream.linear.scatter @!p1 [tilespmem:s7], [sflag:$0x5], $0x1000, $0x38;
	[tilespmem:$0x1C100] =	vst v63  }
0x43: {  	s7 =	simm.s32 @!p1 $0x5  }
0x44: {  	_ =	swait.ge @!p1 [sflag:s7], $0x1000  }
0x45: {  	[sflag:s7] =	ssyncset.done @!p1 $0x0  }
0x46: {  	[sflag:s7] =	ssyncadd.s32 @!p1 $0xFFFFF000  }
0x47: {  	[bflag:$0x0] =	sbarrier.arrive $0xFFFF  }
0x48: {  	[tilespmem:s4], [sflag:$0x5] =	stream.linear.gather [hbm4b:s15+s4], $0x400, $0x38;
	[tilespmem:$0x1C100] =	vst v63  }
0x49: {  	_ =	swait.ge [sflag:s22], $0x400  }
0x4a: {  	[sflag:s22] =	ssyncset.done $0x0  }
0x4b: {  	s0 =	simm.s32 $0x400;
	[sflag:s22] =	ssyncadd.s32 $0xFFFFFC00  }
0x4c: {  	[tilespmem:s0], [sflag:$0x5] =	stream.linear.gather [hbm4b:s16+s4], $0x400, $0x38;
	[tilespmem:$0x1C100] =	vst v63  }
0x4d: {  	_ =	swait.ge [sflag:s22], $0x400  }
0x4e: {  	[sflag:s22] =	ssyncset.done $0x0  }
0x4f: {  	[sflag:s22] =	ssyncadd.s32 $0xFFFFFC00  }
0x50: {  	[tilespmem:s21], [sflag:$0x1] =	stream.indirect.gather [hbm4b:s1+s24], $0x80, s4, s24, $0xb8;
	[tilespmem:$0x1C100] =	vst v63  }
0x51: {  	_ = 	snop  }
0x52: {  	[tilespmem:s25], [sflag:$0x2] =	stream.indirect.gather [hbm4b:s1+s24], $0x80, s24, s24, $0xb8;
	[tilespmem:$0x1C100] =	vst v63  }
0x53: {  	s31 =	simm.s32 $0x0;
	_ =	swait.ge [sflag:s26], $0x4000  }
0x54: {  	s7 =	sand.u32 $0x300, s31;
	[sflag:s26] =	ssyncset.done $0x0  }
0x55: {  	s8 =	sor.u32 $0x400, s7;
	[sflag:s26] =	ssyncadd.s32 $0xFFFFC000  }
0x56: {  	[spmem:s2] =	stream.indirect.scatter.add.f32 [tilespmem:s21], [sflag:$0x3], $0x80, s8, s24, $0xb8;
	[tilespmem:$0x1C100] =	vst v63  }
0x57: {  	_ =	swait.ge [sflag:s28], $0x4000  }
0x58: {  	[sflag:s28] =	ssyncset.done $0x0  }
0x59: {  	s7 =	sor.u32 $0x480, s7;
	s0 =	simm.s32 $0x2;
	[sflag:s28] =	ssyncadd.s32 $0xFFFFC000  }
0x5a: {  	[spmem:s2] =	stream.indirect.scatter.add.f32 [tilespmem:s25], [sflag:$0x4], $0x80, s7, s24, $0xb8;
	[tilespmem:$0x1C100] =	vst v63  }
0x5b: {  	s3 =	sand.u32 $0x6, s0;
	_ =	swait.ge [sflag:s29], $0x4000  }
0x5c: {  	p3 =	sne.s32 s3, $0x0;
	[sflag:s29] =	ssyncset.done $0x0  }
0x5d: {  	s8 =	sadd.s32 @!p3 $0x0, s17;
	[sflag:s29] =	ssyncadd.s32 $0xFFFFC000  }
0x5e: {  	s8 =	sshll.u32 @!p3 s8, $0x7;
	_ =	swait.ge [sflag:s30], $0x4000  }
0x5f: {  	s18 =	simm.s32 @!p3 $0x5;
	s8 =	sand.u32 @!p3 $0x1FFFFF80, s8;
	[sflag:s30] =	ssyncset.done $0x0  }
0x60: {  	s31 =	simm.s32 @!p3 $0x0;
	s19 =	sadd.s32 @!p3 s5, s8;
	[sflag:s30] =	ssyncadd.s32 $0xFFFFC000  }
0x61: {  	[tilespmem:s31], [sflag:$0x5] =	stream.linear.gather @!p3 [hbm4b:s19+s31], $0x400, $0x38;
	[tilespmem:$0x1C100] =	vst v63  }
0x62: {  	_ =	swait.ge @!p3 [sflag:s18], $0x400  }
0x63: {  	[sflag:s18] =	ssyncset.done @!p3 $0x0  }
0x64: {  	s8 =	sadd.s32 @!p3 s6, s8;
	s19 =	simm.s32 @!p3 $0x400;
	[sflag:s18] =	ssyncadd.s32 @!p3 $0xFFFFFC00  }
0x65: {  	[tilespmem:s19], [sflag:$0x5] =	stream.linear.gather @!p3 [hbm4b:s8+s31], $0x400, $0x38;
	[tilespmem:$0x1C100] =	vst v63  }
0x66: {  	_ =	swait.ge @!p3 [sflag:s18], $0x400  }
0x67: {  	[sflag:s18] =	ssyncset.done @!p3 $0x0  }
0x68: {  	s7 =	sshll.u32 s3, $0x7;
	s31 =	simm.s32 $0x180;
	[sflag:s18] =	ssyncadd.s32 @!p3 $0xFFFFFC00  }
0x69: {  	[tilespmem:s21], [sflag:$0x1] =	stream.indirect.gather [hbm4b:s1+s24], $0x80, s7, s24, $0xb8;
	[tilespmem:$0x1C100] =	vst v63  }
0x6a: {  	s8 =	sand.u32 $0x380, s31;
	s18 =	simm.s32 $0x280;
	s7 =	simm.s32 $0x4  }
.LBB2_4:
0x6b: {  	[tilespmem:s25], [sflag:$0x2] =	stream.indirect.gather [hbm4b:s1+s24], $0x80, s8, s24, $0xb8;
	[tilespmem:$0x1C100] =	vst v63  }
0x6c: {  	s8 =	smov.u32 s7  }
0x6d: {  	s19 =	sadd.s32 $0xFFFFFE80, s18;
	s7 =	sadd.s32 $0x2, s7;
	_ =	swait.ge [sflag:s26], $0x4000  }
0x6e: {  	s19 =	sand.u32 $0x300, s19;
	p3 =	sne.s32 s7, $0x50;
	[sflag:s26] =	ssyncset.done $0x0  }
0x6f: {  	s31 =	sor.u32 $0x400, s19;
	[sflag:s26] =	ssyncadd.s32 $0xFFFFC000  }
0x70: {  	[spmem:s2] =	stream.indirect.scatter.add.f32 [tilespmem:s21], [sflag:$0x3], $0x80, s31, s24, $0xb8;
	[tilespmem:$0x1C100] =	vst v63  }
0x71: {  	_ =	swait.ge [sflag:s28], $0x4000  }
0x72: {  	[sflag:s28] =	ssyncset.done $0x0  }
0x73: {  	s19 =	sor.u32 $0x480, s19;
	s31 =	sand.u32 $0x6, s8;
	[sflag:s28] =	ssyncadd.s32 $0xFFFFC000  }
0x74: {  	[spmem:s2] =	stream.indirect.scatter.add.f32 [tilespmem:s25], [sflag:$0x4], $0x80, s19, s24, $0xb8;
	[tilespmem:$0x1C100] =	vst v63  }
0x75: {  	p4 =	sne.s32 s31, $0x0;
	_ =	swait.ge [sflag:s29], $0x4000  }
0x76: {  	s8 =	sshrl.u32 @!p4 s8, $0x3;
	[sflag:s29] =	ssyncset.done $0x0  }
0x77: {  	s8 =	sadd.s32 @!p4 s17, s8;
	[sflag:s29] =	ssyncadd.s32 $0xFFFFC000  }
0x78: {  	s8 =	sshll.u32 @!p4 s8, $0x7;
	_ =	swait.ge [sflag:s30], $0x4000  }
0x79: {  	s19 =	simm.s32 @!p4 $0x5;
	s8 =	sand.u32 @!p4 $0x1FFFFF80, s8;
	[sflag:s30] =	ssyncset.done $0x0  }
0x7a: {  	s3 =	simm.s32 @!p4 $0x0;
	s0 =	sadd.s32 @!p4 s5, s8;
	[sflag:s30] =	ssyncadd.s32 $0xFFFFC000  }
0x7b: {  	[tilespmem:s3], [sflag:$0x5] =	stream.linear.gather @!p4 [hbm4b:s0+s3], $0x400, $0x38;
	[tilespmem:$0x1C100] =	vst v63  }
0x7c: {  	s0 =	sadd.s32 @!p4 s6, s8;
	_ =	swait.ge @!p4 [sflag:s19], $0x400  }
0x7d: {  	[sflag:s19] =	ssyncset.done @!p4 $0x0  }
0x7e: {  	s8 =	simm.s32 @!p4 $0x400;
	[sflag:s19] =	ssyncadd.s32 @!p4 $0xFFFFFC00  }
0x7f: {  	[tilespmem:s8], [sflag:$0x5] =	stream.linear.gather @!p4 [hbm4b:s0+s3], $0x400, $0x38;
	[tilespmem:$0x1C100] =	vst v63  }
.Ltmp3:
0x80: {  	_ =	swait.ge @!p4 [sflag:s19], $0x400;
	(pc) =	sbr.rel @p3 .LBB2_4-.Ltmp3, $4  }
0x81: {  	[sflag:s19] =	ssyncset.done @!p4 $0x0  }
0x82: {  	s0 =	sshll.u32 s31, $0x7;
	[sflag:s19] =	ssyncadd.s32 @!p4 $0xFFFFFC00  }
0x83: {  	[tilespmem:s21], [sflag:$0x1] =	stream.indirect.gather [hbm4b:s1+s24], $0x80, s0, s24, $0xb8;
	[tilespmem:$0x1C100] =	vst v63  }
0x84: {  	s8 =	sand.u32 $0x380, s18;
	s18 =	sadd.s32 $0x100, s18  }
0x85: {  	[tilespmem:s25], [sflag:$0x2] =	stream.indirect.gather [hbm4b:s1+s24], $0x80, s8, s24, $0xb8;
	[tilespmem:$0x1C100] =	vst v63  }
0x86: {  	_ =	swait.ge [sflag:s26], $0x4000  }
0x87: {  	[sflag:s26] =	ssyncset.done $0x0  }
0x88: {  	s0 =	simm.s32 $0x700;
	[sflag:s26] =	ssyncadd.s32 $0xFFFFC000  }
0x89: {  	[spmem:s2] =	stream.indirect.scatter.add.f32 [tilespmem:s21], [sflag:$0x3], $0x80, s0, s24, $0xb8;
	[tilespmem:$0x1C100] =	vst v63  }
0x8a: {  	_ =	swait.ge [sflag:s28], $0x4000  }
0x8b: {  	[sflag:s28] =	ssyncset.done $0x0  }
0x8c: {  	s19 =	simm.s32 $0x780;
	[sflag:s28] =	ssyncadd.s32 $0xFFFFC000  }
0x8d: {  	[spmem:s2] =	stream.indirect.scatter.add.f32 [tilespmem:s25], [sflag:$0x4], $0x80, s19, s24, $0xb8;
	[tilespmem:$0x1C100] =	vst v63  }
0x8e: {  	_ =	swait.ge [sflag:s29], $0x4000  }
0x8f: {  	[sflag:s29] =	ssyncset.done $0x0  }
0x90: {  	[sflag:s29] =	ssyncadd.s32 $0xFFFFC000  }
.Ltmp4:
0x91: {  	_ =	swait.ge [sflag:s30], $0x4000;
	(pc) =	sbr.rel @!p0 .LBB2_6-.Ltmp4, $4  }
0x92: {  	[sflag:s30] =	ssyncset.done $0x0  }
0x93: {  	s31 =	stileid.u32;
	[sflag:s30] =	ssyncadd.s32 $0xFFFFC000  }
0x94: {  	s18 =	sshll.u32 s31, $0x6;
	[bflag:$0x0] =	sbarrier.arrive $0xFFFF  }
0x95: {  	s8 =	sshrl.u32 s9, $0x3;
	s7 =	sor.u32 $0x1C05, s18  }
0x96: {  	s7 =	sor.u32 $0x1C05, s18;
	s0 =	rddreg [dreg:$0x7]  }
0x97: {  	[hbm:s0], [sflag:s7] =	dma.local [spmem:s8], $0x2700  }
.Ltmp5:
0x98: {  	_ = 	snop;
	(pc) =	sbr.rel @p1 .LBB2_9-.Ltmp5, $4  }
.Ltmp6:
0x99: {  	_ = 	snop;
	(pc) =	sbr.rel @!p1 .LBB2_8-.Ltmp6, $4  }
0x9a: {  	_ =	swait.ge [sflag:s22], $0x2700  }
0x9b: {  	[sflag:s22] =	ssyncset.done $0x0  }
0x9c: {  	s8 =	rddreg [dreg:$0x5];
	[sflag:s22] =	ssyncadd.s32 $0xFFFFD900  }
0x9d: {  	_ = 	snop  }
.LBB2_6:
0x9e: {  	s0 =	rddreg [dreg:$0x6]  }
0x9f: {  	[hbm:s0], [sflag:s7] =	dma.local [spmem:s8], $0x2700  }
.Ltmp7:
0xa0: {  	_ = 	snop;
	(pc) =	sbr.rel @p2 .LBB2_8-.Ltmp7, $4  }
.Ltmp8:
0xa1: {  	_ = 	snop;
	(pc) =	sbr.rel @!p2 .LBB2_9-.Ltmp8, $4  }
0xa2: {  	_ =	swait.ge [sflag:s22], $0x2700  }
0xa3: {  	[sflag:s22] =	ssyncset.done $0x0  }
0xa4: {  	s8 =	rddreg [dreg:$0x4];
	[sflag:s22] =	ssyncadd.s32 $0xFFFFD900  }
0xa5: {  	_ = 	snop  }
.LBB2_10:
0xa6: {  	_ =	sfence.sel $0x180000  }
0xa7: {  	[bflag:$0x0] =	sbarrier.arrive $0xFFFF  }
0xa8: {  	_ =	strace $0x90000047  }
0xa9: {  	s0 =	stileid.u32;
	[bflag:$0x2] =	sbarrier.arrive $0xFFFF  }
0xaa: {  	p0 =	sne.s32 s0, $0x0;
	s0 =	rddreg [dreg:$0x3]  }
0xab: {  	s0 =	sadd.s32 @!p0 $0x100000, s0  }
0xac: {  	[sflag:s0] =	ssyncadd.tile.s32 @!p0 $0x1;
	_ =	shalt  }
.Lfunc_end2:
_tile_overlayer_lowered:
.L_overlay_start_2:
0xad: {  	(tag) =	ssettag $0x2  }
0xae: {  	s0 =	rddreg [dreg:$0x0];
	s2 =	stileid.u32  }
0xaf: {  	s1 =	rddreg [dreg:$0x1];
	p0 =	sne.s32 s2, $0x0  }
0xb0: {  	s3 =	rddreg [dreg:$0x2];
	[bflag:$0x3] =	sbarrier.arrive $0xFFFF;
	s2 =	simm.s32 @!p0 $0x1C05  }
0xb1: {  	[timem:s3], [sflag:s2] =	dma.local @!p0 [hbm:s0], s1  }
0xb2: {  	s0 =	simm.s32 @!p0 $0x5  }
0xb3: {  	_ =	swait.ge @!p0 [sflag:s0], s1  }
0xb4: {  	s1 =	ssub.s32 @!p0 $0x0, s1;
	[sflag:s0] =	ssyncset.done @!p0 $0x0  }
0xb5: {  	[sflag:s0] =	ssyncadd.s32 @!p0 s1  }
0xb6: {  	[bflag:$0x3] =	sbarrier.arrive $0xFFFF  }
0xb7: {  	_ =	shalt  }

// kernel: kernel.14.cloned.1.call-start
scs
__scs_entry_jumppad:
0x0: {  	(pc) =	sbr.rel $0x88, $3  }
0x1: {  	(tag) =	ssettag $0x0;
	lr =	simm.s32 $0x1  }
0x2: {  	[smem:$0x3F86] =	sst lr;
	_ =	strace $0xD0000000  }
0x3: {  	_ = 	snop  }
0x4: {  	_ = 	snop  }
0x5: {  	_ = 	snop  }
0x6: {  	_ = 	snop  }
0x7: {  	_ = 	snop  }
__scs_overlays_trampoline_lowered:
0x8: {  	[smem:$0x3F95] =	sst s0  }
0x9: {  	[smem:$0x3F96] =	sst s1  }
0xa: {  	[smem:$0x3F97] =	sst s2  }
0xb: {  	[smem:$0x3F98] =	sst s3  }
0xc: {  	[smem:$0x3F99] =	sst s4  }
0xd: {  	[smem:$0x3F9A] =	sst s5  }
0xe: {  	[smem:$0x3F9B] =	sst s6  }
0xf: {  	[smem:$0x3F9C] =	sst s7  }
0x10: {  	[smem:$0x3F9D] =	sst s8  }
0x11: {  	[smem:$0x3F9E] =	sst s9;
	s0 =	simm.s32 @!p0 $0x0  }
0x12: {  	s1 =	sld [smem:$0x3F84];
	s0 =	simm.s32 @p0 $0x1  }
0x13: {  	[smem:$0x3F9F] =	sst s0;
	s0 =	simm.s32 @!p1 $0x0  }
0x14: {  	s2 =	sld [smem:$0x3F83];
	s0 =	simm.s32 @p1 $0x1  }
0x15: {  	[smem:$0x3FA0] =	sst s0;
	s0 =	simm.s32 @!p2 $0x0  }
0x16: {  	s3 =	sld [smem:$0x3FDB];
	s0 =	simm.s32 @p2 $0x1  }
0x17: {  	s4 =	simm.s32 $0x1BF5;
	[smem:$0x3FA2] =	sst s0  }
0x18: {  	s0 =	sld [smem:$0x3F85];
	_ =	swait.ge [sflag:s4], $0x0  }
0x19: {  	s7 =	sld [smem:$0x3F86]  }
0x1a: {  	s8 =	sadd.s32 $0xFFFFE003, lr  }
0x1b: {  	s9 =	sadd.s32 $0xFFFFFEF7, lr;
	s5 =	simm.s32 $0xFFFFFFFF;
	p2 =	slt.u32 s8, $0xFFFFF086  }
0x1c: {  	p1 =	slt.u32 s9, $0xF7A;
	s5 =	simm.s32 @!p2 $0x0  }
0x1d: {  	s5 =	simm.s32 @p1 $0x1;
	p0 =	seq.s32 s7, s2  }
0x1e: {  	s7 =	smul.u32 @!p0 $0xF7A, s2;
	p2 =	seq.s32 @!p0 s5, $0x0  }
0x1f: {  	s9 =	smul.u32 $0xF7A, s1;
	s8 =	simm.s32 @!p0 $0x1BF5;
	p2 =	por !p2, p0  }
0x20: {  	[sflag:s8] =	ssyncset.s32 @!p0 $0xFFFFF086;
	s6 =	sadd.s32 @!p0 s3, s7;
	s7 =	simm.s32 @!p0 $0x108  }
0x21: {  	s3 =	sadd.s32 s3, s9;
	s6 =	sadd.s32 @!p0 $0x88, s6;
	s7 =	simm.s32 @p2 $0x1082  }
0x22: {  	[simem:s7], [sflag:s8] =	dma.local @!p0 [hbm:s6], $0xF7A  }
0x23: {  	s9 =	sor.u32 $0xD0000000, s2;
	s6 =	simm.s32 $0x108;
	_ =	swait.ge @!p0 [sflag:s8], $0x0  }
0x24: {  	s3 =	sadd.s32 $0x88, s3;
	s6 =	simm.s32 @!p1 $0x1082;
	[sflag:s4] =	ssyncset.s32 $0xFFFFF086  }
0x25: {  	[simem:s6], [sflag:s4] =	dma.local [hbm:s3], $0xF7A  }
0x26: {  	[smem:$0x3F86] =	sst s1;
	(tag) =	ssettag s2;
	_ =	strace s9  }
0x27: {  	s1 =	sld [smem:$0x3F96]  }
0x28: {  	s2 =	sld [smem:$0x3F97]  }
0x29: {  	s4 =	sld [smem:$0x3F99]  }
0x2a: {  	p0 =	seq.s32 s5, $0x0;
	s5 =	sld [smem:$0x3F9A]  }
0x2b: {  	s6 =	sld [smem:$0x3F9B]  }
0x2c: {  	s7 =	sld [smem:$0x3F9C]  }
0x2d: {  	s3 =	simm.s32 $0x108;
	s8 =	sld [smem:$0x3F9D]  }
0x2e: {  	s3 =	simm.s32 @!p0 $0x1082;
	s9 =	sld [smem:$0x3F9E]  }
0x2f: {  	lr =	sadd.s32 s0, s3;
	s0 =	sld [smem:$0x3F95]  }
0x30: {  	s3 =	sld [smem:$0x3F98]  }
0x31: {  	[smem:$0x3FA1] =	sst s10  }
0x32: {  	s10 =	sld [smem:$0x3F9F];
	_ =	sdelay $0x3  }
0x33: {  	p0 =	seq.s32 s10, $0x1;
	s10 =	sld [smem:$0x3FA1];
	_ =	sdelay $0x3  }
0x34: {  	[smem:$0x3FA1] =	sst s10  }
0x35: {  	s10 =	sld [smem:$0x3FA0];
	_ =	sdelay $0x3  }
0x36: {  	p1 =	seq.s32 s10, $0x1;
	s10 =	sld [smem:$0x3FA1];
	_ =	sdelay $0x3  }
0x37: {  	[smem:$0x3FA1] =	sst s10  }
0x38: {  	s10 =	sld [smem:$0x3FA2]  }
0x39: {  	_ = 	snop;
	(pc) =	sbr.ind lr, $3  }
0x3a: {  	_ = 	snop  }
0x3b: {  	_ = 	snop  }
0x3c: {  	p2 =	seq.s32 s10, $0x1;
	s10 =	sld [smem:$0x3FA1]  }
0x3d: {  	_ =	shalt  }
0x3e: {  	_ =	shalt  }
0x3f: {  	_ =	shalt  }
0x40: {  	_ =	shalt  }
0x41: {  	_ =	shalt  }
0x42: {  	_ =	shalt  }
0x43: {  	_ =	shalt  }
0x44: {  	_ =	shalt  }
0x45: {  	_ =	shalt  }
0x46: {  	_ =	shalt  }
0x47: {  	_ =	shalt  }
0x48: {  	_ =	shalt  }
0x49: {  	_ =	shalt  }
0x4a: {  	_ =	shalt  }
0x4b: {  	_ =	shalt  }
0x4c: {  	_ =	shalt  }
0x4d: {  	_ =	shalt  }
0x4e: {  	_ =	shalt  }
0x4f: {  	_ =	shalt  }
0x50: {  	_ =	shalt  }
0x51: {  	_ =	shalt  }
0x52: {  	_ =	shalt  }
0x53: {  	_ =	shalt  }
0x54: {  	_ =	shalt  }
0x55: {  	_ =	shalt  }
0x56: {  	_ =	shalt  }
0x57: {  	_ =	shalt  }
0x58: {  	_ =	shalt  }
0x59: {  	_ =	shalt  }
0x5a: {  	_ =	shalt  }
0x5b: {  	_ =	shalt  }
0x5c: {  	_ =	shalt  }
0x5d: {  	_ =	shalt  }
0x5e: {  	_ =	shalt  }
0x5f: {  	_ =	shalt  }
0x60: {  	_ =	shalt  }
0x61: {  	_ =	shalt  }
0x62: {  	_ =	shalt  }
0x63: {  	_ =	shalt  }
0x64: {  	_ =	shalt  }
0x65: {  	_ =	shalt  }
0x66: {  	_ =	shalt  }
0x67: {  	_ =	shalt  }
0x68: {  	_ =	shalt  }
0x69: {  	_ =	shalt  }
0x6a: {  	_ =	shalt  }
0x6b: {  	_ =	shalt  }
0x6c: {  	_ =	shalt  }
0x6d: {  	_ =	shalt  }
0x6e: {  	_ =	shalt  }
0x6f: {  	_ =	shalt  }
0x70: {  	_ =	shalt  }
0x71: {  	_ =	shalt  }
0x72: {  	_ =	shalt  }
0x73: {  	_ =	shalt  }
0x74: {  	_ =	shalt  }
0x75: {  	_ =	shalt  }
0x76: {  	_ =	shalt  }
0x77: {  	_ =	shalt  }
0x78: {  	_ =	shalt  }
0x79: {  	_ =	shalt  }
0x7a: {  	_ =	shalt  }
0x7b: {  	_ =	shalt  }
0x7c: {  	_ =	shalt  }
0x7d: {  	_ =	shalt  }
0x7e: {  	_ =	shalt  }
0x7f: {  	_ =	shalt  }
0x80: {  	_ =	shalt  }
0x81: {  	_ =	shalt  }
0x82: {  	_ =	shalt  }
0x83: {  	_ =	shalt  }
0x84: {  	_ =	shalt  }
0x85: {  	_ =	shalt  }
0x86: {  	_ =	shalt  }
0x87: {  	_ =	shalt  }
.Lfunc_end0:
.L_simem_size_0:
called_computation.1_lowered:
.L_overlay_start_0:
0x88: {  	s2 =	sld [smem:$0x3FD9]  }
0x89: {  	s3 =	sld [smem:$0x3FFE];
	_ =	sdelay $0x1  }
0x8a: {  	s1 =	srdreg.scid  }
0x8b: {  	s0 =	sand.u32 $0x1, s1  }
0x8c: {  	s16 =	sshll.u32 s0, $0xA;
	s2 =	sadd.s32 s3, s2  }
0x8d: {  	s2 =	sadd.s32 s2, s16  }
0x8e: {  	[smem:$0x3FAD] =	sst s2  }
0x8f: {  	_ = 	snop  }
0x90: {  	(tm) =	ssettm $0x1  }
0x91: {  	s17 =	sld [smem:$0x3FFB];
	_ =	sdelay $0x3  }
0x92: {  	_ =	strace s17  }
0x93: {  	s2 =	sld [smem:$0x3FFC];
	_ =	sdelay $0x3  }
0x94: {  	_ =	strace s2  }
0x95: {  	s2 =	sld [smem:$0x3FFD];
	_ =	sdelay $0x3  }
0x96: {  	_ =	strace s2  }
0x97: {  	_ =	strace $0x8FFFFFFF  }
0x98: {  	s18 =	sld [smem:$0x3FDB];
	_ =	sdelay $0x1  }
0x99: {  	s19 =	simm.s32 $_scs_section_size  }
0x9a: {  	s4 =	simm.s32 $_size__tile_overlayer_lowered;
	s5 =	simm.s32 $_tile_overlayer_lowered  }
0x9b: {  	s22 =	simm.s32 $0x1BFF;
	s21 =	sshll.u32 s5, $0x1;
	s2 =	sadd.s32 s19, s18  }
0x9c: {  	s6 =	simm.s32 $0x0;
	s20 =	sshll.u32 s4, $0x1;
	s4 =	sadd.s32 s21, s2  }
0x9d: {  	[timem:s6], [sflag:s22] =	dma.local [hbm:s4], s20  }
0x9e: {  	_ =	swait.ge [sflag:s22], s20  }
0x9f: {  	s3 =	ssub.s32 $0x0, s20;
	[sflag:s22] =	ssyncset.done $0x0  }
0xa0: {  	[sflag:s22] =	ssyncadd.s32 s3;
	_ =	sdelay $0x1  }
0xa1: {  	s23 =	simm.s32 $0x1B8B  }
0xa2: {  	_ =	swait.ge [sflag:s23], $0x1  }
0xa3: {  	[sflag:s23] =	ssyncset.done $0x0  }
0xa4: {  	s25 =	simm.s32 $0x1B8E;
	s24 =	sld [smem:$0x3FFE];
	[sflag:s23] =	ssyncadd.s32 $0xFFFFFFFF  }
0xa5: {  	s26 =	simm.s32 $execute0_lowered;
	[smem:$0x3FD2] =	sst s25  }
0xa6: {  	s4 =	sshll.u32 s26, $0x1;
	_ =	strace $0x80000049;
	[dreg:$0x1] =	wrdreg $0xFFFFFFFF  }
0xa7: {  	s28 =	simm.s32 $_size_execute0_lowered;
	s2 =	sadd.s32 s2, s4;
	[dreg:$0x0] =	wrdreg $0x0  }
0xa8: {  	s4 =	sshll.u32 s28, $0x1;
	[dreg:$0x2] =	wrdreg s2  }
0xa9: {  	[dreg:$0x3] =	wrdreg s4  }
0xaa: {  	[dreg:$0x4] =	wrdreg $0xC0  }
0xab: {  	_ =	task [dreg:s6], $0x5FFFF  }
0xac: {  	[dreg:$0x1] =	wrdreg $0xFFFFFFFF  }
0xad: {  	[dreg:$0x0] =	wrdreg $0x60  }
0xae: {  	[dreg:$0x2] =	wrdreg s24  }
0xaf: {  	[dreg:$0x3] =	wrdreg $0x88000  }
0xb0: {  	[dreg:$0x4] =	wrdreg $0x9  }
0xb1: {  	_ =	task.clear_ibuf [dreg:s6], $0x5FFFF;
	_ =	strace $0x90000049  }
0xb2: {  	s29 =	simm.s32 $0x9;
	_ =	strace $0x8000004B  }
0xb3: {  	_ =	swait.ge [sflag:s29], $0x1  }
0xb4: {  	[sflag:s29] =	ssyncadd.s32 $0xFFFFFFFF  }
0xb5: {  	_ =	strace $0x9000004B  }
0xb6: {  	_ =	sfence  }
0xb7: {  	s30 =	sld [smem:$0x0];
	_ =	sdelay $0x2  }
0xb8: {  	s31 =	sshll.u32 s1, $0xD;
	s1 =	sshrl.u32 s1, $0x2  }
0xb9: {  	s3 =	sand.u32 $0x4000, s31;
	s1 =	sadd.s32 s1, s30  }
0xba: {  	s0 =	sor.u32 s3, s0;
	s1 =	sshll.u32 s1, $0x11  }
0xbb: {  	s0 =	sor.u32 s1, s0  }
0xbc: {  	s0 =	sadd.s32 $0x8F2B, s0  }
0xbd: {  	[sflag:s0] =	ssyncadd.remote.s32 $0x1  }
0xbe: {  	_ =	sfence.sel $0xFFFF  }
0xbf: {  	[dreg:$0x0] =	wrdreg $0xFFFFFFFF;
	(pc) =	sbr.abs _section_cstart, $3  }
0xc0: {  	[dreg:$0x1] =	wrdreg $0xFFFFFFFF  }
0xc1: {  	_ =	task.clear_ibuf [dreg:s6], $0x2FFFF;
	_ =	strace $0x9FFFFFFF  }
0xc2: {  	(tm) =	ssettm $0x7FFFFFFF  }
0xc3: {  	_ =	shalt  }
tec
execute0_lowered:
.L_overlay_start_1:
0x0: {  	(tag) =	ssettag $0x1  }
0x1: {  	s0 =	rddreg [dreg:$0x0]  }
0x2: {  	s1 =	rddreg [dreg:$0x1];
	s3 =	simm.s32 $0x0  }
0x3: {  	s2 =	stileid.u32;
	s7 =	srdreg.scid;
	s21 =	simm.s32 $0x800  }
0x4: {  	s22 =	simm.s32 $0x5;
	s28 =	simm.s32 $0x2;
	s29 =	simm.s32 $0x3  }
0x5: {  	s30 =	simm.s32 $0x4;
	s23 =	simm.s32 $0x0;
	[smem:$0x7FF] =	sst s3  }
0x6: {  	s4 =	sadd.s32 $0x1A800, s0;
	s5 =	sadd.s32 $0x10800, s0;
	s8 =	smul.u32 $0x4E000, s2  }
0x7: {  	s6 =	sadd.s32 $0x6800, s0;
	s19 =	sadd.s32 $0x41A00, s0;
	s7 =	sand.u32 $0x1, s7  }
0x8: {  	s20 =	sadd.s32 $0x68C00, s0;
	s11 =	sshll.u32 s2, $0x1;
	s14 =	sadd.s32 $0x138000, s1  }
0x9: {  	s18 =	smul.u32 $0x2700, s2;
	p1 =	sne.s32 s2, $0xF;
	p2 =	seq.s32 s2, $0xF  }
0xa: {  	_ =	strace $0x8000004A;
	s24 =	ssub.s32 $0x2, s7;
	[dreg:$0x3] =	wrdreg s19  }
0xb: {  	s25 =	sor.u32 s7, s11;
	p0 =	seq.s32 s7, $0x1;
	[dreg:$0x4] =	wrdreg s20  }
0xc: {  	s8 =	sshrl.u32 s8, $0x2;
	s10 =	sshrl.u32 s24, $0x1;
	s16 =	smul.u32 $0x500, s25  }
0xd: {  	s17 =	smul.u32 $0xA, s25;
	s26 =	sadd.s32 s19, s18;
	s31 =	sadd.s32 s20, s18  }
.Ltmp0:
0xe: {  	s25 =	simm.s32 $0x4800;
	[dreg:$0x5] =	wrdreg s26;
	(pc) =	sbr.rel .LBB2_1-.Ltmp0, $4  }
0xf: {  	s9 =	sadd.s32 s8, s1;
	s0 =	ssub.s32 s24, s10;
	[dreg:$0x6] =	wrdreg s31  }
0x10: {  	s24 =	simm.s32 $0x80;
	s26 =	simm.s32 $0x1;
	s10 =	sadd.s32 $0x4000, s9  }
0x11: {  	s11 =	sadd.s32 $0x8000, s9;
	s12 =	sadd.s32 $0xC000, s9;
	s13 =	sadd.s32 $0x10000, s9  }
0x12: {  	v0 =	vimm.f32 $0.0e+00;
	s15 =	sadd.s32 s5, s16;
	s16 =	sadd.s32 s6, s16;
	s20 =	smax.u32 s0, $0x1  }
.LBB2_8:
0x13: {  	s0 =	sadd.s32 $0x27000, s8;
	s2 =	sshrl.u32 s14, $0x3  }
0x14: {  	[hbm:s0], [sflag:s7] =	dma.local [spmem:s2], $0x100  }
0x15: {  	_ =	swait.ge [sflag:s22], $0x100  }
0x16: {  	[sflag:s22] =	ssyncset.done $0x0  }
0x17: {  	[sflag:s22] =	ssyncadd.s32 $0xFFFFFF00  }
.LBB2_9:
0x18: {  	s23 =	sadd.s32 $0x1, s23  }
0x19: {  	p3 =	sne.s32 s23, s20  }
.Ltmp1:
0x1a: {  	_ = 	snop;
	(pc) =	sbr.rel @!p3 .LBB2_10-.Ltmp1, $1  }
0x1b: {  	_ =	sdelay $0x3  }
.LBB2_1:
0x1c: {  	s7 =	simm.s32 $0x0;
	s18 =	simm.s32 $0x200  }
.LBB2_2:
0x1d: {  	p3 =	sne.s32 s18, $0xFE00;
	[tilespmem:s7+$0x870] =	vst v0  }
0x1e: {  	[tilespmem:s7+$0x800] =	vst v0  }
0x1f: {  	[tilespmem:s7+$0x810] =	vst v0  }
.Ltmp2:
0x20: {  	[tilespmem:s7+$0x820] =	vst v0;
	(pc) =	sbr.rel @p3 .LBB2_2-.Ltmp2, $4  }
0x21: {  	[tilespmem:s7+$0x830] =	vst v0  }
0x22: {  	[tilespmem:s7+$0x840] =	vst v0  }
0x23: {  	[tilespmem:s7+$0x850] =	vst v0  }
0x24: {  	[tilespmem:s7+$0x860] =	vst v0;
	s7 =	sshra.s32 s18, $0x2;
	s18 =	sadd.s32 $0x200, s18  }
0x25: {  	[tilespmem:s7+$0x870] =	vst v0  }
0x26: {  	[tilespmem:s7+$0x800] =	vst v0  }
0x27: {  	[tilespmem:s7+$0x810] =	vst v0  }
0x28: {  	[tilespmem:s7+$0x820] =	vst v0  }
0x29: {  	[tilespmem:s7+$0x830] =	vst v0  }
0x2a: {  	[tilespmem:s7+$0x840] =	vst v0  }
0x2b: {  	[tilespmem:s7+$0x850] =	vst v0  }
0x2c: {  	[tilespmem:s7+$0x860] =	vst v0  }
0x2d: {  	[spmem:s9] =	stream.linear.scatter [tilespmem:s21], [sflag:$0x5], $0x4000, $0x38;
	[tilespmem:$0x1C100] =	vst v63  }
0x2e: {  	_ =	swait.ge [sflag:s22], $0x4000  }
0x2f: {  	[sflag:s22] =	ssyncset.done $0x0  }
0x30: {  	[sflag:s22] =	ssyncadd.s32 $0xFFFFC000  }
0x31: {  	[spmem:s10] =	stream.linear.scatter [tilespmem:s21], [sflag:$0x5], $0x4000, $0x38;
	[tilespmem:$0x1C100] =	vst v63  }
0x32: {  	_ =	swait.ge [sflag:s22], $0x4000  }
0x33: {  	[sflag:s22] =	ssyncset.done $0x0  }
0x34: {  	[sflag:s22] =	ssyncadd.s32 $0xFFFFC000  }
0x35: {  	[spmem:s11] =	stream.linear.scatter [tilespmem:s21], [sflag:$0x5], $0x4000, $0x38;
	[tilespmem:$0x1C100] =	vst v63  }
0x36: {  	_ =	swait.ge [sflag:s22], $0x4000  }
0x37: {  	[sflag:s22] =	ssyncset.done $0x0  }
0x38: {  	[sflag:s22] =	ssyncadd.s32 $0xFFFFC000  }
0x39: {  	[spmem:s12] =	stream.linear.scatter [tilespmem:s21], [sflag:$0x5], $0x4000, $0x38;
	[tilespmem:$0x1C100] =	vst v63  }
0x3a: {  	_ =	swait.ge [sflag:s22], $0x4000  }
0x3b: {  	[sflag:s22] =	ssyncset.done $0x0  }
0x3c: {  	[sflag:s22] =	ssyncadd.s32 $0xFFFFC000  }
0x3d: {  	[spmem:s13] =	stream.linear.scatter [tilespmem:s21], [sflag:$0x5], $0x3800, $0x38;
	[tilespmem:$0x1C100] =	vst v63  }
0x3e: {  	_ =	swait.ge [sflag:s22], $0x3800  }
0x3f: {  	[sflag:s22] =	ssyncset.done $0x0  }
0x40: {  	s7 =	simm.s32 @!p1 $0x800;
	[sflag:s22] =	ssyncadd.s32 $0xFFFFC800  }
0x41: {  	[spmem:s14] =	stream.linear.scatter @!p1 [tilespmem:s7], [sflag:$0x5], $0x1000, $0x38;
	[tilespmem:$0x1C100] =	vst v63  }
0x42: {  	s7 =	simm.s32 @!p1 $0x5  }
0x43: {  	_ =	swait.ge @!p1 [sflag:s7], $0x1000  }
0x44: {  	[sflag:s7] =	ssyncset.done @!p1 $0x0  }
0x45: {  	[sflag:s7] =	ssyncadd.s32 @!p1 $0xFFFFF000  }
0x46: {  	[bflag:$0x0] =	sbarrier.arrive $0xFFFF  }
0x47: {  	[tilespmem:s3], [sflag:$0x5] =	stream.linear.gather [hbm4b:s15+s3], $0x400, $0x38;
	[tilespmem:$0x1C100] =	vst v63  }
0x48: {  	_ =	swait.ge [sflag:s22], $0x400  }
0x49: {  	[sflag:s22] =	ssyncset.done $0x0  }
0x4a: {  	s0 =	simm.s32 $0x400;
	[sflag:s22] =	ssyncadd.s32 $0xFFFFFC00  }
0x4b: {  	[tilespmem:s0], [sflag:$0x5] =	stream.linear.gather [hbm4b:s16+s3], $0x400, $0x38;
	[tilespmem:$0x1C100] =	vst v63  }
0x4c: {  	_ =	swait.ge [sflag:s22], $0x400  }
0x4d: {  	[sflag:s22] =	ssyncset.done $0x0  }
0x4e: {  	[sflag:s22] =	ssyncadd.s32 $0xFFFFFC00  }
0x4f: {  	[tilespmem:s21], [sflag:$0x1] =	stream.indirect.gather [hbm4b:s4+s24], $0x80, s3, s24, $0xb8;
	[tilespmem:$0x1C100] =	vst v63  }
0x50: {  	_ = 	snop  }
0x51: {  	[tilespmem:s25], [sflag:$0x2] =	stream.indirect.gather [hbm4b:s4+s24], $0x80, s24, s24, $0xb8;
	[tilespmem:$0x1C100] =	vst v63  }
0x52: {  	s31 =	simm.s32 $0x0;
	_ =	swait.ge [sflag:s26], $0x4000  }
0x53: {  	s7 =	sand.u32 $0x300, s31;
	[sflag:s26] =	ssyncset.done $0x0  }
0x54: {  	s8 =	sor.u32 $0x400, s7;
	[sflag:s26] =	ssyncadd.s32 $0xFFFFC000  }
0x55: {  	[spmem:s1] =	stream.indirect.scatter.add.f32 [tilespmem:s21], [sflag:$0x3], $0x80, s8, s24, $0xb8;
	[tilespmem:$0x1C100] =	vst v63  }
0x56: {  	_ =	swait.ge [sflag:s28], $0x4000  }
0x57: {  	[sflag:s28] =	ssyncset.done $0x0  }
0x58: {  	s7 =	sor.u32 $0x480, s7;
	s0 =	simm.s32 $0x2;
	[sflag:s28] =	ssyncadd.s32 $0xFFFFC000  }
0x59: {  	[spmem:s1] =	stream.indirect.scatter.add.f32 [tilespmem:s25], [sflag:$0x4], $0x80, s7, s24, $0xb8;
	[tilespmem:$0x1C100] =	vst v63  }
0x5a: {  	s2 =	sand.u32 $0x6, s0;
	_ =	swait.ge [sflag:s29], $0x4000  }
0x5b: {  	p3 =	sne.s32 s2, $0x0;
	[sflag:s29] =	ssyncset.done $0x0  }
0x5c: {  	s8 =	sadd.s32 @!p3 $0x0, s17;
	[sflag:s29] =	ssyncadd.s32 $0xFFFFC000  }
0x5d: {  	s8 =	sshll.u32 @!p3 s8, $0x7;
	_ =	swait.ge [sflag:s30], $0x4000  }
0x5e: {  	s18 =	simm.s32 @!p3 $0x5;
	s8 =	sand.u32 @!p3 $0x1FFFFF80, s8;
	[sflag:s30] =	ssyncset.done $0x0  }
0x5f: {  	s31 =	simm.s32 @!p3 $0x0;
	s19 =	sadd.s32 @!p3 s5, s8;
	[sflag:s30] =	ssyncadd.s32 $0xFFFFC000  }
0x60: {  	[tilespmem:s31], [sflag:$0x5] =	stream.linear.gather @!p3 [hbm4b:s19+s31], $0x400, $0x38;
	[tilespmem:$0x1C100] =	vst v63  }
0x61: {  	_ =	swait.ge @!p3 [sflag:s18], $0x400  }
0x62: {  	[sflag:s18] =	ssyncset.done @!p3 $0x0  }
0x63: {  	s8 =	sadd.s32 @!p3 s6, s8;
	s19 =	simm.s32 @!p3 $0x400;
	[sflag:s18] =	ssyncadd.s32 @!p3 $0xFFFFFC00  }
0x64: {  	[tilespmem:s19], [sflag:$0x5] =	stream.linear.gather @!p3 [hbm4b:s8+s31], $0x400, $0x38;
	[tilespmem:$0x1C100] =	vst v63  }
0x65: {  	_ =	swait.ge @!p3 [sflag:s18], $0x400  }
0x66: {  	[sflag:s18] =	ssyncset.done @!p3 $0x0  }
0x67: {  	s7 =	sshll.u32 s2, $0x7;
	s31 =	simm.s32 $0x180;
	[sflag:s18] =	ssyncadd.s32 @!p3 $0xFFFFFC00  }
0x68: {  	[tilespmem:s21], [sflag:$0x1] =	stream.indirect.gather [hbm4b:s4+s24], $0x80, s7, s24, $0xb8;
	[tilespmem:$0x1C100] =	vst v63  }
0x69: {  	s8 =	sand.u32 $0x380, s31;
	s18 =	simm.s32 $0x280;
	s7 =	simm.s32 $0x4  }
.LBB2_4:
0x6a: {  	[tilespmem:s25], [sflag:$0x2] =	stream.indirect.gather [hbm4b:s4+s24], $0x80, s8, s24, $0xb8;
	[tilespmem:$0x1C100] =	vst v63  }
0x6b: {  	s8 =	smov.u32 s7  }
0x6c: {  	s19 =	sadd.s32 $0xFFFFFE80, s18;
	s7 =	sadd.s32 $0x2, s7;
	_ =	swait.ge [sflag:s26], $0x4000  }
0x6d: {  	s19 =	sand.u32 $0x300, s19;
	p3 =	sne.s32 s7, $0x50;
	[sflag:s26] =	ssyncset.done $0x0  }
0x6e: {  	s31 =	sor.u32 $0x400, s19;
	[sflag:s26] =	ssyncadd.s32 $0xFFFFC000  }
0x6f: {  	[spmem:s1] =	stream.indirect.scatter.add.f32 [tilespmem:s21], [sflag:$0x3], $0x80, s31, s24, $0xb8;
	[tilespmem:$0x1C100] =	vst v63  }
0x70: {  	_ =	swait.ge [sflag:s28], $0x4000  }
0x71: {  	[sflag:s28] =	ssyncset.done $0x0  }
0x72: {  	s19 =	sor.u32 $0x480, s19;
	s31 =	sand.u32 $0x6, s8;
	[sflag:s28] =	ssyncadd.s32 $0xFFFFC000  }
0x73: {  	[spmem:s1] =	stream.indirect.scatter.add.f32 [tilespmem:s25], [sflag:$0x4], $0x80, s19, s24, $0xb8;
	[tilespmem:$0x1C100] =	vst v63  }
0x74: {  	p4 =	sne.s32 s31, $0x0;
	_ =	swait.ge [sflag:s29], $0x4000  }
0x75: {  	s8 =	sshrl.u32 @!p4 s8, $0x3;
	[sflag:s29] =	ssyncset.done $0x0  }
0x76: {  	s8 =	sadd.s32 @!p4 s17, s8;
	[sflag:s29] =	ssyncadd.s32 $0xFFFFC000  }
0x77: {  	s8 =	sshll.u32 @!p4 s8, $0x7;
	_ =	swait.ge [sflag:s30], $0x4000  }
0x78: {  	s19 =	simm.s32 @!p4 $0x5;
	s8 =	sand.u32 @!p4 $0x1FFFFF80, s8;
	[sflag:s30] =	ssyncset.done $0x0  }
0x79: {  	s2 =	simm.s32 @!p4 $0x0;
	s0 =	sadd.s32 @!p4 s5, s8;
	[sflag:s30] =	ssyncadd.s32 $0xFFFFC000  }
0x7a: {  	[tilespmem:s2], [sflag:$0x5] =	stream.linear.gather @!p4 [hbm4b:s0+s2], $0x400, $0x38;
	[tilespmem:$0x1C100] =	vst v63  }
0x7b: {  	s0 =	sadd.s32 @!p4 s6, s8;
	_ =	swait.ge @!p4 [sflag:s19], $0x400  }
0x7c: {  	[sflag:s19] =	ssyncset.done @!p4 $0x0  }
0x7d: {  	s8 =	simm.s32 @!p4 $0x400;
	[sflag:s19] =	ssyncadd.s32 @!p4 $0xFFFFFC00  }
0x7e: {  	[tilespmem:s8], [sflag:$0x5] =	stream.linear.gather @!p4 [hbm4b:s0+s2], $0x400, $0x38;
	[tilespmem:$0x1C100] =	vst v63  }
.Ltmp3:
0x7f: {  	_ =	swait.ge @!p4 [sflag:s19], $0x400;
	(pc) =	sbr.rel @p3 .LBB2_4-.Ltmp3, $4  }
0x80: {  	[sflag:s19] =	ssyncset.done @!p4 $0x0  }
0x81: {  	s0 =	sshll.u32 s31, $0x7;
	[sflag:s19] =	ssyncadd.s32 @!p4 $0xFFFFFC00  }
0x82: {  	[tilespmem:s21], [sflag:$0x1] =	stream.indirect.gather [hbm4b:s4+s24], $0x80, s0, s24, $0xb8;
	[tilespmem:$0x1C100] =	vst v63  }
0x83: {  	s8 =	sand.u32 $0x380, s18;
	s18 =	sadd.s32 $0x100, s18  }
0x84: {  	[tilespmem:s25], [sflag:$0x2] =	stream.indirect.gather [hbm4b:s4+s24], $0x80, s8, s24, $0xb8;
	[tilespmem:$0x1C100] =	vst v63  }
0x85: {  	_ =	swait.ge [sflag:s26], $0x4000  }
0x86: {  	[sflag:s26] =	ssyncset.done $0x0  }
0x87: {  	s0 =	simm.s32 $0x700;
	[sflag:s26] =	ssyncadd.s32 $0xFFFFC000  }
0x88: {  	[spmem:s1] =	stream.indirect.scatter.add.f32 [tilespmem:s21], [sflag:$0x3], $0x80, s0, s24, $0xb8;
	[tilespmem:$0x1C100] =	vst v63  }
0x89: {  	_ =	swait.ge [sflag:s28], $0x4000  }
0x8a: {  	[sflag:s28] =	ssyncset.done $0x0  }
0x8b: {  	s19 =	simm.s32 $0x780;
	[sflag:s28] =	ssyncadd.s32 $0xFFFFC000  }
0x8c: {  	[spmem:s1] =	stream.indirect.scatter.add.f32 [tilespmem:s25], [sflag:$0x4], $0x80, s19, s24, $0xb8;
	[tilespmem:$0x1C100] =	vst v63  }
0x8d: {  	_ =	swait.ge [sflag:s29], $0x4000  }
0x8e: {  	[sflag:s29] =	ssyncset.done $0x0  }
0x8f: {  	[sflag:s29] =	ssyncadd.s32 $0xFFFFC000  }
.Ltmp4:
0x90: {  	_ =	swait.ge [sflag:s30], $0x4000;
	(pc) =	sbr.rel @!p0 .LBB2_6-.Ltmp4, $4  }
0x91: {  	[sflag:s30] =	ssyncset.done $0x0  }
0x92: {  	s31 =	stileid.u32;
	[sflag:s30] =	ssyncadd.s32 $0xFFFFC000  }
0x93: {  	s18 =	sshll.u32 s31, $0x6;
	[bflag:$0x0] =	sbarrier.arrive $0xFFFF  }
0x94: {  	s8 =	sshrl.u32 s9, $0x3;
	s7 =	sor.u32 $0x1C05, s18  }
0x95: {  	s7 =	sor.u32 $0x1C05, s18;
	s0 =	rddreg [dreg:$0x6]  }
0x96: {  	[hbm:s0], [sflag:s7] =	dma.local [spmem:s8], $0x2700  }
.Ltmp5:
0x97: {  	_ = 	snop;
	(pc) =	sbr.rel @p1 .LBB2_9-.Ltmp5, $4  }
.Ltmp6:
0x98: {  	_ = 	snop;
	(pc) =	sbr.rel @!p1 .LBB2_8-.Ltmp6, $4  }
0x99: {  	_ =	swait.ge [sflag:s22], $0x2700  }
0x9a: {  	[sflag:s22] =	ssyncset.done $0x0  }
0x9b: {  	s8 =	rddreg [dreg:$0x4];
	[sflag:s22] =	ssyncadd.s32 $0xFFFFD900  }
0x9c: {  	_ = 	snop  }
.LBB2_6:
0x9d: {  	s0 =	rddreg [dreg:$0x5]  }
0x9e: {  	[hbm:s0], [sflag:s7] =	dma.local [spmem:s8], $0x2700  }
.Ltmp7:
0x9f: {  	_ = 	snop;
	(pc) =	sbr.rel @p2 .LBB2_8-.Ltmp7, $4  }
.Ltmp8:
0xa0: {  	_ = 	snop;
	(pc) =	sbr.rel @!p2 .LBB2_9-.Ltmp8, $4  }
0xa1: {  	_ =	swait.ge [sflag:s22], $0x2700  }
0xa2: {  	[sflag:s22] =	ssyncset.done $0x0  }
0xa3: {  	s8 =	rddreg [dreg:$0x3];
	[sflag:s22] =	ssyncadd.s32 $0xFFFFD900  }
0xa4: {  	_ = 	snop  }
.LBB2_10:
0xa5: {  	_ =	sfence.sel $0x180000  }
0xa6: {  	[bflag:$0x0] =	sbarrier.arrive $0xFFFF  }
0xa7: {  	_ =	strace $0x9000004A  }
0xa8: {  	s0 =	stileid.u32;
	[bflag:$0x2] =	sbarrier.arrive $0xFFFF  }
0xa9: {  	p0 =	sne.s32 s0, $0x0;
	s0 =	rddreg [dreg:$0x2]  }
0xaa: {  	s0 =	sadd.s32 @!p0 $0x100000, s0  }
0xab: {  	[sflag:s0] =	ssyncadd.tile.s32 @!p0 $0x1;
	_ =	shalt  }
.Lfunc_end2:
_tile_overlayer_lowered:
.L_overlay_start_2:
0xac: {  	(tag) =	ssettag $0x2  }
0xad: {  	s0 =	rddreg [dreg:$0x0];
	s2 =	stileid.u32  }
0xae: {  	s1 =	rddreg [dreg:$0x1];
	p0 =	sne.s32 s2, $0x0  }
0xaf: {  	s3 =	rddreg [dreg:$0x2];
	[bflag:$0x3] =	sbarrier.arrive $0xFFFF;
	s2 =	simm.s32 @!p0 $0x1C05  }
0xb0: {  	[timem:s3], [sflag:s2] =	dma.local @!p0 [hbm:s0], s1  }
0xb1: {  	s0 =	simm.s32 @!p0 $0x5  }
0xb2: {  	_ =	swait.ge @!p0 [sflag:s0], s1  }
0xb3: {  	s1 =	ssub.s32 @!p0 $0x0, s1;
	[sflag:s0] =	ssyncset.done @!p0 $0x0  }
0xb4: {  	[sflag:s0] =	ssyncadd.s32 @!p0 s1  }
0xb5: {  	[bflag:$0x3] =	sbarrier.arrive $0xFFFF  }
0xb6: {  	_ =	shalt  }

// kernel: kernel.17.cloned.1.call-start
scs
__scs_entry_jumppad:
0x0: {  	(pc) =	sbr.rel $0x88, $3  }
0x1: {  	(tag) =	ssettag $0x0;
	lr =	simm.s32 $0x1  }
0x2: {  	[smem:$0x3F86] =	sst lr;
	_ =	strace $0xD0000000  }
0x3: {  	_ = 	snop  }
0x4: {  	_ = 	snop  }
0x5: {  	_ = 	snop  }
0x6: {  	_ = 	snop  }
0x7: {  	_ = 	snop  }
__scs_overlays_trampoline_lowered:
0x8: {  	[smem:$0x3F95] =	sst s0  }
0x9: {  	[smem:$0x3F96] =	sst s1  }
0xa: {  	[smem:$0x3F97] =	sst s2  }
0xb: {  	[smem:$0x3F98] =	sst s3  }
0xc: {  	[smem:$0x3F99] =	sst s4  }
0xd: {  	[smem:$0x3F9A] =	sst s5  }
0xe: {  	[smem:$0x3F9B] =	sst s6  }
0xf: {  	[smem:$0x3F9C] =	sst s7  }
0x10: {  	[smem:$0x3F9D] =	sst s8  }
0x11: {  	[smem:$0x3F9E] =	sst s9;
	s0 =	simm.s32 @!p0 $0x0  }
0x12: {  	s1 =	sld [smem:$0x3F84];
	s0 =	simm.s32 @p0 $0x1  }
0x13: {  	[smem:$0x3F9F] =	sst s0;
	s0 =	simm.s32 @!p1 $0x0  }
0x14: {  	s2 =	sld [smem:$0x3F83];
	s0 =	simm.s32 @p1 $0x1  }
0x15: {  	[smem:$0x3FA0] =	sst s0;
	s0 =	simm.s32 @!p2 $0x0  }
0x16: {  	s3 =	sld [smem:$0x3FDB];
	s0 =	simm.s32 @p2 $0x1  }
0x17: {  	s4 =	simm.s32 $0x1BF5;
	[smem:$0x3FA2] =	sst s0  }
0x18: {  	s0 =	sld [smem:$0x3F85];
	_ =	swait.ge [sflag:s4], $0x0  }
0x19: {  	s7 =	sld [smem:$0x3F86]  }
0x1a: {  	s8 =	sadd.s32 $0xFFFFE003, lr  }
0x1b: {  	s9 =	sadd.s32 $0xFFFFFEF7, lr;
	s5 =	simm.s32 $0xFFFFFFFF;
	p2 =	slt.u32 s8, $0xFFFFF086  }
0x1c: {  	p1 =	slt.u32 s9, $0xF7A;
	s5 =	simm.s32 @!p2 $0x0  }
0x1d: {  	s5 =	simm.s32 @p1 $0x1;
	p0 =	seq.s32 s7, s2  }
0x1e: {  	s7 =	smul.u32 @!p0 $0xF7A, s2;
	p2 =	seq.s32 @!p0 s5, $0x0  }
0x1f: {  	s9 =	smul.u32 $0xF7A, s1;
	s8 =	simm.s32 @!p0 $0x1BF5;
	p2 =	por !p2, p0  }
0x20: {  	[sflag:s8] =	ssyncset.s32 @!p0 $0xFFFFF086;
	s6 =	sadd.s32 @!p0 s3, s7;
	s7 =	simm.s32 @!p0 $0x108  }
0x21: {  	s3 =	sadd.s32 s3, s9;
	s6 =	sadd.s32 @!p0 $0x88, s6;
	s7 =	simm.s32 @p2 $0x1082  }
0x22: {  	[simem:s7], [sflag:s8] =	dma.local @!p0 [hbm:s6], $0xF7A  }
0x23: {  	s9 =	sor.u32 $0xD0000000, s2;
	s6 =	simm.s32 $0x108;
	_ =	swait.ge @!p0 [sflag:s8], $0x0  }
0x24: {  	s3 =	sadd.s32 $0x88, s3;
	s6 =	simm.s32 @!p1 $0x1082;
	[sflag:s4] =	ssyncset.s32 $0xFFFFF086  }
0x25: {  	[simem:s6], [sflag:s4] =	dma.local [hbm:s3], $0xF7A  }
0x26: {  	[smem:$0x3F86] =	sst s1;
	(tag) =	ssettag s2;
	_ =	strace s9  }
0x27: {  	s1 =	sld [smem:$0x3F96]  }
0x28: {  	s2 =	sld [smem:$0x3F97]  }
0x29: {  	s4 =	sld [smem:$0x3F99]  }
0x2a: {  	p0 =	seq.s32 s5, $0x0;
	s5 =	sld [smem:$0x3F9A]  }
0x2b: {  	s6 =	sld [smem:$0x3F9B]  }
0x2c: {  	s7 =	sld [smem:$0x3F9C]  }
0x2d: {  	s3 =	simm.s32 $0x108;
	s8 =	sld [smem:$0x3F9D]  }
0x2e: {  	s3 =	simm.s32 @!p0 $0x1082;
	s9 =	sld [smem:$0x3F9E]  }
0x2f: {  	lr =	sadd.s32 s0, s3;
	s0 =	sld [smem:$0x3F95]  }
0x30: {  	s3 =	sld [smem:$0x3F98]  }
0x31: {  	[smem:$0x3FA1] =	sst s10  }
0x32: {  	s10 =	sld [smem:$0x3F9F];
	_ =	sdelay $0x3  }
0x33: {  	p0 =	seq.s32 s10, $0x1;
	s10 =	sld [smem:$0x3FA1];
	_ =	sdelay $0x3  }
0x34: {  	[smem:$0x3FA1] =	sst s10  }
0x35: {  	s10 =	sld [smem:$0x3FA0];
	_ =	sdelay $0x3  }
0x36: {  	p1 =	seq.s32 s10, $0x1;
	s10 =	sld [smem:$0x3FA1];
	_ =	sdelay $0x3  }
0x37: {  	[smem:$0x3FA1] =	sst s10  }
0x38: {  	s10 =	sld [smem:$0x3FA2]  }
0x39: {  	_ = 	snop;
	(pc) =	sbr.ind lr, $3  }
0x3a: {  	_ = 	snop  }
0x3b: {  	_ = 	snop  }
0x3c: {  	p2 =	seq.s32 s10, $0x1;
	s10 =	sld [smem:$0x3FA1]  }
0x3d: {  	_ =	shalt  }
0x3e: {  	_ =	shalt  }
0x3f: {  	_ =	shalt  }
0x40: {  	_ =	shalt  }
0x41: {  	_ =	shalt  }
0x42: {  	_ =	shalt  }
0x43: {  	_ =	shalt  }
0x44: {  	_ =	shalt  }
0x45: {  	_ =	shalt  }
0x46: {  	_ =	shalt  }
0x47: {  	_ =	shalt  }
0x48: {  	_ =	shalt  }
0x49: {  	_ =	shalt  }
0x4a: {  	_ =	shalt  }
0x4b: {  	_ =	shalt  }
0x4c: {  	_ =	shalt  }
0x4d: {  	_ =	shalt  }
0x4e: {  	_ =	shalt  }
0x4f: {  	_ =	shalt  }
0x50: {  	_ =	shalt  }
0x51: {  	_ =	shalt  }
0x52: {  	_ =	shalt  }
0x53: {  	_ =	shalt  }
0x54: {  	_ =	shalt  }
0x55: {  	_ =	shalt  }
0x56: {  	_ =	shalt  }
0x57: {  	_ =	shalt  }
0x58: {  	_ =	shalt  }
0x59: {  	_ =	shalt  }
0x5a: {  	_ =	shalt  }
0x5b: {  	_ =	shalt  }
0x5c: {  	_ =	shalt  }
0x5d: {  	_ =	shalt  }
0x5e: {  	_ =	shalt  }
0x5f: {  	_ =	shalt  }
0x60: {  	_ =	shalt  }
0x61: {  	_ =	shalt  }
0x62: {  	_ =	shalt  }
0x63: {  	_ =	shalt  }
0x64: {  	_ =	shalt  }
0x65: {  	_ =	shalt  }
0x66: {  	_ =	shalt  }
0x67: {  	_ =	shalt  }
0x68: {  	_ =	shalt  }
0x69: {  	_ =	shalt  }
0x6a: {  	_ =	shalt  }
0x6b: {  	_ =	shalt  }
0x6c: {  	_ =	shalt  }
0x6d: {  	_ =	shalt  }
0x6e: {  	_ =	shalt  }
0x6f: {  	_ =	shalt  }
0x70: {  	_ =	shalt  }
0x71: {  	_ =	shalt  }
0x72: {  	_ =	shalt  }
0x73: {  	_ =	shalt  }
0x74: {  	_ =	shalt  }
0x75: {  	_ =	shalt  }
0x76: {  	_ =	shalt  }
0x77: {  	_ =	shalt  }
0x78: {  	_ =	shalt  }
0x79: {  	_ =	shalt  }
0x7a: {  	_ =	shalt  }
0x7b: {  	_ =	shalt  }
0x7c: {  	_ =	shalt  }
0x7d: {  	_ =	shalt  }
0x7e: {  	_ =	shalt  }
0x7f: {  	_ =	shalt  }
0x80: {  	_ =	shalt  }
0x81: {  	_ =	shalt  }
0x82: {  	_ =	shalt  }
0x83: {  	_ =	shalt  }
0x84: {  	_ =	shalt  }
0x85: {  	_ =	shalt  }
0x86: {  	_ =	shalt  }
0x87: {  	_ =	shalt  }
.Lfunc_end0:
.L_simem_size_0:
called_computation.2_lowered:
.L_overlay_start_0:
0x88: {  	s2 =	sld [smem:$0x3FD9]  }
0x89: {  	s3 =	sld [smem:$0x3FFE];
	_ =	sdelay $0x1  }
0x8a: {  	s1 =	srdreg.scid  }
0x8b: {  	s0 =	sand.u32 $0x1, s1  }
0x8c: {  	s16 =	sshll.u32 s0, $0xA;
	s2 =	sadd.s32 s3, s2  }
0x8d: {  	s2 =	sadd.s32 s2, s16  }
0x8e: {  	[smem:$0x3FAD] =	sst s2  }
0x8f: {  	_ = 	snop  }
0x90: {  	(tm) =	ssettm $0x1  }
0x91: {  	s17 =	sld [smem:$0x3FFB];
	_ =	sdelay $0x3  }
0x92: {  	_ =	strace s17  }
0x93: {  	s2 =	sld [smem:$0x3FFC];
	_ =	sdelay $0x3  }
0x94: {  	_ =	strace s2  }
0x95: {  	s2 =	sld [smem:$0x3FFD];
	_ =	sdelay $0x3  }
0x96: {  	_ =	strace s2  }
0x97: {  	_ =	strace $0x8FFFFFFF  }
0x98: {  	s18 =	sld [smem:$0x3FDB];
	_ =	sdelay $0x1  }
0x99: {  	s19 =	simm.s32 $_scs_section_size  }
0x9a: {  	s4 =	simm.s32 $_size__tile_overlayer_lowered;
	s5 =	simm.s32 $_tile_overlayer_lowered  }
0x9b: {  	s22 =	simm.s32 $0x1BFF;
	s21 =	sshll.u32 s5, $0x1;
	s2 =	sadd.s32 s19, s18  }
0x9c: {  	s6 =	simm.s32 $0x0;
	s20 =	sshll.u32 s4, $0x1;
	s4 =	sadd.s32 s21, s2  }
0x9d: {  	[timem:s6], [sflag:s22] =	dma.local [hbm:s4], s20  }
0x9e: {  	_ =	swait.ge [sflag:s22], s20  }
0x9f: {  	s3 =	ssub.s32 $0x0, s20;
	[sflag:s22] =	ssyncset.done $0x0  }
0xa0: {  	[sflag:s22] =	ssyncadd.s32 s3;
	_ =	sdelay $0x1  }
0xa1: {  	s23 =	simm.s32 $0x1B8B  }
0xa2: {  	_ =	swait.ge [sflag:s23], $0x1  }
0xa3: {  	[sflag:s23] =	ssyncset.done $0x0  }
0xa4: {  	s25 =	simm.s32 $0x1B8E;
	s24 =	sld [smem:$0x3FFE];
	[sflag:s23] =	ssyncadd.s32 $0xFFFFFFFF  }
0xa5: {  	s26 =	simm.s32 $execute0_lowered;
	[smem:$0x3FD2] =	sst s25  }
0xa6: {  	s4 =	sshll.u32 s26, $0x1;
	_ =	strace $0x8000004C;
	[dreg:$0x1] =	wrdreg $0xFFFFFFFF  }
0xa7: {  	s28 =	simm.s32 $_size_execute0_lowered;
	s2 =	sadd.s32 s2, s4;
	[dreg:$0x0] =	wrdreg $0x0  }
0xa8: {  	s4 =	sshll.u32 s28, $0x1;
	[dreg:$0x2] =	wrdreg s2  }
0xa9: {  	[dreg:$0x3] =	wrdreg s4  }
0xaa: {  	[dreg:$0x4] =	wrdreg $0xC0  }
0xab: {  	_ =	task [dreg:s6], $0x5FFFF  }
0xac: {  	[dreg:$0x1] =	wrdreg $0xFFFFFFFF  }
0xad: {  	[dreg:$0x0] =	wrdreg $0x60  }
0xae: {  	[dreg:$0x2] =	wrdreg s24  }
0xaf: {  	[dreg:$0x3] =	wrdreg $0x88000  }
0xb0: {  	[dreg:$0x4] =	wrdreg $0x9  }
0xb1: {  	_ =	task.clear_ibuf [dreg:s6], $0x5FFFF;
	_ =	strace $0x9000004C  }
0xb2: {  	s29 =	simm.s32 $0x9;
	_ =	strace $0x8000004E  }
0xb3: {  	_ =	swait.ge [sflag:s29], $0x1  }
0xb4: {  	[sflag:s29] =	ssyncadd.s32 $0xFFFFFFFF  }
0xb5: {  	_ =	strace $0x9000004E  }
0xb6: {  	_ =	sfence  }
0xb7: {  	s30 =	sld [smem:$0x0];
	_ =	sdelay $0x2  }
0xb8: {  	s31 =	sshll.u32 s1, $0xD;
	s1 =	sshrl.u32 s1, $0x2  }
0xb9: {  	s3 =	sand.u32 $0x4000, s31;
	s1 =	sadd.s32 s1, s30  }
0xba: {  	s0 =	sor.u32 s3, s0;
	s1 =	sshll.u32 s1, $0x11  }
0xbb: {  	s0 =	sor.u32 s1, s0  }
0xbc: {  	s0 =	sadd.s32 $0x8F2B, s0  }
0xbd: {  	[sflag:s0] =	ssyncadd.remote.s32 $0x1  }
0xbe: {  	_ =	sfence.sel $0xFFFF  }
0xbf: {  	[dreg:$0x0] =	wrdreg $0xFFFFFFFF;
	(pc) =	sbr.abs _section_cstart, $3  }
0xc0: {  	[dreg:$0x1] =	wrdreg $0xFFFFFFFF  }
0xc1: {  	_ =	task.clear_ibuf [dreg:s6], $0x2FFFF;
	_ =	strace $0x9FFFFFFF  }
0xc2: {  	(tm) =	ssettm $0x7FFFFFFF  }
0xc3: {  	_ =	shalt  }
tec
execute0_lowered:
.L_overlay_start_1:
0x0: {  	(tag) =	ssettag $0x1  }
0x1: {  	s0 =	rddreg [dreg:$0x0]  }
0x2: {  	s1 =	rddreg [dreg:$0x1];
	s3 =	simm.s32 $0x0  }
0x3: {  	s2 =	stileid.u32;
	s7 =	srdreg.scid;
	s21 =	simm.s32 $0x800  }
0x4: {  	s22 =	simm.s32 $0x5;
	s28 =	simm.s32 $0x2;
	s29 =	simm.s32 $0x3  }
0x5: {  	s30 =	simm.s32 $0x4;
	s23 =	simm.s32 $0x0;
	[smem:$0x7FF] =	sst s3  }
0x6: {  	s4 =	sadd.s32 $0x1A800, s0;
	s5 =	sadd.s32 $0x10800, s0;
	s8 =	smul.u32 $0x4E000, s2  }
0x7: {  	s6 =	sadd.s32 $0x6800, s0;
	s19 =	sadd.s32 $0x41A00, s0;
	s7 =	sand.u32 $0x1, s7  }
0x8: {  	s20 =	sadd.s32 $0x68C00, s0;
	s11 =	sshll.u32 s2, $0x1;
	s14 =	sadd.s32 $0x138000, s1  }
0x9: {  	s18 =	smul.u32 $0x2700, s2;
	p1 =	sne.s32 s2, $0xF;
	p2 =	seq.s32 s2, $0xF  }
0xa: {  	_ =	strace $0x8000004D;
	s24 =	ssub.s32 $0x2, s7;
	[dreg:$0x3] =	wrdreg s19  }
0xb: {  	s25 =	sor.u32 s7, s11;
	p0 =	seq.s32 s7, $0x1;
	[dreg:$0x4] =	wrdreg s20  }
0xc: {  	s8 =	sshrl.u32 s8, $0x2;
	s10 =	sshrl.u32 s24, $0x1;
	s16 =	smul.u32 $0x500, s25  }
0xd: {  	s17 =	smul.u32 $0xA, s25;
	s26 =	sadd.s32 s19, s18;
	s31 =	sadd.s32 s20, s18  }
.Ltmp0:
0xe: {  	s25 =	simm.s32 $0x4800;
	[dreg:$0x5] =	wrdreg s26;
	(pc) =	sbr.rel .LBB2_1-.Ltmp0, $4  }
0xf: {  	s9 =	sadd.s32 s8, s1;
	s0 =	ssub.s32 s24, s10;
	[dreg:$0x6] =	wrdreg s31  }
0x10: {  	s24 =	simm.s32 $0x80;
	s26 =	simm.s32 $0x1;
	s10 =	sadd.s32 $0x4000, s9  }
0x11: {  	s11 =	sadd.s32 $0x8000, s9;
	s12 =	sadd.s32 $0xC000, s9;
	s13 =	sadd.s32 $0x10000, s9  }
0x12: {  	v0 =	vimm.f32 $0.0e+00;
	s15 =	sadd.s32 s5, s16;
	s16 =	sadd.s32 s6, s16;
	s20 =	smax.u32 s0, $0x1  }
.LBB2_8:
0x13: {  	s0 =	sadd.s32 $0x27000, s8;
	s2 =	sshrl.u32 s14, $0x3  }
0x14: {  	[hbm:s0], [sflag:s7] =	dma.local [spmem:s2], $0x100  }
0x15: {  	_ =	swait.ge [sflag:s22], $0x100  }
0x16: {  	[sflag:s22] =	ssyncset.done $0x0  }
0x17: {  	[sflag:s22] =	ssyncadd.s32 $0xFFFFFF00  }
.LBB2_9:
0x18: {  	s23 =	sadd.s32 $0x1, s23  }
0x19: {  	p3 =	sne.s32 s23, s20  }
.Ltmp1:
0x1a: {  	_ = 	snop;
	(pc) =	sbr.rel @!p3 .LBB2_10-.Ltmp1, $1  }
0x1b: {  	_ =	sdelay $0x3  }
.LBB2_1:
0x1c: {  	s7 =	simm.s32 $0x0;
	s18 =	simm.s32 $0x200  }
.LBB2_2:
0x1d: {  	p3 =	sne.s32 s18, $0xFE00;
	[tilespmem:s7+$0x870] =	vst v0  }
0x1e: {  	[tilespmem:s7+$0x800] =	vst v0  }
0x1f: {  	[tilespmem:s7+$0x810] =	vst v0  }
.Ltmp2:
0x20: {  	[tilespmem:s7+$0x820] =	vst v0;
	(pc) =	sbr.rel @p3 .LBB2_2-.Ltmp2, $4  }
0x21: {  	[tilespmem:s7+$0x830] =	vst v0  }
0x22: {  	[tilespmem:s7+$0x840] =	vst v0  }
0x23: {  	[tilespmem:s7+$0x850] =	vst v0  }
0x24: {  	[tilespmem:s7+$0x860] =	vst v0;
	s7 =	sshra.s32 s18, $0x2;
	s18 =	sadd.s32 $0x200, s18  }
0x25: {  	[tilespmem:s7+$0x870] =	vst v0  }
0x26: {  	[tilespmem:s7+$0x800] =	vst v0  }
0x27: {  	[tilespmem:s7+$0x810] =	vst v0  }
0x28: {  	[tilespmem:s7+$0x820] =	vst v0  }
0x29: {  	[tilespmem:s7+$0x830] =	vst v0  }
0x2a: {  	[tilespmem:s7+$0x840] =	vst v0  }
0x2b: {  	[tilespmem:s7+$0x850] =	vst v0  }
0x2c: {  	[tilespmem:s7+$0x860] =	vst v0  }
0x2d: {  	[spmem:s9] =	stream.linear.scatter [tilespmem:s21], [sflag:$0x5], $0x4000, $0x38;
	[tilespmem:$0x1C100] =	vst v63  }
0x2e: {  	_ =	swait.ge [sflag:s22], $0x4000  }
0x2f: {  	[sflag:s22] =	ssyncset.done $0x0  }
0x30: {  	[sflag:s22] =	ssyncadd.s32 $0xFFFFC000  }
0x31: {  	[spmem:s10] =	stream.linear.scatter [tilespmem:s21], [sflag:$0x5], $0x4000, $0x38;
	[tilespmem:$0x1C100] =	vst v63  }
0x32: {  	_ =	swait.ge [sflag:s22], $0x4000  }
0x33: {  	[sflag:s22] =	ssyncset.done $0x0  }
0x34: {  	[sflag:s22] =	ssyncadd.s32 $0xFFFFC000  }
0x35: {  	[spmem:s11] =	stream.linear.scatter [tilespmem:s21], [sflag:$0x5], $0x4000, $0x38;
	[tilespmem:$0x1C100] =	vst v63  }
0x36: {  	_ =	swait.ge [sflag:s22], $0x4000  }
0x37: {  	[sflag:s22] =	ssyncset.done $0x0  }
0x38: {  	[sflag:s22] =	ssyncadd.s32 $0xFFFFC000  }
0x39: {  	[spmem:s12] =	stream.linear.scatter [tilespmem:s21], [sflag:$0x5], $0x4000, $0x38;
	[tilespmem:$0x1C100] =	vst v63  }
0x3a: {  	_ =	swait.ge [sflag:s22], $0x4000  }
0x3b: {  	[sflag:s22] =	ssyncset.done $0x0  }
0x3c: {  	[sflag:s22] =	ssyncadd.s32 $0xFFFFC000  }
0x3d: {  	[spmem:s13] =	stream.linear.scatter [tilespmem:s21], [sflag:$0x5], $0x3800, $0x38;
	[tilespmem:$0x1C100] =	vst v63  }
0x3e: {  	_ =	swait.ge [sflag:s22], $0x3800  }
0x3f: {  	[sflag:s22] =	ssyncset.done $0x0  }
0x40: {  	s7 =	simm.s32 @!p1 $0x800;
	[sflag:s22] =	ssyncadd.s32 $0xFFFFC800  }
0x41: {  	[spmem:s14] =	stream.linear.scatter @!p1 [tilespmem:s7], [sflag:$0x5], $0x1000, $0x38;
	[tilespmem:$0x1C100] =	vst v63  }
0x42: {  	s7 =	simm.s32 @!p1 $0x5  }
0x43: {  	_ =	swait.ge @!p1 [sflag:s7], $0x1000  }
0x44: {  	[sflag:s7] =	ssyncset.done @!p1 $0x0  }
0x45: {  	[sflag:s7] =	ssyncadd.s32 @!p1 $0xFFFFF000  }
0x46: {  	[bflag:$0x0] =	sbarrier.arrive $0xFFFF  }
0x47: {  	[tilespmem:s3], [sflag:$0x5] =	stream.linear.gather [hbm4b:s15+s3], $0x400, $0x38;
	[tilespmem:$0x1C100] =	vst v63  }
0x48: {  	_ =	swait.ge [sflag:s22], $0x400  }
0x49: {  	[sflag:s22] =	ssyncset.done $0x0  }
0x4a: {  	s0 =	simm.s32 $0x400;
	[sflag:s22] =	ssyncadd.s32 $0xFFFFFC00  }
0x4b: {  	[tilespmem:s0], [sflag:$0x5] =	stream.linear.gather [hbm4b:s16+s3], $0x400, $0x38;
	[tilespmem:$0x1C100] =	vst v63  }
0x4c: {  	_ =	swait.ge [sflag:s22], $0x400  }
0x4d: {  	[sflag:s22] =	ssyncset.done $0x0  }
0x4e: {  	[sflag:s22] =	ssyncadd.s32 $0xFFFFFC00  }
0x4f: {  	[tilespmem:s21], [sflag:$0x1] =	stream.indirect.gather [hbm4b:s4+s24], $0x80, s3, s24, $0xb8;
	[tilespmem:$0x1C100] =	vst v63  }
0x50: {  	_ = 	snop  }
0x51: {  	[tilespmem:s25], [sflag:$0x2] =	stream.indirect.gather [hbm4b:s4+s24], $0x80, s24, s24, $0xb8;
	[tilespmem:$0x1C100] =	vst v63  }
0x52: {  	s31 =	simm.s32 $0x0;
	_ =	swait.ge [sflag:s26], $0x4000  }
0x53: {  	s7 =	sand.u32 $0x300, s31;
	[sflag:s26] =	ssyncset.done $0x0  }
0x54: {  	s8 =	sor.u32 $0x400, s7;
	[sflag:s26] =	ssyncadd.s32 $0xFFFFC000  }
0x55: {  	[spmem:s1] =	stream.indirect.scatter.add.f32 [tilespmem:s21], [sflag:$0x3], $0x80, s8, s24, $0xb8;
	[tilespmem:$0x1C100] =	vst v63  }
0x56: {  	_ =	swait.ge [sflag:s28], $0x4000  }
0x57: {  	[sflag:s28] =	ssyncset.done $0x0  }
0x58: {  	s7 =	sor.u32 $0x480, s7;
	s0 =	simm.s32 $0x2;
	[sflag:s28] =	ssyncadd.s32 $0xFFFFC000  }
0x59: {  	[spmem:s1] =	stream.indirect.scatter.add.f32 [tilespmem:s25], [sflag:$0x4], $0x80, s7, s24, $0xb8;
	[tilespmem:$0x1C100] =	vst v63  }
0x5a: {  	s2 =	sand.u32 $0x6, s0;
	_ =	swait.ge [sflag:s29], $0x4000  }
0x5b: {  	p3 =	sne.s32 s2, $0x0;
	[sflag:s29] =	ssyncset.done $0x0  }
0x5c: {  	s8 =	sadd.s32 @!p3 $0x0, s17;
	[sflag:s29] =	ssyncadd.s32 $0xFFFFC000  }
0x5d: {  	s8 =	sshll.u32 @!p3 s8, $0x7;
	_ =	swait.ge [sflag:s30], $0x4000  }
0x5e: {  	s18 =	simm.s32 @!p3 $0x5;
	s8 =	sand.u32 @!p3 $0x1FFFFF80, s8;
	[sflag:s30] =	ssyncset.done $0x0  }
0x5f: {  	s31 =	simm.s32 @!p3 $0x0;
	s19 =	sadd.s32 @!p3 s5, s8;
	[sflag:s30] =	ssyncadd.s32 $0xFFFFC000  }
0x60: {  	[tilespmem:s31], [sflag:$0x5] =	stream.linear.gather @!p3 [hbm4b:s19+s31], $0x400, $0x38;
	[tilespmem:$0x1C100] =	vst v63  }
0x61: {  	_ =	swait.ge @!p3 [sflag:s18], $0x400  }
0x62: {  	[sflag:s18] =	ssyncset.done @!p3 $0x0  }
0x63: {  	s8 =	sadd.s32 @!p3 s6, s8;
	s19 =	simm.s32 @!p3 $0x400;
	[sflag:s18] =	ssyncadd.s32 @!p3 $0xFFFFFC00  }
0x64: {  	[tilespmem:s19], [sflag:$0x5] =	stream.linear.gather @!p3 [hbm4b:s8+s31], $0x400, $0x38;
	[tilespmem:$0x1C100] =	vst v63  }
0x65: {  	_ =	swait.ge @!p3 [sflag:s18], $0x400  }
0x66: {  	[sflag:s18] =	ssyncset.done @!p3 $0x0  }
0x67: {  	s7 =	sshll.u32 s2, $0x7;
	s31 =	simm.s32 $0x180;
	[sflag:s18] =	ssyncadd.s32 @!p3 $0xFFFFFC00  }
0x68: {  	[tilespmem:s21], [sflag:$0x1] =	stream.indirect.gather [hbm4b:s4+s24], $0x80, s7, s24, $0xb8;
	[tilespmem:$0x1C100] =	vst v63  }
0x69: {  	s8 =	sand.u32 $0x380, s31;
	s18 =	simm.s32 $0x280;
	s7 =	simm.s32 $0x4  }
.LBB2_4:
0x6a: {  	[tilespmem:s25], [sflag:$0x2] =	stream.indirect.gather [hbm4b:s4+s24], $0x80, s8, s24, $0xb8;
	[tilespmem:$0x1C100] =	vst v63  }
0x6b: {  	s8 =	smov.u32 s7  }
0x6c: {  	s19 =	sadd.s32 $0xFFFFFE80, s18;
	s7 =	sadd.s32 $0x2, s7;
	_ =	swait.ge [sflag:s26], $0x4000  }
0x6d: {  	s19 =	sand.u32 $0x300, s19;
	p3 =	sne.s32 s7, $0x50;
	[sflag:s26] =	ssyncset.done $0x0  }
0x6e: {  	s31 =	sor.u32 $0x400, s19;
	[sflag:s26] =	ssyncadd.s32 $0xFFFFC000  }
0x6f: {  	[spmem:s1] =	stream.indirect.scatter.add.f32 [tilespmem:s21], [sflag:$0x3], $0x80, s31, s24, $0xb8;
	[tilespmem:$0x1C100] =	vst v63  }
0x70: {  	_ =	swait.ge [sflag:s28], $0x4000  }
0x71: {  	[sflag:s28] =	ssyncset.done $0x0  }
0x72: {  	s19 =	sor.u32 $0x480, s19;
	s31 =	sand.u32 $0x6, s8;
	[sflag:s28] =	ssyncadd.s32 $0xFFFFC000  }
0x73: {  	[spmem:s1] =	stream.indirect.scatter.add.f32 [tilespmem:s25], [sflag:$0x4], $0x80, s19, s24, $0xb8;
	[tilespmem:$0x1C100] =	vst v63  }
0x74: {  	p4 =	sne.s32 s31, $0x0;
	_ =	swait.ge [sflag:s29], $0x4000  }
0x75: {  	s8 =	sshrl.u32 @!p4 s8, $0x3;
	[sflag:s29] =	ssyncset.done $0x0  }
0x76: {  	s8 =	sadd.s32 @!p4 s17, s8;
	[sflag:s29] =	ssyncadd.s32 $0xFFFFC000  }
0x77: {  	s8 =	sshll.u32 @!p4 s8, $0x7;
	_ =	swait.ge [sflag:s30], $0x4000  }
0x78: {  	s19 =	simm.s32 @!p4 $0x5;
	s8 =	sand.u32 @!p4 $0x1FFFFF80, s8;
	[sflag:s30] =	ssyncset.done $0x0  }
0x79: {  	s2 =	simm.s32 @!p4 $0x0;
	s0 =	sadd.s32 @!p4 s5, s8;
	[sflag:s30] =	ssyncadd.s32 $0xFFFFC000  }
0x7a: {  	[tilespmem:s2], [sflag:$0x5] =	stream.linear.gather @!p4 [hbm4b:s0+s2], $0x400, $0x38;
	[tilespmem:$0x1C100] =	vst v63  }
0x7b: {  	s0 =	sadd.s32 @!p4 s6, s8;
	_ =	swait.ge @!p4 [sflag:s19], $0x400  }
0x7c: {  	[sflag:s19] =	ssyncset.done @!p4 $0x0  }
0x7d: {  	s8 =	simm.s32 @!p4 $0x400;
	[sflag:s19] =	ssyncadd.s32 @!p4 $0xFFFFFC00  }
0x7e: {  	[tilespmem:s8], [sflag:$0x5] =	stream.linear.gather @!p4 [hbm4b:s0+s2], $0x400, $0x38;
	[tilespmem:$0x1C100] =	vst v63  }
.Ltmp3:
0x7f: {  	_ =	swait.ge @!p4 [sflag:s19], $0x400;
	(pc) =	sbr.rel @p3 .LBB2_4-.Ltmp3, $4  }
0x80: {  	[sflag:s19] =	ssyncset.done @!p4 $0x0  }
0x81: {  	s0 =	sshll.u32 s31, $0x7;
	[sflag:s19] =	ssyncadd.s32 @!p4 $0xFFFFFC00  }
0x82: {  	[tilespmem:s21], [sflag:$0x1] =	stream.indirect.gather [hbm4b:s4+s24], $0x80, s0, s24, $0xb8;
	[tilespmem:$0x1C100] =	vst v63  }
0x83: {  	s8 =	sand.u32 $0x380, s18;
	s18 =	sadd.s32 $0x100, s18  }
0x84: {  	[tilespmem:s25], [sflag:$0x2] =	stream.indirect.gather [hbm4b:s4+s24], $0x80, s8, s24, $0xb8;
	[tilespmem:$0x1C100] =	vst v63  }
0x85: {  	_ =	swait.ge [sflag:s26], $0x4000  }
0x86: {  	[sflag:s26] =	ssyncset.done $0x0  }
0x87: {  	s0 =	simm.s32 $0x700;
	[sflag:s26] =	ssyncadd.s32 $0xFFFFC000  }
0x88: {  	[spmem:s1] =	stream.indirect.scatter.add.f32 [tilespmem:s21], [sflag:$0x3], $0x80, s0, s24, $0xb8;
	[tilespmem:$0x1C100] =	vst v63  }
0x89: {  	_ =	swait.ge [sflag:s28], $0x4000  }
0x8a: {  	[sflag:s28] =	ssyncset.done $0x0  }
0x8b: {  	s19 =	simm.s32 $0x780;
	[sflag:s28] =	ssyncadd.s32 $0xFFFFC000  }
0x8c: {  	[spmem:s1] =	stream.indirect.scatter.add.f32 [tilespmem:s25], [sflag:$0x4], $0x80, s19, s24, $0xb8;
	[tilespmem:$0x1C100] =	vst v63  }
0x8d: {  	_ =	swait.ge [sflag:s29], $0x4000  }
0x8e: {  	[sflag:s29] =	ssyncset.done $0x0  }
0x8f: {  	[sflag:s29] =	ssyncadd.s32 $0xFFFFC000  }
.Ltmp4:
0x90: {  	_ =	swait.ge [sflag:s30], $0x4000;
	(pc) =	sbr.rel @!p0 .LBB2_6-.Ltmp4, $4  }
0x91: {  	[sflag:s30] =	ssyncset.done $0x0  }
0x92: {  	s31 =	stileid.u32;
	[sflag:s30] =	ssyncadd.s32 $0xFFFFC000  }
0x93: {  	s18 =	sshll.u32 s31, $0x6;
	[bflag:$0x0] =	sbarrier.arrive $0xFFFF  }
0x94: {  	s8 =	sshrl.u32 s9, $0x3;
	s7 =	sor.u32 $0x1C05, s18  }
0x95: {  	s7 =	sor.u32 $0x1C05, s18;
	s0 =	rddreg [dreg:$0x6]  }
0x96: {  	[hbm:s0], [sflag:s7] =	dma.local [spmem:s8], $0x2700  }
.Ltmp5:
0x97: {  	_ = 	snop;
	(pc) =	sbr.rel @p1 .LBB2_9-.Ltmp5, $4  }
.Ltmp6:
0x98: {  	_ = 	snop;
	(pc) =	sbr.rel @!p1 .LBB2_8-.Ltmp6, $4  }
0x99: {  	_ =	swait.ge [sflag:s22], $0x2700  }
0x9a: {  	[sflag:s22] =	ssyncset.done $0x0  }
0x9b: {  	s8 =	rddreg [dreg:$0x4];
	[sflag:s22] =	ssyncadd.s32 $0xFFFFD900  }
0x9c: {  	_ = 	snop  }
.LBB2_6:
0x9d: {  	s0 =	rddreg [dreg:$0x5]  }
0x9e: {  	[hbm:s0], [sflag:s7] =	dma.local [spmem:s8], $0x2700  }
.Ltmp7:
0x9f: {  	_ = 	snop;
	(pc) =	sbr.rel @p2 .LBB2_8-.Ltmp7, $4  }
.Ltmp8:
0xa0: {  	_ = 	snop;
	(pc) =	sbr.rel @!p2 .LBB2_9-.Ltmp8, $4  }
0xa1: {  	_ =	swait.ge [sflag:s22], $0x2700  }
0xa2: {  	[sflag:s22] =	ssyncset.done $0x0  }
0xa3: {  	s8 =	rddreg [dreg:$0x3];
	[sflag:s22] =	ssyncadd.s32 $0xFFFFD900  }
0xa4: {  	_ = 	snop  }
.LBB2_10:
0xa5: {  	_ =	sfence.sel $0x180000  }
0xa6: {  	[bflag:$0x0] =	sbarrier.arrive $0xFFFF  }
0xa7: {  	_ =	strace $0x9000004D  }
0xa8: {  	s0 =	stileid.u32;
	[bflag:$0x2] =	sbarrier.arrive $0xFFFF  }
0xa9: {  	p0 =	sne.s32 s0, $0x0;
	s0 =	rddreg [dreg:$0x2]  }
0xaa: {  	s0 =	sadd.s32 @!p0 $0x100000, s0  }
0xab: {  	[sflag:s0] =	ssyncadd.tile.s32 @!p0 $0x1;
	_ =	shalt  }
.Lfunc_end2:
_tile_overlayer_lowered:
.L_overlay_start_2:
0xac: {  	(tag) =	ssettag $0x2  }
0xad: {  	s0 =	rddreg [dreg:$0x0];
	s2 =	stileid.u32  }
0xae: {  	s1 =	rddreg [dreg:$0x1];
	p0 =	sne.s32 s2, $0x0  }
0xaf: {  	s3 =	rddreg [dreg:$0x2];
	[bflag:$0x3] =	sbarrier.arrive $0xFFFF;
	s2 =	simm.s32 @!p0 $0x1C05  }
0xb0: {  	[timem:s3], [sflag:s2] =	dma.local @!p0 [hbm:s0], s1  }
0xb1: {  	s0 =	simm.s32 @!p0 $0x5  }
0xb2: {  	_ =	swait.ge @!p0 [sflag:s0], s1  }
0xb3: {  	s1 =	ssub.s32 @!p0 $0x0, s1;
	[sflag:s0] =	ssyncset.done @!p0 $0x0  }
0xb4: {  	[sflag:s0] =	ssyncadd.s32 @!p0 s1  }
0xb5: {  	[bflag:$0x3] =	sbarrier.arrive $0xFFFF  }
0xb6: {  	_ =	shalt  }

// kernel: kernel.20.cloned.1.call-start
scs
__scs_entry_jumppad:
0x0: {  	(pc) =	sbr.rel $0x88, $3  }
0x1: {  	(tag) =	ssettag $0x0;
	lr =	simm.s32 $0x1  }
0x2: {  	[smem:$0x3F86] =	sst lr;
	_ =	strace $0xD0000000  }
0x3: {  	_ = 	snop  }
0x4: {  	_ = 	snop  }
0x5: {  	_ = 	snop  }
0x6: {  	_ = 	snop  }
0x7: {  	_ = 	snop  }
__scs_overlays_trampoline_lowered:
0x8: {  	[smem:$0x3F95] =	sst s0  }
0x9: {  	[smem:$0x3F96] =	sst s1  }
0xa: {  	[smem:$0x3F97] =	sst s2  }
0xb: {  	[smem:$0x3F98] =	sst s3  }
0xc: {  	[smem:$0x3F99] =	sst s4  }
0xd: {  	[smem:$0x3F9A] =	sst s5  }
0xe: {  	[smem:$0x3F9B] =	sst s6  }
0xf: {  	[smem:$0x3F9C] =	sst s7  }
0x10: {  	[smem:$0x3F9D] =	sst s8  }
0x11: {  	[smem:$0x3F9E] =	sst s9;
	s0 =	simm.s32 @!p0 $0x0  }
0x12: {  	s1 =	sld [smem:$0x3F84];
	s0 =	simm.s32 @p0 $0x1  }
0x13: {  	[smem:$0x3F9F] =	sst s0;
	s0 =	simm.s32 @!p1 $0x0  }
0x14: {  	s2 =	sld [smem:$0x3F83];
	s0 =	simm.s32 @p1 $0x1  }
0x15: {  	[smem:$0x3FA0] =	sst s0;
	s0 =	simm.s32 @!p2 $0x0  }
0x16: {  	s3 =	sld [smem:$0x3FDB];
	s0 =	simm.s32 @p2 $0x1  }
0x17: {  	s4 =	simm.s32 $0x1BF5;
	[smem:$0x3FA2] =	sst s0  }
0x18: {  	s0 =	sld [smem:$0x3F85];
	_ =	swait.ge [sflag:s4], $0x0  }
0x19: {  	s7 =	sld [smem:$0x3F86]  }
0x1a: {  	s8 =	sadd.s32 $0xFFFFE003, lr  }
0x1b: {  	s9 =	sadd.s32 $0xFFFFFEF7, lr;
	s5 =	simm.s32 $0xFFFFFFFF;
	p2 =	slt.u32 s8, $0xFFFFF086  }
0x1c: {  	p1 =	slt.u32 s9, $0xF7A;
	s5 =	simm.s32 @!p2 $0x0  }
0x1d: {  	s5 =	simm.s32 @p1 $0x1;
	p0 =	seq.s32 s7, s2  }
0x1e: {  	s7 =	smul.u32 @!p0 $0xF7A, s2;
	p2 =	seq.s32 @!p0 s5, $0x0  }
0x1f: {  	s9 =	smul.u32 $0xF7A, s1;
	s8 =	simm.s32 @!p0 $0x1BF5;
	p2 =	por !p2, p0  }
0x20: {  	[sflag:s8] =	ssyncset.s32 @!p0 $0xFFFFF086;
	s6 =	sadd.s32 @!p0 s3, s7;
	s7 =	simm.s32 @!p0 $0x108  }
0x21: {  	s3 =	sadd.s32 s3, s9;
	s6 =	sadd.s32 @!p0 $0x88, s6;
	s7 =	simm.s32 @p2 $0x1082  }
0x22: {  	[simem:s7], [sflag:s8] =	dma.local @!p0 [hbm:s6], $0xF7A  }
0x23: {  	s9 =	sor.u32 $0xD0000000, s2;
	s6 =	simm.s32 $0x108;
	_ =	swait.ge @!p0 [sflag:s8], $0x0  }
0x24: {  	s3 =	sadd.s32 $0x88, s3;
	s6 =	simm.s32 @!p1 $0x1082;
	[sflag:s4] =	ssyncset.s32 $0xFFFFF086  }
0x25: {  	[simem:s6], [sflag:s4] =	dma.local [hbm:s3], $0xF7A  }
0x26: {  	[smem:$0x3F86] =	sst s1;
	(tag) =	ssettag s2;
	_ =	strace s9  }
0x27: {  	s1 =	sld [smem:$0x3F96]  }
0x28: {  	s2 =	sld [smem:$0x3F97]  }
0x29: {  	s4 =	sld [smem:$0x3F99]  }
0x2a: {  	p0 =	seq.s32 s5, $0x0;
	s5 =	sld [smem:$0x3F9A]  }
0x2b: {  	s6 =	sld [smem:$0x3F9B]  }
0x2c: {  	s7 =	sld [smem:$0x3F9C]  }
0x2d: {  	s3 =	simm.s32 $0x108;
	s8 =	sld [smem:$0x3F9D]  }
0x2e: {  	s3 =	simm.s32 @!p0 $0x1082;
	s9 =	sld [smem:$0x3F9E]  }
0x2f: {  	lr =	sadd.s32 s0, s3;
	s0 =	sld [smem:$0x3F95]  }
0x30: {  	s3 =	sld [smem:$0x3F98]  }
0x31: {  	[smem:$0x3FA1] =	sst s10  }
0x32: {  	s10 =	sld [smem:$0x3F9F];
	_ =	sdelay $0x3  }
0x33: {  	p0 =	seq.s32 s10, $0x1;
	s10 =	sld [smem:$0x3FA1];
	_ =	sdelay $0x3  }
0x34: {  	[smem:$0x3FA1] =	sst s10  }
0x35: {  	s10 =	sld [smem:$0x3FA0];
	_ =	sdelay $0x3  }
0x36: {  	p1 =	seq.s32 s10, $0x1;
	s10 =	sld [smem:$0x3FA1];
	_ =	sdelay $0x3  }
0x37: {  	[smem:$0x3FA1] =	sst s10  }
0x38: {  	s10 =	sld [smem:$0x3FA2]  }
0x39: {  	_ = 	snop;
	(pc) =	sbr.ind lr, $3  }
0x3a: {  	_ = 	snop  }
0x3b: {  	_ = 	snop  }
0x3c: {  	p2 =	seq.s32 s10, $0x1;
	s10 =	sld [smem:$0x3FA1]  }
0x3d: {  	_ =	shalt  }
0x3e: {  	_ =	shalt  }
0x3f: {  	_ =	shalt  }
0x40: {  	_ =	shalt  }
0x41: {  	_ =	shalt  }
0x42: {  	_ =	shalt  }
0x43: {  	_ =	shalt  }
0x44: {  	_ =	shalt  }
0x45: {  	_ =	shalt  }
0x46: {  	_ =	shalt  }
0x47: {  	_ =	shalt  }
0x48: {  	_ =	shalt  }
0x49: {  	_ =	shalt  }
0x4a: {  	_ =	shalt  }
0x4b: {  	_ =	shalt  }
0x4c: {  	_ =	shalt  }
0x4d: {  	_ =	shalt  }
0x4e: {  	_ =	shalt  }
0x4f: {  	_ =	shalt  }
0x50: {  	_ =	shalt  }
0x51: {  	_ =	shalt  }
0x52: {  	_ =	shalt  }
0x53: {  	_ =	shalt  }
0x54: {  	_ =	shalt  }
0x55: {  	_ =	shalt  }
0x56: {  	_ =	shalt  }
0x57: {  	_ =	shalt  }
0x58: {  	_ =	shalt  }
0x59: {  	_ =	shalt  }
0x5a: {  	_ =	shalt  }
0x5b: {  	_ =	shalt  }
0x5c: {  	_ =	shalt  }
0x5d: {  	_ =	shalt  }
0x5e: {  	_ =	shalt  }
0x5f: {  	_ =	shalt  }
0x60: {  	_ =	shalt  }
0x61: {  	_ =	shalt  }
0x62: {  	_ =	shalt  }
0x63: {  	_ =	shalt  }
0x64: {  	_ =	shalt  }
0x65: {  	_ =	shalt  }
0x66: {  	_ =	shalt  }
0x67: {  	_ =	shalt  }
0x68: {  	_ =	shalt  }
0x69: {  	_ =	shalt  }
0x6a: {  	_ =	shalt  }
0x6b: {  	_ =	shalt  }
0x6c: {  	_ =	shalt  }
0x6d: {  	_ =	shalt  }
0x6e: {  	_ =	shalt  }
0x6f: {  	_ =	shalt  }
0x70: {  	_ =	shalt  }
0x71: {  	_ =	shalt  }
0x72: {  	_ =	shalt  }
0x73: {  	_ =	shalt  }
0x74: {  	_ =	shalt  }
0x75: {  	_ =	shalt  }
0x76: {  	_ =	shalt  }
0x77: {  	_ =	shalt  }
0x78: {  	_ =	shalt  }
0x79: {  	_ =	shalt  }
0x7a: {  	_ =	shalt  }
0x7b: {  	_ =	shalt  }
0x7c: {  	_ =	shalt  }
0x7d: {  	_ =	shalt  }
0x7e: {  	_ =	shalt  }
0x7f: {  	_ =	shalt  }
0x80: {  	_ =	shalt  }
0x81: {  	_ =	shalt  }
0x82: {  	_ =	shalt  }
0x83: {  	_ =	shalt  }
0x84: {  	_ =	shalt  }
0x85: {  	_ =	shalt  }
0x86: {  	_ =	shalt  }
0x87: {  	_ =	shalt  }
.Lfunc_end0:
.L_simem_size_0:
called_computation.3_lowered:
.L_overlay_start_0:
0x88: {  	s2 =	sld [smem:$0x3FD9]  }
0x89: {  	s3 =	sld [smem:$0x3FFE];
	_ =	sdelay $0x1  }
0x8a: {  	s1 =	srdreg.scid  }
0x8b: {  	s0 =	sand.u32 $0x1, s1  }
0x8c: {  	s16 =	sshll.u32 s0, $0xA;
	s2 =	sadd.s32 s3, s2  }
0x8d: {  	s2 =	sadd.s32 s2, s16  }
0x8e: {  	[smem:$0x3FAD] =	sst s2  }
0x8f: {  	_ = 	snop  }
0x90: {  	(tm) =	ssettm $0x1  }
0x91: {  	s17 =	sld [smem:$0x3FFB];
	_ =	sdelay $0x3  }
0x92: {  	_ =	strace s17  }
0x93: {  	s2 =	sld [smem:$0x3FFC];
	_ =	sdelay $0x3  }
0x94: {  	_ =	strace s2  }
0x95: {  	s2 =	sld [smem:$0x3FFD];
	_ =	sdelay $0x3  }
0x96: {  	_ =	strace s2  }
0x97: {  	_ =	strace $0x8FFFFFFF  }
0x98: {  	s18 =	sld [smem:$0x3FDB];
	_ =	sdelay $0x1  }
0x99: {  	s19 =	simm.s32 $_scs_section_size  }
0x9a: {  	s4 =	simm.s32 $_size__tile_overlayer_lowered;
	s5 =	simm.s32 $_tile_overlayer_lowered  }
0x9b: {  	s22 =	simm.s32 $0x1BFF;
	s21 =	sshll.u32 s5, $0x1;
	s2 =	sadd.s32 s19, s18  }
0x9c: {  	s6 =	simm.s32 $0x0;
	s20 =	sshll.u32 s4, $0x1;
	s4 =	sadd.s32 s21, s2  }
0x9d: {  	[timem:s6], [sflag:s22] =	dma.local [hbm:s4], s20  }
0x9e: {  	_ =	swait.ge [sflag:s22], s20  }
0x9f: {  	s3 =	ssub.s32 $0x0, s20;
	[sflag:s22] =	ssyncset.done $0x0  }
0xa0: {  	[sflag:s22] =	ssyncadd.s32 s3;
	_ =	sdelay $0x1  }
0xa1: {  	s23 =	simm.s32 $0x1B8B  }
0xa2: {  	_ =	swait.ge [sflag:s23], $0x1  }
0xa3: {  	[sflag:s23] =	ssyncset.done $0x0  }
0xa4: {  	s25 =	simm.s32 $0x1B8E;
	s24 =	sld [smem:$0x3FFE];
	[sflag:s23] =	ssyncadd.s32 $0xFFFFFFFF  }
0xa5: {  	s26 =	simm.s32 $execute0_lowered;
	[smem:$0x3FD2] =	sst s25  }
0xa6: {  	s4 =	sshll.u32 s26, $0x1;
	_ =	strace $0x8000004F;
	[dreg:$0x1] =	wrdreg $0xFFFFFFFF  }
0xa7: {  	s28 =	simm.s32 $_size_execute0_lowered;
	s2 =	sadd.s32 s2, s4;
	[dreg:$0x0] =	wrdreg $0x0  }
0xa8: {  	s4 =	sshll.u32 s28, $0x1;
	[dreg:$0x2] =	wrdreg s2  }
0xa9: {  	[dreg:$0x3] =	wrdreg s4  }
0xaa: {  	[dreg:$0x4] =	wrdreg $0xC0  }
0xab: {  	_ =	task [dreg:s6], $0x5FFFF  }
0xac: {  	[dreg:$0x1] =	wrdreg $0xFFFFFFFF  }
0xad: {  	[dreg:$0x0] =	wrdreg $0x60  }
0xae: {  	[dreg:$0x2] =	wrdreg s24  }
0xaf: {  	[dreg:$0x3] =	wrdreg $0x88000  }
0xb0: {  	[dreg:$0x4] =	wrdreg $0x9  }
0xb1: {  	_ =	task.clear_ibuf [dreg:s6], $0x5FFFF;
	_ =	strace $0x9000004F  }
0xb2: {  	s29 =	simm.s32 $0x9;
	_ =	strace $0x80000051  }
0xb3: {  	_ =	swait.ge [sflag:s29], $0x1  }
0xb4: {  	[sflag:s29] =	ssyncadd.s32 $0xFFFFFFFF  }
0xb5: {  	_ =	strace $0x90000051  }
0xb6: {  	_ =	sfence  }
0xb7: {  	s30 =	sld [smem:$0x0];
	_ =	sdelay $0x2  }
0xb8: {  	s31 =	sshll.u32 s1, $0xD;
	s1 =	sshrl.u32 s1, $0x2  }
0xb9: {  	s3 =	sand.u32 $0x4000, s31;
	s1 =	sadd.s32 s1, s30  }
0xba: {  	s0 =	sor.u32 s3, s0;
	s1 =	sshll.u32 s1, $0x11  }
0xbb: {  	s0 =	sor.u32 s1, s0  }
0xbc: {  	s0 =	sadd.s32 $0x8F2B, s0  }
0xbd: {  	[sflag:s0] =	ssyncadd.remote.s32 $0x1  }
0xbe: {  	_ =	sfence.sel $0xFFFF  }
0xbf: {  	[dreg:$0x0] =	wrdreg $0xFFFFFFFF;
	(pc) =	sbr.abs _section_cstart, $3  }
0xc0: {  	[dreg:$0x1] =	wrdreg $0xFFFFFFFF  }
0xc1: {  	_ =	task.clear_ibuf [dreg:s6], $0x2FFFF;
	_ =	strace $0x9FFFFFFF  }
0xc2: {  	(tm) =	ssettm $0x7FFFFFFF  }
0xc3: {  	_ =	shalt  }
tec
execute0_lowered:
.L_overlay_start_1:
0x0: {  	(tag) =	ssettag $0x1  }
0x1: {  	s0 =	rddreg [dreg:$0x0]  }
0x2: {  	s1 =	rddreg [dreg:$0x1];
	s3 =	simm.s32 $0x0  }
0x3: {  	s2 =	stileid.u32;
	s7 =	srdreg.scid;
	s21 =	simm.s32 $0x800  }
0x4: {  	s22 =	simm.s32 $0x5;
	s28 =	simm.s32 $0x2;
	s29 =	simm.s32 $0x3  }
0x5: {  	s30 =	simm.s32 $0x4;
	s23 =	simm.s32 $0x0;
	[smem:$0x7FF] =	sst s3  }
0x6: {  	s4 =	sadd.s32 $0x1A800, s0;
	s5 =	sadd.s32 $0x10800, s0;
	s8 =	smul.u32 $0x4E000, s2  }
0x7: {  	s6 =	sadd.s32 $0x6800, s0;
	s19 =	sadd.s32 $0x41A00, s0;
	s7 =	sand.u32 $0x1, s7  }
0x8: {  	s20 =	sadd.s32 $0x68C00, s0;
	s11 =	sshll.u32 s2, $0x1;
	s14 =	sadd.s32 $0x138000, s1  }
0x9: {  	s18 =	smul.u32 $0x2700, s2;
	p1 =	sne.s32 s2, $0xF;
	p2 =	seq.s32 s2, $0xF  }
0xa: {  	_ =	strace $0x80000050;
	s24 =	ssub.s32 $0x2, s7;
	[dreg:$0x3] =	wrdreg s19  }
0xb: {  	s25 =	sor.u32 s7, s11;
	p0 =	seq.s32 s7, $0x1;
	[dreg:$0x4] =	wrdreg s20  }
0xc: {  	s8 =	sshrl.u32 s8, $0x2;
	s10 =	sshrl.u32 s24, $0x1;
	s16 =	smul.u32 $0x500, s25  }
0xd: {  	s17 =	smul.u32 $0xA, s25;
	s26 =	sadd.s32 s19, s18;
	s31 =	sadd.s32 s20, s18  }
.Ltmp0:
0xe: {  	s25 =	simm.s32 $0x4800;
	[dreg:$0x5] =	wrdreg s26;
	(pc) =	sbr.rel .LBB2_1-.Ltmp0, $4  }
0xf: {  	s9 =	sadd.s32 s8, s1;
	s0 =	ssub.s32 s24, s10;
	[dreg:$0x6] =	wrdreg s31  }
0x10: {  	s24 =	simm.s32 $0x80;
	s26 =	simm.s32 $0x1;
	s10 =	sadd.s32 $0x4000, s9  }
0x11: {  	s11 =	sadd.s32 $0x8000, s9;
	s12 =	sadd.s32 $0xC000, s9;
	s13 =	sadd.s32 $0x10000, s9  }
0x12: {  	v0 =	vimm.f32 $0.0e+00;
	s15 =	sadd.s32 s5, s16;
	s16 =	sadd.s32 s6, s16;
	s20 =	smax.u32 s0, $0x1  }
.LBB2_8:
0x13: {  	s0 =	sadd.s32 $0x27000, s8;
	s2 =	sshrl.u32 s14, $0x3  }
0x14: {  	[hbm:s0], [sflag:s7] =	dma.local [spmem:s2], $0x100  }
0x15: {  	_ =	swait.ge [sflag:s22], $0x100  }
0x16: {  	[sflag:s22] =	ssyncset.done $0x0  }
0x17: {  	[sflag:s22] =	ssyncadd.s32 $0xFFFFFF00  }
.LBB2_9:
0x18: {  	s23 =	sadd.s32 $0x1, s23  }
0x19: {  	p3 =	sne.s32 s23, s20  }
.Ltmp1:
0x1a: {  	_ = 	snop;
	(pc) =	sbr.rel @!p3 .LBB2_10-.Ltmp1, $1  }
0x1b: {  	_ =	sdelay $0x3  }
.LBB2_1:
0x1c: {  	s7 =	simm.s32 $0x0;
	s18 =	simm.s32 $0x200  }
.LBB2_2:
0x1d: {  	p3 =	sne.s32 s18, $0xFE00;
	[tilespmem:s7+$0x870] =	vst v0  }
0x1e: {  	[tilespmem:s7+$0x800] =	vst v0  }
0x1f: {  	[tilespmem:s7+$0x810] =	vst v0  }
.Ltmp2:
0x20: {  	[tilespmem:s7+$0x820] =	vst v0;
	(pc) =	sbr.rel @p3 .LBB2_2-.Ltmp2, $4  }
0x21: {  	[tilespmem:s7+$0x830] =	vst v0  }
0x22: {  	[tilespmem:s7+$0x840] =	vst v0  }
0x23: {  	[tilespmem:s7+$0x850] =	vst v0  }
0x24: {  	[tilespmem:s7+$0x860] =	vst v0;
	s7 =	sshra.s32 s18, $0x2;
	s18 =	sadd.s32 $0x200, s18  }
0x25: {  	[tilespmem:s7+$0x870] =	vst v0  }
0x26: {  	[tilespmem:s7+$0x800] =	vst v0  }
0x27: {  	[tilespmem:s7+$0x810] =	vst v0  }
0x28: {  	[tilespmem:s7+$0x820] =	vst v0  }
0x29: {  	[tilespmem:s7+$0x830] =	vst v0  }
0x2a: {  	[tilespmem:s7+$0x840] =	vst v0  }
0x2b: {  	[tilespmem:s7+$0x850] =	vst v0  }
0x2c: {  	[tilespmem:s7+$0x860] =	vst v0  }
0x2d: {  	[spmem:s9] =	stream.linear.scatter [tilespmem:s21], [sflag:$0x5], $0x4000, $0x38;
	[tilespmem:$0x1C100] =	vst v63  }
0x2e: {  	_ =	swait.ge [sflag:s22], $0x4000  }
0x2f: {  	[sflag:s22] =	ssyncset.done $0x0  }
0x30: {  	[sflag:s22] =	ssyncadd.s32 $0xFFFFC000  }
0x31: {  	[spmem:s10] =	stream.linear.scatter [tilespmem:s21], [sflag:$0x5], $0x4000, $0x38;
	[tilespmem:$0x1C100] =	vst v63  }
0x32: {  	_ =	swait.ge [sflag:s22], $0x4000  }
0x33: {  	[sflag:s22] =	ssyncset.done $0x0  }
0x34: {  	[sflag:s22] =	ssyncadd.s32 $0xFFFFC000  }
0x35: {  	[spmem:s11] =	stream.linear.scatter [tilespmem:s21], [sflag:$0x5], $0x4000, $0x38;
	[tilespmem:$0x1C100] =	vst v63  }
0x36: {  	_ =	swait.ge [sflag:s22], $0x4000  }
0x37: {  	[sflag:s22] =	ssyncset.done $0x0  }
0x38: {  	[sflag:s22] =	ssyncadd.s32 $0xFFFFC000  }
0x39: {  	[spmem:s12] =	stream.linear.scatter [tilespmem:s21], [sflag:$0x5], $0x4000, $0x38;
	[tilespmem:$0x1C100] =	vst v63  }
0x3a: {  	_ =	swait.ge [sflag:s22], $0x4000  }
0x3b: {  	[sflag:s22] =	ssyncset.done $0x0  }
0x3c: {  	[sflag:s22] =	ssyncadd.s32 $0xFFFFC000  }
0x3d: {  	[spmem:s13] =	stream.linear.scatter [tilespmem:s21], [sflag:$0x5], $0x3800, $0x38;
	[tilespmem:$0x1C100] =	vst v63  }
0x3e: {  	_ =	swait.ge [sflag:s22], $0x3800  }
0x3f: {  	[sflag:s22] =	ssyncset.done $0x0  }
0x40: {  	s7 =	simm.s32 @!p1 $0x800;
	[sflag:s22] =	ssyncadd.s32 $0xFFFFC800  }
0x41: {  	[spmem:s14] =	stream.linear.scatter @!p1 [tilespmem:s7], [sflag:$0x5], $0x1000, $0x38;
	[tilespmem:$0x1C100] =	vst v63  }
0x42: {  	s7 =	simm.s32 @!p1 $0x5  }
0x43: {  	_ =	swait.ge @!p1 [sflag:s7], $0x1000  }
0x44: {  	[sflag:s7] =	ssyncset.done @!p1 $0x0  }
0x45: {  	[sflag:s7] =	ssyncadd.s32 @!p1 $0xFFFFF000  }
0x46: {  	[bflag:$0x0] =	sbarrier.arrive $0xFFFF  }
0x47: {  	[tilespmem:s3], [sflag:$0x5] =	stream.linear.gather [hbm4b:s15+s3], $0x400, $0x38;
	[tilespmem:$0x1C100] =	vst v63  }
0x48: {  	_ =	swait.ge [sflag:s22], $0x400  }
0x49: {  	[sflag:s22] =	ssyncset.done $0x0  }
0x4a: {  	s0 =	simm.s32 $0x400;
	[sflag:s22] =	ssyncadd.s32 $0xFFFFFC00  }
0x4b: {  	[tilespmem:s0], [sflag:$0x5] =	stream.linear.gather [hbm4b:s16+s3], $0x400, $0x38;
	[tilespmem:$0x1C100] =	vst v63  }
0x4c: {  	_ =	swait.ge [sflag:s22], $0x400  }
0x4d: {  	[sflag:s22] =	ssyncset.done $0x0  }
0x4e: {  	[sflag:s22] =	ssyncadd.s32 $0xFFFFFC00  }
0x4f: {  	[tilespmem:s21], [sflag:$0x1] =	stream.indirect.gather [hbm4b:s4+s24], $0x80, s3, s24, $0xb8;
	[tilespmem:$0x1C100] =	vst v63  }
0x50: {  	_ = 	snop  }
0x51: {  	[tilespmem:s25], [sflag:$0x2] =	stream.indirect.gather [hbm4b:s4+s24], $0x80, s24, s24, $0xb8;
	[tilespmem:$0x1C100] =	vst v63  }
0x52: {  	s31 =	simm.s32 $0x0;
	_ =	swait.ge [sflag:s26], $0x4000  }
0x53: {  	s7 =	sand.u32 $0x300, s31;
	[sflag:s26] =	ssyncset.done $0x0  }
0x54: {  	s8 =	sor.u32 $0x400, s7;
	[sflag:s26] =	ssyncadd.s32 $0xFFFFC000  }
0x55: {  	[spmem:s1] =	stream.indirect.scatter.add.f32 [tilespmem:s21], [sflag:$0x3], $0x80, s8, s24, $0xb8;
	[tilespmem:$0x1C100] =	vst v63  }
0x56: {  	_ =	swait.ge [sflag:s28], $0x4000  }
0x57: {  	[sflag:s28] =	ssyncset.done $0x0  }
0x58: {  	s7 =	sor.u32 $0x480, s7;
	s0 =	simm.s32 $0x2;
	[sflag:s28] =	ssyncadd.s32 $0xFFFFC000  }
0x59: {  	[spmem:s1] =	stream.indirect.scatter.add.f32 [tilespmem:s25], [sflag:$0x4], $0x80, s7, s24, $0xb8;
	[tilespmem:$0x1C100] =	vst v63  }
0x5a: {  	s2 =	sand.u32 $0x6, s0;
	_ =	swait.ge [sflag:s29], $0x4000  }
0x5b: {  	p3 =	sne.s32 s2, $0x0;
	[sflag:s29] =	ssyncset.done $0x0  }
0x5c: {  	s8 =	sadd.s32 @!p3 $0x0, s17;
	[sflag:s29] =	ssyncadd.s32 $0xFFFFC000  }
0x5d: {  	s8 =	sshll.u32 @!p3 s8, $0x7;
	_ =	swait.ge [sflag:s30], $0x4000  }
0x5e: {  	s18 =	simm.s32 @!p3 $0x5;
	s8 =	sand.u32 @!p3 $0x1FFFFF80, s8;
	[sflag:s30] =	ssyncset.done $0x0  }
0x5f: {  	s31 =	simm.s32 @!p3 $0x0;
	s19 =	sadd.s32 @!p3 s5, s8;
	[sflag:s30] =	ssyncadd.s32 $0xFFFFC000  }
0x60: {  	[tilespmem:s31], [sflag:$0x5] =	stream.linear.gather @!p3 [hbm4b:s19+s31], $0x400, $0x38;
	[tilespmem:$0x1C100] =	vst v63  }
0x61: {  	_ =	swait.ge @!p3 [sflag:s18], $0x400  }
0x62: {  	[sflag:s18] =	ssyncset.done @!p3 $0x0  }
0x63: {  	s8 =	sadd.s32 @!p3 s6, s8;
	s19 =	simm.s32 @!p3 $0x400;
	[sflag:s18] =	ssyncadd.s32 @!p3 $0xFFFFFC00  }
0x64: {  	[tilespmem:s19], [sflag:$0x5] =	stream.linear.gather @!p3 [hbm4b:s8+s31], $0x400, $0x38;
	[tilespmem:$0x1C100] =	vst v63  }
0x65: {  	_ =	swait.ge @!p3 [sflag:s18], $0x400  }
0x66: {  	[sflag:s18] =	ssyncset.done @!p3 $0x0  }
0x67: {  	s7 =	sshll.u32 s2, $0x7;
	s31 =	simm.s32 $0x180;
	[sflag:s18] =	ssyncadd.s32 @!p3 $0xFFFFFC00  }
0x68: {  	[tilespmem:s21], [sflag:$0x1] =	stream.indirect.gather [hbm4b:s4+s24], $0x80, s7, s24, $0xb8;
	[tilespmem:$0x1C100] =	vst v63  }
0x69: {  	s8 =	sand.u32 $0x380, s31;
	s18 =	simm.s32 $0x280;
	s7 =	simm.s32 $0x4  }
.LBB2_4:
0x6a: {  	[tilespmem:s25], [sflag:$0x2] =	stream.indirect.gather [hbm4b:s4+s24], $0x80, s8, s24, $0xb8;
	[tilespmem:$0x1C100] =	vst v63  }
0x6b: {  	s8 =	smov.u32 s7  }
0x6c: {  	s19 =	sadd.s32 $0xFFFFFE80, s18;
	s7 =	sadd.s32 $0x2, s7;
	_ =	swait.ge [sflag:s26], $0x4000  }
0x6d: {  	s19 =	sand.u32 $0x300, s19;
	p3 =	sne.s32 s7, $0x50;
	[sflag:s26] =	ssyncset.done $0x0  }
0x6e: {  	s31 =	sor.u32 $0x400, s19;
	[sflag:s26] =	ssyncadd.s32 $0xFFFFC000  }
0x6f: {  	[spmem:s1] =	stream.indirect.scatter.add.f32 [tilespmem:s21], [sflag:$0x3], $0x80, s31, s24, $0xb8;
	[tilespmem:$0x1C100] =	vst v63  }
0x70: {  	_ =	swait.ge [sflag:s28], $0x4000  }
0x71: {  	[sflag:s28] =	ssyncset.done $0x0  }
0x72: {  	s19 =	sor.u32 $0x480, s19;
	s31 =	sand.u32 $0x6, s8;
	[sflag:s28] =	ssyncadd.s32 $0xFFFFC000  }
0x73: {  	[spmem:s1] =	stream.indirect.scatter.add.f32 [tilespmem:s25], [sflag:$0x4], $0x80, s19, s24, $0xb8;
	[tilespmem:$0x1C100] =	vst v63  }
0x74: {  	p4 =	sne.s32 s31, $0x0;
	_ =	swait.ge [sflag:s29], $0x4000  }
0x75: {  	s8 =	sshrl.u32 @!p4 s8, $0x3;
	[sflag:s29] =	ssyncset.done $0x0  }
0x76: {  	s8 =	sadd.s32 @!p4 s17, s8;
	[sflag:s29] =	ssyncadd.s32 $0xFFFFC000  }
0x77: {  	s8 =	sshll.u32 @!p4 s8, $0x7;
	_ =	swait.ge [sflag:s30], $0x4000  }
0x78: {  	s19 =	simm.s32 @!p4 $0x5;
	s8 =	sand.u32 @!p4 $0x1FFFFF80, s8;
	[sflag:s30] =	ssyncset.done $0x0  }
0x79: {  	s2 =	simm.s32 @!p4 $0x0;
	s0 =	sadd.s32 @!p4 s5, s8;
	[sflag:s30] =	ssyncadd.s32 $0xFFFFC000  }
0x7a: {  	[tilespmem:s2], [sflag:$0x5] =	stream.linear.gather @!p4 [hbm4b:s0+s2], $0x400, $0x38;
	[tilespmem:$0x1C100] =	vst v63  }
0x7b: {  	s0 =	sadd.s32 @!p4 s6, s8;
	_ =	swait.ge @!p4 [sflag:s19], $0x400  }
0x7c: {  	[sflag:s19] =	ssyncset.done @!p4 $0x0  }
0x7d: {  	s8 =	simm.s32 @!p4 $0x400;
	[sflag:s19] =	ssyncadd.s32 @!p4 $0xFFFFFC00  }
0x7e: {  	[tilespmem:s8], [sflag:$0x5] =	stream.linear.gather @!p4 [hbm4b:s0+s2], $0x400, $0x38;
	[tilespmem:$0x1C100] =	vst v63  }
.Ltmp3:
0x7f: {  	_ =	swait.ge @!p4 [sflag:s19], $0x400;
	(pc) =	sbr.rel @p3 .LBB2_4-.Ltmp3, $4  }
0x80: {  	[sflag:s19] =	ssyncset.done @!p4 $0x0  }
0x81: {  	s0 =	sshll.u32 s31, $0x7;
	[sflag:s19] =	ssyncadd.s32 @!p4 $0xFFFFFC00  }
0x82: {  	[tilespmem:s21], [sflag:$0x1] =	stream.indirect.gather [hbm4b:s4+s24], $0x80, s0, s24, $0xb8;
	[tilespmem:$0x1C100] =	vst v63  }
0x83: {  	s8 =	sand.u32 $0x380, s18;
	s18 =	sadd.s32 $0x100, s18  }
0x84: {  	[tilespmem:s25], [sflag:$0x2] =	stream.indirect.gather [hbm4b:s4+s24], $0x80, s8, s24, $0xb8;
	[tilespmem:$0x1C100] =	vst v63  }
0x85: {  	_ =	swait.ge [sflag:s26], $0x4000  }
0x86: {  	[sflag:s26] =	ssyncset.done $0x0  }
0x87: {  	s0 =	simm.s32 $0x700;
	[sflag:s26] =	ssyncadd.s32 $0xFFFFC000  }
0x88: {  	[spmem:s1] =	stream.indirect.scatter.add.f32 [tilespmem:s21], [sflag:$0x3], $0x80, s0, s24, $0xb8;
	[tilespmem:$0x1C100] =	vst v63  }
0x89: {  	_ =	swait.ge [sflag:s28], $0x4000  }
0x8a: {  	[sflag:s28] =	ssyncset.done $0x0  }
0x8b: {  	s19 =	simm.s32 $0x780;
	[sflag:s28] =	ssyncadd.s32 $0xFFFFC000  }
0x8c: {  	[spmem:s1] =	stream.indirect.scatter.add.f32 [tilespmem:s25], [sflag:$0x4], $0x80, s19, s24, $0xb8;
	[tilespmem:$0x1C100] =	vst v63  }
0x8d: {  	_ =	swait.ge [sflag:s29], $0x4000  }
0x8e: {  	[sflag:s29] =	ssyncset.done $0x0  }
0x8f: {  	[sflag:s29] =	ssyncadd.s32 $0xFFFFC000  }
.Ltmp4:
0x90: {  	_ =	swait.ge [sflag:s30], $0x4000;
	(pc) =	sbr.rel @!p0 .LBB2_6-.Ltmp4, $4  }
0x91: {  	[sflag:s30] =	ssyncset.done $0x0  }
0x92: {  	s31 =	stileid.u32;
	[sflag:s30] =	ssyncadd.s32 $0xFFFFC000  }
0x93: {  	s18 =	sshll.u32 s31, $0x6;
	[bflag:$0x0] =	sbarrier.arrive $0xFFFF  }
0x94: {  	s8 =	sshrl.u32 s9, $0x3;
	s7 =	sor.u32 $0x1C05, s18  }
0x95: {  	s7 =	sor.u32 $0x1C05, s18;
	s0 =	rddreg [dreg:$0x6]  }
0x96: {  	[hbm:s0], [sflag:s7] =	dma.local [spmem:s8], $0x2700  }
.Ltmp5:
0x97: {  	_ = 	snop;
	(pc) =	sbr.rel @p1 .LBB2_9-.Ltmp5, $4  }
.Ltmp6:
0x98: {  	_ = 	snop;
	(pc) =	sbr.rel @!p1 .LBB2_8-.Ltmp6, $4  }
0x99: {  	_ =	swait.ge [sflag:s22], $0x2700  }
0x9a: {  	[sflag:s22] =	ssyncset.done $0x0  }
0x9b: {  	s8 =	rddreg [dreg:$0x4];
	[sflag:s22] =	ssyncadd.s32 $0xFFFFD900  }
0x9c: {  	_ = 	snop  }
.LBB2_6:
0x9d: {  	s0 =	rddreg [dreg:$0x5]  }
0x9e: {  	[hbm:s0], [sflag:s7] =	dma.local [spmem:s8], $0x2700  }
.Ltmp7:
0x9f: {  	_ = 	snop;
	(pc) =	sbr.rel @p2 .LBB2_8-.Ltmp7, $4  }
.Ltmp8:
0xa0: {  	_ = 	snop;
	(pc) =	sbr.rel @!p2 .LBB2_9-.Ltmp8, $4  }
0xa1: {  	_ =	swait.ge [sflag:s22], $0x2700  }
0xa2: {  	[sflag:s22] =	ssyncset.done $0x0  }
0xa3: {  	s8 =	rddreg [dreg:$0x3];
	[sflag:s22] =	ssyncadd.s32 $0xFFFFD900  }
0xa4: {  	_ = 	snop  }
.LBB2_10:
0xa5: {  	_ =	sfence.sel $0x180000  }
0xa6: {  	[bflag:$0x0] =	sbarrier.arrive $0xFFFF  }
0xa7: {  	_ =	strace $0x90000050  }
0xa8: {  	s0 =	stileid.u32;
	[bflag:$0x2] =	sbarrier.arrive $0xFFFF  }
0xa9: {  	p0 =	sne.s32 s0, $0x0;
	s0 =	rddreg [dreg:$0x2]  }
0xaa: {  	s0 =	sadd.s32 @!p0 $0x100000, s0  }
0xab: {  	[sflag:s0] =	ssyncadd.tile.s32 @!p0 $0x1;
	_ =	shalt  }
.Lfunc_end2:
_tile_overlayer_lowered:
.L_overlay_start_2:
0xac: {  	(tag) =	ssettag $0x2  }
0xad: {  	s0 =	rddreg [dreg:$0x0];
	s2 =	stileid.u32  }
0xae: {  	s1 =	rddreg [dreg:$0x1];
	p0 =	sne.s32 s2, $0x0  }
0xaf: {  	s3 =	rddreg [dreg:$0x2];
	[bflag:$0x3] =	sbarrier.arrive $0xFFFF;
	s2 =	simm.s32 @!p0 $0x1C05  }
0xb0: {  	[timem:s3], [sflag:s2] =	dma.local @!p0 [hbm:s0], s1  }
0xb1: {  	s0 =	simm.s32 @!p0 $0x5  }
0xb2: {  	_ =	swait.ge @!p0 [sflag:s0], s1  }
0xb3: {  	s1 =	ssub.s32 @!p0 $0x0, s1;
	[sflag:s0] =	ssyncset.done @!p0 $0x0  }
0xb4: {  	[sflag:s0] =	ssyncadd.s32 @!p0 s1  }
0xb5: {  	[bflag:$0x3] =	sbarrier.arrive $0xFFFF  }
0xb6: {  	_ =	shalt  }

</sc_bundles>
